<compile_context>
chip_gen: v7x
topology: tpu7x:2x2x1
jax: 0.10.2.dev20260603
libtpu: 0.0.44.dev20260713+nightly
codegen_flags: <defaults>
</compile_context>

<pallas_src>
import jax
import jax.numpy as jnp
from jax import lax
from jax.experimental import pallas as pl
from jax.experimental.pallas import tpu as pltpu
from jax.experimental.pallas import tpu_sc as plsc

N = 2_000_000
G = 50_000
P = 500_000
SUB = 128
NSUB = 5
B = SUB * NSUB
NCHUNK = N // B
L = 16
NC = 2
NW = 32
TW = 8

GB = 3136
G_PAD = 16 * GB
PT = 31_280
P_PAD = 16 * PT
PB = 1360


def _cross(ax, ay, az, bx, by, bz):
    return ay * bz - az * by, az * bx - ax * bz, ax * by - ay * bx


def _rotate_conj(qx, qy, qz, qw, vx, vy, vz):
    tx, ty, tz = _cross(vx, vy, vz, qx, qy, qz)
    tx, ty, tz = 2.0 * tx, 2.0 * ty, 2.0 * tz
    cx, cy, cz = _cross(tx, ty, tz, qx, qy, qz)
    return vx + qw * tx + cx, vy + qw * ty + cy, vz + qw * tz + cz


def _sc_kernel(fx_hbm, fy_hbm, fz_hbm, gidx_hbm, midx_hbm, pidx_hbm,
               scales_hbm, relf_hbm, *rest):
    gcomp_hbm = rest[0:8]
    pcomp_hbm = rest[8:11]
    ox_hbm, oy_hbm, oz_hbm = rest[11:14]
    scr = rest[14:]

    NS = 16
    sets = []
    for p in range(2):
        s = scr[p * NS:(p + 1) * NS]
        sets.append(dict(
            gidx=s[0], pidx=s[1], midx=s[2], scales=s[3],
            fx=s[4], fy=s[5], fz=s[6],
            gtab=s[7], ptab=s[8], ox=s[9], oy=s[10], oz=s[11],
            sem_idx=s[12], sem_feat=s[13], sem_gat=s[14], sem_out=s[15]))
    (gtab_s, ptab_s, bld_v, relf_v, ax_v, ay_v, az_v, aw_v,
     ux_v, uy_v, uz_v, sem_bld) = scr[2 * NS:2 * NS + 12]
    stg = scr[2 * NS + 12:2 * NS + 20]
    S0, S1 = sets

    cc = lax.axis_index("c")
    s16 = lax.axis_index("s")
    wid = s16 * NC + cc
    niter = (NCHUNK - wid + NW - 1) // NW
    iota = lax.iota(jnp.int32, L)
    cols = [jnp.full((L,), t, jnp.int32) for t in range(TW)]

    mac = pltpu.make_async_copy

    def fire(copies):
        for d in copies:
            d.start()

    def drain(copies):
        for d in copies:
            d.wait()

    mytab_g = gtab_s.at[cc]
    mytab_p = ptab_s.at[cc]

    start_g = s16 * GB
    bs = [mac(gcomp_hbm[t].at[pl.ds(start_g, GB)], stg[t], sem_bld)
          for t in range(8)]
    fire(bs)
    drain(bs)

    def gb_body(i, carry):
        b16 = i * L
        lids = b16 + iota
        for t in range(TW):
            plsc.store_scatter(bld_v, [lids, cols[t]], stg[t][pl.ds(b16, L)])
        return carry

    lax.fori_loop(0, GB // L, gb_body, 0)
    d = mac(bld_v, mytab_g.at[pl.ds(start_g, GB)], sem_bld)
    d.start()
    d.wait()

    def pb_outer(j, carry):
        start_p = s16 * PT + j * PB
        bs = [mac(pcomp_hbm[t].at[pl.ds(start_p, PB)],
                  stg[t].at[pl.ds(0, PB)], sem_bld) for t in range(3)]
        fire(bs)
        drain(bs)

        def pb_body(i, carry2):
            b16 = i * L
            lids = b16 + iota
            for t in range(3):
                plsc.store_scatter(bld_v, [lids, cols[t]],
                                   stg[t][pl.ds(b16, L)])
            return carry2

        lax.fori_loop(0, PB // L, pb_body, 0)
        d = mac(bld_v.at[pl.ds(0, PB)], mytab_p.at[pl.ds(start_p, PB)], sem_bld)
        d.start()
        d.wait()
        return carry

    lax.fori_loop(0, PT // PB, pb_outer, 0)
    plsc.subcore_barrier()

    pltpu.sync_copy(relf_hbm, relf_v)
    i4 = iota * 4
    rax = plsc.load_gather(relf_v, [i4])
    ray = plsc.load_gather(relf_v, [i4 + 1])
    raz = plsc.load_gather(relf_v, [i4 + 2])
    raw = plsc.load_gather(relf_v, [i4 + 3])
    i3 = iota * 3 + 64
    rtx = plsc.load_gather(relf_v, [i3])
    rty = plsc.load_gather(relf_v, [i3 + 1])
    rtz = plsc.load_gather(relf_v, [i3 + 2])
    ux, uy, uz = _rotate_conj(rax, ray, raz, raw, rtx, rty, rtz)
    ax_v[...] = rax
    ay_v[...] = ray
    az_v[...] = raz
    aw_v[...] = raw
    ux_v[...] = ux
    uy_v[...] = uy
    uz_v[...] = uz

    iota3 = iota * 3

    def idx_copies(k, S):
        base = (wid + k * NW) * B
        return [
            mac(gidx_hbm.at[pl.ds(base, B)], S['gidx'], S['sem_idx']),
            mac(pidx_hbm.at[pl.ds(base, B)], S['pidx'], S['sem_idx']),
        ]

    def feat_copies(k, S):
        base = (wid + k * NW) * B
        dB = pl.ds(base, B)
        return [
            mac(fx_hbm.at[dB], S['fx'], S['sem_feat']),
            mac(fy_hbm.at[dB], S['fy'], S['sem_feat']),
            mac(fz_hbm.at[dB], S['fz'], S['sem_feat']),
            mac(scales_hbm.at[dB], S['scales'], S['sem_feat']),
            mac(midx_hbm.at[dB], S['midx'], S['sem_feat']),
        ]

    def gat_copies(k, S):
        out = []
        for j in range(NSUB):
            d = pl.ds(j * SUB, SUB)
            out.append(mac(mytab_g.at[S['gidx'].at[d]], S['gtab'].at[d], S['sem_gat']))
            out.append(mac(mytab_p.at[S['pidx'].at[d]], S['ptab'].at[d], S['sem_gat']))
        return out

    def out_copies(k, S):
        base = (wid + k * NW) * B
        dB = pl.ds(base, B)
        return [
            mac(S['ox'], ox_hbm.at[dB], S['sem_out']),
            mac(S['oy'], oy_hbm.at[dB], S['sem_out']),
            mac(S['oz'], oz_hbm.at[dB], S['sem_out']),
        ]

    def compute(S):
        midx_v, scales_v = S['midx'], S['scales']
        fx_v, fy_v, fz_v = S['fx'], S['fy'], S['fz']
        ox_v, oy_v, oz_v = S['ox'], S['oy'], S['oz']
        gtab_v, ptab_v = S['gtab'], S['ptab']

        def group_body(g, carry):
            b16 = g * L
            d16 = pl.ds(b16, L)
            lids = b16 + iota
            m = midx_v[d16]
            s = scales_v[d16]
            bx = plsc.load_gather(gtab_v, [lids, cols[0]])
            by = plsc.load_gather(gtab_v, [lids, cols[1]])
            bz = plsc.load_gather(gtab_v, [lids, cols[2]])
            bw = plsc.load_gather(gtab_v, [lids, cols[3]])
            tx = plsc.load_gather(gtab_v, [lids, cols[4]])
            ty = plsc.load_gather(gtab_v, [lids, cols[5]])
            tz = plsc.load_gather(gtab_v, [lids, cols[6]])
            wgt = plsc.load_gather(gtab_v, [lids, cols[7]])
            px = plsc.load_gather(ptab_v, [lids, cols[0]])
            py = plsc.load_gather(ptab_v, [lids, cols[1]])
            pz = plsc.load_gather(ptab_v, [lids, cols[2]])
            fx, fy, fz = fx_v[d16], fy_v[d16], fz_v[d16]
            ax = plsc.load_gather(ax_v, [m])
            ay = plsc.load_gather(ay_v, [m])
            az = plsc.load_gather(az_v, [m])
            aw = plsc.load_gather(aw_v, [m])
            mux = plsc.load_gather(ux_v, [m])
            muy = plsc.load_gather(uy_v, [m])
            muz = plsc.load_gather(uz_v, [m])

            qw = aw * bw - ax * bx - ay * by - az * bz
            qx = aw * bx + ax * bw + ay * bz - az * by
            qy = aw * by - ax * bz + ay * bw + az * bx
            qz = aw * bz + ax * by - ay * bx + az * bw

            vx, vy, vz = mux + tx, muy + ty, muz + tz
            r1x, r1y, r1z = _rotate_conj(bx, by, bz, bw, vx, vy, vz)
            r2x, r2y, r2z = _rotate_conj(qx, qy, qz, qw, fx, fy, fz)

            ox_v[d16] = wgt * (px + r1x - s * r2x)
            oy_v[d16] = wgt * (py + r1y - s * r2y)
            oz_v[d16] = wgt * (pz + r1z - s * r2z)
            return carry

        lax.fori_loop(0, B // L, group_body, 0)

    def step(k, S, Sn):
        @pl.when(k + 1 < niter)
        def _():
            drain(idx_copies(k + 1, Sn))
            fire(gat_copies(k + 1, Sn))
        drain(gat_copies(k, S))

        @pl.when(k + 2 < niter)
        def _():
            fire(idx_copies(k + 2, S))
        drain(feat_copies(k, S))

        @pl.when(k >= 2)
        def _():
            drain(out_copies(k - 2, S))
        compute(S)
        fire(out_copies(k, S))

        @pl.when(k + 2 < niter)
        def _():
            fire(feat_copies(k + 2, S))

    fire(idx_copies(0, S0))
    fire(feat_copies(0, S0))
    drain(idx_copies(0, S0))
    fire(gat_copies(0, S0))
    fire(idx_copies(1, S1))
    fire(feat_copies(1, S1))

    def pair_body(t, carry):
        k0 = 2 * t
        step(k0, S0, S1)
        step(k0 + 1, S1, S0)
        return carry

    lax.fori_loop(0, niter // 2, pair_body, 0)

    @pl.when(niter % 2 == 1)
    def _():
        step(niter - 1, S0, S1)

    drain(out_copies(0, S0))
    drain(out_copies(0, S1))


def kernel(feature_undist, grouping_indices, point_indices, is_calibrated,
           ref_rots, rel_rots, points_3d, scales, ref_trans, rel_trans):
    gidx = grouping_indices[:, 0]
    midx = grouping_indices[:, 1]
    calw = 0.5 + 0.5 * is_calibrated.astype(jnp.float32)
    scales_flat = scales.reshape(N)
    relf = jnp.concatenate([rel_rots.reshape(64), rel_trans.reshape(48)])

    def padg(x):
        return jnp.pad(x, (0, G_PAD - G))

    def padp(x):
        return jnp.pad(x, (0, P_PAD - P))

    gcomps = [padg(ref_rots[:, 0]), padg(ref_rots[:, 1]), padg(ref_rots[:, 2]),
              padg(ref_rots[:, 3]), padg(ref_trans[:, 0]),
              padg(ref_trans[:, 1]), padg(ref_trans[:, 2]), padg(calw)]
    pcomps = [padp(points_3d[:, 0]), padp(points_3d[:, 1]),
              padp(points_3d[:, 2])]

    mesh = plsc.VectorSubcoreMesh(core_axis_name="c", subcore_axis_name="s")
    f32, i32 = jnp.float32, jnp.int32
    per_set = [
        pltpu.VMEM((B,), i32),
        pltpu.VMEM((B,), i32),
        pltpu.VMEM((B,), i32),
        pltpu.VMEM((B,), f32),
        pltpu.VMEM((B,), f32),
        pltpu.VMEM((B,), f32),
        pltpu.VMEM((B,), f32),
        pltpu.VMEM((B, TW), f32),
        pltpu.VMEM((B, TW), f32),
        pltpu.VMEM((B,), f32),
        pltpu.VMEM((B,), f32),
        pltpu.VMEM((B,), f32),
        pltpu.SemaphoreType.DMA,
        pltpu.SemaphoreType.DMA,
        pltpu.SemaphoreType.DMA,
        pltpu.SemaphoreType.DMA,
    ]
    run = pl.kernel(
        _sc_kernel, mesh=mesh,
        out_type=(jax.ShapeDtypeStruct((N,), f32),) * 3,
        compiler_params=pltpu.CompilerParams(
            needs_layout_passes=False, use_tc_tiling_on_sc=False),
        scratch_types=per_set + per_set + [
            pltpu.HBM((NC, G_PAD, TW), f32),
            pltpu.HBM((NC, P_PAD, TW), f32),
            pltpu.VMEM((GB, TW), f32),
            pltpu.VMEM((112,), f32),
            pltpu.VMEM((16,), f32),
            pltpu.VMEM((16,), f32),
            pltpu.VMEM((16,), f32),
            pltpu.VMEM((16,), f32),
            pltpu.VMEM((16,), f32),
            pltpu.VMEM((16,), f32),
            pltpu.VMEM((16,), f32),
            pltpu.SemaphoreType.DMA,
        ] + [pltpu.VMEM((GB,), f32)] * 8,
    )
    ox, oy, oz = run(
        feature_undist[:, 0], feature_undist[:, 1], feature_undist[:, 2],
        gidx, midx, point_indices, scales_flat, relf, *gcomps, *pcomps)
    return jnp.stack([ox, oy, oz], axis=1)

# --- scband reference (transcript-rebuilt; emitter-appended) ---
"""Pipeline reference for scband-pairwise-multi-rig-model-68839735820969 (READ-ONLY COPY).

The authoritative reference and input builder live on the scoring server;
editing this copy changes nothing except your own understanding.
"""

import jax, jax.numpy as jnp
import numpy as np

NUM_PTS = 500000
NUM_GROUPS = 50000
NUM_POSITIONS = 16
N_OBS = 2000000


def _norm(q):
    return q / jnp.linalg.norm(q, axis=-1, keepdims=True)


def quat_conj(q):
    # pypose SO3 Inv() == quaternion conjugate for unit quats (xyzw layout)
    return jnp.concatenate([-q[..., :3], q[..., 3:]], axis=-1)


def quat_mul(q, p):
    # Hamilton product, xyzw layout (pypose convention): result = q * p
    x1, y1, z1, w1 = q[..., 0], q[..., 1], q[..., 2], q[..., 3]
    x2, y2, z2, w2 = p[..., 0], p[..., 1], p[..., 2], p[..., 3]
    w = w1 * w2 - x1 * x2 - y1 * y2 - z1 * z2
    x = w1 * x2 + x1 * w2 + y1 * z2 - z1 * y2
    y = w1 * y2 - x1 * z2 + y1 * w2 + z1 * x2
    z = w1 * z2 + x1 * y2 - y1 * x2 + z1 * w2
    return jnp.stack([x, y, z, w], axis=-1)


def quat_rotate(q, v):
    # rotate vector v by unit quaternion q (xyzw)
    qv = q[..., :3]
    t = 2.0 * jnp.cross(qv, v)
    return v + q[..., 3:4] * t + jnp.cross(qv, t)


def setup_inputs(seed: int = 0):
    key = jax.random.key(seed)
    ks = jax.random.split(key, 12)
    feature_undist = jax.random.normal(ks[0], (N_OBS, 3), dtype=jnp.float32)
    group_idx = jax.random.randint(ks[1], (N_OBS,), 0, NUM_GROUPS)
    member_idx = jax.random.randint(ks[2], (N_OBS,), 0, NUM_POSITIONS)
    grouping_indices = jnp.stack([group_idx, member_idx], axis=1)
    point_indices = jax.random.randint(ks[3], (N_OBS,), 0, NUM_PTS)
    is_calibrated = jax.random.randint(ks[4], (NUM_GROUPS,), 0, 2).astype(bool)
    ref_rots = _norm(jax.random.normal(ks[5], (NUM_GROUPS, 4), dtype=jnp.float32))
    rel_rots = _norm(jax.random.normal(ks[6], (NUM_POSITIONS, 4), dtype=jnp.float32))
    # learned parameters (nn.Parameter in the torch module)
    points_3d = jax.random.normal(ks[7], (NUM_PTS, 3), dtype=jnp.float32)
    scales = jax.random.uniform(ks[8], (N_OBS, 1), dtype=jnp.float32, minval=0.1, maxval=2.0)
    ref_trans = jax.random.normal(ks[9], (NUM_GROUPS, 3), dtype=jnp.float32)
    rel_trans = jax.random.normal(ks[10], (NUM_POSITIONS, 3), dtype=jnp.float32)
    return {
        'feature_undist': feature_undist,
        'grouping_indices': grouping_indices,
        'point_indices': point_indices,
        'is_calibrated': is_calibrated,
        'ref_rots': ref_rots,
        'rel_rots': rel_rots,
        'points_3d': points_3d,
        'scales': scales,
        'ref_trans': ref_trans,
        'rel_trans': rel_trans,
    }


def reference(feature_undist, grouping_indices, point_indices, is_calibrated,
              ref_rots, rel_rots, points_3d, scales, ref_trans, rel_trans):
    group_idx = grouping_indices[:, 0]
    member_idx = grouping_indices[:, 1]
    ref_R = jnp.take(ref_rots, group_idx, axis=0)
    rel_R = jnp.take(rel_rots, member_idx, axis=0)
    ref_t = jnp.take(ref_trans, group_idx, axis=0)
    rel_t = jnp.take(rel_trans, member_idx, axis=0)
    # pose_R = SO3(rel_R) @ SO3(ref_R)
    pose_R = quat_mul(rel_R, ref_R)
    # calc_trans: -(ref_R^-1 @ (rel_R^-1 @ rel_t + ref_t))
    pose_t = -quat_rotate(quat_conj(ref_R), quat_rotate(quat_conj(rel_R), rel_t) + ref_t)
    # translations = pose_R.Inv() @ feature_undist
    translations = quat_rotate(quat_conj(pose_R), feature_undist)
    calib_mask = jnp.take(is_calibrated, group_idx, axis=0)
    pts = jnp.take(points_3d, point_indices, axis=0)
    # pairwise positioning cost: calibrated obs weight 1.0, uncalibrated 0.5
    w = jnp.where(calib_mask, 1.0, 0.5)[:, None]
    loss = w * ((pts - pose_t) - scales * translations)
    return loss

if __name__ == "__main__":
    import jax
    _d = setup_inputs()
    print(jax.jit(kernel)(*tuple(_d.values())))

</pallas_src>

<mosaic_0001>
#map = affine_map<(d0, d1) -> (0)>
module attributes {stable_mosaic.version = 14 : i64} {
  func.func @_sc_kernel(%arg0: i32, %arg1: i32, %arg2: memref<2000000xf32, #tpu.memory_space<hbm>>, %arg3: memref<2000000xf32, #tpu.memory_space<hbm>>, %arg4: memref<2000000xf32, #tpu.memory_space<hbm>>, %arg5: memref<2000000xi32, #tpu.memory_space<hbm>>, %arg6: memref<2000000xi32, #tpu.memory_space<hbm>>, %arg7: memref<2000000xi32, #tpu.memory_space<hbm>>, %arg8: memref<2000000xf32, #tpu.memory_space<hbm>>, %arg9: memref<112xf32, #tpu.memory_space<hbm>>, %arg10: memref<50176xf32, #tpu.memory_space<hbm>>, %arg11: memref<50176xf32, #tpu.memory_space<hbm>>, %arg12: memref<50176xf32, #tpu.memory_space<hbm>>, %arg13: memref<50176xf32, #tpu.memory_space<hbm>>, %arg14: memref<50176xf32, #tpu.memory_space<hbm>>, %arg15: memref<50176xf32, #tpu.memory_space<hbm>>, %arg16: memref<50176xf32, #tpu.memory_space<hbm>>, %arg17: memref<50176xf32, #tpu.memory_space<hbm>>, %arg18: memref<500480xf32, #tpu.memory_space<hbm>>, %arg19: memref<500480xf32, #tpu.memory_space<hbm>>, %arg20: memref<500480xf32, #tpu.memory_space<hbm>>, %arg21: memref<2000000xf32, #tpu.memory_space<hbm>>, %arg22: memref<2000000xf32, #tpu.memory_space<hbm>>, %arg23: memref<2000000xf32, #tpu.memory_space<hbm>>, %arg24: memref<640xi32, #tpu.memory_space<vmem>>, %arg25: memref<640xi32, #tpu.memory_space<vmem>>, %arg26: memref<640xi32, #tpu.memory_space<vmem>>, %arg27: memref<640xf32, #tpu.memory_space<vmem>>, %arg28: memref<640xf32, #tpu.memory_space<vmem>>, %arg29: memref<640xf32, #tpu.memory_space<vmem>>, %arg30: memref<640xf32, #tpu.memory_space<vmem>>, %arg31: memref<640x8xf32, #tpu.memory_space<vmem>>, %arg32: memref<640x8xf32, #tpu.memory_space<vmem>>, %arg33: memref<640xf32, #tpu.memory_space<vmem>>, %arg34: memref<640xf32, #tpu.memory_space<vmem>>, %arg35: memref<640xf32, #tpu.memory_space<vmem>>, %arg36: memref<!tpu.dma_semaphore, #tpu.memory_space<semaphore_mem>>, %arg37: memref<!tpu.dma_semaphore, #tpu.memory_space<semaphore_mem>>, %arg38: memref<!tpu.dma_semaphore, #tpu.memory_space<semaphore_mem>>, %arg39: memref<!tpu.dma_semaphore, #tpu.memory_space<semaphore_mem>>, %arg40: memref<640xi32, #tpu.memory_space<vmem>>, %arg41: memref<640xi32, #tpu.memory_space<vmem>>, %arg42: memref<640xi32, #tpu.memory_space<vmem>>, %arg43: memref<640xf32, #tpu.memory_space<vmem>>, %arg44: memref<640xf32, #tpu.memory_space<vmem>>, %arg45: memref<640xf32, #tpu.memory_space<vmem>>, %arg46: memref<640xf32, #tpu.memory_space<vmem>>, %arg47: memref<640x8xf32, #tpu.memory_space<vmem>>, %arg48: memref<640x8xf32, #tpu.memory_space<vmem>>, %arg49: memref<640xf32, #tpu.memory_space<vmem>>, %arg50: memref<640xf32, #tpu.memory_space<vmem>>, %arg51: memref<640xf32, #tpu.memory_space<vmem>>, %arg52: memref<!tpu.dma_semaphore, #tpu.memory_space<semaphore_mem>>, %arg53: memref<!tpu.dma_semaphore, #tpu.memory_space<semaphore_mem>>, %arg54: memref<!tpu.dma_semaphore, #tpu.memory_space<semaphore_mem>>, %arg55: memref<!tpu.dma_semaphore, #tpu.memory_space<semaphore_mem>>, %arg56: memref<2x50176x8xf32, #tpu.memory_space<hbm>>, %arg57: memref<2x500480x8xf32, #tpu.memory_space<hbm>>, %arg58: memref<3136x8xf32, #tpu.memory_space<vmem>>, %arg59: memref<112xf32, #tpu.memory_space<vmem>>, %arg60: memref<16xf32, #tpu.memory_space<vmem>>, %arg61: memref<16xf32, #tpu.memory_space<vmem>>, %arg62: memref<16xf32, #tpu.memory_space<vmem>>, %arg63: memref<16xf32, #tpu.memory_space<vmem>>, %arg64: memref<16xf32, #tpu.memory_space<vmem>>, %arg65: memref<16xf32, #tpu.memory_space<vmem>>, %arg66: memref<16xf32, #tpu.memory_space<vmem>>, %arg67: memref<!tpu.dma_semaphore, #tpu.memory_space<semaphore_mem>>, %arg68: memref<3136xf32, #tpu.memory_space<vmem>>, %arg69: memref<3136xf32, #tpu.memory_space<vmem>>, %arg70: memref<3136xf32, #tpu.memory_space<vmem>>, %arg71: memref<3136xf32, #tpu.memory_space<vmem>>, %arg72: memref<3136xf32, #tpu.memory_space<vmem>>, %arg73: memref<3136xf32, #tpu.memory_space<vmem>>, %arg74: memref<3136xf32, #tpu.memory_space<vmem>>, %arg75: memref<3136xf32, #tpu.memory_space<vmem>>) attributes {dimension_semantics = [#tpu.dimension_semantics<core_parallel>, #tpu.dimension_semantics<subcore_parallel>], iteration_bounds = array<i64: 2, 16>, scalar_prefetch = 0 : i64, scratch_operands = 52 : i64, tpu.core_type = #tpu.core_type<sc_vector_subcore>, window_params = [{transform_indices = #map}, {transform_indices = #map}, {transform_indices = #map}, {transform_indices = #map}, {transform_indices = #map}, {transform_indices = #map}, {transform_indices = #map}, {transform_indices = #map}, {transform_indices = #map}, {transform_indices = #map}, {transform_indices = #map}, {transform_indices = #map}, {transform_indices = #map}, {transform_indices = #map}, {transform_indices = #map}, {transform_indices = #map}, {transform_indices = #map}, {transform_indices = #map}, {transform_indices = #map}, {transform_indices = #map}, {transform_indices = #map}, {transform_indices = #map}]} {
    %mul3A = arith.constant 2 : i32
    %mul3A_0 = arith.muli %arg1, %mul3A : i32
    %add3A = arith.addi %mul3A_0, %arg0 : i32
    %sub3A = arith.constant 3125 : i32
    %sub3A_1 = arith.subi %sub3A, %add3A : i32
    %add3A_2 = arith.constant 32 : i32
    %add3A_3 = arith.addi %sub3A_1, %add3A_2 : i32
    %sub3A_4 = arith.constant 1 : i32
    %sub3A_5 = arith.subi %add3A_3, %sub3A_4 : i32
    %jit3A = arith.constant 32 : i32
    %div3A = arith.divsi %sub3A_5, %jit3A : i32
    %sign3A = arith.constant 0 : i32
    %sign3A_6 = arith.cmpi sgt, %sub3A_5, %sign3A : i32
    %sign3A_7 = arith.extui %sign3A_6 : i1 to i32
    %sign3A_8 = arith.constant 0 : i32
    %sign3A_9 = arith.cmpi slt, %sub3A_5, %sign3A_8 : i32
    %sign3A_10 = arith.extui %sign3A_9 : i1 to i32
    %sign3A_11 = arith.subi %sign3A_7, %sign3A_10 : i32
    %sign3A_12 = arith.constant 0 : i32
    %sign3A_13 = arith.cmpi sgt, %jit3A, %sign3A_12 : i32
    %sign3A_14 = arith.extui %sign3A_13 : i1 to i32
    %sign3A_15 = arith.constant 0 : i32
    %sign3A_16 = arith.cmpi slt, %jit3A, %sign3A_15 : i32
    %sign3A_17 = arith.extui %sign3A_16 : i1 to i32
    %sign3A_18 = arith.subi %sign3A_14, %sign3A_17 : i32
    %ne3A = arith.cmpi ne, %sign3A_11, %sign3A_18 : i32
    %rem3A = arith.remsi %sub3A_5, %jit3A : i32
    %ne3A_19 = arith.constant 0 : i32
    %ne3A_20 = arith.cmpi ne, %rem3A, %ne3A_19 : i32
    %and3A = arith.andi %ne3A, %ne3A_20 : i1
    %sub3A_21 = arith.constant 1 : i32
    %sub3A_22 = arith.subi %div3A, %sub3A_21 : i32
    %select_n3A = arith.select %and3A, %sub3A_22, %div3A : i32
    %iota3A = tpu.iota {dimensions = array<i32: 0>} : vector<16xi32>
    %broadcast_in_dim3A = arith.constant 0 : i32
    %broadcast_in_dim3A_23 = vector.broadcast %broadcast_in_dim3A : i32 to vector<16xi32>
    %broadcast_in_dim3A_24 = arith.constant 1 : i32
    %broadcast_in_dim3A_25 = vector.broadcast %broadcast_in_dim3A_24 : i32 to vector<16xi32>
    %broadcast_in_dim3A_26 = arith.constant 2 : i32
    %broadcast_in_dim3A_27 = vector.broadcast %broadcast_in_dim3A_26 : i32 to vector<16xi32>
    %broadcast_in_dim3A_28 = arith.constant 3 : i32
    %broadcast_in_dim3A_29 = vector.broadcast %broadcast_in_dim3A_28 : i32 to vector<16xi32>
    %broadcast_in_dim3A_30 = arith.constant 4 : i32
    %broadcast_in_dim3A_31 = vector.broadcast %broadcast_in_dim3A_30 : i32 to vector<16xi32>
    %broadcast_in_dim3A_32 = arith.constant 5 : i32
    %broadcast_in_dim3A_33 = vector.broadcast %broadcast_in_dim3A_32 : i32 to vector<16xi32>
    %broadcast_in_dim3A_34 = arith.constant 6 : i32
    %broadcast_in_dim3A_35 = vector.broadcast %broadcast_in_dim3A_34 : i32 to vector<16xi32>
    %broadcast_in_dim3A_36 = arith.constant 7 : i32
    %broadcast_in_dim3A_37 = vector.broadcast %broadcast_in_dim3A_36 : i32 to vector<16xi32>
    %mul3A_38 = arith.constant 3136 : i32
    %mul3A_39 = arith.muli %arg1, %mul3A_38 : i32
    %dma_start3A = tpu.memref_slice %arg10[%mul3A_39] : memref<50176xf32, #tpu.memory_space<hbm>> -> memref<3136xf32, #tpu.memory_space<hbm>>
    %dma_start3A_40 = tpu.memref_slice %arg10[%mul3A_39] : memref<50176xf32, #tpu.memory_space<hbm>> -> memref<3136xf32, #tpu.memory_space<hbm>>
    tpu.enqueue_dma source(%dma_start3A_40 : memref<3136xf32, #tpu.memory_space<hbm>>) target(%arg68 : memref<3136xf32, #tpu.memory_space<vmem>>) target_semaphore(%arg67 : memref<!tpu.dma_semaphore, #tpu.memory_space<semaphore_mem>>)
    %dma_start3A_41 = tpu.memref_slice %arg11[%mul3A_39] : memref<50176xf32, #tpu.memory_space<hbm>> -> memref<3136xf32, #tpu.memory_space<hbm>>
    %dma_start3A_42 = tpu.memref_slice %arg11[%mul3A_39] : memref<50176xf32, #tpu.memory_space<hbm>> -> memref<3136xf32, #tpu.memory_space<hbm>>
    tpu.enqueue_dma source(%dma_start3A_42 : memref<3136xf32, #tpu.memory_space<hbm>>) target(%arg69 : memref<3136xf32, #tpu.memory_space<vmem>>) target_semaphore(%arg67 : memref<!tpu.dma_semaphore, #tpu.memory_space<semaphore_mem>>)
    %dma_start3A_43 = tpu.memref_slice %arg12[%mul3A_39] : memref<50176xf32, #tpu.memory_space<hbm>> -> memref<3136xf32, #tpu.memory_space<hbm>>
    %dma_start3A_44 = tpu.memref_slice %arg12[%mul3A_39] : memref<50176xf32, #tpu.memory_space<hbm>> -> memref<3136xf32, #tpu.memory_space<hbm>>
    tpu.enqueue_dma source(%dma_start3A_44 : memref<3136xf32, #tpu.memory_space<hbm>>) target(%arg70 : memref<3136xf32, #tpu.memory_space<vmem>>) target_semaphore(%arg67 : memref<!tpu.dma_semaphore, #tpu.memory_space<semaphore_mem>>)
    %dma_start3A_45 = tpu.memref_slice %arg13[%mul3A_39] : memref<50176xf32, #tpu.memory_space<hbm>> -> memref<3136xf32, #tpu.memory_space<hbm>>
    %dma_start3A_46 = tpu.memref_slice %arg13[%mul3A_39] : memref<50176xf32, #tpu.memory_space<hbm>> -> memref<3136xf32, #tpu.memory_space<hbm>>
    tpu.enqueue_dma source(%dma_start3A_46 : memref<3136xf32, #tpu.memory_space<hbm>>) target(%arg71 : memref<3136xf32, #tpu.memory_space<vmem>>) target_semaphore(%arg67 : memref<!tpu.dma_semaphore, #tpu.memory_space<semaphore_mem>>)
    %dma_start3A_47 = tpu.memref_slice %arg14[%mul3A_39] : memref<50176xf32, #tpu.memory_space<hbm>> -> memref<3136xf32, #tpu.memory_space<hbm>>
    %dma_start3A_48 = tpu.memref_slice %arg14[%mul3A_39] : memref<50176xf32, #tpu.memory_space<hbm>> -> memref<3136xf32, #tpu.memory_space<hbm>>
    tpu.enqueue_dma source(%dma_start3A_48 : memref<3136xf32, #tpu.memory_space<hbm>>) target(%arg72 : memref<3136xf32, #tpu.memory_space<vmem>>) target_semaphore(%arg67 : memref<!tpu.dma_semaphore, #tpu.memory_space<semaphore_mem>>)
    %dma_start3A_49 = tpu.memref_slice %arg15[%mul3A_39] : memref<50176xf32, #tpu.memory_space<hbm>> -> memref<3136xf32, #tpu.memory_space<hbm>>
    %dma_start3A_50 = tpu.memref_slice %arg15[%mul3A_39] : memref<50176xf32, #tpu.memory_space<hbm>> -> memref<3136xf32, #tpu.memory_space<hbm>>
    tpu.enqueue_dma source(%dma_start3A_50 : memref<3136xf32, #tpu.memory_space<hbm>>) target(%arg73 : memref<3136xf32, #tpu.memory_space<vmem>>) target_semaphore(%arg67 : memref<!tpu.dma_semaphore, #tpu.memory_space<semaphore_mem>>)
    %dma_start3A_51 = tpu.memref_slice %arg16[%mul3A_39] : memref<50176xf32, #tpu.memory_space<hbm>> -> memref<3136xf32, #tpu.memory_space<hbm>>
    %dma_start3A_52 = tpu.memref_slice %arg16[%mul3A_39] : memref<50176xf32, #tpu.memory_space<hbm>> -> memref<3136xf32, #tpu.memory_space<hbm>>
    tpu.enqueue_dma source(%dma_start3A_52 : memref<3136xf32, #tpu.memory_space<hbm>>) target(%arg74 : memref<3136xf32, #tpu.memory_space<vmem>>) target_semaphore(%arg67 : memref<!tpu.dma_semaphore, #tpu.memory_space<semaphore_mem>>)
    %dma_start3A_53 = tpu.memref_slice %arg17[%mul3A_39] : memref<50176xf32, #tpu.memory_space<hbm>> -> memref<3136xf32, #tpu.memory_space<hbm>>
    %dma_start3A_54 = tpu.memref_slice %arg17[%mul3A_39] : memref<50176xf32, #tpu.memory_space<hbm>> -> memref<3136xf32, #tpu.memory_space<hbm>>
    tpu.enqueue_dma source(%dma_start3A_54 : memref<3136xf32, #tpu.memory_space<hbm>>) target(%arg75 : memref<3136xf32, #tpu.memory_space<vmem>>) target_semaphore(%arg67 : memref<!tpu.dma_semaphore, #tpu.memory_space<semaphore_mem>>)
    %dma_wait3A = tpu.memref_slice %arg10[%mul3A_39] : memref<50176xf32, #tpu.memory_space<hbm>> -> memref<3136xf32, #tpu.memory_space<hbm>>
    %dma_wait3A_55 = tpu.memref_slice %arg10[%mul3A_39] : memref<50176xf32, #tpu.memory_space<hbm>> -> memref<3136xf32, #tpu.memory_space<hbm>>
    tpu.wait_dma2 semaphore(%arg67 : memref<!tpu.dma_semaphore, #tpu.memory_space<semaphore_mem>>) src(%dma_wait3A_55 : memref<3136xf32, #tpu.memory_space<hbm>>) dst(%arg68 : memref<3136xf32, #tpu.memory_space<vmem>>)
    %dma_wait3A_56 = tpu.memref_slice %arg11[%mul3A_39] : memref<50176xf32, #tpu.memory_space<hbm>> -> memref<3136xf32, #tpu.memory_space<hbm>>
    %dma_wait3A_57 = tpu.memref_slice %arg11[%mul3A_39] : memref<50176xf32, #tpu.memory_space<hbm>> -> memref<3136xf32, #tpu.memory_space<hbm>>
    tpu.wait_dma2 semaphore(%arg67 : memref<!tpu.dma_semaphore, #tpu.memory_space<semaphore_mem>>) src(%dma_wait3A_57 : memref<3136xf32, #tpu.memory_space<hbm>>) dst(%arg69 : memref<3136xf32, #tpu.memory_space<vmem>>)
    %dma_wait3A_58 = tpu.memref_slice %arg12[%mul3A_39] : memref<50176xf32, #tpu.memory_space<hbm>> -> memref<3136xf32, #tpu.memory_space<hbm>>
    %dma_wait3A_59 = tpu.memref_slice %arg12[%mul3A_39] : memref<50176xf32, #tpu.memory_space<hbm>> -> memref<3136xf32, #tpu.memory_space<hbm>>
    tpu.wait_dma2 semaphore(%arg67 : memref<!tpu.dma_semaphore, #tpu.memory_space<semaphore_mem>>) src(%dma_wait3A_59 : memref<3136xf32, #tpu.memory_space<hbm>>) dst(%arg70 : memref<3136xf32, #tpu.memory_space<vmem>>)
    %dma_wait3A_60 = tpu.memref_slice %arg13[%mul3A_39] : memref<50176xf32, #tpu.memory_space<hbm>> -> memref<3136xf32, #tpu.memory_space<hbm>>
    %dma_wait3A_61 = tpu.memref_slice %arg13[%mul3A_39] : memref<50176xf32, #tpu.memory_space<hbm>> -> memref<3136xf32, #tpu.memory_space<hbm>>
    tpu.wait_dma2 semaphore(%arg67 : memref<!tpu.dma_semaphore, #tpu.memory_space<semaphore_mem>>) src(%dma_wait3A_61 : memref<3136xf32, #tpu.memory_space<hbm>>) dst(%arg71 : memref<3136xf32, #tpu.memory_space<vmem>>)
    %dma_wait3A_62 = tpu.memref_slice %arg14[%mul3A_39] : memref<50176xf32, #tpu.memory_space<hbm>> -> memref<3136xf32, #tpu.memory_space<hbm>>
    %dma_wait3A_63 = tpu.memref_slice %arg14[%mul3A_39] : memref<50176xf32, #tpu.memory_space<hbm>> -> memref<3136xf32, #tpu.memory_space<hbm>>
    tpu.wait_dma2 semaphore(%arg67 : memref<!tpu.dma_semaphore, #tpu.memory_space<semaphore_mem>>) src(%dma_wait3A_63 : memref<3136xf32, #tpu.memory_space<hbm>>) dst(%arg72 : memref<3136xf32, #tpu.memory_space<vmem>>)
    %dma_wait3A_64 = tpu.memref_slice %arg15[%mul3A_39] : memref<50176xf32, #tpu.memory_space<hbm>> -> memref<3136xf32, #tpu.memory_space<hbm>>
    %dma_wait3A_65 = tpu.memref_slice %arg15[%mul3A_39] : memref<50176xf32, #tpu.memory_space<hbm>> -> memref<3136xf32, #tpu.memory_space<hbm>>
    tpu.wait_dma2 semaphore(%arg67 : memref<!tpu.dma_semaphore, #tpu.memory_space<semaphore_mem>>) src(%dma_wait3A_65 : memref<3136xf32, #tpu.memory_space<hbm>>) dst(%arg73 : memref<3136xf32, #tpu.memory_space<vmem>>)
    %dma_wait3A_66 = tpu.memref_slice %arg16[%mul3A_39] : memref<50176xf32, #tpu.memory_space<hbm>> -> memref<3136xf32, #tpu.memory_space<hbm>>
    %dma_wait3A_67 = tpu.memref_slice %arg16[%mul3A_39] : memref<50176xf32, #tpu.memory_space<hbm>> -> memref<3136xf32, #tpu.memory_space<hbm>>
    tpu.wait_dma2 semaphore(%arg67 : memref<!tpu.dma_semaphore, #tpu.memory_space<semaphore_mem>>) src(%dma_wait3A_67 : memref<3136xf32, #tpu.memory_space<hbm>>) dst(%arg74 : memref<3136xf32, #tpu.memory_space<vmem>>)
    %dma_wait3A_68 = tpu.memref_slice %arg17[%mul3A_39] : memref<50176xf32, #tpu.memory_space<hbm>> -> memref<3136xf32, #tpu.memory_space<hbm>>
    %dma_wait3A_69 = tpu.memref_slice %arg17[%mul3A_39] : memref<50176xf32, #tpu.memory_space<hbm>> -> memref<3136xf32, #tpu.memory_space<hbm>>
    tpu.wait_dma2 semaphore(%arg67 : memref<!tpu.dma_semaphore, #tpu.memory_space<semaphore_mem>>) src(%dma_wait3A_69 : memref<3136xf32, #tpu.memory_space<hbm>>) dst(%arg75 : memref<3136xf32, #tpu.memory_space<vmem>>)
    %scan3A = arith.constant 0 : i32
    %scan3A_70 = arith.constant 0 : i32
    %scan3A_71 = arith.constant 196 : i32
    %scan3A_72 = arith.addi %scan3A_70, %scan3A_71 : i32
    %scan3A_73 = arith.constant 1 : i32
    scf.for %scan3A_429 = %scan3A_70 to %scan3A_72 step %scan3A_73  : i32 {
      %mul3A_430 = arith.constant 16 : i32
      %mul3A_431 = arith.muli %scan3A_429, %mul3A_430 : i32
      %add3A_432 = vector.broadcast %mul3A_431 : i32 to vector<16xi32>
      %add3A_433 = arith.addi %add3A_432, %iota3A : vector<16xi32>
      %get3A = arith.index_cast %mul3A_431 : i32 to index
      %get3A_434 = tpu.vector_load %arg68[%get3A] {strides = array<i32>} : memref<3136xf32, #tpu.memory_space<vmem>>, vector<16xf32>,
      tpu.vector_store_idx %arg58[%add3A_433, %broadcast_in_dim3A_23], %get3A_434 : memref<3136x8xf32, #tpu.memory_space<vmem>>[vector<16xi32>, vector<16xi32>], vector<16xf32>,
      %get3A_435 = arith.index_cast %mul3A_431 : i32 to index
      %get3A_436 = tpu.vector_load %arg69[%get3A_435] {strides = array<i32>} : memref<3136xf32, #tpu.memory_space<vmem>>, vector<16xf32>,
      tpu.vector_store_idx %arg58[%add3A_433, %broadcast_in_dim3A_25], %get3A_436 : memref<3136x8xf32, #tpu.memory_space<vmem>>[vector<16xi32>, vector<16xi32>], vector<16xf32>,
      %get3A_437 = arith.index_cast %mul3A_431 : i32 to index
      %get3A_438 = tpu.vector_load %arg70[%get3A_437] {strides = array<i32>} : memref<3136xf32, #tpu.memory_space<vmem>>, vector<16xf32>,
      tpu.vector_store_idx %arg58[%add3A_433, %broadcast_in_dim3A_27], %get3A_438 : memref<3136x8xf32, #tpu.memory_space<vmem>>[vector<16xi32>, vector<16xi32>], vector<16xf32>,
      %get3A_439 = arith.index_cast %mul3A_431 : i32 to index
      %get3A_440 = tpu.vector_load %arg71[%get3A_439] {strides = array<i32>} : memref<3136xf32, #tpu.memory_space<vmem>>, vector<16xf32>,
      tpu.vector_store_idx %arg58[%add3A_433, %broadcast_in_dim3A_29], %get3A_440 : memref<3136x8xf32, #tpu.memory_space<vmem>>[vector<16xi32>, vector<16xi32>], vector<16xf32>,
      %get3A_441 = arith.index_cast %mul3A_431 : i32 to index
      %get3A_442 = tpu.vector_load %arg72[%get3A_441] {strides = array<i32>} : memref<3136xf32, #tpu.memory_space<vmem>>, vector<16xf32>,
      tpu.vector_store_idx %arg58[%add3A_433, %broadcast_in_dim3A_31], %get3A_442 : memref<3136x8xf32, #tpu.memory_space<vmem>>[vector<16xi32>, vector<16xi32>], vector<16xf32>,
      %get3A_443 = arith.index_cast %mul3A_431 : i32 to index
      %get3A_444 = tpu.vector_load %arg73[%get3A_443] {strides = array<i32>} : memref<3136xf32, #tpu.memory_space<vmem>>, vector<16xf32>,
      tpu.vector_store_idx %arg58[%add3A_433, %broadcast_in_dim3A_33], %get3A_444 : memref<3136x8xf32, #tpu.memory_space<vmem>>[vector<16xi32>, vector<16xi32>], vector<16xf32>,
      %get3A_445 = arith.index_cast %mul3A_431 : i32 to index
      %get3A_446 = tpu.vector_load %arg74[%get3A_445] {strides = array<i32>} : memref<3136xf32, #tpu.memory_space<vmem>>, vector<16xf32>,
      tpu.vector_store_idx %arg58[%add3A_433, %broadcast_in_dim3A_35], %get3A_446 : memref<3136x8xf32, #tpu.memory_space<vmem>>[vector<16xi32>, vector<16xi32>], vector<16xf32>,
      %get3A_447 = arith.index_cast %mul3A_431 : i32 to index
      %get3A_448 = tpu.vector_load %arg75[%get3A_447] {strides = array<i32>} : memref<3136xf32, #tpu.memory_space<vmem>>, vector<16xf32>,
      tpu.vector_store_idx %arg58[%add3A_433, %broadcast_in_dim3A_37], %get3A_448 : memref<3136x8xf32, #tpu.memory_space<vmem>>[vector<16xi32>, vector<16xi32>], vector<16xf32>,
    }
    %scan3A_74 = arith.constant 196 : i32
    %dma_start3A_75 = arith.constant 0 : i32
    %dma_start3A_76 = arith.constant 0 : i32
    %dma_start3A_77 = tpu.memref_slice %arg56[%arg0, %dma_start3A_75, %dma_start3A_76] : memref<2x50176x8xf32, #tpu.memory_space<hbm>> -> memref<1x50176x8xf32, #tpu.memory_space<hbm>>
    %dma_start3A_78 = tpu.memref_squeeze %dma_start3A_77 : memref<1x50176x8xf32, #tpu.memory_space<hbm>> -> memref<50176x8xf32, #tpu.memory_space<hbm>>
    %dma_start3A_79 = arith.constant 0 : i32
    %dma_start3A_80 = tpu.memref_slice %dma_start3A_78[%mul3A_39, %dma_start3A_79] : memref<50176x8xf32, #tpu.memory_space<hbm>> -> memref<3136x8xf32, #tpu.memory_space<hbm>>
    %dma_start3A_81 = arith.constant 0 : i32
    %dma_start3A_82 = arith.constant 0 : i32
    %dma_start3A_83 = tpu.memref_slice %arg56[%arg0, %dma_start3A_81, %dma_start3A_82] : memref<2x50176x8xf32, #tpu.memory_space<hbm>> -> memref<1x50176x8xf32, #tpu.memory_space<hbm>>
    %dma_start3A_84 = tpu.memref_squeeze %dma_start3A_83 : memref<1x50176x8xf32, #tpu.memory_space<hbm>> -> memref<50176x8xf32, #tpu.memory_space<hbm>>
    %dma_start3A_85 = arith.constant 0 : i32
    %dma_start3A_86 = tpu.memref_slice %dma_start3A_84[%mul3A_39, %dma_start3A_85] : memref<50176x8xf32, #tpu.memory_space<hbm>> -> memref<3136x8xf32, #tpu.memory_space<hbm>>
    tpu.enqueue_dma source(%arg58 : memref<3136x8xf32, #tpu.memory_space<vmem>>) target(%dma_start3A_86 : memref<3136x8xf32, #tpu.memory_space<hbm>>) target_semaphore(%arg67 : memref<!tpu.dma_semaphore, #tpu.memory_space<semaphore_mem>>)
    %dma_wait3A_87 = arith.constant 0 : i32
    %dma_wait3A_88 = arith.constant 0 : i32
    %dma_wait3A_89 = tpu.memref_slice %arg56[%arg0, %dma_wait3A_87, %dma_wait3A_88] : memref<2x50176x8xf32, #tpu.memory_space<hbm>> -> memref<1x50176x8xf32, #tpu.memory_space<hbm>>
    %dma_wait3A_90 = tpu.memref_squeeze %dma_wait3A_89 : memref<1x50176x8xf32, #tpu.memory_space<hbm>> -> memref<50176x8xf32, #tpu.memory_space<hbm>>
    %dma_wait3A_91 = arith.constant 0 : i32
    %dma_wait3A_92 = tpu.memref_slice %dma_wait3A_90[%mul3A_39, %dma_wait3A_91] : memref<50176x8xf32, #tpu.memory_space<hbm>> -> memref<3136x8xf32, #tpu.memory_space<hbm>>
    %dma_wait3A_93 = arith.constant 0 : i32
    %dma_wait3A_94 = arith.constant 0 : i32
    %dma_wait3A_95 = tpu.memref_slice %arg56[%arg0, %dma_wait3A_93, %dma_wait3A_94] : memref<2x50176x8xf32, #tpu.memory_space<hbm>> -> memref<1x50176x8xf32, #tpu.memory_space<hbm>>
    %dma_wait3A_96 = tpu.memref_squeeze %dma_wait3A_95 : memref<1x50176x8xf32, #tpu.memory_space<hbm>> -> memref<50176x8xf32, #tpu.memory_space<hbm>>
    %dma_wait3A_97 = arith.constant 0 : i32
    %dma_wait3A_98 = tpu.memref_slice %dma_wait3A_96[%mul3A_39, %dma_wait3A_97] : memref<50176x8xf32, #tpu.memory_space<hbm>> -> memref<3136x8xf32, #tpu.memory_space<hbm>>
    tpu.wait_dma2 semaphore(%arg67 : memref<!tpu.dma_semaphore, #tpu.memory_space<semaphore_mem>>) src(%arg58 : memref<3136x8xf32, #tpu.memory_space<vmem>>) dst(%dma_wait3A_98 : memref<3136x8xf32, #tpu.memory_space<hbm>>)
    %scan3A_99 = arith.constant 0 : i32
    %scan3A_100 = arith.constant 0 : i32
    %scan3A_101 = arith.constant 23 : i32
    %scan3A_102 = arith.addi %scan3A_100, %scan3A_101 : i32
    %scan3A_103 = arith.constant 1 : i32
    scf.for %scan3A_429 = %scan3A_100 to %scan3A_102 step %scan3A_103  : i32 {
      %mul3A_430 = arith.constant 31280 : i32
      %mul3A_431 = arith.muli %arg1, %mul3A_430 : i32
      %mul3A_432 = arith.constant 1360 : i32
      %mul3A_433 = arith.muli %scan3A_429, %mul3A_432 : i32
      %add3A_434 = arith.addi %mul3A_431, %mul3A_433 : i32
      %dma_start3A_435 = arith.constant 0 : i32
      %dma_start3A_436 = tpu.memref_slice %arg68[%dma_start3A_435] : memref<3136xf32, #tpu.memory_space<vmem>> -> memref<1360xf32, #tpu.memory_space<vmem>>
      %dma_start3A_437 = tpu.memref_slice %arg18[%add3A_434] : memref<500480xf32, #tpu.memory_space<hbm>> -> memref<1360xf32, #tpu.memory_space<hbm>>
      %dma_start3A_438 = arith.constant 0 : i32
      %dma_start3A_439 = tpu.memref_slice %arg68[%dma_start3A_438] : memref<3136xf32, #tpu.memory_space<vmem>> -> memref<1360xf32, #tpu.memory_space<vmem>>
      %dma_start3A_440 = tpu.memref_slice %arg18[%add3A_434] : memref<500480xf32, #tpu.memory_space<hbm>> -> memref<1360xf32, #tpu.memory_space<hbm>>
      tpu.enqueue_dma source(%dma_start3A_440 : memref<1360xf32, #tpu.memory_space<hbm>>) target(%dma_start3A_439 : memref<1360xf32, #tpu.memory_space<vmem>>) target_semaphore(%arg67 : memref<!tpu.dma_semaphore, #tpu.memory_space<semaphore_mem>>)
      %dma_start3A_441 = arith.constant 0 : i32
      %dma_start3A_442 = tpu.memref_slice %arg69[%dma_start3A_441] : memref<3136xf32, #tpu.memory_space<vmem>> -> memref<1360xf32, #tpu.memory_space<vmem>>
      %dma_start3A_443 = tpu.memref_slice %arg19[%add3A_434] : memref<500480xf32, #tpu.memory_space<hbm>> -> memref<1360xf32, #tpu.memory_space<hbm>>
      %dma_start3A_444 = arith.constant 0 : i32
      %dma_start3A_445 = tpu.memref_slice %arg69[%dma_start3A_444] : memref<3136xf32, #tpu.memory_space<vmem>> -> memref<1360xf32, #tpu.memory_space<vmem>>
      %dma_start3A_446 = tpu.memref_slice %arg19[%add3A_434] : memref<500480xf32, #tpu.memory_space<hbm>> -> memref<1360xf32, #tpu.memory_space<hbm>>
      tpu.enqueue_dma source(%dma_start3A_446 : memref<1360xf32, #tpu.memory_space<hbm>>) target(%dma_start3A_445 : memref<1360xf32, #tpu.memory_space<vmem>>) target_semaphore(%arg67 : memref<!tpu.dma_semaphore, #tpu.memory_space<semaphore_mem>>)
      %dma_start3A_447 = arith.constant 0 : i32
      %dma_start3A_448 = tpu.memref_slice %arg70[%dma_start3A_447] : memref<3136xf32, #tpu.memory_space<vmem>> -> memref<1360xf32, #tpu.memory_space<vmem>>
      %dma_start3A_449 = tpu.memref_slice %arg20[%add3A_434] : memref<500480xf32, #tpu.memory_space<hbm>> -> memref<1360xf32, #tpu.memory_space<hbm>>
      %dma_start3A_450 = arith.constant 0 : i32
      %dma_start3A_451 = tpu.memref_slice %arg70[%dma_start3A_450] : memref<3136xf32, #tpu.memory_space<vmem>> -> memref<1360xf32, #tpu.memory_space<vmem>>
      %dma_start3A_452 = tpu.memref_slice %arg20[%add3A_434] : memref<500480xf32, #tpu.memory_space<hbm>> -> memref<1360xf32, #tpu.memory_space<hbm>>
      tpu.enqueue_dma source(%dma_start3A_452 : memref<1360xf32, #tpu.memory_space<hbm>>) target(%dma_start3A_451 : memref<1360xf32, #tpu.memory_space<vmem>>) target_semaphore(%arg67 : memref<!tpu.dma_semaphore, #tpu.memory_space<semaphore_mem>>)
      %dma_wait3A_453 = arith.constant 0 : i32
      %dma_wait3A_454 = tpu.memref_slice %arg68[%dma_wait3A_453] : memref<3136xf32, #tpu.memory_space<vmem>> -> memref<1360xf32, #tpu.memory_space<vmem>>
      %dma_wait3A_455 = tpu.memref_slice %arg18[%add3A_434] : memref<500480xf32, #tpu.memory_space<hbm>> -> memref<1360xf32, #tpu.memory_space<hbm>>
      %dma_wait3A_456 = arith.constant 0 : i32
      %dma_wait3A_457 = tpu.memref_slice %arg68[%dma_wait3A_456] : memref<3136xf32, #tpu.memory_space<vmem>> -> memref<1360xf32, #tpu.memory_space<vmem>>
      %dma_wait3A_458 = tpu.memref_slice %arg18[%add3A_434] : memref<500480xf32, #tpu.memory_space<hbm>> -> memref<1360xf32, #tpu.memory_space<hbm>>
      tpu.wait_dma2 semaphore(%arg67 : memref<!tpu.dma_semaphore, #tpu.memory_space<semaphore_mem>>) src(%dma_wait3A_458 : memref<1360xf32, #tpu.memory_space<hbm>>) dst(%dma_wait3A_457 : memref<1360xf32, #tpu.memory_space<vmem>>)
      %dma_wait3A_459 = arith.constant 0 : i32
      %dma_wait3A_460 = tpu.memref_slice %arg69[%dma_wait3A_459] : memref<3136xf32, #tpu.memory_space<vmem>> -> memref<1360xf32, #tpu.memory_space<vmem>>
      %dma_wait3A_461 = tpu.memref_slice %arg19[%add3A_434] : memref<500480xf32, #tpu.memory_space<hbm>> -> memref<1360xf32, #tpu.memory_space<hbm>>
      %dma_wait3A_462 = arith.constant 0 : i32
      %dma_wait3A_463 = tpu.memref_slice %arg69[%dma_wait3A_462] : memref<3136xf32, #tpu.memory_space<vmem>> -> memref<1360xf32, #tpu.memory_space<vmem>>
      %dma_wait3A_464 = tpu.memref_slice %arg19[%add3A_434] : memref<500480xf32, #tpu.memory_space<hbm>> -> memref<1360xf32, #tpu.memory_space<hbm>>
      tpu.wait_dma2 semaphore(%arg67 : memref<!tpu.dma_semaphore, #tpu.memory_space<semaphore_mem>>) src(%dma_wait3A_464 : memref<1360xf32, #tpu.memory_space<hbm>>) dst(%dma_wait3A_463 : memref<1360xf32, #tpu.memory_space<vmem>>)
      %dma_wait3A_465 = arith.constant 0 : i32
      %dma_wait3A_466 = tpu.memref_slice %arg70[%dma_wait3A_465] : memref<3136xf32, #tpu.memory_space<vmem>> -> memref<1360xf32, #tpu.memory_space<vmem>>
      %dma_wait3A_467 = tpu.memref_slice %arg20[%add3A_434] : memref<500480xf32, #tpu.memory_space<hbm>> -> memref<1360xf32, #tpu.memory_space<hbm>>
      %dma_wait3A_468 = arith.constant 0 : i32
      %dma_wait3A_469 = tpu.memref_slice %arg70[%dma_wait3A_468] : memref<3136xf32, #tpu.memory_space<vmem>> -> memref<1360xf32, #tpu.memory_space<vmem>>
      %dma_wait3A_470 = tpu.memref_slice %arg20[%add3A_434] : memref<500480xf32, #tpu.memory_space<hbm>> -> memref<1360xf32, #tpu.memory_space<hbm>>
      tpu.wait_dma2 semaphore(%arg67 : memref<!tpu.dma_semaphore, #tpu.memory_space<semaphore_mem>>) src(%dma_wait3A_470 : memref<1360xf32, #tpu.memory_space<hbm>>) dst(%dma_wait3A_469 : memref<1360xf32, #tpu.memory_space<vmem>>)
      %scan3A_471 = arith.constant 0 : i32
      %scan3A_472 = arith.constant 0 : i32
      %scan3A_473 = arith.constant 85 : i32
      %scan3A_474 = arith.addi %scan3A_472, %scan3A_473 : i32
      %scan3A_475 = arith.constant 1 : i32
      scf.for %scan3A_513 = %scan3A_472 to %scan3A_474 step %scan3A_475  : i32 {
        %mul3A_514 = arith.constant 16 : i32
        %mul3A_515 = arith.muli %scan3A_513, %mul3A_514 : i32
        %add3A_516 = vector.broadcast %mul3A_515 : i32 to vector<16xi32>
        %add3A_517 = arith.addi %add3A_516, %iota3A : vector<16xi32>
        %get3A = arith.index_cast %mul3A_515 : i32 to index
        %get3A_518 = tpu.vector_load %arg68[%get3A] {strides = array<i32>} : memref<3136xf32, #tpu.memory_space<vmem>>, vector<16xf32>,
        tpu.vector_store_idx %arg58[%add3A_517, %broadcast_in_dim3A_23], %get3A_518 : memref<3136x8xf32, #tpu.memory_space<vmem>>[vector<16xi32>, vector<16xi32>], vector<16xf32>,
        %get3A_519 = arith.index_cast %mul3A_515 : i32 to index
        %get3A_520 = tpu.vector_load %arg69[%get3A_519] {strides = array<i32>} : memref<3136xf32, #tpu.memory_space<vmem>>, vector<16xf32>,
        tpu.vector_store_idx %arg58[%add3A_517, %broadcast_in_dim3A_25], %get3A_520 : memref<3136x8xf32, #tpu.memory_space<vmem>>[vector<16xi32>, vector<16xi32>], vector<16xf32>,
        %get3A_521 = arith.index_cast %mul3A_515 : i32 to index
        %get3A_522 = tpu.vector_load %arg70[%get3A_521] {strides = array<i32>} : memref<3136xf32, #tpu.memory_space<vmem>>, vector<16xf32>,
        tpu.vector_store_idx %arg58[%add3A_517, %broadcast_in_dim3A_27], %get3A_522 : memref<3136x8xf32, #tpu.memory_space<vmem>>[vector<16xi32>, vector<16xi32>], vector<16xf32>,
      }
      %scan3A_476 = arith.constant 85 : i32
      %dma_start3A_477 = arith.constant 0 : i32
      %dma_start3A_478 = arith.constant 0 : i32
      %dma_start3A_479 = tpu.memref_slice %arg58[%dma_start3A_477, %dma_start3A_478] : memref<3136x8xf32, #tpu.memory_space<vmem>> -> memref<1360x8xf32, #tpu.memory_space<vmem>>
      %dma_start3A_480 = arith.constant 0 : i32
      %dma_start3A_481 = arith.constant 0 : i32
      %dma_start3A_482 = tpu.memref_slice %arg57[%arg0, %dma_start3A_480, %dma_start3A_481] : memref<2x500480x8xf32, #tpu.memory_space<hbm>> -> memref<1x500480x8xf32, #tpu.memory_space<hbm>>
      %dma_start3A_483 = tpu.memref_squeeze %dma_start3A_482 : memref<1x500480x8xf32, #tpu.memory_space<hbm>> -> memref<500480x8xf32, #tpu.memory_space<hbm>>
      %dma_start3A_484 = arith.constant 0 : i32
      %dma_start3A_485 = tpu.memref_slice %dma_start3A_483[%add3A_434, %dma_start3A_484] : memref<500480x8xf32, #tpu.memory_space<hbm>> -> memref<1360x8xf32, #tpu.memory_space<hbm>>
      %dma_start3A_486 = arith.constant 0 : i32
      %dma_start3A_487 = arith.constant 0 : i32
      %dma_start3A_488 = tpu.memref_slice %arg57[%arg0, %dma_start3A_486, %dma_start3A_487] : memref<2x500480x8xf32, #tpu.memory_space<hbm>> -> memref<1x500480x8xf32, #tpu.memory_space<hbm>>
      %dma_start3A_489 = tpu.memref_squeeze %dma_start3A_488 : memref<1x500480x8xf32, #tpu.memory_space<hbm>> -> memref<500480x8xf32, #tpu.memory_space<hbm>>
      %dma_start3A_490 = arith.constant 0 : i32
      %dma_start3A_491 = tpu.memref_slice %dma_start3A_489[%add3A_434, %dma_start3A_490] : memref<500480x8xf32, #tpu.memory_space<hbm>> -> memref<1360x8xf32, #tpu.memory_space<hbm>>
      %dma_start3A_492 = arith.constant 0 : i32
      %dma_start3A_493 = arith.constant 0 : i32
      %dma_start3A_494 = tpu.memref_slice %arg58[%dma_start3A_492, %dma_start3A_493] : memref<3136x8xf32, #tpu.memory_space<vmem>> -> memref<1360x8xf32, #tpu.memory_space<vmem>>
      tpu.enqueue_dma source(%dma_start3A_494 : memref<1360x8xf32, #tpu.memory_space<vmem>>) target(%dma_start3A_491 : memref<1360x8xf32, #tpu.memory_space<hbm>>) target_semaphore(%arg67 : memref<!tpu.dma_semaphore, #tpu.memory_space<semaphore_mem>>)
      %dma_wait3A_495 = arith.constant 0 : i32
      %dma_wait3A_496 = arith.constant 0 : i32
      %dma_wait3A_497 = tpu.memref_slice %arg58[%dma_wait3A_495, %dma_wait3A_496] : memref<3136x8xf32, #tpu.memory_space<vmem>> -> memref<1360x8xf32, #tpu.memory_space<vmem>>
      %dma_wait3A_498 = arith.constant 0 : i32
      %dma_wait3A_499 = arith.constant 0 : i32
      %dma_wait3A_500 = tpu.memref_slice %arg57[%arg0, %dma_wait3A_498, %dma_wait3A_499] : memref<2x500480x8xf32, #tpu.memory_space<hbm>> -> memref<1x500480x8xf32, #tpu.memory_space<hbm>>
      %dma_wait3A_501 = tpu.memref_squeeze %dma_wait3A_500 : memref<1x500480x8xf32, #tpu.memory_space<hbm>> -> memref<500480x8xf32, #tpu.memory_space<hbm>>
      %dma_wait3A_502 = arith.constant 0 : i32
      %dma_wait3A_503 = tpu.memref_slice %dma_wait3A_501[%add3A_434, %dma_wait3A_502] : memref<500480x8xf32, #tpu.memory_space<hbm>> -> memref<1360x8xf32, #tpu.memory_space<hbm>>
      %dma_wait3A_504 = arith.constant 0 : i32
      %dma_wait3A_505 = arith.constant 0 : i32
      %dma_wait3A_506 = tpu.memref_slice %arg57[%arg0, %dma_wait3A_504, %dma_wait3A_505] : memref<2x500480x8xf32, #tpu.memory_space<hbm>> -> memref<1x500480x8xf32, #tpu.memory_space<hbm>>
      %dma_wait3A_507 = tpu.memref_squeeze %dma_wait3A_506 : memref<1x500480x8xf32, #tpu.memory_space<hbm>> -> memref<500480x8xf32, #tpu.memory_space<hbm>>
      %dma_wait3A_508 = arith.constant 0 : i32
      %dma_wait3A_509 = tpu.memref_slice %dma_wait3A_507[%add3A_434, %dma_wait3A_508] : memref<500480x8xf32, #tpu.memory_space<hbm>> -> memref<1360x8xf32, #tpu.memory_space<hbm>>
      %dma_wait3A_510 = arith.constant 0 : i32
      %dma_wait3A_511 = arith.constant 0 : i32
      %dma_wait3A_512 = tpu.memref_slice %arg58[%dma_wait3A_510, %dma_wait3A_511] : memref<3136x8xf32, #tpu.memory_space<vmem>> -> memref<1360x8xf32, #tpu.memory_space<vmem>>
      tpu.wait_dma2 semaphore(%arg67 : memref<!tpu.dma_semaphore, #tpu.memory_space<semaphore_mem>>) src(%dma_wait3A_512 : memref<1360x8xf32, #tpu.memory_space<vmem>>) dst(%dma_wait3A_509 : memref<1360x8xf32, #tpu.memory_space<hbm>>)
    }
    %scan3A_104 = arith.constant 23 : i32
    %barrier3A = arith.constant 0 : index
    tpu.barrier barrier_id(%barrier3A)
    "tpu.region"() ({
      %run_scoped3A = tpu.sem_alloc : memref<!tpu.dma_semaphore, #tpu.memory_space<semaphore_mem>>
      tpu.enqueue_dma source(%arg9 : memref<112xf32, #tpu.memory_space<hbm>>) target(%arg59 : memref<112xf32, #tpu.memory_space<vmem>>) target_semaphore(%run_scoped3A : memref<!tpu.dma_semaphore, #tpu.memory_space<semaphore_mem>>)
      tpu.wait_dma2 semaphore(%run_scoped3A : memref<!tpu.dma_semaphore, #tpu.memory_space<semaphore_mem>>) src(%arg9 : memref<112xf32, #tpu.memory_space<hbm>>) dst(%arg59 : memref<112xf32, #tpu.memory_space<vmem>>)
      tpu.yield
    }) : () -> ()
    %mul3A_105 = arith.constant 4 : i32
    %mul3A_106 = vector.broadcast %mul3A_105 : i32 to vector<16xi32>
    %mul3A_107 = arith.muli %iota3A, %mul3A_106 : vector<16xi32>
    %gather3A = tpu.vector_load_idx %arg59[%mul3A_107] : memref<112xf32, #tpu.memory_space<vmem>>[vector<16xi32>], vector<16xf32>,
    %add3A_108 = arith.constant 1 : i32
    %add3A_109 = vector.broadcast %add3A_108 : i32 to vector<16xi32>
    %add3A_110 = arith.addi %mul3A_107, %add3A_109 : vector<16xi32>
    %gather3A_111 = tpu.vector_load_idx %arg59[%add3A_110] : memref<112xf32, #tpu.memory_space<vmem>>[vector<16xi32>], vector<16xf32>,
    %add3A_112 = arith.constant 2 : i32
    %add3A_113 = vector.broadcast %add3A_112 : i32 to vector<16xi32>
    %add3A_114 = arith.addi %mul3A_107, %add3A_113 : vector<16xi32>
    %gather3A_115 = tpu.vector_load_idx %arg59[%add3A_114] : memref<112xf32, #tpu.memory_space<vmem>>[vector<16xi32>], vector<16xf32>,
    %add3A_116 = arith.constant 3 : i32
    %add3A_117 = vector.broadcast %add3A_116 : i32 to vector<16xi32>
    %add3A_118 = arith.addi %mul3A_107, %add3A_117 : vector<16xi32>
    %gather3A_119 = tpu.vector_load_idx %arg59[%add3A_118] : memref<112xf32, #tpu.memory_space<vmem>>[vector<16xi32>], vector<16xf32>,
    %mul3A_120 = arith.constant 3 : i32
    %mul3A_121 = vector.broadcast %mul3A_120 : i32 to vector<16xi32>
    %mul3A_122 = arith.muli %iota3A, %mul3A_121 : vector<16xi32>
    %add3A_123 = arith.constant 64 : i32
    %add3A_124 = vector.broadcast %add3A_123 : i32 to vector<16xi32>
    %add3A_125 = arith.addi %mul3A_122, %add3A_124 : vector<16xi32>
    %gather3A_126 = tpu.vector_load_idx %arg59[%add3A_125] : memref<112xf32, #tpu.memory_space<vmem>>[vector<16xi32>], vector<16xf32>,
    %add3A_127 = arith.constant 1 : i32
    %add3A_128 = vector.broadcast %add3A_127 : i32 to vector<16xi32>
    %add3A_129 = arith.addi %add3A_125, %add3A_128 : vector<16xi32>
    %gather3A_130 = tpu.vector_load_idx %arg59[%add3A_129] : memref<112xf32, #tpu.memory_space<vmem>>[vector<16xi32>], vector<16xf32>,
    %add3A_131 = arith.constant 2 : i32
    %add3A_132 = vector.broadcast %add3A_131 : i32 to vector<16xi32>
    %add3A_133 = arith.addi %add3A_125, %add3A_132 : vector<16xi32>
    %gather3A_134 = tpu.vector_load_idx %arg59[%add3A_133] : memref<112xf32, #tpu.memory_space<vmem>>[vector<16xi32>], vector<16xf32>,
    %mul3A_135 = arith.mulf %gather3A_130, %gather3A_115 : vector<16xf32>
    %mul3A_136 = arith.mulf %gather3A_134, %gather3A_111 : vector<16xf32>
    %sub3A_137 = arith.subf %mul3A_135, %mul3A_136 : vector<16xf32>
    %mul3A_138 = arith.mulf %gather3A_134, %gather3A : vector<16xf32>
    %mul3A_139 = arith.mulf %gather3A_126, %gather3A_115 : vector<16xf32>
    %sub3A_140 = arith.subf %mul3A_138, %mul3A_139 : vector<16xf32>
    %mul3A_141 = arith.mulf %gather3A_126, %gather3A_111 : vector<16xf32>
    %mul3A_142 = arith.mulf %gather3A_130, %gather3A : vector<16xf32>
    %sub3A_143 = arith.subf %mul3A_141, %mul3A_142 : vector<16xf32>
    %mul3A_144 = arith.constant 2.000000e+00 : f32
    %mul3A_145 = vector.broadcast %mul3A_144 : f32 to vector<16xf32>
    %mul3A_146 = arith.mulf %mul3A_145, %sub3A_137 : vector<16xf32>
    %mul3A_147 = arith.constant 2.000000e+00 : f32
    %mul3A_148 = vector.broadcast %mul3A_147 : f32 to vector<16xf32>
    %mul3A_149 = arith.mulf %mul3A_148, %sub3A_140 : vector<16xf32>
    %mul3A_150 = arith.constant 2.000000e+00 : f32
    %mul3A_151 = vector.broadcast %mul3A_150 : f32 to vector<16xf32>
    %mul3A_152 = arith.mulf %mul3A_151, %sub3A_143 : vector<16xf32>
    %mul3A_153 = arith.mulf %mul3A_149, %gather3A_115 : vector<16xf32>
    %mul3A_154 = arith.mulf %mul3A_152, %gather3A_111 : vector<16xf32>
    %sub3A_155 = arith.subf %mul3A_153, %mul3A_154 : vector<16xf32>
    %mul3A_156 = arith.mulf %mul3A_152, %gather3A : vector<16xf32>
    %mul3A_157 = arith.mulf %mul3A_146, %gather3A_115 : vector<16xf32>
    %sub3A_158 = arith.subf %mul3A_156, %mul3A_157 : vector<16xf32>
    %mul3A_159 = arith.mulf %mul3A_146, %gather3A_111 : vector<16xf32>
    %mul3A_160 = arith.mulf %mul3A_149, %gather3A : vector<16xf32>
    %sub3A_161 = arith.subf %mul3A_159, %mul3A_160 : vector<16xf32>
    %mul3A_162 = arith.mulf %gather3A_119, %mul3A_146 : vector<16xf32>
    %add3A_163 = arith.addf %gather3A_126, %mul3A_162 : vector<16xf32>
    %add3A_164 = arith.addf %add3A_163, %sub3A_155 : vector<16xf32>
    %mul3A_165 = arith.mulf %gather3A_119, %mul3A_149 : vector<16xf32>
    %add3A_166 = arith.addf %gather3A_130, %mul3A_165 : vector<16xf32>
    %add3A_167 = arith.addf %add3A_166, %sub3A_158 : vector<16xf32>
    %mul3A_168 = arith.mulf %gather3A_119, %mul3A_152 : vector<16xf32>
    %add3A_169 = arith.addf %gather3A_134, %mul3A_168 : vector<16xf32>
    %add3A_170 = arith.addf %add3A_169, %sub3A_161 : vector<16xf32>
    %swap3A = arith.constant 0 : index
    %swap3A_171 = tpu.vector_load %arg60[%swap3A] {strides = array<i32>} : memref<16xf32, #tpu.memory_space<vmem>>, vector<16xf32>,
    tpu.vector_store %arg60[%swap3A], %gather3A {strides = array<i32>} : memref<16xf32, #tpu.memory_space<vmem>>, vector<16xf32>,
    %swap3A_172 = arith.constant 0 : index
    %swap3A_173 = tpu.vector_load %arg61[%swap3A_172] {strides = array<i32>} : memref<16xf32, #tpu.memory_space<vmem>>, vector<16xf32>,
    tpu.vector_store %arg61[%swap3A_172], %gather3A_111 {strides = array<i32>} : memref<16xf32, #tpu.memory_space<vmem>>, vector<16xf32>,
    %swap3A_174 = arith.constant 0 : index
    %swap3A_175 = tpu.vector_load %arg62[%swap3A_174] {strides = array<i32>} : memref<16xf32, #tpu.memory_space<vmem>>, vector<16xf32>,
    tpu.vector_store %arg62[%swap3A_174], %gather3A_115 {strides = array<i32>} : memref<16xf32, #tpu.memory_space<vmem>>, vector<16xf32>,
    %swap3A_176 = arith.constant 0 : index
    %swap3A_177 = tpu.vector_load %arg63[%swap3A_176] {strides = array<i32>} : memref<16xf32, #tpu.memory_space<vmem>>, vector<16xf32>,
    tpu.vector_store %arg63[%swap3A_176], %gather3A_119 {strides = array<i32>} : memref<16xf32, #tpu.memory_space<vmem>>, vector<16xf32>,
    %swap3A_178 = arith.constant 0 : index
    %swap3A_179 = tpu.vector_load %arg64[%swap3A_178] {strides = array<i32>} : memref<16xf32, #tpu.memory_space<vmem>>, vector<16xf32>,
    tpu.vector_store %arg64[%swap3A_178], %add3A_164 {strides = array<i32>} : memref<16xf32, #tpu.memory_space<vmem>>, vector<16xf32>,
    %swap3A_180 = arith.constant 0 : index
    %swap3A_181 = tpu.vector_load %arg65[%swap3A_180] {strides = array<i32>} : memref<16xf32, #tpu.memory_space<vmem>>, vector<16xf32>,
    tpu.vector_store %arg65[%swap3A_180], %add3A_167 {strides = array<i32>} : memref<16xf32, #tpu.memory_space<vmem>>, vector<16xf32>,
    %swap3A_182 = arith.constant 0 : index
    %swap3A_183 = tpu.vector_load %arg66[%swap3A_182] {strides = array<i32>} : memref<16xf32, #tpu.memory_space<vmem>>, vector<16xf32>,
    tpu.vector_store %arg66[%swap3A_182], %add3A_170 {strides = array<i32>} : memref<16xf32, #tpu.memory_space<vmem>>, vector<16xf32>,
    %mul3A_184 = arith.constant 3 : i32
    %mul3A_185 = vector.broadcast %mul3A_184 : i32 to vector<16xi32>
    %mul3A_186 = arith.muli %iota3A, %mul3A_185 : vector<16xi32>
    %add3A_187 = arith.constant 0 : i32
    %add3A_188 = arith.addi %add3A, %add3A_187 : i32
    %mul3A_189 = arith.constant 640 : i32
    %mul3A_190 = arith.muli %add3A_188, %mul3A_189 : i32
    %dma_start3A_191 = tpu.memref_slice %arg5[%mul3A_190] : memref<2000000xi32, #tpu.memory_space<hbm>> -> memref<640xi32, #tpu.memory_space<hbm>>
    %dma_start3A_192 = tpu.memref_slice %arg5[%mul3A_190] : memref<2000000xi32, #tpu.memory_space<hbm>> -> memref<640xi32, #tpu.memory_space<hbm>>
    tpu.enqueue_dma source(%dma_start3A_192 : memref<640xi32, #tpu.memory_space<hbm>>) target(%arg24 : memref<640xi32, #tpu.memory_space<vmem>>) target_semaphore(%arg36 : memref<!tpu.dma_semaphore, #tpu.memory_space<semaphore_mem>>)
    %dma_start3A_193 = tpu.memref_slice %arg7[%mul3A_190] : memref<2000000xi32, #tpu.memory_space<hbm>> -> memref<640xi32, #tpu.memory_space<hbm>>
    %dma_start3A_194 = tpu.memref_slice %arg7[%mul3A_190] : memref<2000000xi32, #tpu.memory_space<hbm>> -> memref<640xi32, #tpu.memory_space<hbm>>
    tpu.enqueue_dma source(%dma_start3A_194 : memref<640xi32, #tpu.memory_space<hbm>>) target(%arg25 : memref<640xi32, #tpu.memory_space<vmem>>) target_semaphore(%arg36 : memref<!tpu.dma_semaphore, #tpu.memory_space<semaphore_mem>>)
    %add3A_195 = arith.constant 0 : i32
    %add3A_196 = arith.addi %add3A, %add3A_195 : i32
    %mul3A_197 = arith.constant 640 : i32
    %mul3A_198 = arith.muli %add3A_196, %mul3A_197 : i32
    %dma_start3A_199 = tpu.memref_slice %arg2[%mul3A_198] : memref<2000000xf32, #tpu.memory_space<hbm>> -> memref<640xf32, #tpu.memory_space<hbm>>
    %dma_start3A_200 = tpu.memref_slice %arg2[%mul3A_198] : memref<2000000xf32, #tpu.memory_space<hbm>> -> memref<640xf32, #tpu.memory_space<hbm>>
    tpu.enqueue_dma source(%dma_start3A_200 : memref<640xf32, #tpu.memory_space<hbm>>) target(%arg28 : memref<640xf32, #tpu.memory_space<vmem>>) target_semaphore(%arg37 : memref<!tpu.dma_semaphore, #tpu.memory_space<semaphore_mem>>)
    %dma_start3A_201 = tpu.memref_slice %arg3[%mul3A_198] : memref<2000000xf32, #tpu.memory_space<hbm>> -> memref<640xf32, #tpu.memory_space<hbm>>
    %dma_start3A_202 = tpu.memref_slice %arg3[%mul3A_198] : memref<2000000xf32, #tpu.memory_space<hbm>> -> memref<640xf32, #tpu.memory_space<hbm>>
    tpu.enqueue_dma source(%dma_start3A_202 : memref<640xf32, #tpu.memory_space<hbm>>) target(%arg29 : memref<640xf32, #tpu.memory_space<vmem>>) target_semaphore(%arg37 : memref<!tpu.dma_semaphore, #tpu.memory_space<semaphore_mem>>)
    %dma_start3A_203 = tpu.memref_slice %arg4[%mul3A_198] : memref<2000000xf32, #tpu.memory_space<hbm>> -> memref<640xf32, #tpu.memory_space<hbm>>
    %dma_start3A_204 = tpu.memref_slice %arg4[%mul3A_198] : memref<2000000xf32, #tpu.memory_space<hbm>> -> memref<640xf32, #tpu.memory_space<hbm>>
    tpu.enqueue_dma source(%dma_start3A_204 : memref<640xf32, #tpu.memory_space<hbm>>) target(%arg30 : memref<640xf32, #tpu.memory_space<vmem>>) target_semaphore(%arg37 : memref<!tpu.dma_semaphore, #tpu.memory_space<semaphore_mem>>)
    %dma_start3A_205 = tpu.memref_slice %arg8[%mul3A_198] : memref<2000000xf32, #tpu.memory_space<hbm>> -> memref<640xf32, #tpu.memory_space<hbm>>
    %dma_start3A_206 = tpu.memref_slice %arg8[%mul3A_198] : memref<2000000xf32, #tpu.memory_space<hbm>> -> memref<640xf32, #tpu.memory_space<hbm>>
    tpu.enqueue_dma source(%dma_start3A_206 : memref<640xf32, #tpu.memory_space<hbm>>) target(%arg27 : memref<640xf32, #tpu.memory_space<vmem>>) target_semaphore(%arg37 : memref<!tpu.dma_semaphore, #tpu.memory_space<semaphore_mem>>)
    %dma_start3A_207 = tpu.memref_slice %arg6[%mul3A_198] : memref<2000000xi32, #tpu.memory_space<hbm>> -> memref<640xi32, #tpu.memory_space<hbm>>
    %dma_start3A_208 = tpu.memref_slice %arg6[%mul3A_198] : memref<2000000xi32, #tpu.memory_space<hbm>> -> memref<640xi32, #tpu.memory_space<hbm>>
    tpu.enqueue_dma source(%dma_start3A_208 : memref<640xi32, #tpu.memory_space<hbm>>) target(%arg26 : memref<640xi32, #tpu.memory_space<vmem>>) target_semaphore(%arg37 : memref<!tpu.dma_semaphore, #tpu.memory_space<semaphore_mem>>)
    %add3A_209 = arith.constant 0 : i32
    %add3A_210 = arith.addi %add3A, %add3A_209 : i32
    %mul3A_211 = arith.constant 640 : i32
    %mul3A_212 = arith.muli %add3A_210, %mul3A_211 : i32
    %dma_wait3A_213 = tpu.memref_slice %arg5[%mul3A_212] : memref<2000000xi32, #tpu.memory_space<hbm>> -> memref<640xi32, #tpu.memory_space<hbm>>
    %dma_wait3A_214 = tpu.memref_slice %arg5[%mul3A_212] : memref<2000000xi32, #tpu.memory_space<hbm>> -> memref<640xi32, #tpu.memory_space<hbm>>
    tpu.wait_dma2 semaphore(%arg36 : memref<!tpu.dma_semaphore, #tpu.memory_space<semaphore_mem>>) src(%dma_wait3A_214 : memref<640xi32, #tpu.memory_space<hbm>>) dst(%arg24 : memref<640xi32, #tpu.memory_space<vmem>>)
    %dma_wait3A_215 = tpu.memref_slice %arg7[%mul3A_212] : memref<2000000xi32, #tpu.memory_space<hbm>> -> memref<640xi32, #tpu.memory_space<hbm>>
    %dma_wait3A_216 = tpu.memref_slice %arg7[%mul3A_212] : memref<2000000xi32, #tpu.memory_space<hbm>> -> memref<640xi32, #tpu.memory_space<hbm>>
    tpu.wait_dma2 semaphore(%arg36 : memref<!tpu.dma_semaphore, #tpu.memory_space<semaphore_mem>>) src(%dma_wait3A_216 : memref<640xi32, #tpu.memory_space<hbm>>) dst(%arg25 : memref<640xi32, #tpu.memory_space<vmem>>)
    %dma_start3A_217 = arith.constant 0 : i32
    %dma_start3A_218 = arith.constant 0 : i32
    %dma_start3A_219 = tpu.memref_slice %arg31[%dma_start3A_217, %dma_start3A_218] : memref<640x8xf32, #tpu.memory_space<vmem>> -> memref<128x8xf32, #tpu.memory_space<vmem>>
    %dma_start3A_220 = arith.constant 0 : i32
    %dma_start3A_221 = tpu.memref_slice %arg24[%dma_start3A_220] : memref<640xi32, #tpu.memory_space<vmem>> -> memref<128xi32, #tpu.memory_space<vmem>>
    %dma_start3A_222 = arith.constant 0 : i32
    %dma_start3A_223 = arith.constant 0 : i32
    %dma_start3A_224 = tpu.memref_slice %arg56[%arg0, %dma_start3A_222, %dma_start3A_223] : memref<2x50176x8xf32, #tpu.memory_space<hbm>> -> memref<1x50176x8xf32, #tpu.memory_space<hbm>>
    %dma_start3A_225 = tpu.memref_squeeze %dma_start3A_224 : memref<1x50176x8xf32, #tpu.memory_space<hbm>> -> memref<50176x8xf32, #tpu.memory_space<hbm>>
    %dma_start3A_226 = arith.constant 0 : i32
    %dma_start3A_227 = arith.constant 0 : i32
    %dma_start3A_228 = tpu.memref_slice %dma_start3A_225[%dma_start3A_226, %dma_start3A_227] : memref<50176x8xf32, #tpu.memory_space<hbm>> -> memref<50176x8xf32, #tpu.memory_space<hbm>>
    tpu.enqueue_indirect_dma source(%dma_start3A_228 : memref<50176x8xf32, #tpu.memory_space<hbm>>) target(%dma_start3A_219 : memref<128x8xf32, #tpu.memory_space<vmem>>) offsets(%dma_start3A_221 : memref<128xi32, #tpu.memory_space<vmem>>) semaphore(%arg38 : memref<!tpu.dma_semaphore, #tpu.memory_space<semaphore_mem>>)
    %dma_start3A_229 = arith.constant 0 : i32
    %dma_start3A_230 = arith.constant 0 : i32
    %dma_start3A_231 = tpu.memref_slice %arg32[%dma_start3A_229, %dma_start3A_230] : memref<640x8xf32, #tpu.memory_space<vmem>> -> memref<128x8xf32, #tpu.memory_space<vmem>>
    %dma_start3A_232 = arith.constant 0 : i32
    %dma_start3A_233 = tpu.memref_slice %arg25[%dma_start3A_232] : memref<640xi32, #tpu.memory_space<vmem>> -> memref<128xi32, #tpu.memory_space<vmem>>
    %dma_start3A_234 = arith.constant 0 : i32
    %dma_start3A_235 = arith.constant 0 : i32
    %dma_start3A_236 = tpu.memref_slice %arg57[%arg0, %dma_start3A_234, %dma_start3A_235] : memref<2x500480x8xf32, #tpu.memory_space<hbm>> -> memref<1x500480x8xf32, #tpu.memory_space<hbm>>
    %dma_start3A_237 = tpu.memref_squeeze %dma_start3A_236 : memref<1x500480x8xf32, #tpu.memory_space<hbm>> -> memref<500480x8xf32, #tpu.memory_space<hbm>>
    %dma_start3A_238 = arith.constant 0 : i32
    %dma_start3A_239 = arith.constant 0 : i32
    %dma_start3A_240 = tpu.memref_slice %dma_start3A_237[%dma_start3A_238, %dma_start3A_239] : memref<500480x8xf32, #tpu.memory_space<hbm>> -> memref<500480x8xf32, #tpu.memory_space<hbm>>
    tpu.enqueue_indirect_dma source(%dma_start3A_240 : memref<500480x8xf32, #tpu.memory_space<hbm>>) target(%dma_start3A_231 : memref<128x8xf32, #tpu.memory_space<vmem>>) offsets(%dma_start3A_233 : memref<128xi32, #tpu.memory_space<vmem>>) semaphore(%arg38 : memref<!tpu.dma_semaphore, #tpu.memory_space<semaphore_mem>>)
    %dma_start3A_241 = arith.constant 128 : i32
    %dma_start3A_242 = arith.constant 0 : i32
    %dma_start3A_243 = tpu.memref_slice %arg31[%dma_start3A_241, %dma_start3A_242] : memref<640x8xf32, #tpu.memory_space<vmem>> -> memref<128x8xf32, #tpu.memory_space<vmem>>
    %dma_start3A_244 = arith.constant 128 : i32
    %dma_start3A_245 = tpu.memref_slice %arg24[%dma_start3A_244] : memref<640xi32, #tpu.memory_space<vmem>> -> memref<128xi32, #tpu.memory_space<vmem>>
    %dma_start3A_246 = arith.constant 0 : i32
    %dma_start3A_247 = arith.constant 0 : i32
    %dma_start3A_248 = tpu.memref_slice %arg56[%arg0, %dma_start3A_246, %dma_start3A_247] : memref<2x50176x8xf32, #tpu.memory_space<hbm>> -> memref<1x50176x8xf32, #tpu.memory_space<hbm>>
    %dma_start3A_249 = tpu.memref_squeeze %dma_start3A_248 : memref<1x50176x8xf32, #tpu.memory_space<hbm>> -> memref<50176x8xf32, #tpu.memory_space<hbm>>
    %dma_start3A_250 = arith.constant 0 : i32
    %dma_start3A_251 = arith.constant 0 : i32
    %dma_start3A_252 = tpu.memref_slice %dma_start3A_249[%dma_start3A_250, %dma_start3A_251] : memref<50176x8xf32, #tpu.memory_space<hbm>> -> memref<50176x8xf32, #tpu.memory_space<hbm>>
    tpu.enqueue_indirect_dma source(%dma_start3A_252 : memref<50176x8xf32, #tpu.memory_space<hbm>>) target(%dma_start3A_243 : memref<128x8xf32, #tpu.memory_space<vmem>>) offsets(%dma_start3A_245 : memref<128xi32, #tpu.memory_space<vmem>>) semaphore(%arg38 : memref<!tpu.dma_semaphore, #tpu.memory_space<semaphore_mem>>)
    %dma_start3A_253 = arith.constant 128 : i32
    %dma_start3A_254 = arith.constant 0 : i32
    %dma_start3A_255 = tpu.memref_slice %arg32[%dma_start3A_253, %dma_start3A_254] : memref<640x8xf32, #tpu.memory_space<vmem>> -> memref<128x8xf32, #tpu.memory_space<vmem>>
    %dma_start3A_256 = arith.constant 128 : i32
    %dma_start3A_257 = tpu.memref_slice %arg25[%dma_start3A_256] : memref<640xi32, #tpu.memory_space<vmem>> -> memref<128xi32, #tpu.memory_space<vmem>>
    %dma_start3A_258 = arith.constant 0 : i32
    %dma_start3A_259 = arith.constant 0 : i32
    %dma_start3A_260 = tpu.memref_slice %arg57[%arg0, %dma_start3A_258, %dma_start3A_259] : memref<2x500480x8xf32, #tpu.memory_space<hbm>> -> memref<1x500480x8xf32, #tpu.memory_space<hbm>>
    %dma_start3A_261 = tpu.memref_squeeze %dma_start3A_260 : memref<1x500480x8xf32, #tpu.memory_space<hbm>> -> memref<500480x8xf32, #tpu.memory_space<hbm>>
    %dma_start3A_262 = arith.constant 0 : i32
    %dma_start3A_263 = arith.constant 0 : i32
    %dma_start3A_264 = tpu.memref_slice %dma_start3A_261[%dma_start3A_262, %dma_start3A_263] : memref<500480x8xf32, #tpu.memory_space<hbm>> -> memref<500480x8xf32, #tpu.memory_space<hbm>>
    tpu.enqueue_indirect_dma source(%dma_start3A_264 : memref<500480x8xf32, #tpu.memory_space<hbm>>) target(%dma_start3A_255 : memref<128x8xf32, #tpu.memory_space<vmem>>) offsets(%dma_start3A_257 : memref<128xi32, #tpu.memory_space<vmem>>) semaphore(%arg38 : memref<!tpu.dma_semaphore, #tpu.memory_space<semaphore_mem>>)
    %dma_start3A_265 = arith.constant 256 : i32
    %dma_start3A_266 = arith.constant 0 : i32
    %dma_start3A_267 = tpu.memref_slice %arg31[%dma_start3A_265, %dma_start3A_266] : memref<640x8xf32, #tpu.memory_space<vmem>> -> memref<128x8xf32, #tpu.memory_space<vmem>>
    %dma_start3A_268 = arith.constant 256 : i32
    %dma_start3A_269 = tpu.memref_slice %arg24[%dma_start3A_268] : memref<640xi32, #tpu.memory_space<vmem>> -> memref<128xi32, #tpu.memory_space<vmem>>
    %dma_start3A_270 = arith.constant 0 : i32
    %dma_start3A_271 = arith.constant 0 : i32
    %dma_start3A_272 = tpu.memref_slice %arg56[%arg0, %dma_start3A_270, %dma_start3A_271] : memref<2x50176x8xf32, #tpu.memory_space<hbm>> -> memref<1x50176x8xf32, #tpu.memory_space<hbm>>
    %dma_start3A_273 = tpu.memref_squeeze %dma_start3A_272 : memref<1x50176x8xf32, #tpu.memory_space<hbm>> -> memref<50176x8xf32, #tpu.memory_space<hbm>>
    %dma_start3A_274 = arith.constant 0 : i32
    %dma_start3A_275 = arith.constant 0 : i32
    %dma_start3A_276 = tpu.memref_slice %dma_start3A_273[%dma_start3A_274, %dma_start3A_275] : memref<50176x8xf32, #tpu.memory_space<hbm>> -> memref<50176x8xf32, #tpu.memory_space<hbm>>
    tpu.enqueue_indirect_dma source(%dma_start3A_276 : memref<50176x8xf32, #tpu.memory_space<hbm>>) target(%dma_start3A_267 : memref<128x8xf32, #tpu.memory_space<vmem>>) offsets(%dma_start3A_269 : memref<128xi32, #tpu.memory_space<vmem>>) semaphore(%arg38 : memref<!tpu.dma_semaphore, #tpu.memory_space<semaphore_mem>>)
    %dma_start3A_277 = arith.constant 256 : i32
    %dma_start3A_278 = arith.constant 0 : i32
    %dma_start3A_279 = tpu.memref_slice %arg32[%dma_start3A_277, %dma_start3A_278] : memref<640x8xf32, #tpu.memory_space<vmem>> -> memref<128x8xf32, #tpu.memory_space<vmem>>
    %dma_start3A_280 = arith.constant 256 : i32
    %dma_start3A_281 = tpu.memref_slice %arg25[%dma_start3A_280] : memref<640xi32, #tpu.memory_space<vmem>> -> memref<128xi32, #tpu.memory_space<vmem>>
    %dma_start3A_282 = arith.constant 0 : i32
    %dma_start3A_283 = arith.constant 0 : i32
    %dma_start3A_284 = tpu.memref_slice %arg57[%arg0, %dma_start3A_282, %dma_start3A_283] : memref<2x500480x8xf32, #tpu.memory_space<hbm>> -> memref<1x500480x8xf32, #tpu.memory_space<hbm>>
    %dma_start3A_285 = tpu.memref_squeeze %dma_start3A_284 : memref<1x500480x8xf32, #tpu.memory_space<hbm>> -> memref<500480x8xf32, #tpu.memory_space<hbm>>
    %dma_start3A_286 = arith.constant 0 : i32
    %dma_start3A_287 = arith.constant 0 : i32
    %dma_start3A_288 = tpu.memref_slice %dma_start3A_285[%dma_start3A_286, %dma_start3A_287] : memref<500480x8xf32, #tpu.memory_space<hbm>> -> memref<500480x8xf32, #tpu.memory_space<hbm>>
    tpu.enqueue_indirect_dma source(%dma_start3A_288 : memref<500480x8xf32, #tpu.memory_space<hbm>>) target(%dma_start3A_279 : memref<128x8xf32, #tpu.memory_space<vmem>>) offsets(%dma_start3A_281 : memref<128xi32, #tpu.memory_space<vmem>>) semaphore(%arg38 : memref<!tpu.dma_semaphore, #tpu.memory_space<semaphore_mem>>)
    %dma_start3A_289 = arith.constant 384 : i32
    %dma_start3A_290 = arith.constant 0 : i32
    %dma_start3A_291 = tpu.memref_slice %arg31[%dma_start3A_289, %dma_start3A_290] : memref<640x8xf32, #tpu.memory_space<vmem>> -> memref<128x8xf32, #tpu.memory_space<vmem>>
    %dma_start3A_292 = arith.constant 384 : i32
    %dma_start3A_293 = tpu.memref_slice %arg24[%dma_start3A_292] : memref<640xi32, #tpu.memory_space<vmem>> -> memref<128xi32, #tpu.memory_space<vmem>>
    %dma_start3A_294 = arith.constant 0 : i32
    %dma_start3A_295 = arith.constant 0 : i32
    %dma_start3A_296 = tpu.memref_slice %arg56[%arg0, %dma_start3A_294, %dma_start3A_295] : memref<2x50176x8xf32, #tpu.memory_space<hbm>> -> memref<1x50176x8xf32, #tpu.memory_space<hbm>>
    %dma_start3A_297 = tpu.memref_squeeze %dma_start3A_296 : memref<1x50176x8xf32, #tpu.memory_space<hbm>> -> memref<50176x8xf32, #tpu.memory_space<hbm>>
    %dma_start3A_298 = arith.constant 0 : i32
    %dma_start3A_299 = arith.constant 0 : i32
    %dma_start3A_300 = tpu.memref_slice %dma_start3A_297[%dma_start3A_298, %dma_start3A_299] : memref<50176x8xf32, #tpu.memory_space<hbm>> -> memref<50176x8xf32, #tpu.memory_space<hbm>>
    tpu.enqueue_indirect_dma source(%dma_start3A_300 : memref<50176x8xf32, #tpu.memory_space<hbm>>) target(%dma_start3A_291 : memref<128x8xf32, #tpu.memory_space<vmem>>) offsets(%dma_start3A_293 : memref<128xi32, #tpu.memory_space<vmem>>) semaphore(%arg38 : memref<!tpu.dma_semaphore, #tpu.memory_space<semaphore_mem>>)
    %dma_start3A_301 = arith.constant 384 : i32
    %dma_start3A_302 = arith.constant 0 : i32
    %dma_start3A_303 = tpu.memref_slice %arg32[%dma_start3A_301, %dma_start3A_302] : memref<640x8xf32, #tpu.memory_space<vmem>> -> memref<128x8xf32, #tpu.memory_space<vmem>>
    %dma_start3A_304 = arith.constant 384 : i32
    %dma_start3A_305 = tpu.memref_slice %arg25[%dma_start3A_304] : memref<640xi32, #tpu.memory_space<vmem>> -> memref<128xi32, #tpu.memory_space<vmem>>
    %dma_start3A_306 = arith.constant 0 : i32
    %dma_start3A_307 = arith.constant 0 : i32
    %dma_start3A_308 = tpu.memref_slice %arg57[%arg0, %dma_start3A_306, %dma_start3A_307] : memref<2x500480x8xf32, #tpu.memory_space<hbm>> -> memref<1x500480x8xf32, #tpu.memory_space<hbm>>
    %dma_start3A_309 = tpu.memref_squeeze %dma_start3A_308 : memref<1x500480x8xf32, #tpu.memory_space<hbm>> -> memref<500480x8xf32, #tpu.memory_space<hbm>>
    %dma_start3A_310 = arith.constant 0 : i32
    %dma_start3A_311 = arith.constant 0 : i32
    %dma_start3A_312 = tpu.memref_slice %dma_start3A_309[%dma_start3A_310, %dma_start3A_311] : memref<500480x8xf32, #tpu.memory_space<hbm>> -> memref<500480x8xf32, #tpu.memory_space<hbm>>
    tpu.enqueue_indirect_dma source(%dma_start3A_312 : memref<500480x8xf32, #tpu.memory_space<hbm>>) target(%dma_start3A_303 : memref<128x8xf32, #tpu.memory_space<vmem>>) offsets(%dma_start3A_305 : memref<128xi32, #tpu.memory_space<vmem>>) semaphore(%arg38 : memref<!tpu.dma_semaphore, #tpu.memory_space<semaphore_mem>>)
    %dma_start3A_313 = arith.constant 512 : i32
    %dma_start3A_314 = arith.constant 0 : i32
    %dma_start3A_315 = tpu.memref_slice %arg31[%dma_start3A_313, %dma_start3A_314] : memref<640x8xf32, #tpu.memory_space<vmem>> -> memref<128x8xf32, #tpu.memory_space<vmem>>
    %dma_start3A_316 = arith.constant 512 : i32
    %dma_start3A_317 = tpu.memref_slice %arg24[%dma_start3A_316] : memref<640xi32, #tpu.memory_space<vmem>> -> memref<128xi32, #tpu.memory_space<vmem>>
    %dma_start3A_318 = arith.constant 0 : i32
    %dma_start3A_319 = arith.constant 0 : i32
    %dma_start3A_320 = tpu.memref_slice %arg56[%arg0, %dma_start3A_318, %dma_start3A_319] : memref<2x50176x8xf32, #tpu.memory_space<hbm>> -> memref<1x50176x8xf32, #tpu.memory_space<hbm>>
    %dma_start3A_321 = tpu.memref_squeeze %dma_start3A_320 : memref<1x50176x8xf32, #tpu.memory_space<hbm>> -> memref<50176x8xf32, #tpu.memory_space<hbm>>
    %dma_start3A_322 = arith.constant 0 : i32
    %dma_start3A_323 = arith.constant 0 : i32
    %dma_start3A_324 = tpu.memref_slice %dma_start3A_321[%dma_start3A_322, %dma_start3A_323] : memref<50176x8xf32, #tpu.memory_space<hbm>> -> memref<50176x8xf32, #tpu.memory_space<hbm>>
    tpu.enqueue_indirect_dma source(%dma_start3A_324 : memref<50176x8xf32, #tpu.memory_space<hbm>>) target(%dma_start3A_315 : memref<128x8xf32, #tpu.memory_space<vmem>>) offsets(%dma_start3A_317 : memref<128xi32, #tpu.memory_space<vmem>>) semaphore(%arg38 : memref<!tpu.dma_semaphore, #tpu.memory_space<semaphore_mem>>)
    %dma_start3A_325 = arith.constant 512 : i32
    %dma_start3A_326 = arith.constant 0 : i32
    %dma_start3A_327 = tpu.memref_slice %arg32[%dma_start3A_325, %dma_start3A_326] : memref<640x8xf32, #tpu.memory_space<vmem>> -> memref<128x8xf32, #tpu.memory_space<vmem>>
    %dma_start3A_328 = arith.constant 512 : i32
    %dma_start3A_329 = tpu.memref_slice %arg25[%dma_start3A_328] : memref<640xi32, #tpu.memory_space<vmem>> -> memref<128xi32, #tpu.memory_space<vmem>>
    %dma_start3A_330 = arith.constant 0 : i32
    %dma_start3A_331 = arith.constant 0 : i32
    %dma_start3A_332 = tpu.memref_slice %arg57[%arg0, %dma_start3A_330, %dma_start3A_331] : memref<2x500480x8xf32, #tpu.memory_space<hbm>> -> memref<1x500480x8xf32, #tpu.memory_space<hbm>>
    %dma_start3A_333 = tpu.memref_squeeze %dma_start3A_332 : memref<1x500480x8xf32, #tpu.memory_space<hbm>> -> memref<500480x8xf32, #tpu.memory_space<hbm>>
    %dma_start3A_334 = arith.constant 0 : i32
    %dma_start3A_335 = arith.constant 0 : i32
    %dma_start3A_336 = tpu.memref_slice %dma_start3A_333[%dma_start3A_334, %dma_start3A_335] : memref<500480x8xf32, #tpu.memory_space<hbm>> -> memref<500480x8xf32, #tpu.memory_space<hbm>>
    tpu.enqueue_indirect_dma source(%dma_start3A_336 : memref<500480x8xf32, #tpu.memory_space<hbm>>) target(%dma_start3A_327 : memref<128x8xf32, #tpu.memory_space<vmem>>) offsets(%dma_start3A_329 : memref<128xi32, #tpu.memory_space<vmem>>) semaphore(%arg38 : memref<!tpu.dma_semaphore, #tpu.memory_space<semaphore_mem>>)
    %add3A_337 = arith.constant 32 : i32
    %add3A_338 = arith.addi %add3A, %add3A_337 : i32
    %mul3A_339 = arith.constant 640 : i32
    %mul3A_340 = arith.muli %add3A_338, %mul3A_339 : i32
    %dma_start3A_341 = tpu.memref_slice %arg5[%mul3A_340] : memref<2000000xi32, #tpu.memory_space<hbm>> -> memref<640xi32, #tpu.memory_space<hbm>>
    %dma_start3A_342 = tpu.memref_slice %arg5[%mul3A_340] : memref<2000000xi32, #tpu.memory_space<hbm>> -> memref<640xi32, #tpu.memory_space<hbm>>
    tpu.enqueue_dma source(%dma_start3A_342 : memref<640xi32, #tpu.memory_space<hbm>>) target(%arg40 : memref<640xi32, #tpu.memory_space<vmem>>) target_semaphore(%arg52 : memref<!tpu.dma_semaphore, #tpu.memory_space<semaphore_mem>>)
    %dma_start3A_343 = tpu.memref_slice %arg7[%mul3A_340] : memref<2000000xi32, #tpu.memory_space<hbm>> -> memref<640xi32, #tpu.memory_space<hbm>>
    %dma_start3A_344 = tpu.memref_slice %arg7[%mul3A_340] : memref<2000000xi32, #tpu.memory_space<hbm>> -> memref<640xi32, #tpu.memory_space<hbm>>
    tpu.enqueue_dma source(%dma_start3A_344 : memref<640xi32, #tpu.memory_space<hbm>>) target(%arg41 : memref<640xi32, #tpu.memory_space<vmem>>) target_semaphore(%arg52 : memref<!tpu.dma_semaphore, #tpu.memory_space<semaphore_mem>>)
    %add3A_345 = arith.constant 32 : i32
    %add3A_346 = arith.addi %add3A, %add3A_345 : i32
    %mul3A_347 = arith.constant 640 : i32
    %mul3A_348 = arith.muli %add3A_346, %mul3A_347 : i32
    %dma_start3A_349 = tpu.memref_slice %arg2[%mul3A_348] : memref<2000000xf32, #tpu.memory_space<hbm>> -> memref<640xf32, #tpu.memory_space<hbm>>
    %dma_start3A_350 = tpu.memref_slice %arg2[%mul3A_348] : memref<2000000xf32, #tpu.memory_space<hbm>> -> memref<640xf32, #tpu.memory_space<hbm>>
    tpu.enqueue_dma source(%dma_start3A_350 : memref<640xf32, #tpu.memory_space<hbm>>) target(%arg44 : memref<640xf32, #tpu.memory_space<vmem>>) target_semaphore(%arg53 : memref<!tpu.dma_semaphore, #tpu.memory_space<semaphore_mem>>)
    %dma_start3A_351 = tpu.memref_slice %arg3[%mul3A_348] : memref<2000000xf32, #tpu.memory_space<hbm>> -> memref<640xf32, #tpu.memory_space<hbm>>
    %dma_start3A_352 = tpu.memref_slice %arg3[%mul3A_348] : memref<2000000xf32, #tpu.memory_space<hbm>> -> memref<640xf32, #tpu.memory_space<hbm>>
    tpu.enqueue_dma source(%dma_start3A_352 : memref<640xf32, #tpu.memory_space<hbm>>) target(%arg45 : memref<640xf32, #tpu.memory_space<vmem>>) target_semaphore(%arg53 : memref<!tpu.dma_semaphore, #tpu.memory_space<semaphore_mem>>)
    %dma_start3A_353 = tpu.memref_slice %arg4[%mul3A_348] : memref<2000000xf32, #tpu.memory_space<hbm>> -> memref<640xf32, #tpu.memory_space<hbm>>
    %dma_start3A_354 = tpu.memref_slice %arg4[%mul3A_348] : memref<2000000xf32, #tpu.memory_space<hbm>> -> memref<640xf32, #tpu.memory_space<hbm>>
    tpu.enqueue_dma source(%dma_start3A_354 : memref<640xf32, #tpu.memory_space<hbm>>) target(%arg46 : memref<640xf32, #tpu.memory_space<vmem>>) target_semaphore(%arg53 : memref<!tpu.dma_semaphore, #tpu.memory_space<semaphore_mem>>)
    %dma_start3A_355 = tpu.memref_slice %arg8[%mul3A_348] : memref<2000000xf32, #tpu.memory_space<hbm>> -> memref<640xf32, #tpu.memory_space<hbm>>
    %dma_start3A_356 = tpu.memref_slice %arg8[%mul3A_348] : memref<2000000xf32, #tpu.memory_space<hbm>> -> memref<640xf32, #tpu.memory_space<hbm>>
    tpu.enqueue_dma source(%dma_start3A_356 : memref<640xf32, #tpu.memory_space<hbm>>) target(%arg43 : memref<640xf32, #tpu.memory_space<vmem>>) target_semaphore(%arg53 : memref<!tpu.dma_semaphore, #tpu.memory_space<semaphore_mem>>)
    %dma_start3A_357 = tpu.memref_slice %arg6[%mul3A_348] : memref<2000000xi32, #tpu.memory_space<hbm>> -> memref<640xi32, #tpu.memory_space<hbm>>
    %dma_start3A_358 = tpu.memref_slice %arg6[%mul3A_348] : memref<2000000xi32, #tpu.memory_space<hbm>> -> memref<640xi32, #tpu.memory_space<hbm>>
    tpu.enqueue_dma source(%dma_start3A_358 : memref<640xi32, #tpu.memory_space<hbm>>) target(%arg42 : memref<640xi32, #tpu.memory_space<vmem>>) target_semaphore(%arg53 : memref<!tpu.dma_semaphore, #tpu.memory_space<semaphore_mem>>)
    %jit3A_359 = arith.constant 2 : i32
    %div3A_360 = arith.divsi %select_n3A, %jit3A_359 : i32
    %sign3A_361 = arith.constant 0 : i32
    %sign3A_362 = arith.cmpi sgt, %select_n3A, %sign3A_361 : i32
    %sign3A_363 = arith.extui %sign3A_362 : i1 to i32
    %sign3A_364 = arith.constant 0 : i32
    %sign3A_365 = arith.cmpi slt, %select_n3A, %sign3A_364 : i32
    %sign3A_366 = arith.extui %sign3A_365 : i1 to i32
    %sign3A_367 = arith.subi %sign3A_363, %sign3A_366 : i32
    %sign3A_368 = arith.constant 0 : i32
    %sign3A_369 = arith.cmpi sgt, %jit3A_359, %sign3A_368 : i32
    %sign3A_370 = arith.extui %sign3A_369 : i1 to i32
    %sign3A_371 = arith.constant 0 : i32
    %sign3A_372 = arith.cmpi slt, %jit3A_359, %sign3A_371 : i32
    %sign3A_373 = arith.extui %sign3A_372 : i1 to i32
    %sign3A_374 = arith.subi %sign3A_370, %sign3A_373 : i32
    %ne3A_375 = arith.cmpi ne, %sign3A_367, %sign3A_374 : i32
    %rem3A_376 = arith.remsi %select_n3A, %jit3A_359 : i32
    %ne3A_377 = arith.constant 0 : i32
    %ne3A_378 = arith.cmpi ne, %rem3A_376, %ne3A_377 : i32
    %and3A_379 = arith.andi %ne3A_375, %ne3A_378 : i1
    %sub3A_380 = arith.constant 1 : i32
    %sub3A_381 = arith.subi %div3A_360, %sub3A_380 : i32
    %select_n3A_382 = arith.select %and3A_379, %sub3A_381, %div3A_360 : i32
    %while3A = arith.constant 0 : i32
    %while3A_383 = arith.constant 0 : i32
    %while3A_384 = arith.subi %select_n3A_382, %while3A_383 : i32
    %while3A_385 = arith.addi %while3A_383, %while3A_384 : i32
    %while3A_386 = arith.constant 1 : i32
    %while3A_387 = arith.divsi %while3A_384, %while3A_386 : i32
    %while3A_388 = arith.muli %while3A_387, %while3A_386 : i32
    %while3A_389 = arith.addi %while3A_383, %while3A_388 : i32
    %while3A_390 = arith.constant 1 : i32
    scf.for %while3A_429 = %while3A_383 to %while3A_389 step %while3A_390  : i32 {
      %mul3A_430 = arith.constant 2 : i32
      %mul3A_431 = arith.muli %mul3A_430, %while3A_429 : i32
      %add3A_432 = arith.constant 1 : i32
      %add3A_433 = arith.addi %mul3A_431, %add3A_432 : i32
      %lt3A_434 = arith.cmpi slt, %add3A_433, %select_n3A : i32
      %convert_element_type3A_435 = arith.extui %lt3A_434 : i1 to i32
      %cond3A_436 = arith.constant 0 : i32
      %cond3A_437 = arith.cmpi ne, %convert_element_type3A_435, %cond3A_436 : i32
      scf.if %cond3A_437 {
        %add3A_783 = arith.constant 1 : i32
        %add3A_784 = arith.addi %mul3A_431, %add3A_783 : i32
        %mul3A_785 = arith.constant 32 : i32
        %mul3A_786 = arith.muli %add3A_784, %mul3A_785 : i32
        %add3A_787 = arith.addi %add3A, %mul3A_786 : i32
        %mul3A_788 = arith.constant 640 : i32
        %mul3A_789 = arith.muli %add3A_787, %mul3A_788 : i32
        %dma_wait3A_790 = tpu.memref_slice %arg5[%mul3A_789] : memref<2000000xi32, #tpu.memory_space<hbm>> -> memref<640xi32, #tpu.memory_space<hbm>>
        %dma_wait3A_791 = tpu.memref_slice %arg5[%mul3A_789] : memref<2000000xi32, #tpu.memory_space<hbm>> -> memref<640xi32, #tpu.memory_space<hbm>>
        tpu.wait_dma2 semaphore(%arg52 : memref<!tpu.dma_semaphore, #tpu.memory_space<semaphore_mem>>) src(%dma_wait3A_791 : memref<640xi32, #tpu.memory_space<hbm>>) dst(%arg40 : memref<640xi32, #tpu.memory_space<vmem>>)
        %dma_wait3A_792 = tpu.memref_slice %arg7[%mul3A_789] : memref<2000000xi32, #tpu.memory_space<hbm>> -> memref<640xi32, #tpu.memory_space<hbm>>
        %dma_wait3A_793 = tpu.memref_slice %arg7[%mul3A_789] : memref<2000000xi32, #tpu.memory_space<hbm>> -> memref<640xi32, #tpu.memory_space<hbm>>
        tpu.wait_dma2 semaphore(%arg52 : memref<!tpu.dma_semaphore, #tpu.memory_space<semaphore_mem>>) src(%dma_wait3A_793 : memref<640xi32, #tpu.memory_space<hbm>>) dst(%arg41 : memref<640xi32, #tpu.memory_space<vmem>>)
        %add3A_794 = arith.constant 1 : i32
        %add3A_795 = arith.addi %mul3A_431, %add3A_794 : i32
        %dma_start3A_796 = arith.constant 0 : i32
        %dma_start3A_797 = arith.constant 0 : i32
        %dma_start3A_798 = tpu.memref_slice %arg47[%dma_start3A_796, %dma_start3A_797] : memref<640x8xf32, #tpu.memory_space<vmem>> -> memref<128x8xf32, #tpu.memory_space<vmem>>
        %dma_start3A_799 = arith.constant 0 : i32
        %dma_start3A_800 = tpu.memref_slice %arg40[%dma_start3A_799] : memref<640xi32, #tpu.memory_space<vmem>> -> memref<128xi32, #tpu.memory_space<vmem>>
        %dma_start3A_801 = arith.constant 0 : i32
        %dma_start3A_802 = arith.constant 0 : i32
        %dma_start3A_803 = tpu.memref_slice %arg56[%arg0, %dma_start3A_801, %dma_start3A_802] : memref<2x50176x8xf32, #tpu.memory_space<hbm>> -> memref<1x50176x8xf32, #tpu.memory_space<hbm>>
        %dma_start3A_804 = tpu.memref_squeeze %dma_start3A_803 : memref<1x50176x8xf32, #tpu.memory_space<hbm>> -> memref<50176x8xf32, #tpu.memory_space<hbm>>
        %dma_start3A_805 = arith.constant 0 : i32
        %dma_start3A_806 = arith.constant 0 : i32
        %dma_start3A_807 = tpu.memref_slice %dma_start3A_804[%dma_start3A_805, %dma_start3A_806] : memref<50176x8xf32, #tpu.memory_space<hbm>> -> memref<50176x8xf32, #tpu.memory_space<hbm>>
        tpu.enqueue_indirect_dma source(%dma_start3A_807 : memref<50176x8xf32, #tpu.memory_space<hbm>>) target(%dma_start3A_798 : memref<128x8xf32, #tpu.memory_space<vmem>>) offsets(%dma_start3A_800 : memref<128xi32, #tpu.memory_space<vmem>>) semaphore(%arg54 : memref<!tpu.dma_semaphore, #tpu.memory_space<semaphore_mem>>)
        %dma_start3A_808 = arith.constant 0 : i32
        %dma_start3A_809 = arith.constant 0 : i32
        %dma_start3A_810 = tpu.memref_slice %arg48[%dma_start3A_808, %dma_start3A_809] : memref<640x8xf32, #tpu.memory_space<vmem>> -> memref<128x8xf32, #tpu.memory_space<vmem>>
        %dma_start3A_811 = arith.constant 0 : i32
        %dma_start3A_812 = tpu.memref_slice %arg41[%dma_start3A_811] : memref<640xi32, #tpu.memory_space<vmem>> -> memref<128xi32, #tpu.memory_space<vmem>>
        %dma_start3A_813 = arith.constant 0 : i32
        %dma_start3A_814 = arith.constant 0 : i32
        %dma_start3A_815 = tpu.memref_slice %arg57[%arg0, %dma_start3A_813, %dma_start3A_814] : memref<2x500480x8xf32, #tpu.memory_space<hbm>> -> memref<1x500480x8xf32, #tpu.memory_space<hbm>>
        %dma_start3A_816 = tpu.memref_squeeze %dma_start3A_815 : memref<1x500480x8xf32, #tpu.memory_space<hbm>> -> memref<500480x8xf32, #tpu.memory_space<hbm>>
        %dma_start3A_817 = arith.constant 0 : i32
        %dma_start3A_818 = arith.constant 0 : i32
        %dma_start3A_819 = tpu.memref_slice %dma_start3A_816[%dma_start3A_817, %dma_start3A_818] : memref<500480x8xf32, #tpu.memory_space<hbm>> -> memref<500480x8xf32, #tpu.memory_space<hbm>>
        tpu.enqueue_indirect_dma source(%dma_start3A_819 : memref<500480x8xf32, #tpu.memory_space<hbm>>) target(%dma_start3A_810 : memref<128x8xf32, #tpu.memory_space<vmem>>) offsets(%dma_start3A_812 : memref<128xi32, #tpu.memory_space<vmem>>) semaphore(%arg54 : memref<!tpu.dma_semaphore, #tpu.memory_space<semaphore_mem>>)
        %dma_start3A_820 = arith.constant 128 : i32
        %dma_start3A_821 = arith.constant 0 : i32
        %dma_start3A_822 = tpu.memref_slice %arg47[%dma_start3A_820, %dma_start3A_821] : memref<640x8xf32, #tpu.memory_space<vmem>> -> memref<128x8xf32, #tpu.memory_space<vmem>>
        %dma_start3A_823 = arith.constant 128 : i32
        %dma_start3A_824 = tpu.memref_slice %arg40[%dma_start3A_823] : memref<640xi32, #tpu.memory_space<vmem>> -> memref<128xi32, #tpu.memory_space<vmem>>
        %dma_start3A_825 = arith.constant 0 : i32
        %dma_start3A_826 = arith.constant 0 : i32
        %dma_start3A_827 = tpu.memref_slice %arg56[%arg0, %dma_start3A_825, %dma_start3A_826] : memref<2x50176x8xf32, #tpu.memory_space<hbm>> -> memref<1x50176x8xf32, #tpu.memory_space<hbm>>
        %dma_start3A_828 = tpu.memref_squeeze %dma_start3A_827 : memref<1x50176x8xf32, #tpu.memory_space<hbm>> -> memref<50176x8xf32, #tpu.memory_space<hbm>>
        %dma_start3A_829 = arith.constant 0 : i32
        %dma_start3A_830 = arith.constant 0 : i32
        %dma_start3A_831 = tpu.memref_slice %dma_start3A_828[%dma_start3A_829, %dma_start3A_830] : memref<50176x8xf32, #tpu.memory_space<hbm>> -> memref<50176x8xf32, #tpu.memory_space<hbm>>
        tpu.enqueue_indirect_dma source(%dma_start3A_831 : memref<50176x8xf32, #tpu.memory_space<hbm>>) target(%dma_start3A_822 : memref<128x8xf32, #tpu.memory_space<vmem>>) offsets(%dma_start3A_824 : memref<128xi32, #tpu.memory_space<vmem>>) semaphore(%arg54 : memref<!tpu.dma_semaphore, #tpu.memory_space<semaphore_mem>>)
        %dma_start3A_832 = arith.constant 128 : i32
        %dma_start3A_833 = arith.constant 0 : i32
        %dma_start3A_834 = tpu.memref_slice %arg48[%dma_start3A_832, %dma_start3A_833] : memref<640x8xf32, #tpu.memory_space<vmem>> -> memref<128x8xf32, #tpu.memory_space<vmem>>
        %dma_start3A_835 = arith.constant 128 : i32
        %dma_start3A_836 = tpu.memref_slice %arg41[%dma_start3A_835] : memref<640xi32, #tpu.memory_space<vmem>> -> memref<128xi32, #tpu.memory_space<vmem>>
        %dma_start3A_837 = arith.constant 0 : i32
        %dma_start3A_838 = arith.constant 0 : i32
        %dma_start3A_839 = tpu.memref_slice %arg57[%arg0, %dma_start3A_837, %dma_start3A_838] : memref<2x500480x8xf32, #tpu.memory_space<hbm>> -> memref<1x500480x8xf32, #tpu.memory_space<hbm>>
        %dma_start3A_840 = tpu.memref_squeeze %dma_start3A_839 : memref<1x500480x8xf32, #tpu.memory_space<hbm>> -> memref<500480x8xf32, #tpu.memory_space<hbm>>
        %dma_start3A_841 = arith.constant 0 : i32
        %dma_start3A_842 = arith.constant 0 : i32
        %dma_start3A_843 = tpu.memref_slice %dma_start3A_840[%dma_start3A_841, %dma_start3A_842] : memref<500480x8xf32, #tpu.memory_space<hbm>> -> memref<500480x8xf32, #tpu.memory_space<hbm>>
        tpu.enqueue_indirect_dma source(%dma_start3A_843 : memref<500480x8xf32, #tpu.memory_space<hbm>>) target(%dma_start3A_834 : memref<128x8xf32, #tpu.memory_space<vmem>>) offsets(%dma_start3A_836 : memref<128xi32, #tpu.memory_space<vmem>>) semaphore(%arg54 : memref<!tpu.dma_semaphore, #tpu.memory_space<semaphore_mem>>)
        %dma_start3A_844 = arith.constant 256 : i32
        %dma_start3A_845 = arith.constant 0 : i32
        %dma_start3A_846 = tpu.memref_slice %arg47[%dma_start3A_844, %dma_start3A_845] : memref<640x8xf32, #tpu.memory_space<vmem>> -> memref<128x8xf32, #tpu.memory_space<vmem>>
        %dma_start3A_847 = arith.constant 256 : i32
        %dma_start3A_848 = tpu.memref_slice %arg40[%dma_start3A_847] : memref<640xi32, #tpu.memory_space<vmem>> -> memref<128xi32, #tpu.memory_space<vmem>>
        %dma_start3A_849 = arith.constant 0 : i32
        %dma_start3A_850 = arith.constant 0 : i32
        %dma_start3A_851 = tpu.memref_slice %arg56[%arg0, %dma_start3A_849, %dma_start3A_850] : memref<2x50176x8xf32, #tpu.memory_space<hbm>> -> memref<1x50176x8xf32, #tpu.memory_space<hbm>>
        %dma_start3A_852 = tpu.memref_squeeze %dma_start3A_851 : memref<1x50176x8xf32, #tpu.memory_space<hbm>> -> memref<50176x8xf32, #tpu.memory_space<hbm>>
        %dma_start3A_853 = arith.constant 0 : i32
        %dma_start3A_854 = arith.constant 0 : i32
        %dma_start3A_855 = tpu.memref_slice %dma_start3A_852[%dma_start3A_853, %dma_start3A_854] : memref<50176x8xf32, #tpu.memory_space<hbm>> -> memref<50176x8xf32, #tpu.memory_space<hbm>>
        tpu.enqueue_indirect_dma source(%dma_start3A_855 : memref<50176x8xf32, #tpu.memory_space<hbm>>) target(%dma_start3A_846 : memref<128x8xf32, #tpu.memory_space<vmem>>) offsets(%dma_start3A_848 : memref<128xi32, #tpu.memory_space<vmem>>) semaphore(%arg54 : memref<!tpu.dma_semaphore, #tpu.memory_space<semaphore_mem>>)
        %dma_start3A_856 = arith.constant 256 : i32
        %dma_start3A_857 = arith.constant 0 : i32
        %dma_start3A_858 = tpu.memref_slice %arg48[%dma_start3A_856, %dma_start3A_857] : memref<640x8xf32, #tpu.memory_space<vmem>> -> memref<128x8xf32, #tpu.memory_space<vmem>>
        %dma_start3A_859 = arith.constant 256 : i32
        %dma_start3A_860 = tpu.memref_slice %arg41[%dma_start3A_859] : memref<640xi32, #tpu.memory_space<vmem>> -> memref<128xi32, #tpu.memory_space<vmem>>
        %dma_start3A_861 = arith.constant 0 : i32
        %dma_start3A_862 = arith.constant 0 : i32
        %dma_start3A_863 = tpu.memref_slice %arg57[%arg0, %dma_start3A_861, %dma_start3A_862] : memref<2x500480x8xf32, #tpu.memory_space<hbm>> -> memref<1x500480x8xf32, #tpu.memory_space<hbm>>
        %dma_start3A_864 = tpu.memref_squeeze %dma_start3A_863 : memref<1x500480x8xf32, #tpu.memory_space<hbm>> -> memref<500480x8xf32, #tpu.memory_space<hbm>>
        %dma_start3A_865 = arith.constant 0 : i32
        %dma_start3A_866 = arith.constant 0 : i32
        %dma_start3A_867 = tpu.memref_slice %dma_start3A_864[%dma_start3A_865, %dma_start3A_866] : memref<500480x8xf32, #tpu.memory_space<hbm>> -> memref<500480x8xf32, #tpu.memory_space<hbm>>
        tpu.enqueue_indirect_dma source(%dma_start3A_867 : memref<500480x8xf32, #tpu.memory_space<hbm>>) target(%dma_start3A_858 : memref<128x8xf32, #tpu.memory_space<vmem>>) offsets(%dma_start3A_860 : memref<128xi32, #tpu.memory_space<vmem>>) semaphore(%arg54 : memref<!tpu.dma_semaphore, #tpu.memory_space<semaphore_mem>>)
        %dma_start3A_868 = arith.constant 384 : i32
        %dma_start3A_869 = arith.constant 0 : i32
        %dma_start3A_870 = tpu.memref_slice %arg47[%dma_start3A_868, %dma_start3A_869] : memref<640x8xf32, #tpu.memory_space<vmem>> -> memref<128x8xf32, #tpu.memory_space<vmem>>
        %dma_start3A_871 = arith.constant 384 : i32
        %dma_start3A_872 = tpu.memref_slice %arg40[%dma_start3A_871] : memref<640xi32, #tpu.memory_space<vmem>> -> memref<128xi32, #tpu.memory_space<vmem>>
        %dma_start3A_873 = arith.constant 0 : i32
        %dma_start3A_874 = arith.constant 0 : i32
        %dma_start3A_875 = tpu.memref_slice %arg56[%arg0, %dma_start3A_873, %dma_start3A_874] : memref<2x50176x8xf32, #tpu.memory_space<hbm>> -> memref<1x50176x8xf32, #tpu.memory_space<hbm>>
        %dma_start3A_876 = tpu.memref_squeeze %dma_start3A_875 : memref<1x50176x8xf32, #tpu.memory_space<hbm>> -> memref<50176x8xf32, #tpu.memory_space<hbm>>
        %dma_start3A_877 = arith.constant 0 : i32
        %dma_start3A_878 = arith.constant 0 : i32
        %dma_start3A_879 = tpu.memref_slice %dma_start3A_876[%dma_start3A_877, %dma_start3A_878] : memref<50176x8xf32, #tpu.memory_space<hbm>> -> memref<50176x8xf32, #tpu.memory_space<hbm>>
        tpu.enqueue_indirect_dma source(%dma_start3A_879 : memref<50176x8xf32, #tpu.memory_space<hbm>>) target(%dma_start3A_870 : memref<128x8xf32, #tpu.memory_space<vmem>>) offsets(%dma_start3A_872 : memref<128xi32, #tpu.memory_space<vmem>>) semaphore(%arg54 : memref<!tpu.dma_semaphore, #tpu.memory_space<semaphore_mem>>)
        %dma_start3A_880 = arith.constant 384 : i32
        %dma_start3A_881 = arith.constant 0 : i32
        %dma_start3A_882 = tpu.memref_slice %arg48[%dma_start3A_880, %dma_start3A_881] : memref<640x8xf32, #tpu.memory_space<vmem>> -> memref<128x8xf32, #tpu.memory_space<vmem>>
        %dma_start3A_883 = arith.constant 384 : i32
        %dma_start3A_884 = tpu.memref_slice %arg41[%dma_start3A_883] : memref<640xi32, #tpu.memory_space<vmem>> -> memref<128xi32, #tpu.memory_space<vmem>>
        %dma_start3A_885 = arith.constant 0 : i32
        %dma_start3A_886 = arith.constant 0 : i32
        %dma_start3A_887 = tpu.memref_slice %arg57[%arg0, %dma_start3A_885, %dma_start3A_886] : memref<2x500480x8xf32, #tpu.memory_space<hbm>> -> memref<1x500480x8xf32, #tpu.memory_space<hbm>>
        %dma_start3A_888 = tpu.memref_squeeze %dma_start3A_887 : memref<1x500480x8xf32, #tpu.memory_space<hbm>> -> memref<500480x8xf32, #tpu.memory_space<hbm>>
        %dma_start3A_889 = arith.constant 0 : i32
        %dma_start3A_890 = arith.constant 0 : i32
        %dma_start3A_891 = tpu.memref_slice %dma_start3A_888[%dma_start3A_889, %dma_start3A_890] : memref<500480x8xf32, #tpu.memory_space<hbm>> -> memref<500480x8xf32, #tpu.memory_space<hbm>>
        tpu.enqueue_indirect_dma source(%dma_start3A_891 : memref<500480x8xf32, #tpu.memory_space<hbm>>) target(%dma_start3A_882 : memref<128x8xf32, #tpu.memory_space<vmem>>) offsets(%dma_start3A_884 : memref<128xi32, #tpu.memory_space<vmem>>) semaphore(%arg54 : memref<!tpu.dma_semaphore, #tpu.memory_space<semaphore_mem>>)
        %dma_start3A_892 = arith.constant 512 : i32
        %dma_start3A_893 = arith.constant 0 : i32
        %dma_start3A_894 = tpu.memref_slice %arg47[%dma_start3A_892, %dma_start3A_893] : memref<640x8xf32, #tpu.memory_space<vmem>> -> memref<128x8xf32, #tpu.memory_space<vmem>>
        %dma_start3A_895 = arith.constant 512 : i32
        %dma_start3A_896 = tpu.memref_slice %arg40[%dma_start3A_895] : memref<640xi32, #tpu.memory_space<vmem>> -> memref<128xi32, #tpu.memory_space<vmem>>
        %dma_start3A_897 = arith.constant 0 : i32
        %dma_start3A_898 = arith.constant 0 : i32
        %dma_start3A_899 = tpu.memref_slice %arg56[%arg0, %dma_start3A_897, %dma_start3A_898] : memref<2x50176x8xf32, #tpu.memory_space<hbm>> -> memref<1x50176x8xf32, #tpu.memory_space<hbm>>
        %dma_start3A_900 = tpu.memref_squeeze %dma_start3A_899 : memref<1x50176x8xf32, #tpu.memory_space<hbm>> -> memref<50176x8xf32, #tpu.memory_space<hbm>>
        %dma_start3A_901 = arith.constant 0 : i32
        %dma_start3A_902 = arith.constant 0 : i32
        %dma_start3A_903 = tpu.memref_slice %dma_start3A_900[%dma_start3A_901, %dma_start3A_902] : memref<50176x8xf32, #tpu.memory_space<hbm>> -> memref<50176x8xf32, #tpu.memory_space<hbm>>
        tpu.enqueue_indirect_dma source(%dma_start3A_903 : memref<50176x8xf32, #tpu.memory_space<hbm>>) target(%dma_start3A_894 : memref<128x8xf32, #tpu.memory_space<vmem>>) offsets(%dma_start3A_896 : memref<128xi32, #tpu.memory_space<vmem>>) semaphore(%arg54 : memref<!tpu.dma_semaphore, #tpu.memory_space<semaphore_mem>>)
        %dma_start3A_904 = arith.constant 512 : i32
        %dma_start3A_905 = arith.constant 0 : i32
        %dma_start3A_906 = tpu.memref_slice %arg48[%dma_start3A_904, %dma_start3A_905] : memref<640x8xf32, #tpu.memory_space<vmem>> -> memref<128x8xf32, #tpu.memory_space<vmem>>
        %dma_start3A_907 = arith.constant 512 : i32
        %dma_start3A_908 = tpu.memref_slice %arg41[%dma_start3A_907] : memref<640xi32, #tpu.memory_space<vmem>> -> memref<128xi32, #tpu.memory_space<vmem>>
        %dma_start3A_909 = arith.constant 0 : i32
        %dma_start3A_910 = arith.constant 0 : i32
        %dma_start3A_911 = tpu.memref_slice %arg57[%arg0, %dma_start3A_909, %dma_start3A_910] : memref<2x500480x8xf32, #tpu.memory_space<hbm>> -> memref<1x500480x8xf32, #tpu.memory_space<hbm>>
        %dma_start3A_912 = tpu.memref_squeeze %dma_start3A_911 : memref<1x500480x8xf32, #tpu.memory_space<hbm>> -> memref<500480x8xf32, #tpu.memory_space<hbm>>
        %dma_start3A_913 = arith.constant 0 : i32
        %dma_start3A_914 = arith.constant 0 : i32
        %dma_start3A_915 = tpu.memref_slice %dma_start3A_912[%dma_start3A_913, %dma_start3A_914] : memref<500480x8xf32, #tpu.memory_space<hbm>> -> memref<500480x8xf32, #tpu.memory_space<hbm>>
        tpu.enqueue_indirect_dma source(%dma_start3A_915 : memref<500480x8xf32, #tpu.memory_space<hbm>>) target(%dma_start3A_906 : memref<128x8xf32, #tpu.memory_space<vmem>>) offsets(%dma_start3A_908 : memref<128xi32, #tpu.memory_space<vmem>>) semaphore(%arg54 : memref<!tpu.dma_semaphore, #tpu.memory_space<semaphore_mem>>)
      } else {
      }
      %dma_wait3A_438 = arith.constant 0 : i32
      %dma_wait3A_439 = arith.constant 0 : i32
      %dma_wait3A_440 = tpu.memref_slice %arg31[%dma_wait3A_438, %dma_wait3A_439] : memref<640x8xf32, #tpu.memory_space<vmem>> -> memref<128x8xf32, #tpu.memory_space<vmem>>
      %dma_wait3A_441 = arith.constant 0 : i32
      %dma_wait3A_442 = tpu.memref_slice %arg24[%dma_wait3A_441] : memref<640xi32, #tpu.memory_space<vmem>> -> memref<128xi32, #tpu.memory_space<vmem>>
      %dma_wait3A_443 = arith.constant 0 : i32
      %dma_wait3A_444 = arith.constant 0 : i32
      %dma_wait3A_445 = tpu.memref_slice %arg56[%arg0, %dma_wait3A_443, %dma_wait3A_444] : memref<2x50176x8xf32, #tpu.memory_space<hbm>> -> memref<1x50176x8xf32, #tpu.memory_space<hbm>>
      %dma_wait3A_446 = tpu.memref_squeeze %dma_wait3A_445 : memref<1x50176x8xf32, #tpu.memory_space<hbm>> -> memref<50176x8xf32, #tpu.memory_space<hbm>>
      %dma_wait3A_447 = arith.constant 0 : i32
      %dma_wait3A_448 = arith.constant 0 : i32
      %dma_wait3A_449 = tpu.memref_slice %dma_wait3A_446[%dma_wait3A_447, %dma_wait3A_448] : memref<50176x8xf32, #tpu.memory_space<hbm>> -> memref<50176x8xf32, #tpu.memory_space<hbm>>
      tpu.wait_indirect_dma semaphore(%arg38 : memref<!tpu.dma_semaphore, #tpu.memory_space<semaphore_mem>>) src(%dma_wait3A_449 : memref<50176x8xf32, #tpu.memory_space<hbm>>) dst(%dma_wait3A_440 : memref<128x8xf32, #tpu.memory_space<vmem>>)
      %dma_wait3A_450 = arith.constant 0 : i32
      %dma_wait3A_451 = arith.constant 0 : i32
      %dma_wait3A_452 = tpu.memref_slice %arg32[%dma_wait3A_450, %dma_wait3A_451] : memref<640x8xf32, #tpu.memory_space<vmem>> -> memref<128x8xf32, #tpu.memory_space<vmem>>
      %dma_wait3A_453 = arith.constant 0 : i32
      %dma_wait3A_454 = tpu.memref_slice %arg25[%dma_wait3A_453] : memref<640xi32, #tpu.memory_space<vmem>> -> memref<128xi32, #tpu.memory_space<vmem>>
      %dma_wait3A_455 = arith.constant 0 : i32
      %dma_wait3A_456 = arith.constant 0 : i32
      %dma_wait3A_457 = tpu.memref_slice %arg57[%arg0, %dma_wait3A_455, %dma_wait3A_456] : memref<2x500480x8xf32, #tpu.memory_space<hbm>> -> memref<1x500480x8xf32, #tpu.memory_space<hbm>>
      %dma_wait3A_458 = tpu.memref_squeeze %dma_wait3A_457 : memref<1x500480x8xf32, #tpu.memory_space<hbm>> -> memref<500480x8xf32, #tpu.memory_space<hbm>>
      %dma_wait3A_459 = arith.constant 0 : i32
      %dma_wait3A_460 = arith.constant 0 : i32
      %dma_wait3A_461 = tpu.memref_slice %dma_wait3A_458[%dma_wait3A_459, %dma_wait3A_460] : memref<500480x8xf32, #tpu.memory_space<hbm>> -> memref<500480x8xf32, #tpu.memory_space<hbm>>
      tpu.wait_indirect_dma semaphore(%arg38 : memref<!tpu.dma_semaphore, #tpu.memory_space<semaphore_mem>>) src(%dma_wait3A_461 : memref<500480x8xf32, #tpu.memory_space<hbm>>) dst(%dma_wait3A_452 : memref<128x8xf32, #tpu.memory_space<vmem>>)
      %dma_wait3A_462 = arith.constant 128 : i32
      %dma_wait3A_463 = arith.constant 0 : i32
      %dma_wait3A_464 = tpu.memref_slice %arg31[%dma_wait3A_462, %dma_wait3A_463] : memref<640x8xf32, #tpu.memory_space<vmem>> -> memref<128x8xf32, #tpu.memory_space<vmem>>
      %dma_wait3A_465 = arith.constant 128 : i32
      %dma_wait3A_466 = tpu.memref_slice %arg24[%dma_wait3A_465] : memref<640xi32, #tpu.memory_space<vmem>> -> memref<128xi32, #tpu.memory_space<vmem>>
      %dma_wait3A_467 = arith.constant 0 : i32
      %dma_wait3A_468 = arith.constant 0 : i32
      %dma_wait3A_469 = tpu.memref_slice %arg56[%arg0, %dma_wait3A_467, %dma_wait3A_468] : memref<2x50176x8xf32, #tpu.memory_space<hbm>> -> memref<1x50176x8xf32, #tpu.memory_space<hbm>>
      %dma_wait3A_470 = tpu.memref_squeeze %dma_wait3A_469 : memref<1x50176x8xf32, #tpu.memory_space<hbm>> -> memref<50176x8xf32, #tpu.memory_space<hbm>>
      %dma_wait3A_471 = arith.constant 0 : i32
      %dma_wait3A_472 = arith.constant 0 : i32
      %dma_wait3A_473 = tpu.memref_slice %dma_wait3A_470[%dma_wait3A_471, %dma_wait3A_472] : memref<50176x8xf32, #tpu.memory_space<hbm>> -> memref<50176x8xf32, #tpu.memory_space<hbm>>
      tpu.wait_indirect_dma semaphore(%arg38 : memref<!tpu.dma_semaphore, #tpu.memory_space<semaphore_mem>>) src(%dma_wait3A_473 : memref<50176x8xf32, #tpu.memory_space<hbm>>) dst(%dma_wait3A_464 : memref<128x8xf32, #tpu.memory_space<vmem>>)
      %dma_wait3A_474 = arith.constant 128 : i32
      %dma_wait3A_475 = arith.constant 0 : i32
      %dma_wait3A_476 = tpu.memref_slice %arg32[%dma_wait3A_474, %dma_wait3A_475] : memref<640x8xf32, #tpu.memory_space<vmem>> -> memref<128x8xf32, #tpu.memory_space<vmem>>
      %dma_wait3A_477 = arith.constant 128 : i32
      %dma_wait3A_478 = tpu.memref_slice %arg25[%dma_wait3A_477] : memref<640xi32, #tpu.memory_space<vmem>> -> memref<128xi32, #tpu.memory_space<vmem>>
      %dma_wait3A_479 = arith.constant 0 : i32
      %dma_wait3A_480 = arith.constant 0 : i32
      %dma_wait3A_481 = tpu.memref_slice %arg57[%arg0, %dma_wait3A_479, %dma_wait3A_480] : memref<2x500480x8xf32, #tpu.memory_space<hbm>> -> memref<1x500480x8xf32, #tpu.memory_space<hbm>>
      %dma_wait3A_482 = tpu.memref_squeeze %dma_wait3A_481 : memref<1x500480x8xf32, #tpu.memory_space<hbm>> -> memref<500480x8xf32, #tpu.memory_space<hbm>>
      %dma_wait3A_483 = arith.constant 0 : i32
      %dma_wait3A_484 = arith.constant 0 : i32
      %dma_wait3A_485 = tpu.memref_slice %dma_wait3A_482[%dma_wait3A_483, %dma_wait3A_484] : memref<500480x8xf32, #tpu.memory_space<hbm>> -> memref<500480x8xf32, #tpu.memory_space<hbm>>
      tpu.wait_indirect_dma semaphore(%arg38 : memref<!tpu.dma_semaphore, #tpu.memory_space<semaphore_mem>>) src(%dma_wait3A_485 : memref<500480x8xf32, #tpu.memory_space<hbm>>) dst(%dma_wait3A_476 : memref<128x8xf32, #tpu.memory_space<vmem>>)
      %dma_wait3A_486 = arith.constant 256 : i32
      %dma_wait3A_487 = arith.constant 0 : i32
      %dma_wait3A_488 = tpu.memref_slice %arg31[%dma_wait3A_486, %dma_wait3A_487] : memref<640x8xf32, #tpu.memory_space<vmem>> -> memref<128x8xf32, #tpu.memory_space<vmem>>
      %dma_wait3A_489 = arith.constant 256 : i32
      %dma_wait3A_490 = tpu.memref_slice %arg24[%dma_wait3A_489] : memref<640xi32, #tpu.memory_space<vmem>> -> memref<128xi32, #tpu.memory_space<vmem>>
      %dma_wait3A_491 = arith.constant 0 : i32
      %dma_wait3A_492 = arith.constant 0 : i32
      %dma_wait3A_493 = tpu.memref_slice %arg56[%arg0, %dma_wait3A_491, %dma_wait3A_492] : memref<2x50176x8xf32, #tpu.memory_space<hbm>> -> memref<1x50176x8xf32, #tpu.memory_space<hbm>>
      %dma_wait3A_494 = tpu.memref_squeeze %dma_wait3A_493 : memref<1x50176x8xf32, #tpu.memory_space<hbm>> -> memref<50176x8xf32, #tpu.memory_space<hbm>>
      %dma_wait3A_495 = arith.constant 0 : i32
      %dma_wait3A_496 = arith.constant 0 : i32
      %dma_wait3A_497 = tpu.memref_slice %dma_wait3A_494[%dma_wait3A_495, %dma_wait3A_496] : memref<50176x8xf32, #tpu.memory_space<hbm>> -> memref<50176x8xf32, #tpu.memory_space<hbm>>
      tpu.wait_indirect_dma semaphore(%arg38 : memref<!tpu.dma_semaphore, #tpu.memory_space<semaphore_mem>>) src(%dma_wait3A_497 : memref<50176x8xf32, #tpu.memory_space<hbm>>) dst(%dma_wait3A_488 : memref<128x8xf32, #tpu.memory_space<vmem>>)
      %dma_wait3A_498 = arith.constant 256 : i32
      %dma_wait3A_499 = arith.constant 0 : i32
      %dma_wait3A_500 = tpu.memref_slice %arg32[%dma_wait3A_498, %dma_wait3A_499] : memref<640x8xf32, #tpu.memory_space<vmem>> -> memref<128x8xf32, #tpu.memory_space<vmem>>
      %dma_wait3A_501 = arith.constant 256 : i32
      %dma_wait3A_502 = tpu.memref_slice %arg25[%dma_wait3A_501] : memref<640xi32, #tpu.memory_space<vmem>> -> memref<128xi32, #tpu.memory_space<vmem>>
      %dma_wait3A_503 = arith.constant 0 : i32
      %dma_wait3A_504 = arith.constant 0 : i32
      %dma_wait3A_505 = tpu.memref_slice %arg57[%arg0, %dma_wait3A_503, %dma_wait3A_504] : memref<2x500480x8xf32, #tpu.memory_space<hbm>> -> memref<1x500480x8xf32, #tpu.memory_space<hbm>>
      %dma_wait3A_506 = tpu.memref_squeeze %dma_wait3A_505 : memref<1x500480x8xf32, #tpu.memory_space<hbm>> -> memref<500480x8xf32, #tpu.memory_space<hbm>>
      %dma_wait3A_507 = arith.constant 0 : i32
      %dma_wait3A_508 = arith.constant 0 : i32
      %dma_wait3A_509 = tpu.memref_slice %dma_wait3A_506[%dma_wait3A_507, %dma_wait3A_508] : memref<500480x8xf32, #tpu.memory_space<hbm>> -> memref<500480x8xf32, #tpu.memory_space<hbm>>
      tpu.wait_indirect_dma semaphore(%arg38 : memref<!tpu.dma_semaphore, #tpu.memory_space<semaphore_mem>>) src(%dma_wait3A_509 : memref<500480x8xf32, #tpu.memory_space<hbm>>) dst(%dma_wait3A_500 : memref<128x8xf32, #tpu.memory_space<vmem>>)
      %dma_wait3A_510 = arith.constant 384 : i32
      %dma_wait3A_511 = arith.constant 0 : i32
      %dma_wait3A_512 = tpu.memref_slice %arg31[%dma_wait3A_510, %dma_wait3A_511] : memref<640x8xf32, #tpu.memory_space<vmem>> -> memref<128x8xf32, #tpu.memory_space<vmem>>
      %dma_wait3A_513 = arith.constant 384 : i32
      %dma_wait3A_514 = tpu.memref_slice %arg24[%dma_wait3A_513] : memref<640xi32, #tpu.memory_space<vmem>> -> memref<128xi32, #tpu.memory_space<vmem>>
      %dma_wait3A_515 = arith.constant 0 : i32
      %dma_wait3A_516 = arith.constant 0 : i32
      %dma_wait3A_517 = tpu.memref_slice %arg56[%arg0, %dma_wait3A_515, %dma_wait3A_516] : memref<2x50176x8xf32, #tpu.memory_space<hbm>> -> memref<1x50176x8xf32, #tpu.memory_space<hbm>>
      %dma_wait3A_518 = tpu.memref_squeeze %dma_wait3A_517 : memref<1x50176x8xf32, #tpu.memory_space<hbm>> -> memref<50176x8xf32, #tpu.memory_space<hbm>>
      %dma_wait3A_519 = arith.constant 0 : i32
      %dma_wait3A_520 = arith.constant 0 : i32
      %dma_wait3A_521 = tpu.memref_slice %dma_wait3A_518[%dma_wait3A_519, %dma_wait3A_520] : memref<50176x8xf32, #tpu.memory_space<hbm>> -> memref<50176x8xf32, #tpu.memory_space<hbm>>
      tpu.wait_indirect_dma semaphore(%arg38 : memref<!tpu.dma_semaphore, #tpu.memory_space<semaphore_mem>>) src(%dma_wait3A_521 : memref<50176x8xf32, #tpu.memory_space<hbm>>) dst(%dma_wait3A_512 : memref<128x8xf32, #tpu.memory_space<vmem>>)
      %dma_wait3A_522 = arith.constant 384 : i32
      %dma_wait3A_523 = arith.constant 0 : i32
      %dma_wait3A_524 = tpu.memref_slice %arg32[%dma_wait3A_522, %dma_wait3A_523] : memref<640x8xf32, #tpu.memory_space<vmem>> -> memref<128x8xf32, #tpu.memory_space<vmem>>
      %dma_wait3A_525 = arith.constant 384 : i32
      %dma_wait3A_526 = tpu.memref_slice %arg25[%dma_wait3A_525] : memref<640xi32, #tpu.memory_space<vmem>> -> memref<128xi32, #tpu.memory_space<vmem>>
      %dma_wait3A_527 = arith.constant 0 : i32
      %dma_wait3A_528 = arith.constant 0 : i32
      %dma_wait3A_529 = tpu.memref_slice %arg57[%arg0, %dma_wait3A_527, %dma_wait3A_528] : memref<2x500480x8xf32, #tpu.memory_space<hbm>> -> memref<1x500480x8xf32, #tpu.memory_space<hbm>>
      %dma_wait3A_530 = tpu.memref_squeeze %dma_wait3A_529 : memref<1x500480x8xf32, #tpu.memory_space<hbm>> -> memref<500480x8xf32, #tpu.memory_space<hbm>>
      %dma_wait3A_531 = arith.constant 0 : i32
      %dma_wait3A_532 = arith.constant 0 : i32
      %dma_wait3A_533 = tpu.memref_slice %dma_wait3A_530[%dma_wait3A_531, %dma_wait3A_532] : memref<500480x8xf32, #tpu.memory_space<hbm>> -> memref<500480x8xf32, #tpu.memory_space<hbm>>
      tpu.wait_indirect_dma semaphore(%arg38 : memref<!tpu.dma_semaphore, #tpu.memory_space<semaphore_mem>>) src(%dma_wait3A_533 : memref<500480x8xf32, #tpu.memory_space<hbm>>) dst(%dma_wait3A_524 : memref<128x8xf32, #tpu.memory_space<vmem>>)
      %dma_wait3A_534 = arith.constant 512 : i32
      %dma_wait3A_535 = arith.constant 0 : i32
      %dma_wait3A_536 = tpu.memref_slice %arg31[%dma_wait3A_534, %dma_wait3A_535] : memref<640x8xf32, #tpu.memory_space<vmem>> -> memref<128x8xf32, #tpu.memory_space<vmem>>
      %dma_wait3A_537 = arith.constant 512 : i32
      %dma_wait3A_538 = tpu.memref_slice %arg24[%dma_wait3A_537] : memref<640xi32, #tpu.memory_space<vmem>> -> memref<128xi32, #tpu.memory_space<vmem>>
      %dma_wait3A_539 = arith.constant 0 : i32
      %dma_wait3A_540 = arith.constant 0 : i32
      %dma_wait3A_541 = tpu.memref_slice %arg56[%arg0, %dma_wait3A_539, %dma_wait3A_540] : memref<2x50176x8xf32, #tpu.memory_space<hbm>> -> memref<1x50176x8xf32, #tpu.memory_space<hbm>>
      %dma_wait3A_542 = tpu.memref_squeeze %dma_wait3A_541 : memref<1x50176x8xf32, #tpu.memory_space<hbm>> -> memref<50176x8xf32, #tpu.memory_space<hbm>>
      %dma_wait3A_543 = arith.constant 0 : i32
      %dma_wait3A_544 = arith.constant 0 : i32
      %dma_wait3A_545 = tpu.memref_slice %dma_wait3A_542[%dma_wait3A_543, %dma_wait3A_544] : memref<50176x8xf32, #tpu.memory_space<hbm>> -> memref<50176x8xf32, #tpu.memory_space<hbm>>
      tpu.wait_indirect_dma semaphore(%arg38 : memref<!tpu.dma_semaphore, #tpu.memory_space<semaphore_mem>>) src(%dma_wait3A_545 : memref<50176x8xf32, #tpu.memory_space<hbm>>) dst(%dma_wait3A_536 : memref<128x8xf32, #tpu.memory_space<vmem>>)
      %dma_wait3A_546 = arith.constant 512 : i32
      %dma_wait3A_547 = arith.constant 0 : i32
      %dma_wait3A_548 = tpu.memref_slice %arg32[%dma_wait3A_546, %dma_wait3A_547] : memref<640x8xf32, #tpu.memory_space<vmem>> -> memref<128x8xf32, #tpu.memory_space<vmem>>
      %dma_wait3A_549 = arith.constant 512 : i32
      %dma_wait3A_550 = tpu.memref_slice %arg25[%dma_wait3A_549] : memref<640xi32, #tpu.memory_space<vmem>> -> memref<128xi32, #tpu.memory_space<vmem>>
      %dma_wait3A_551 = arith.constant 0 : i32
      %dma_wait3A_552 = arith.constant 0 : i32
      %dma_wait3A_553 = tpu.memref_slice %arg57[%arg0, %dma_wait3A_551, %dma_wait3A_552] : memref<2x500480x8xf32, #tpu.memory_space<hbm>> -> memref<1x500480x8xf32, #tpu.memory_space<hbm>>
      %dma_wait3A_554 = tpu.memref_squeeze %dma_wait3A_553 : memref<1x500480x8xf32, #tpu.memory_space<hbm>> -> memref<500480x8xf32, #tpu.memory_space<hbm>>
      %dma_wait3A_555 = arith.constant 0 : i32
      %dma_wait3A_556 = arith.constant 0 : i32
      %dma_wait3A_557 = tpu.memref_slice %dma_wait3A_554[%dma_wait3A_555, %dma_wait3A_556] : memref<500480x8xf32, #tpu.memory_space<hbm>> -> memref<500480x8xf32, #tpu.memory_space<hbm>>
      tpu.wait_indirect_dma semaphore(%arg38 : memref<!tpu.dma_semaphore, #tpu.memory_space<semaphore_mem>>) src(%dma_wait3A_557 : memref<500480x8xf32, #tpu.memory_space<hbm>>) dst(%dma_wait3A_548 : memref<128x8xf32, #tpu.memory_space<vmem>>)
      %add3A_558 = arith.constant 2 : i32
      %add3A_559 = arith.addi %mul3A_431, %add3A_558 : i32
      %lt3A_560 = arith.cmpi slt, %add3A_559, %select_n3A : i32
      %convert_element_type3A_561 = arith.extui %lt3A_560 : i1 to i32
      %cond3A_562 = arith.constant 0 : i32
      %cond3A_563 = arith.cmpi ne, %convert_element_type3A_561, %cond3A_562 : i32
      scf.if %cond3A_563 {
        %add3A_783 = arith.constant 2 : i32
        %add3A_784 = arith.addi %mul3A_431, %add3A_783 : i32
        %mul3A_785 = arith.constant 32 : i32
        %mul3A_786 = arith.muli %add3A_784, %mul3A_785 : i32
        %add3A_787 = arith.addi %add3A, %mul3A_786 : i32
        %mul3A_788 = arith.constant 640 : i32
        %mul3A_789 = arith.muli %add3A_787, %mul3A_788 : i32
        %dma_start3A_790 = tpu.memref_slice %arg5[%mul3A_789] : memref<2000000xi32, #tpu.memory_space<hbm>> -> memref<640xi32, #tpu.memory_space<hbm>>
        %dma_start3A_791 = tpu.memref_slice %arg5[%mul3A_789] : memref<2000000xi32, #tpu.memory_space<hbm>> -> memref<640xi32, #tpu.memory_space<hbm>>
        tpu.enqueue_dma source(%dma_start3A_791 : memref<640xi32, #tpu.memory_space<hbm>>) target(%arg24 : memref<640xi32, #tpu.memory_space<vmem>>) target_semaphore(%arg36 : memref<!tpu.dma_semaphore, #tpu.memory_space<semaphore_mem>>)
        %dma_start3A_792 = tpu.memref_slice %arg7[%mul3A_789] : memref<2000000xi32, #tpu.memory_space<hbm>> -> memref<640xi32, #tpu.memory_space<hbm>>
        %dma_start3A_793 = tpu.memref_slice %arg7[%mul3A_789] : memref<2000000xi32, #tpu.memory_space<hbm>> -> memref<640xi32, #tpu.memory_space<hbm>>
        tpu.enqueue_dma source(%dma_start3A_793 : memref<640xi32, #tpu.memory_space<hbm>>) target(%arg25 : memref<640xi32, #tpu.memory_space<vmem>>) target_semaphore(%arg36 : memref<!tpu.dma_semaphore, #tpu.memory_space<semaphore_mem>>)
      } else {
      }
      %mul3A_564 = arith.constant 32 : i32
      %mul3A_565 = arith.muli %mul3A_431, %mul3A_564 : i32
      %add3A_566 = arith.addi %add3A, %mul3A_565 : i32
      %mul3A_567 = arith.constant 640 : i32
      %mul3A_568 = arith.muli %add3A_566, %mul3A_567 : i32
      %dma_wait3A_569 = tpu.memref_slice %arg2[%mul3A_568] : memref<2000000xf32, #tpu.memory_space<hbm>> -> memref<640xf32, #tpu.memory_space<hbm>>
      %dma_wait3A_570 = tpu.memref_slice %arg2[%mul3A_568] : memref<2000000xf32, #tpu.memory_space<hbm>> -> memref<640xf32, #tpu.memory_space<hbm>>
      tpu.wait_dma2 semaphore(%arg37 : memref<!tpu.dma_semaphore, #tpu.memory_space<semaphore_mem>>) src(%dma_wait3A_570 : memref<640xf32, #tpu.memory_space<hbm>>) dst(%arg28 : memref<640xf32, #tpu.memory_space<vmem>>)
      %dma_wait3A_571 = tpu.memref_slice %arg3[%mul3A_568] : memref<2000000xf32, #tpu.memory_space<hbm>> -> memref<640xf32, #tpu.memory_space<hbm>>
      %dma_wait3A_572 = tpu.memref_slice %arg3[%mul3A_568] : memref<2000000xf32, #tpu.memory_space<hbm>> -> memref<640xf32, #tpu.memory_space<hbm>>
      tpu.wait_dma2 semaphore(%arg37 : memref<!tpu.dma_semaphore, #tpu.memory_space<semaphore_mem>>) src(%dma_wait3A_572 : memref<640xf32, #tpu.memory_space<hbm>>) dst(%arg29 : memref<640xf32, #tpu.memory_space<vmem>>)
      %dma_wait3A_573 = tpu.memref_slice %arg4[%mul3A_568] : memref<2000000xf32, #tpu.memory_space<hbm>> -> memref<640xf32, #tpu.memory_space<hbm>>
      %dma_wait3A_574 = tpu.memref_slice %arg4[%mul3A_568] : memref<2000000xf32, #tpu.memory_space<hbm>> -> memref<640xf32, #tpu.memory_space<hbm>>
      tpu.wait_dma2 semaphore(%arg37 : memref<!tpu.dma_semaphore, #tpu.memory_space<semaphore_mem>>) src(%dma_wait3A_574 : memref<640xf32, #tpu.memory_space<hbm>>) dst(%arg30 : memref<640xf32, #tpu.memory_space<vmem>>)
      %dma_wait3A_575 = tpu.memref_slice %arg8[%mul3A_568] : memref<2000000xf32, #tpu.memory_space<hbm>> -> memref<640xf32, #tpu.memory_space<hbm>>
      %dma_wait3A_576 = tpu.memref_slice %arg8[%mul3A_568] : memref<2000000xf32, #tpu.memory_space<hbm>> -> memref<640xf32, #tpu.memory_space<hbm>>
      tpu.wait_dma2 semaphore(%arg37 : memref<!tpu.dma_semaphore, #tpu.memory_space<semaphore_mem>>) src(%dma_wait3A_576 : memref<640xf32, #tpu.memory_space<hbm>>) dst(%arg27 : memref<640xf32, #tpu.memory_space<vmem>>)
      %dma_wait3A_577 = tpu.memref_slice %arg6[%mul3A_568] : memref<2000000xi32, #tpu.memory_space<hbm>> -> memref<640xi32, #tpu.memory_space<hbm>>
      %dma_wait3A_578 = tpu.memref_slice %arg6[%mul3A_568] : memref<2000000xi32, #tpu.memory_space<hbm>> -> memref<640xi32, #tpu.memory_space<hbm>>
      tpu.wait_dma2 semaphore(%arg37 : memref<!tpu.dma_semaphore, #tpu.memory_space<semaphore_mem>>) src(%dma_wait3A_578 : memref<640xi32, #tpu.memory_space<hbm>>) dst(%arg26 : memref<640xi32, #tpu.memory_space<vmem>>)
      %ge3A = arith.constant 2 : i32
      %ge3A_579 = arith.cmpi sge, %mul3A_431, %ge3A : i32
      %convert_element_type3A_580 = arith.extui %ge3A_579 : i1 to i32
      %cond3A_581 = arith.constant 0 : i32
      %cond3A_582 = arith.cmpi ne, %convert_element_type3A_580, %cond3A_581 : i32
      scf.if %cond3A_582 {
        %sub3A_783 = arith.constant 2 : i32
        %sub3A_784 = arith.subi %mul3A_431, %sub3A_783 : i32
        %mul3A_785 = arith.constant 32 : i32
        %mul3A_786 = arith.muli %sub3A_784, %mul3A_785 : i32
        %add3A_787 = arith.addi %add3A, %mul3A_786 : i32
        %mul3A_788 = arith.constant 640 : i32
        %mul3A_789 = arith.muli %add3A_787, %mul3A_788 : i32
        %dma_wait3A_790 = tpu.memref_slice %arg21[%mul3A_789] : memref<2000000xf32, #tpu.memory_space<hbm>> -> memref<640xf32, #tpu.memory_space<hbm>>
        %dma_wait3A_791 = tpu.memref_slice %arg21[%mul3A_789] : memref<2000000xf32, #tpu.memory_space<hbm>> -> memref<640xf32, #tpu.memory_space<hbm>>
        tpu.wait_dma2 semaphore(%arg39 : memref<!tpu.dma_semaphore, #tpu.memory_space<semaphore_mem>>) src(%arg33 : memref<640xf32, #tpu.memory_space<vmem>>) dst(%dma_wait3A_791 : memref<640xf32, #tpu.memory_space<hbm>>)
        %dma_wait3A_792 = tpu.memref_slice %arg22[%mul3A_789] : memref<2000000xf32, #tpu.memory_space<hbm>> -> memref<640xf32, #tpu.memory_space<hbm>>
        %dma_wait3A_793 = tpu.memref_slice %arg22[%mul3A_789] : memref<2000000xf32, #tpu.memory_space<hbm>> -> memref<640xf32, #tpu.memory_space<hbm>>
        tpu.wait_dma2 semaphore(%arg39 : memref<!tpu.dma_semaphore, #tpu.memory_space<semaphore_mem>>) src(%arg34 : memref<640xf32, #tpu.memory_space<vmem>>) dst(%dma_wait3A_793 : memref<640xf32, #tpu.memory_space<hbm>>)
        %dma_wait3A_794 = tpu.memref_slice %arg23[%mul3A_789] : memref<2000000xf32, #tpu.memory_space<hbm>> -> memref<640xf32, #tpu.memory_space<hbm>>
        %dma_wait3A_795 = tpu.memref_slice %arg23[%mul3A_789] : memref<2000000xf32, #tpu.memory_space<hbm>> -> memref<640xf32, #tpu.memory_space<hbm>>
        tpu.wait_dma2 semaphore(%arg39 : memref<!tpu.dma_semaphore, #tpu.memory_space<semaphore_mem>>) src(%arg35 : memref<640xf32, #tpu.memory_space<vmem>>) dst(%dma_wait3A_795 : memref<640xf32, #tpu.memory_space<hbm>>)
      } else {
      }
      %scan3A_583 = arith.constant 0 : i32
      %scan3A_584 = arith.constant 0 : i32
      %scan3A_585 = arith.constant 40 : i32
      %scan3A_586 = arith.addi %scan3A_584, %scan3A_585 : i32
      %scan3A_587 = arith.constant 1 : i32
      scf.for %scan3A_783 = %scan3A_584 to %scan3A_586 step %scan3A_587  : i32 {
        %mul3A_784 = arith.constant 16 : i32
        %mul3A_785 = arith.muli %scan3A_783, %mul3A_784 : i32
        %add3A_786 = vector.broadcast %mul3A_785 : i32 to vector<16xi32>
        %add3A_787 = arith.addi %add3A_786, %iota3A : vector<16xi32>
        %get3A = arith.index_cast %mul3A_785 : i32 to index
        %get3A_788 = tpu.vector_load %arg26[%get3A] {strides = array<i32>} : memref<640xi32, #tpu.memory_space<vmem>>, vector<16xi32>,
        %get3A_789 = arith.index_cast %mul3A_785 : i32 to index
        %get3A_790 = tpu.vector_load %arg27[%get3A_789] {strides = array<i32>} : memref<640xf32, #tpu.memory_space<vmem>>, vector<16xf32>,
        %gather3A_791 = tpu.vector_load_idx %arg31[%add3A_787, %broadcast_in_dim3A_23] : memref<640x8xf32, #tpu.memory_space<vmem>>[vector<16xi32>, vector<16xi32>], vector<16xf32>,
        %gather3A_792 = tpu.vector_load_idx %arg31[%add3A_787, %broadcast_in_dim3A_25] : memref<640x8xf32, #tpu.memory_space<vmem>>[vector<16xi32>, vector<16xi32>], vector<16xf32>,
        %gather3A_793 = tpu.vector_load_idx %arg31[%add3A_787, %broadcast_in_dim3A_27] : memref<640x8xf32, #tpu.memory_space<vmem>>[vector<16xi32>, vector<16xi32>], vector<16xf32>,
        %gather3A_794 = tpu.vector_load_idx %arg31[%add3A_787, %broadcast_in_dim3A_29] : memref<640x8xf32, #tpu.memory_space<vmem>>[vector<16xi32>, vector<16xi32>], vector<16xf32>,
        %gather3A_795 = tpu.vector_load_idx %arg31[%add3A_787, %broadcast_in_dim3A_31] : memref<640x8xf32, #tpu.memory_space<vmem>>[vector<16xi32>, vector<16xi32>], vector<16xf32>,
        %gather3A_796 = tpu.vector_load_idx %arg31[%add3A_787, %broadcast_in_dim3A_33] : memref<640x8xf32, #tpu.memory_space<vmem>>[vector<16xi32>, vector<16xi32>], vector<16xf32>,
        %gather3A_797 = tpu.vector_load_idx %arg31[%add3A_787, %broadcast_in_dim3A_35] : memref<640x8xf32, #tpu.memory_space<vmem>>[vector<16xi32>, vector<16xi32>], vector<16xf32>,
        %gather3A_798 = tpu.vector_load_idx %arg31[%add3A_787, %broadcast_in_dim3A_37] : memref<640x8xf32, #tpu.memory_space<vmem>>[vector<16xi32>, vector<16xi32>], vector<16xf32>,
        %gather3A_799 = tpu.vector_load_idx %arg32[%add3A_787, %broadcast_in_dim3A_23] : memref<640x8xf32, #tpu.memory_space<vmem>>[vector<16xi32>, vector<16xi32>], vector<16xf32>,
        %gather3A_800 = tpu.vector_load_idx %arg32[%add3A_787, %broadcast_in_dim3A_25] : memref<640x8xf32, #tpu.memory_space<vmem>>[vector<16xi32>, vector<16xi32>], vector<16xf32>,
        %gather3A_801 = tpu.vector_load_idx %arg32[%add3A_787, %broadcast_in_dim3A_27] : memref<640x8xf32, #tpu.memory_space<vmem>>[vector<16xi32>, vector<16xi32>], vector<16xf32>,
        %get3A_802 = arith.index_cast %mul3A_785 : i32 to index
        %get3A_803 = tpu.vector_load %arg28[%get3A_802] {strides = array<i32>} : memref<640xf32, #tpu.memory_space<vmem>>, vector<16xf32>,
        %get3A_804 = arith.index_cast %mul3A_785 : i32 to index
        %get3A_805 = tpu.vector_load %arg29[%get3A_804] {strides = array<i32>} : memref<640xf32, #tpu.memory_space<vmem>>, vector<16xf32>,
        %get3A_806 = arith.index_cast %mul3A_785 : i32 to index
        %get3A_807 = tpu.vector_load %arg30[%get3A_806] {strides = array<i32>} : memref<640xf32, #tpu.memory_space<vmem>>, vector<16xf32>,
        %gather3A_808 = tpu.vector_load_idx %arg60[%get3A_788] : memref<16xf32, #tpu.memory_space<vmem>>[vector<16xi32>], vector<16xf32>,
        %gather3A_809 = tpu.vector_load_idx %arg61[%get3A_788] : memref<16xf32, #tpu.memory_space<vmem>>[vector<16xi32>], vector<16xf32>,
        %gather3A_810 = tpu.vector_load_idx %arg62[%get3A_788] : memref<16xf32, #tpu.memory_space<vmem>>[vector<16xi32>], vector<16xf32>,
        %gather3A_811 = tpu.vector_load_idx %arg63[%get3A_788] : memref<16xf32, #tpu.memory_space<vmem>>[vector<16xi32>], vector<16xf32>,
        %gather3A_812 = tpu.vector_load_idx %arg64[%get3A_788] : memref<16xf32, #tpu.memory_space<vmem>>[vector<16xi32>], vector<16xf32>,
        %gather3A_813 = tpu.vector_load_idx %arg65[%get3A_788] : memref<16xf32, #tpu.memory_space<vmem>>[vector<16xi32>], vector<16xf32>,
        %gather3A_814 = tpu.vector_load_idx %arg66[%get3A_788] : memref<16xf32, #tpu.memory_space<vmem>>[vector<16xi32>], vector<16xf32>,
        %mul3A_815 = arith.mulf %gather3A_811, %gather3A_794 : vector<16xf32>
        %mul3A_816 = arith.mulf %gather3A_808, %gather3A_791 : vector<16xf32>
        %sub3A_817 = arith.subf %mul3A_815, %mul3A_816 : vector<16xf32>
        %mul3A_818 = arith.mulf %gather3A_809, %gather3A_792 : vector<16xf32>
        %sub3A_819 = arith.subf %sub3A_817, %mul3A_818 : vector<16xf32>
        %mul3A_820 = arith.mulf %gather3A_810, %gather3A_793 : vector<16xf32>
        %sub3A_821 = arith.subf %sub3A_819, %mul3A_820 : vector<16xf32>
        %mul3A_822 = arith.mulf %gather3A_811, %gather3A_791 : vector<16xf32>
        %mul3A_823 = arith.mulf %gather3A_808, %gather3A_794 : vector<16xf32>
        %add3A_824 = arith.addf %mul3A_822, %mul3A_823 : vector<16xf32>
        %mul3A_825 = arith.mulf %gather3A_809, %gather3A_793 : vector<16xf32>
        %add3A_826 = arith.addf %add3A_824, %mul3A_825 : vector<16xf32>
        %mul3A_827 = arith.mulf %gather3A_810, %gather3A_792 : vector<16xf32>
        %sub3A_828 = arith.subf %add3A_826, %mul3A_827 : vector<16xf32>
        %mul3A_829 = arith.mulf %gather3A_811, %gather3A_792 : vector<16xf32>
        %mul3A_830 = arith.mulf %gather3A_808, %gather3A_793 : vector<16xf32>
        %sub3A_831 = arith.subf %mul3A_829, %mul3A_830 : vector<16xf32>
        %mul3A_832 = arith.mulf %gather3A_809, %gather3A_794 : vector<16xf32>
        %add3A_833 = arith.addf %sub3A_831, %mul3A_832 : vector<16xf32>
        %mul3A_834 = arith.mulf %gather3A_810, %gather3A_791 : vector<16xf32>
        %add3A_835 = arith.addf %add3A_833, %mul3A_834 : vector<16xf32>
        %mul3A_836 = arith.mulf %gather3A_811, %gather3A_793 : vector<16xf32>
        %mul3A_837 = arith.mulf %gather3A_808, %gather3A_792 : vector<16xf32>
        %add3A_838 = arith.addf %mul3A_836, %mul3A_837 : vector<16xf32>
        %mul3A_839 = arith.mulf %gather3A_809, %gather3A_791 : vector<16xf32>
        %sub3A_840 = arith.subf %add3A_838, %mul3A_839 : vector<16xf32>
        %mul3A_841 = arith.mulf %gather3A_810, %gather3A_794 : vector<16xf32>
        %add3A_842 = arith.addf %sub3A_840, %mul3A_841 : vector<16xf32>
        %add3A_843 = arith.addf %gather3A_812, %gather3A_795 : vector<16xf32>
        %add3A_844 = arith.addf %gather3A_813, %gather3A_796 : vector<16xf32>
        %add3A_845 = arith.addf %gather3A_814, %gather3A_797 : vector<16xf32>
        %mul3A_846 = arith.mulf %add3A_844, %gather3A_793 : vector<16xf32>
        %mul3A_847 = arith.mulf %add3A_845, %gather3A_792 : vector<16xf32>
        %sub3A_848 = arith.subf %mul3A_846, %mul3A_847 : vector<16xf32>
        %mul3A_849 = arith.mulf %add3A_845, %gather3A_791 : vector<16xf32>
        %mul3A_850 = arith.mulf %add3A_843, %gather3A_793 : vector<16xf32>
        %sub3A_851 = arith.subf %mul3A_849, %mul3A_850 : vector<16xf32>
        %mul3A_852 = arith.mulf %add3A_843, %gather3A_792 : vector<16xf32>
        %mul3A_853 = arith.mulf %add3A_844, %gather3A_791 : vector<16xf32>
        %sub3A_854 = arith.subf %mul3A_852, %mul3A_853 : vector<16xf32>
        %mul3A_855 = arith.constant 2.000000e+00 : f32
        %mul3A_856 = vector.broadcast %mul3A_855 : f32 to vector<16xf32>
        %mul3A_857 = arith.mulf %mul3A_856, %sub3A_848 : vector<16xf32>
        %mul3A_858 = arith.constant 2.000000e+00 : f32
        %mul3A_859 = vector.broadcast %mul3A_858 : f32 to vector<16xf32>
        %mul3A_860 = arith.mulf %mul3A_859, %sub3A_851 : vector<16xf32>
        %mul3A_861 = arith.constant 2.000000e+00 : f32
        %mul3A_862 = vector.broadcast %mul3A_861 : f32 to vector<16xf32>
        %mul3A_863 = arith.mulf %mul3A_862, %sub3A_854 : vector<16xf32>
        %mul3A_864 = arith.mulf %mul3A_860, %gather3A_793 : vector<16xf32>
        %mul3A_865 = arith.mulf %mul3A_863, %gather3A_792 : vector<16xf32>
        %sub3A_866 = arith.subf %mul3A_864, %mul3A_865 : vector<16xf32>
        %mul3A_867 = arith.mulf %mul3A_863, %gather3A_791 : vector<16xf32>
        %mul3A_868 = arith.mulf %mul3A_857, %gather3A_793 : vector<16xf32>
        %sub3A_869 = arith.subf %mul3A_867, %mul3A_868 : vector<16xf32>
        %mul3A_870 = arith.mulf %mul3A_857, %gather3A_792 : vector<16xf32>
        %mul3A_871 = arith.mulf %mul3A_860, %gather3A_791 : vector<16xf32>
        %sub3A_872 = arith.subf %mul3A_870, %mul3A_871 : vector<16xf32>
        %mul3A_873 = arith.mulf %gather3A_794, %mul3A_857 : vector<16xf32>
        %add3A_874 = arith.addf %add3A_843, %mul3A_873 : vector<16xf32>
        %add3A_875 = arith.addf %add3A_874, %sub3A_866 : vector<16xf32>
        %mul3A_876 = arith.mulf %gather3A_794, %mul3A_860 : vector<16xf32>
        %add3A_877 = arith.addf %add3A_844, %mul3A_876 : vector<16xf32>
        %add3A_878 = arith.addf %add3A_877, %sub3A_869 : vector<16xf32>
        %mul3A_879 = arith.mulf %gather3A_794, %mul3A_863 : vector<16xf32>
        %add3A_880 = arith.addf %add3A_845, %mul3A_879 : vector<16xf32>
        %add3A_881 = arith.addf %add3A_880, %sub3A_872 : vector<16xf32>
        %mul3A_882 = arith.mulf %get3A_805, %add3A_842 : vector<16xf32>
        %mul3A_883 = arith.mulf %get3A_807, %add3A_835 : vector<16xf32>
        %sub3A_884 = arith.subf %mul3A_882, %mul3A_883 : vector<16xf32>
        %mul3A_885 = arith.mulf %get3A_807, %sub3A_828 : vector<16xf32>
        %mul3A_886 = arith.mulf %get3A_803, %add3A_842 : vector<16xf32>
        %sub3A_887 = arith.subf %mul3A_885, %mul3A_886 : vector<16xf32>
        %mul3A_888 = arith.mulf %get3A_803, %add3A_835 : vector<16xf32>
        %mul3A_889 = arith.mulf %get3A_805, %sub3A_828 : vector<16xf32>
        %sub3A_890 = arith.subf %mul3A_888, %mul3A_889 : vector<16xf32>
        %mul3A_891 = arith.constant 2.000000e+00 : f32
        %mul3A_892 = vector.broadcast %mul3A_891 : f32 to vector<16xf32>
        %mul3A_893 = arith.mulf %mul3A_892, %sub3A_884 : vector<16xf32>
        %mul3A_894 = arith.constant 2.000000e+00 : f32
        %mul3A_895 = vector.broadcast %mul3A_894 : f32 to vector<16xf32>
        %mul3A_896 = arith.mulf %mul3A_895, %sub3A_887 : vector<16xf32>
        %mul3A_897 = arith.constant 2.000000e+00 : f32
        %mul3A_898 = vector.broadcast %mul3A_897 : f32 to vector<16xf32>
        %mul3A_899 = arith.mulf %mul3A_898, %sub3A_890 : vector<16xf32>
        %mul3A_900 = arith.mulf %mul3A_896, %add3A_842 : vector<16xf32>
        %mul3A_901 = arith.mulf %mul3A_899, %add3A_835 : vector<16xf32>
        %sub3A_902 = arith.subf %mul3A_900, %mul3A_901 : vector<16xf32>
        %mul3A_903 = arith.mulf %mul3A_899, %sub3A_828 : vector<16xf32>
        %mul3A_904 = arith.mulf %mul3A_893, %add3A_842 : vector<16xf32>
        %sub3A_905 = arith.subf %mul3A_903, %mul3A_904 : vector<16xf32>
        %mul3A_906 = arith.mulf %mul3A_893, %add3A_835 : vector<16xf32>
        %mul3A_907 = arith.mulf %mul3A_896, %sub3A_828 : vector<16xf32>
        %sub3A_908 = arith.subf %mul3A_906, %mul3A_907 : vector<16xf32>
        %mul3A_909 = arith.mulf %sub3A_821, %mul3A_893 : vector<16xf32>
        %add3A_910 = arith.addf %get3A_803, %mul3A_909 : vector<16xf32>
        %add3A_911 = arith.addf %add3A_910, %sub3A_902 : vector<16xf32>
        %mul3A_912 = arith.mulf %sub3A_821, %mul3A_896 : vector<16xf32>
        %add3A_913 = arith.addf %get3A_805, %mul3A_912 : vector<16xf32>
        %add3A_914 = arith.addf %add3A_913, %sub3A_905 : vector<16xf32>
        %mul3A_915 = arith.mulf %sub3A_821, %mul3A_899 : vector<16xf32>
        %add3A_916 = arith.addf %get3A_807, %mul3A_915 : vector<16xf32>
        %add3A_917 = arith.addf %add3A_916, %sub3A_908 : vector<16xf32>
        %add3A_918 = arith.addf %gather3A_799, %add3A_875 : vector<16xf32>
        %mul3A_919 = arith.mulf %get3A_790, %add3A_911 : vector<16xf32>
        %sub3A_920 = arith.subf %add3A_918, %mul3A_919 : vector<16xf32>
        %mul3A_921 = arith.mulf %gather3A_798, %sub3A_920 : vector<16xf32>
        %swap3A_922 = arith.index_cast %mul3A_785 : i32 to index
        %swap3A_923 = tpu.vector_load %arg33[%swap3A_922] {strides = array<i32>} : memref<640xf32, #tpu.memory_space<vmem>>, vector<16xf32>,
        tpu.vector_store %arg33[%swap3A_922], %mul3A_921 {strides = array<i32>} : memref<640xf32, #tpu.memory_space<vmem>>, vector<16xf32>,
        %add3A_924 = arith.addf %gather3A_800, %add3A_878 : vector<16xf32>
        %mul3A_925 = arith.mulf %get3A_790, %add3A_914 : vector<16xf32>
        %sub3A_926 = arith.subf %add3A_924, %mul3A_925 : vector<16xf32>
        %mul3A_927 = arith.mulf %gather3A_798, %sub3A_926 : vector<16xf32>
        %swap3A_928 = arith.index_cast %mul3A_785 : i32 to index
        %swap3A_929 = tpu.vector_load %arg34[%swap3A_928] {strides = array<i32>} : memref<640xf32, #tpu.memory_space<vmem>>, vector<16xf32>,
        tpu.vector_store %arg34[%swap3A_928], %mul3A_927 {strides = array<i32>} : memref<640xf32, #tpu.memory_space<vmem>>, vector<16xf32>,
        %add3A_930 = arith.addf %gather3A_801, %add3A_881 : vector<16xf32>
        %mul3A_931 = arith.mulf %get3A_790, %add3A_917 : vector<16xf32>
        %sub3A_932 = arith.subf %add3A_930, %mul3A_931 : vector<16xf32>
        %mul3A_933 = arith.mulf %gather3A_798, %sub3A_932 : vector<16xf32>
        %swap3A_934 = arith.index_cast %mul3A_785 : i32 to index
        %swap3A_935 = tpu.vector_load %arg35[%swap3A_934] {strides = array<i32>} : memref<640xf32, #tpu.memory_space<vmem>>, vector<16xf32>,
        tpu.vector_store %arg35[%swap3A_934], %mul3A_933 {strides = array<i32>} : memref<640xf32, #tpu.memory_space<vmem>>, vector<16xf32>,
      }
      %scan3A_588 = arith.constant 40 : i32
      %mul3A_589 = arith.constant 32 : i32
      %mul3A_590 = arith.muli %mul3A_431, %mul3A_589 : i32
      %add3A_591 = arith.addi %add3A, %mul3A_590 : i32
      %mul3A_592 = arith.constant 640 : i32
      %mul3A_593 = arith.muli %add3A_591, %mul3A_592 : i32
      %dma_start3A_594 = tpu.memref_slice %arg21[%mul3A_593] : memref<2000000xf32, #tpu.memory_space<hbm>> -> memref<640xf32, #tpu.memory_space<hbm>>
      %dma_start3A_595 = tpu.memref_slice %arg21[%mul3A_593] : memref<2000000xf32, #tpu.memory_space<hbm>> -> memref<640xf32, #tpu.memory_space<hbm>>
      tpu.enqueue_dma source(%arg33 : memref<640xf32, #tpu.memory_space<vmem>>) target(%dma_start3A_595 : memref<640xf32, #tpu.memory_space<hbm>>) target_semaphore(%arg39 : memref<!tpu.dma_semaphore, #tpu.memory_space<semaphore_mem>>)
      %dma_start3A_596 = tpu.memref_slice %arg22[%mul3A_593] : memref<2000000xf32, #tpu.memory_space<hbm>> -> memref<640xf32, #tpu.memory_space<hbm>>
      %dma_start3A_597 = tpu.memref_slice %arg22[%mul3A_593] : memref<2000000xf32, #tpu.memory_space<hbm>> -> memref<640xf32, #tpu.memory_space<hbm>>
      tpu.enqueue_dma source(%arg34 : memref<640xf32, #tpu.memory_space<vmem>>) target(%dma_start3A_597 : memref<640xf32, #tpu.memory_space<hbm>>) target_semaphore(%arg39 : memref<!tpu.dma_semaphore, #tpu.memory_space<semaphore_mem>>)
      %dma_start3A_598 = tpu.memref_slice %arg23[%mul3A_593] : memref<2000000xf32, #tpu.memory_space<hbm>> -> memref<640xf32, #tpu.memory_space<hbm>>
      %dma_start3A_599 = tpu.memref_slice %arg23[%mul3A_593] : memref<2000000xf32, #tpu.memory_space<hbm>> -> memref<640xf32, #tpu.memory_space<hbm>>
      tpu.enqueue_dma source(%arg35 : memref<640xf32, #tpu.memory_space<vmem>>) target(%dma_start3A_599 : memref<640xf32, #tpu.memory_space<hbm>>) target_semaphore(%arg39 : memref<!tpu.dma_semaphore, #tpu.memory_space<semaphore_mem>>)
      %add3A_600 = arith.constant 2 : i32
      %add3A_601 = arith.addi %mul3A_431, %add3A_600 : i32
      %lt3A_602 = arith.cmpi slt, %add3A_601, %select_n3A : i32
      %convert_element_type3A_603 = arith.extui %lt3A_602 : i1 to i32
      %cond3A_604 = arith.constant 0 : i32
      %cond3A_605 = arith.cmpi ne, %convert_element_type3A_603, %cond3A_604 : i32
      scf.if %cond3A_605 {
        %add3A_783 = arith.constant 2 : i32
        %add3A_784 = arith.addi %mul3A_431, %add3A_783 : i32
        %mul3A_785 = arith.constant 32 : i32
        %mul3A_786 = arith.muli %add3A_784, %mul3A_785 : i32
        %add3A_787 = arith.addi %add3A, %mul3A_786 : i32
        %mul3A_788 = arith.constant 640 : i32
        %mul3A_789 = arith.muli %add3A_787, %mul3A_788 : i32
        %dma_start3A_790 = tpu.memref_slice %arg2[%mul3A_789] : memref<2000000xf32, #tpu.memory_space<hbm>> -> memref<640xf32, #tpu.memory_space<hbm>>
        %dma_start3A_791 = tpu.memref_slice %arg2[%mul3A_789] : memref<2000000xf32, #tpu.memory_space<hbm>> -> memref<640xf32, #tpu.memory_space<hbm>>
        tpu.enqueue_dma source(%dma_start3A_791 : memref<640xf32, #tpu.memory_space<hbm>>) target(%arg28 : memref<640xf32, #tpu.memory_space<vmem>>) target_semaphore(%arg37 : memref<!tpu.dma_semaphore, #tpu.memory_space<semaphore_mem>>)
        %dma_start3A_792 = tpu.memref_slice %arg3[%mul3A_789] : memref<2000000xf32, #tpu.memory_space<hbm>> -> memref<640xf32, #tpu.memory_space<hbm>>
        %dma_start3A_793 = tpu.memref_slice %arg3[%mul3A_789] : memref<2000000xf32, #tpu.memory_space<hbm>> -> memref<640xf32, #tpu.memory_space<hbm>>
        tpu.enqueue_dma source(%dma_start3A_793 : memref<640xf32, #tpu.memory_space<hbm>>) target(%arg29 : memref<640xf32, #tpu.memory_space<vmem>>) target_semaphore(%arg37 : memref<!tpu.dma_semaphore, #tpu.memory_space<semaphore_mem>>)
        %dma_start3A_794 = tpu.memref_slice %arg4[%mul3A_789] : memref<2000000xf32, #tpu.memory_space<hbm>> -> memref<640xf32, #tpu.memory_space<hbm>>
        %dma_start3A_795 = tpu.memref_slice %arg4[%mul3A_789] : memref<2000000xf32, #tpu.memory_space<hbm>> -> memref<640xf32, #tpu.memory_space<hbm>>
        tpu.enqueue_dma source(%dma_start3A_795 : memref<640xf32, #tpu.memory_space<hbm>>) target(%arg30 : memref<640xf32, #tpu.memory_space<vmem>>) target_semaphore(%arg37 : memref<!tpu.dma_semaphore, #tpu.memory_space<semaphore_mem>>)
        %dma_start3A_796 = tpu.memref_slice %arg8[%mul3A_789] : memref<2000000xf32, #tpu.memory_space<hbm>> -> memref<640xf32, #tpu.memory_space<hbm>>
        %dma_start3A_797 = tpu.memref_slice %arg8[%mul3A_789] : memref<2000000xf32, #tpu.memory_space<hbm>> -> memref<640xf32, #tpu.memory_space<hbm>>
        tpu.enqueue_dma source(%dma_start3A_797 : memref<640xf32, #tpu.memory_space<hbm>>) target(%arg27 : memref<640xf32, #tpu.memory_space<vmem>>) target_semaphore(%arg37 : memref<!tpu.dma_semaphore, #tpu.memory_space<semaphore_mem>>)
        %dma_start3A_798 = tpu.memref_slice %arg6[%mul3A_789] : memref<2000000xi32, #tpu.memory_space<hbm>> -> memref<640xi32, #tpu.memory_space<hbm>>
        %dma_start3A_799 = tpu.memref_slice %arg6[%mul3A_789] : memref<2000000xi32, #tpu.memory_space<hbm>> -> memref<640xi32, #tpu.memory_space<hbm>>
        tpu.enqueue_dma source(%dma_start3A_799 : memref<640xi32, #tpu.memory_space<hbm>>) target(%arg26 : memref<640xi32, #tpu.memory_space<vmem>>) target_semaphore(%arg37 : memref<!tpu.dma_semaphore, #tpu.memory_space<semaphore_mem>>)
      } else {
      }
      %add3A_606 = arith.constant 1 : i32
      %add3A_607 = arith.addi %mul3A_431, %add3A_606 : i32
      %add3A_608 = arith.constant 1 : i32
      %add3A_609 = arith.addi %add3A_607, %add3A_608 : i32
      %lt3A_610 = arith.cmpi slt, %add3A_609, %select_n3A : i32
      %convert_element_type3A_611 = arith.extui %lt3A_610 : i1 to i32
      %cond3A_612 = arith.constant 0 : i32
      %cond3A_613 = arith.cmpi ne, %convert_element_type3A_611, %cond3A_612 : i32
      scf.if %cond3A_613 {
        %add3A_783 = arith.constant 1 : i32
        %add3A_784 = arith.addi %add3A_607, %add3A_783 : i32
        %mul3A_785 = arith.constant 32 : i32
        %mul3A_786 = arith.muli %add3A_784, %mul3A_785 : i32
        %add3A_787 = arith.addi %add3A, %mul3A_786 : i32
        %mul3A_788 = arith.constant 640 : i32
        %mul3A_789 = arith.muli %add3A_787, %mul3A_788 : i32
        %dma_wait3A_790 = tpu.memref_slice %arg5[%mul3A_789] : memref<2000000xi32, #tpu.memory_space<hbm>> -> memref<640xi32, #tpu.memory_space<hbm>>
        %dma_wait3A_791 = tpu.memref_slice %arg5[%mul3A_789] : memref<2000000xi32, #tpu.memory_space<hbm>> -> memref<640xi32, #tpu.memory_space<hbm>>
        tpu.wait_dma2 semaphore(%arg36 : memref<!tpu.dma_semaphore, #tpu.memory_space<semaphore_mem>>) src(%dma_wait3A_791 : memref<640xi32, #tpu.memory_space<hbm>>) dst(%arg24 : memref<640xi32, #tpu.memory_space<vmem>>)
        %dma_wait3A_792 = tpu.memref_slice %arg7[%mul3A_789] : memref<2000000xi32, #tpu.memory_space<hbm>> -> memref<640xi32, #tpu.memory_space<hbm>>
        %dma_wait3A_793 = tpu.memref_slice %arg7[%mul3A_789] : memref<2000000xi32, #tpu.memory_space<hbm>> -> memref<640xi32, #tpu.memory_space<hbm>>
        tpu.wait_dma2 semaphore(%arg36 : memref<!tpu.dma_semaphore, #tpu.memory_space<semaphore_mem>>) src(%dma_wait3A_793 : memref<640xi32, #tpu.memory_space<hbm>>) dst(%arg25 : memref<640xi32, #tpu.memory_space<vmem>>)
        %add3A_794 = arith.constant 1 : i32
        %add3A_795 = arith.addi %add3A_607, %add3A_794 : i32
        %dma_start3A_796 = arith.constant 0 : i32
        %dma_start3A_797 = arith.constant 0 : i32
        %dma_start3A_798 = tpu.memref_slice %arg31[%dma_start3A_796, %dma_start3A_797] : memref<640x8xf32, #tpu.memory_space<vmem>> -> memref<128x8xf32, #tpu.memory_space<vmem>>
        %dma_start3A_799 = arith.constant 0 : i32
        %dma_start3A_800 = tpu.memref_slice %arg24[%dma_start3A_799] : memref<640xi32, #tpu.memory_space<vmem>> -> memref<128xi32, #tpu.memory_space<vmem>>
        %dma_start3A_801 = arith.constant 0 : i32
        %dma_start3A_802 = arith.constant 0 : i32
        %dma_start3A_803 = tpu.memref_slice %arg56[%arg0, %dma_start3A_801, %dma_start3A_802] : memref<2x50176x8xf32, #tpu.memory_space<hbm>> -> memref<1x50176x8xf32, #tpu.memory_space<hbm>>
        %dma_start3A_804 = tpu.memref_squeeze %dma_start3A_803 : memref<1x50176x8xf32, #tpu.memory_space<hbm>> -> memref<50176x8xf32, #tpu.memory_space<hbm>>
        %dma_start3A_805 = arith.constant 0 : i32
        %dma_start3A_806 = arith.constant 0 : i32
        %dma_start3A_807 = tpu.memref_slice %dma_start3A_804[%dma_start3A_805, %dma_start3A_806] : memref<50176x8xf32, #tpu.memory_space<hbm>> -> memref<50176x8xf32, #tpu.memory_space<hbm>>
        tpu.enqueue_indirect_dma source(%dma_start3A_807 : memref<50176x8xf32, #tpu.memory_space<hbm>>) target(%dma_start3A_798 : memref<128x8xf32, #tpu.memory_space<vmem>>) offsets(%dma_start3A_800 : memref<128xi32, #tpu.memory_space<vmem>>) semaphore(%arg38 : memref<!tpu.dma_semaphore, #tpu.memory_space<semaphore_mem>>)
        %dma_start3A_808 = arith.constant 0 : i32
        %dma_start3A_809 = arith.constant 0 : i32
        %dma_start3A_810 = tpu.memref_slice %arg32[%dma_start3A_808, %dma_start3A_809] : memref<640x8xf32, #tpu.memory_space<vmem>> -> memref<128x8xf32, #tpu.memory_space<vmem>>
        %dma_start3A_811 = arith.constant 0 : i32
        %dma_start3A_812 = tpu.memref_slice %arg25[%dma_start3A_811] : memref<640xi32, #tpu.memory_space<vmem>> -> memref<128xi32, #tpu.memory_space<vmem>>
        %dma_start3A_813 = arith.constant 0 : i32
        %dma_start3A_814 = arith.constant 0 : i32
        %dma_start3A_815 = tpu.memref_slice %arg57[%arg0, %dma_start3A_813, %dma_start3A_814] : memref<2x500480x8xf32, #tpu.memory_space<hbm>> -> memref<1x500480x8xf32, #tpu.memory_space<hbm>>
        %dma_start3A_816 = tpu.memref_squeeze %dma_start3A_815 : memref<1x500480x8xf32, #tpu.memory_space<hbm>> -> memref<500480x8xf32, #tpu.memory_space<hbm>>
        %dma_start3A_817 = arith.constant 0 : i32
        %dma_start3A_818 = arith.constant 0 : i32
        %dma_start3A_819 = tpu.memref_slice %dma_start3A_816[%dma_start3A_817, %dma_start3A_818] : memref<500480x8xf32, #tpu.memory_space<hbm>> -> memref<500480x8xf32, #tpu.memory_space<hbm>>
        tpu.enqueue_indirect_dma source(%dma_start3A_819 : memref<500480x8xf32, #tpu.memory_space<hbm>>) target(%dma_start3A_810 : memref<128x8xf32, #tpu.memory_space<vmem>>) offsets(%dma_start3A_812 : memref<128xi32, #tpu.memory_space<vmem>>) semaphore(%arg38 : memref<!tpu.dma_semaphore, #tpu.memory_space<semaphore_mem>>)
        %dma_start3A_820 = arith.constant 128 : i32
        %dma_start3A_821 = arith.constant 0 : i32
        %dma_start3A_822 = tpu.memref_slice %arg31[%dma_start3A_820, %dma_start3A_821] : memref<640x8xf32, #tpu.memory_space<vmem>> -> memref<128x8xf32, #tpu.memory_space<vmem>>
        %dma_start3A_823 = arith.constant 128 : i32
        %dma_start3A_824 = tpu.memref_slice %arg24[%dma_start3A_823] : memref<640xi32, #tpu.memory_space<vmem>> -> memref<128xi32, #tpu.memory_space<vmem>>
        %dma_start3A_825 = arith.constant 0 : i32
        %dma_start3A_826 = arith.constant 0 : i32
        %dma_start3A_827 = tpu.memref_slice %arg56[%arg0, %dma_start3A_825, %dma_start3A_826] : memref<2x50176x8xf32, #tpu.memory_space<hbm>> -> memref<1x50176x8xf32, #tpu.memory_space<hbm>>
        %dma_start3A_828 = tpu.memref_squeeze %dma_start3A_827 : memref<1x50176x8xf32, #tpu.memory_space<hbm>> -> memref<50176x8xf32, #tpu.memory_space<hbm>>
        %dma_start3A_829 = arith.constant 0 : i32
        %dma_start3A_830 = arith.constant 0 : i32
        %dma_start3A_831 = tpu.memref_slice %dma_start3A_828[%dma_start3A_829, %dma_start3A_830] : memref<50176x8xf32, #tpu.memory_space<hbm>> -> memref<50176x8xf32, #tpu.memory_space<hbm>>
        tpu.enqueue_indirect_dma source(%dma_start3A_831 : memref<50176x8xf32, #tpu.memory_space<hbm>>) target(%dma_start3A_822 : memref<128x8xf32, #tpu.memory_space<vmem>>) offsets(%dma_start3A_824 : memref<128xi32, #tpu.memory_space<vmem>>) semaphore(%arg38 : memref<!tpu.dma_semaphore, #tpu.memory_space<semaphore_mem>>)
        %dma_start3A_832 = arith.constant 128 : i32
        %dma_start3A_833 = arith.constant 0 : i32
        %dma_start3A_834 = tpu.memref_slice %arg32[%dma_start3A_832, %dma_start3A_833] : memref<640x8xf32, #tpu.memory_space<vmem>> -> memref<128x8xf32, #tpu.memory_space<vmem>>
        %dma_start3A_835 = arith.constant 128 : i32
        %dma_start3A_836 = tpu.memref_slice %arg25[%dma_start3A_835] : memref<640xi32, #tpu.memory_space<vmem>> -> memref<128xi32, #tpu.memory_space<vmem>>
        %dma_start3A_837 = arith.constant 0 : i32
        %dma_start3A_838 = arith.constant 0 : i32
        %dma_start3A_839 = tpu.memref_slice %arg57[%arg0, %dma_start3A_837, %dma_start3A_838] : memref<2x500480x8xf32, #tpu.memory_space<hbm>> -> memref<1x500480x8xf32, #tpu.memory_space<hbm>>
        %dma_start3A_840 = tpu.memref_squeeze %dma_start3A_839 : memref<1x500480x8xf32, #tpu.memory_space<hbm>> -> memref<500480x8xf32, #tpu.memory_space<hbm>>
        %dma_start3A_841 = arith.constant 0 : i32
        %dma_start3A_842 = arith.constant 0 : i32
        %dma_start3A_843 = tpu.memref_slice %dma_start3A_840[%dma_start3A_841, %dma_start3A_842] : memref<500480x8xf32, #tpu.memory_space<hbm>> -> memref<500480x8xf32, #tpu.memory_space<hbm>>
        tpu.enqueue_indirect_dma source(%dma_start3A_843 : memref<500480x8xf32, #tpu.memory_space<hbm>>) target(%dma_start3A_834 : memref<128x8xf32, #tpu.memory_space<vmem>>) offsets(%dma_start3A_836 : memref<128xi32, #tpu.memory_space<vmem>>) semaphore(%arg38 : memref<!tpu.dma_semaphore, #tpu.memory_space<semaphore_mem>>)
        %dma_start3A_844 = arith.constant 256 : i32
        %dma_start3A_845 = arith.constant 0 : i32
        %dma_start3A_846 = tpu.memref_slice %arg31[%dma_start3A_844, %dma_start3A_845] : memref<640x8xf32, #tpu.memory_space<vmem>> -> memref<128x8xf32, #tpu.memory_space<vmem>>
        %dma_start3A_847 = arith.constant 256 : i32
        %dma_start3A_848 = tpu.memref_slice %arg24[%dma_start3A_847] : memref<640xi32, #tpu.memory_space<vmem>> -> memref<128xi32, #tpu.memory_space<vmem>>
        %dma_start3A_849 = arith.constant 0 : i32
        %dma_start3A_850 = arith.constant 0 : i32
        %dma_start3A_851 = tpu.memref_slice %arg56[%arg0, %dma_start3A_849, %dma_start3A_850] : memref<2x50176x8xf32, #tpu.memory_space<hbm>> -> memref<1x50176x8xf32, #tpu.memory_space<hbm>>
        %dma_start3A_852 = tpu.memref_squeeze %dma_start3A_851 : memref<1x50176x8xf32, #tpu.memory_space<hbm>> -> memref<50176x8xf32, #tpu.memory_space<hbm>>
        %dma_start3A_853 = arith.constant 0 : i32
        %dma_start3A_854 = arith.constant 0 : i32
        %dma_start3A_855 = tpu.memref_slice %dma_start3A_852[%dma_start3A_853, %dma_start3A_854] : memref<50176x8xf32, #tpu.memory_space<hbm>> -> memref<50176x8xf32, #tpu.memory_space<hbm>>
        tpu.enqueue_indirect_dma source(%dma_start3A_855 : memref<50176x8xf32, #tpu.memory_space<hbm>>) target(%dma_start3A_846 : memref<128x8xf32, #tpu.memory_space<vmem>>) offsets(%dma_start3A_848 : memref<128xi32, #tpu.memory_space<vmem>>) semaphore(%arg38 : memref<!tpu.dma_semaphore, #tpu.memory_space<semaphore_mem>>)
        %dma_start3A_856 = arith.constant 256 : i32
        %dma_start3A_857 = arith.constant 0 : i32
        %dma_start3A_858 = tpu.memref_slice %arg32[%dma_start3A_856, %dma_start3A_857] : memref<640x8xf32, #tpu.memory_space<vmem>> -> memref<128x8xf32, #tpu.memory_space<vmem>>
        %dma_start3A_859 = arith.constant 256 : i32
        %dma_start3A_860 = tpu.memref_slice %arg25[%dma_start3A_859] : memref<640xi32, #tpu.memory_space<vmem>> -> memref<128xi32, #tpu.memory_space<vmem>>
        %dma_start3A_861 = arith.constant 0 : i32
        %dma_start3A_862 = arith.constant 0 : i32
        %dma_start3A_863 = tpu.memref_slice %arg57[%arg0, %dma_start3A_861, %dma_start3A_862] : memref<2x500480x8xf32, #tpu.memory_space<hbm>> -> memref<1x500480x8xf32, #tpu.memory_space<hbm>>
        %dma_start3A_864 = tpu.memref_squeeze %dma_start3A_863 : memref<1x500480x8xf32, #tpu.memory_space<hbm>> -> memref<500480x8xf32, #tpu.memory_space<hbm>>
        %dma_start3A_865 = arith.constant 0 : i32
        %dma_start3A_866 = arith.constant 0 : i32
        %dma_start3A_867 = tpu.memref_slice %dma_start3A_864[%dma_start3A_865, %dma_start3A_866] : memref<500480x8xf32, #tpu.memory_space<hbm>> -> memref<500480x8xf32, #tpu.memory_space<hbm>>
        tpu.enqueue_indirect_dma source(%dma_start3A_867 : memref<500480x8xf32, #tpu.memory_space<hbm>>) target(%dma_start3A_858 : memref<128x8xf32, #tpu.memory_space<vmem>>) offsets(%dma_start3A_860 : memref<128xi32, #tpu.memory_space<vmem>>) semaphore(%arg38 : memref<!tpu.dma_semaphore, #tpu.memory_space<semaphore_mem>>)
        %dma_start3A_868 = arith.constant 384 : i32
        %dma_start3A_869 = arith.constant 0 : i32
        %dma_start3A_870 = tpu.memref_slice %arg31[%dma_start3A_868, %dma_start3A_869] : memref<640x8xf32, #tpu.memory_space<vmem>> -> memref<128x8xf32, #tpu.memory_space<vmem>>
        %dma_start3A_871 = arith.constant 384 : i32
        %dma_start3A_872 = tpu.memref_slice %arg24[%dma_start3A_871] : memref<640xi32, #tpu.memory_space<vmem>> -> memref<128xi32, #tpu.memory_space<vmem>>
        %dma_start3A_873 = arith.constant 0 : i32
        %dma_start3A_874 = arith.constant 0 : i32
        %dma_start3A_875 = tpu.memref_slice %arg56[%arg0, %dma_start3A_873, %dma_start3A_874] : memref<2x50176x8xf32, #tpu.memory_space<hbm>> -> memref<1x50176x8xf32, #tpu.memory_space<hbm>>
        %dma_start3A_876 = tpu.memref_squeeze %dma_start3A_875 : memref<1x50176x8xf32, #tpu.memory_space<hbm>> -> memref<50176x8xf32, #tpu.memory_space<hbm>>
        %dma_start3A_877 = arith.constant 0 : i32
        %dma_start3A_878 = arith.constant 0 : i32
        %dma_start3A_879 = tpu.memref_slice %dma_start3A_876[%dma_start3A_877, %dma_start3A_878] : memref<50176x8xf32, #tpu.memory_space<hbm>> -> memref<50176x8xf32, #tpu.memory_space<hbm>>
        tpu.enqueue_indirect_dma source(%dma_start3A_879 : memref<50176x8xf32, #tpu.memory_space<hbm>>) target(%dma_start3A_870 : memref<128x8xf32, #tpu.memory_space<vmem>>) offsets(%dma_start3A_872 : memref<128xi32, #tpu.memory_space<vmem>>) semaphore(%arg38 : memref<!tpu.dma_semaphore, #tpu.memory_space<semaphore_mem>>)
        %dma_start3A_880 = arith.constant 384 : i32
        %dma_start3A_881 = arith.constant 0 : i32
        %dma_start3A_882 = tpu.memref_slice %arg32[%dma_start3A_880, %dma_start3A_881] : memref<640x8xf32, #tpu.memory_space<vmem>> -> memref<128x8xf32, #tpu.memory_space<vmem>>
        %dma_start3A_883 = arith.constant 384 : i32
        %dma_start3A_884 = tpu.memref_slice %arg25[%dma_start3A_883] : memref<640xi32, #tpu.memory_space<vmem>> -> memref<128xi32, #tpu.memory_space<vmem>>
        %dma_start3A_885 = arith.constant 0 : i32
        %dma_start3A_886 = arith.constant 0 : i32
        %dma_start3A_887 = tpu.memref_slice %arg57[%arg0, %dma_start3A_885, %dma_start3A_886] : memref<2x500480x8xf32, #tpu.memory_space<hbm>> -> memref<1x500480x8xf32, #tpu.memory_space<hbm>>
        %dma_start3A_888 = tpu.memref_squeeze %dma_start3A_887 : memref<1x500480x8xf32, #tpu.memory_space<hbm>> -> memref<500480x8xf32, #tpu.memory_space<hbm>>
        %dma_start3A_889 = arith.constant 0 : i32
        %dma_start3A_890 = arith.constant 0 : i32
        %dma_start3A_891 = tpu.memref_slice %dma_start3A_888[%dma_start3A_889, %dma_start3A_890] : memref<500480x8xf32, #tpu.memory_space<hbm>> -> memref<500480x8xf32, #tpu.memory_space<hbm>>
        tpu.enqueue_indirect_dma source(%dma_start3A_891 : memref<500480x8xf32, #tpu.memory_space<hbm>>) target(%dma_start3A_882 : memref<128x8xf32, #tpu.memory_space<vmem>>) offsets(%dma_start3A_884 : memref<128xi32, #tpu.memory_space<vmem>>) semaphore(%arg38 : memref<!tpu.dma_semaphore, #tpu.memory_space<semaphore_mem>>)
        %dma_start3A_892 = arith.constant 512 : i32
        %dma_start3A_893 = arith.constant 0 : i32
        %dma_start3A_894 = tpu.memref_slice %arg31[%dma_start3A_892, %dma_start3A_893] : memref<640x8xf32, #tpu.memory_space<vmem>> -> memref<128x8xf32, #tpu.memory_space<vmem>>
        %dma_start3A_895 = arith.constant 512 : i32
        %dma_start3A_896 = tpu.memref_slice %arg24[%dma_start3A_895] : memref<640xi32, #tpu.memory_space<vmem>> -> memref<128xi32, #tpu.memory_space<vmem>>
        %dma_start3A_897 = arith.constant 0 : i32
        %dma_start3A_898 = arith.constant 0 : i32
        %dma_start3A_899 = tpu.memref_slice %arg56[%arg0, %dma_start3A_897, %dma_start3A_898] : memref<2x50176x8xf32, #tpu.memory_space<hbm>> -> memref<1x50176x8xf32, #tpu.memory_space<hbm>>
        %dma_start3A_900 = tpu.memref_squeeze %dma_start3A_899 : memref<1x50176x8xf32, #tpu.memory_space<hbm>> -> memref<50176x8xf32, #tpu.memory_space<hbm>>
        %dma_start3A_901 = arith.constant 0 : i32
        %dma_start3A_902 = arith.constant 0 : i32
        %dma_start3A_903 = tpu.memref_slice %dma_start3A_900[%dma_start3A_901, %dma_start3A_902] : memref<50176x8xf32, #tpu.memory_space<hbm>> -> memref<50176x8xf32, #tpu.memory_space<hbm>>
        tpu.enqueue_indirect_dma source(%dma_start3A_903 : memref<50176x8xf32, #tpu.memory_space<hbm>>) target(%dma_start3A_894 : memref<128x8xf32, #tpu.memory_space<vmem>>) offsets(%dma_start3A_896 : memref<128xi32, #tpu.memory_space<vmem>>) semaphore(%arg38 : memref<!tpu.dma_semaphore, #tpu.memory_space<semaphore_mem>>)
        %dma_start3A_904 = arith.constant 512 : i32
        %dma_start3A_905 = arith.constant 0 : i32
        %dma_start3A_906 = tpu.memref_slice %arg32[%dma_start3A_904, %dma_start3A_905] : memref<640x8xf32, #tpu.memory_space<vmem>> -> memref<128x8xf32, #tpu.memory_space<vmem>>
        %dma_start3A_907 = arith.constant 512 : i32
        %dma_start3A_908 = tpu.memref_slice %arg25[%dma_start3A_907] : memref<640xi32, #tpu.memory_space<vmem>> -> memref<128xi32, #tpu.memory_space<vmem>>
        %dma_start3A_909 = arith.constant 0 : i32
        %dma_start3A_910 = arith.constant 0 : i32
        %dma_start3A_911 = tpu.memref_slice %arg57[%arg0, %dma_start3A_909, %dma_start3A_910] : memref<2x500480x8xf32, #tpu.memory_space<hbm>> -> memref<1x500480x8xf32, #tpu.memory_space<hbm>>
        %dma_start3A_912 = tpu.memref_squeeze %dma_start3A_911 : memref<1x500480x8xf32, #tpu.memory_space<hbm>> -> memref<500480x8xf32, #tpu.memory_space<hbm>>
        %dma_start3A_913 = arith.constant 0 : i32
        %dma_start3A_914 = arith.constant 0 : i32
        %dma_start3A_915 = tpu.memref_slice %dma_start3A_912[%dma_start3A_913, %dma_start3A_914] : memref<500480x8xf32, #tpu.memory_space<hbm>> -> memref<500480x8xf32, #tpu.memory_space<hbm>>
        tpu.enqueue_indirect_dma source(%dma_start3A_915 : memref<500480x8xf32, #tpu.memory_space<hbm>>) target(%dma_start3A_906 : memref<128x8xf32, #tpu.memory_space<vmem>>) offsets(%dma_start3A_908 : memref<128xi32, #tpu.memory_space<vmem>>) semaphore(%arg38 : memref<!tpu.dma_semaphore, #tpu.memory_space<semaphore_mem>>)
      } else {
      }
      %dma_wait3A_614 = arith.constant 0 : i32
      %dma_wait3A_615 = arith.constant 0 : i32
      %dma_wait3A_616 = tpu.memref_slice %arg47[%dma_wait3A_614, %dma_wait3A_615] : memref<640x8xf32, #tpu.memory_space<vmem>> -> memref<128x8xf32, #tpu.memory_space<vmem>>
      %dma_wait3A_617 = arith.constant 0 : i32
      %dma_wait3A_618 = tpu.memref_slice %arg40[%dma_wait3A_617] : memref<640xi32, #tpu.memory_space<vmem>> -> memref<128xi32, #tpu.memory_space<vmem>>
      %dma_wait3A_619 = arith.constant 0 : i32
      %dma_wait3A_620 = arith.constant 0 : i32
      %dma_wait3A_621 = tpu.memref_slice %arg56[%arg0, %dma_wait3A_619, %dma_wait3A_620] : memref<2x50176x8xf32, #tpu.memory_space<hbm>> -> memref<1x50176x8xf32, #tpu.memory_space<hbm>>
      %dma_wait3A_622 = tpu.memref_squeeze %dma_wait3A_621 : memref<1x50176x8xf32, #tpu.memory_space<hbm>> -> memref<50176x8xf32, #tpu.memory_space<hbm>>
      %dma_wait3A_623 = arith.constant 0 : i32
      %dma_wait3A_624 = arith.constant 0 : i32
      %dma_wait3A_625 = tpu.memref_slice %dma_wait3A_622[%dma_wait3A_623, %dma_wait3A_624] : memref<50176x8xf32, #tpu.memory_space<hbm>> -> memref<50176x8xf32, #tpu.memory_space<hbm>>
      tpu.wait_indirect_dma semaphore(%arg54 : memref<!tpu.dma_semaphore, #tpu.memory_space<semaphore_mem>>) src(%dma_wait3A_625 : memref<50176x8xf32, #tpu.memory_space<hbm>>) dst(%dma_wait3A_616 : memref<128x8xf32, #tpu.memory_space<vmem>>)
      %dma_wait3A_626 = arith.constant 0 : i32
      %dma_wait3A_627 = arith.constant 0 : i32
      %dma_wait3A_628 = tpu.memref_slice %arg48[%dma_wait3A_626, %dma_wait3A_627] : memref<640x8xf32, #tpu.memory_space<vmem>> -> memref<128x8xf32, #tpu.memory_space<vmem>>
      %dma_wait3A_629 = arith.constant 0 : i32
      %dma_wait3A_630 = tpu.memref_slice %arg41[%dma_wait3A_629] : memref<640xi32, #tpu.memory_space<vmem>> -> memref<128xi32, #tpu.memory_space<vmem>>
      %dma_wait3A_631 = arith.constant 0 : i32
      %dma_wait3A_632 = arith.constant 0 : i32
      %dma_wait3A_633 = tpu.memref_slice %arg57[%arg0, %dma_wait3A_631, %dma_wait3A_632] : memref<2x500480x8xf32, #tpu.memory_space<hbm>> -> memref<1x500480x8xf32, #tpu.memory_space<hbm>>
      %dma_wait3A_634 = tpu.memref_squeeze %dma_wait3A_633 : memref<1x500480x8xf32, #tpu.memory_space<hbm>> -> memref<500480x8xf32, #tpu.memory_space<hbm>>
      %dma_wait3A_635 = arith.constant 0 : i32
      %dma_wait3A_636 = arith.constant 0 : i32
      %dma_wait3A_637 = tpu.memref_slice %dma_wait3A_634[%dma_wait3A_635, %dma_wait3A_636] : memref<500480x8xf32, #tpu.memory_space<hbm>> -> memref<500480x8xf32, #tpu.memory_space<hbm>>
      tpu.wait_indirect_dma semaphore(%arg54 : memref<!tpu.dma_semaphore, #tpu.memory_space<semaphore_mem>>) src(%dma_wait3A_637 : memref<500480x8xf32, #tpu.memory_space<hbm>>) dst(%dma_wait3A_628 : memref<128x8xf32, #tpu.memory_space<vmem>>)
      %dma_wait3A_638 = arith.constant 128 : i32
      %dma_wait3A_639 = arith.constant 0 : i32
      %dma_wait3A_640 = tpu.memref_slice %arg47[%dma_wait3A_638, %dma_wait3A_639] : memref<640x8xf32, #tpu.memory_space<vmem>> -> memref<128x8xf32, #tpu.memory_space<vmem>>
      %dma_wait3A_641 = arith.constant 128 : i32
      %dma_wait3A_642 = tpu.memref_slice %arg40[%dma_wait3A_641] : memref<640xi32, #tpu.memory_space<vmem>> -> memref<128xi32, #tpu.memory_space<vmem>>
      %dma_wait3A_643 = arith.constant 0 : i32
      %dma_wait3A_644 = arith.constant 0 : i32
      %dma_wait3A_645 = tpu.memref_slice %arg56[%arg0, %dma_wait3A_643, %dma_wait3A_644] : memref<2x50176x8xf32, #tpu.memory_space<hbm>> -> memref<1x50176x8xf32, #tpu.memory_space<hbm>>
      %dma_wait3A_646 = tpu.memref_squeeze %dma_wait3A_645 : memref<1x50176x8xf32, #tpu.memory_space<hbm>> -> memref<50176x8xf32, #tpu.memory_space<hbm>>
      %dma_wait3A_647 = arith.constant 0 : i32
      %dma_wait3A_648 = arith.constant 0 : i32
      %dma_wait3A_649 = tpu.memref_slice %dma_wait3A_646[%dma_wait3A_647, %dma_wait3A_648] : memref<50176x8xf32, #tpu.memory_space<hbm>> -> memref<50176x8xf32, #tpu.memory_space<hbm>>
      tpu.wait_indirect_dma semaphore(%arg54 : memref<!tpu.dma_semaphore, #tpu.memory_space<semaphore_mem>>) src(%dma_wait3A_649 : memref<50176x8xf32, #tpu.memory_space<hbm>>) dst(%dma_wait3A_640 : memref<128x8xf32, #tpu.memory_space<vmem>>)
      %dma_wait3A_650 = arith.constant 128 : i32
      %dma_wait3A_651 = arith.constant 0 : i32
      %dma_wait3A_652 = tpu.memref_slice %arg48[%dma_wait3A_650, %dma_wait3A_651] : memref<640x8xf32, #tpu.memory_space<vmem>> -> memref<128x8xf32, #tpu.memory_space<vmem>>
      %dma_wait3A_653 = arith.constant 128 : i32
      %dma_wait3A_654 = tpu.memref_slice %arg41[%dma_wait3A_653] : memref<640xi32, #tpu.memory_space<vmem>> -> memref<128xi32, #tpu.memory_space<vmem>>
      %dma_wait3A_655 = arith.constant 0 : i32
      %dma_wait3A_656 = arith.constant 0 : i32
      %dma_wait3A_657 = tpu.memref_slice %arg57[%arg0, %dma_wait3A_655, %dma_wait3A_656] : memref<2x500480x8xf32, #tpu.memory_space<hbm>> -> memref<1x500480x8xf32, #tpu.memory_space<hbm>>
      %dma_wait3A_658 = tpu.memref_squeeze %dma_wait3A_657 : memref<1x500480x8xf32, #tpu.memory_space<hbm>> -> memref<500480x8xf32, #tpu.memory_space<hbm>>
      %dma_wait3A_659 = arith.constant 0 : i32
      %dma_wait3A_660 = arith.constant 0 : i32
      %dma_wait3A_661 = tpu.memref_slice %dma_wait3A_658[%dma_wait3A_659, %dma_wait3A_660] : memref<500480x8xf32, #tpu.memory_space<hbm>> -> memref<500480x8xf32, #tpu.memory_space<hbm>>
      tpu.wait_indirect_dma semaphore(%arg54 : memref<!tpu.dma_semaphore, #tpu.memory_space<semaphore_mem>>) src(%dma_wait3A_661 : memref<500480x8xf32, #tpu.memory_space<hbm>>) dst(%dma_wait3A_652 : memref<128x8xf32, #tpu.memory_space<vmem>>)
      %dma_wait3A_662 = arith.constant 256 : i32
      %dma_wait3A_663 = arith.constant 0 : i32
      %dma_wait3A_664 = tpu.memref_slice %arg47[%dma_wait3A_662, %dma_wait3A_663] : memref<640x8xf32, #tpu.memory_space<vmem>> -> memref<128x8xf32, #tpu.memory_space<vmem>>
      %dma_wait3A_665 = arith.constant 256 : i32
      %dma_wait3A_666 = tpu.memref_slice %arg40[%dma_wait3A_665] : memref<640xi32, #tpu.memory_space<vmem>> -> memref<128xi32, #tpu.memory_space<vmem>>
      %dma_wait3A_667 = arith.constant 0 : i32
      %dma_wait3A_668 = arith.constant 0 : i32
      %dma_wait3A_669 = tpu.memref_slice %arg56[%arg0, %dma_wait3A_667, %dma_wait3A_668] : memref<2x50176x8xf32, #tpu.memory_space<hbm>> -> memref<1x50176x8xf32, #tpu.memory_space<hbm>>
      %dma_wait3A_670 = tpu.memref_squeeze %dma_wait3A_669 : memref<1x50176x8xf32, #tpu.memory_space<hbm>> -> memref<50176x8xf32, #tpu.memory_space<hbm>>
      %dma_wait3A_671 = arith.constant 0 : i32
      %dma_wait3A_672 = arith.constant 0 : i32
      %dma_wait3A_673 = tpu.memref_slice %dma_wait3A_670[%dma_wait3A_671, %dma_wait3A_672] : memref<50176x8xf32, #tpu.memory_space<hbm>> -> memref<50176x8xf32, #tpu.memory_space<hbm>>
      tpu.wait_indirect_dma semaphore(%arg54 : memref<!tpu.dma_semaphore, #tpu.memory_space<semaphore_mem>>) src(%dma_wait3A_673 : memref<50176x8xf32, #tpu.memory_space<hbm>>) dst(%dma_wait3A_664 : memref<128x8xf32, #tpu.memory_space<vmem>>)
      %dma_wait3A_674 = arith.constant 256 : i32
      %dma_wait3A_675 = arith.constant 0 : i32
      %dma_wait3A_676 = tpu.memref_slice %arg48[%dma_wait3A_674, %dma_wait3A_675] : memref<640x8xf32, #tpu.memory_space<vmem>> -> memref<128x8xf32, #tpu.memory_space<vmem>>
      %dma_wait3A_677 = arith.constant 256 : i32
      %dma_wait3A_678 = tpu.memref_slice %arg41[%dma_wait3A_677] : memref<640xi32, #tpu.memory_space<vmem>> -> memref<128xi32, #tpu.memory_space<vmem>>
      %dma_wait3A_679 = arith.constant 0 : i32
      %dma_wait3A_680 = arith.constant 0 : i32
      %dma_wait3A_681 = tpu.memref_slice %arg57[%arg0, %dma_wait3A_679, %dma_wait3A_680] : memref<2x500480x8xf32, #tpu.memory_space<hbm>> -> memref<1x500480x8xf32, #tpu.memory_space<hbm>>
      %dma_wait3A_682 = tpu.memref_squeeze %dma_wait3A_681 : memref<1x500480x8xf32, #tpu.memory_space<hbm>> -> memref<500480x8xf32, #tpu.memory_space<hbm>>
      %dma_wait3A_683 = arith.constant 0 : i32
      %dma_wait3A_684 = arith.constant 0 : i32
      %dma_wait3A_685 = tpu.memref_slice %dma_wait3A_682[%dma_wait3A_683, %dma_wait3A_684] : memref<500480x8xf32, #tpu.memory_space<hbm>> -> memref<500480x8xf32, #tpu.memory_space<hbm>>
      tpu.wait_indirect_dma semaphore(%arg54 : memref<!tpu.dma_semaphore, #tpu.memory_space<semaphore_mem>>) src(%dma_wait3A_685 : memref<500480x8xf32, #tpu.memory_space<hbm>>) dst(%dma_wait3A_676 : memref<128x8xf32, #tpu.memory_space<vmem>>)
      %dma_wait3A_686 = arith.constant 384 : i32
      %dma_wait3A_687 = arith.constant 0 : i32
      %dma_wait3A_688 = tpu.memref_slice %arg47[%dma_wait3A_686, %dma_wait3A_687] : memref<640x8xf32, #tpu.memory_space<vmem>> -> memref<128x8xf32, #tpu.memory_space<vmem>>
      %dma_wait3A_689 = arith.constant 384 : i32
      %dma_wait3A_690 = tpu.memref_slice %arg40[%dma_wait3A_689] : memref<640xi32, #tpu.memory_space<vmem>> -> memref<128xi32, #tpu.memory_space<vmem>>
      %dma_wait3A_691 = arith.constant 0 : i32
      %dma_wait3A_692 = arith.constant 0 : i32
      %dma_wait3A_693 = tpu.memref_slice %arg56[%arg0, %dma_wait3A_691, %dma_wait3A_692] : memref<2x50176x8xf32, #tpu.memory_space<hbm>> -> memref<1x50176x8xf32, #tpu.memory_space<hbm>>
      %dma_wait3A_694 = tpu.memref_squeeze %dma_wait3A_693 : memref<1x50176x8xf32, #tpu.memory_space<hbm>> -> memref<50176x8xf32, #tpu.memory_space<hbm>>
      %dma_wait3A_695 = arith.constant 0 : i32
      %dma_wait3A_696 = arith.constant 0 : i32
      %dma_wait3A_697 = tpu.memref_slice %dma_wait3A_694[%dma_wait3A_695, %dma_wait3A_696] : memref<50176x8xf32, #tpu.memory_space<hbm>> -> memref<50176x8xf32, #tpu.memory_space<hbm>>
      tpu.wait_indirect_dma semaphore(%arg54 : memref<!tpu.dma_semaphore, #tpu.memory_space<semaphore_mem>>) src(%dma_wait3A_697 : memref<50176x8xf32, #tpu.memory_space<hbm>>) dst(%dma_wait3A_688 : memref<128x8xf32, #tpu.memory_space<vmem>>)
      %dma_wait3A_698 = arith.constant 384 : i32
      %dma_wait3A_699 = arith.constant 0 : i32
      %dma_wait3A_700 = tpu.memref_slice %arg48[%dma_wait3A_698, %dma_wait3A_699] : memref<640x8xf32, #tpu.memory_space<vmem>> -> memref<128x8xf32, #tpu.memory_space<vmem>>
      %dma_wait3A_701 = arith.constant 384 : i32
      %dma_wait3A_702 = tpu.memref_slice %arg41[%dma_wait3A_701] : memref<640xi32, #tpu.memory_space<vmem>> -> memref<128xi32, #tpu.memory_space<vmem>>
      %dma_wait3A_703 = arith.constant 0 : i32
      %dma_wait3A_704 = arith.constant 0 : i32
      %dma_wait3A_705 = tpu.memref_slice %arg57[%arg0, %dma_wait3A_703, %dma_wait3A_704] : memref<2x500480x8xf32, #tpu.memory_space<hbm>> -> memref<1x500480x8xf32, #tpu.memory_space<hbm>>
      %dma_wait3A_706 = tpu.memref_squeeze %dma_wait3A_705 : memref<1x500480x8xf32, #tpu.memory_space<hbm>> -> memref<500480x8xf32, #tpu.memory_space<hbm>>
      %dma_wait3A_707 = arith.constant 0 : i32
      %dma_wait3A_708 = arith.constant 0 : i32
      %dma_wait3A_709 = tpu.memref_slice %dma_wait3A_706[%dma_wait3A_707, %dma_wait3A_708] : memref<500480x8xf32, #tpu.memory_space<hbm>> -> memref<500480x8xf32, #tpu.memory_space<hbm>>
      tpu.wait_indirect_dma semaphore(%arg54 : memref<!tpu.dma_semaphore, #tpu.memory_space<semaphore_mem>>) src(%dma_wait3A_709 : memref<500480x8xf32, #tpu.memory_space<hbm>>) dst(%dma_wait3A_700 : memref<128x8xf32, #tpu.memory_space<vmem>>)
      %dma_wait3A_710 = arith.constant 512 : i32
      %dma_wait3A_711 = arith.constant 0 : i32
      %dma_wait3A_712 = tpu.memref_slice %arg47[%dma_wait3A_710, %dma_wait3A_711] : memref<640x8xf32, #tpu.memory_space<vmem>> -> memref<128x8xf32, #tpu.memory_space<vmem>>
      %dma_wait3A_713 = arith.constant 512 : i32
      %dma_wait3A_714 = tpu.memref_slice %arg40[%dma_wait3A_713] : memref<640xi32, #tpu.memory_space<vmem>> -> memref<128xi32, #tpu.memory_space<vmem>>
      %dma_wait3A_715 = arith.constant 0 : i32
      %dma_wait3A_716 = arith.constant 0 : i32
      %dma_wait3A_717 = tpu.memref_slice %arg56[%arg0, %dma_wait3A_715, %dma_wait3A_716] : memref<2x50176x8xf32, #tpu.memory_space<hbm>> -> memref<1x50176x8xf32, #tpu.memory_space<hbm>>
      %dma_wait3A_718 = tpu.memref_squeeze %dma_wait3A_717 : memref<1x50176x8xf32, #tpu.memory_space<hbm>> -> memref<50176x8xf32, #tpu.memory_space<hbm>>
      %dma_wait3A_719 = arith.constant 0 : i32
      %dma_wait3A_720 = arith.constant 0 : i32
      %dma_wait3A_721 = tpu.memref_slice %dma_wait3A_718[%dma_wait3A_719, %dma_wait3A_720] : memref<50176x8xf32, #tpu.memory_space<hbm>> -> memref<50176x8xf32, #tpu.memory_space<hbm>>
      tpu.wait_indirect_dma semaphore(%arg54 : memref<!tpu.dma_semaphore, #tpu.memory_space<semaphore_mem>>) src(%dma_wait3A_721 : memref<50176x8xf32, #tpu.memory_space<hbm>>) dst(%dma_wait3A_712 : memref<128x8xf32, #tpu.memory_space<vmem>>)
      %dma_wait3A_722 = arith.constant 512 : i32
      %dma_wait3A_723 = arith.constant 0 : i32
      %dma_wait3A_724 = tpu.memref_slice %arg48[%dma_wait3A_722, %dma_wait3A_723] : memref<640x8xf32, #tpu.memory_space<vmem>> -> memref<128x8xf32, #tpu.memory_space<vmem>>
      %dma_wait3A_725 = arith.constant 512 : i32
      %dma_wait3A_726 = tpu.memref_slice %arg41[%dma_wait3A_725] : memref<640xi32, #tpu.memory_space<vmem>> -> memref<128xi32, #tpu.memory_space<vmem>>
      %dma_wait3A_727 = arith.constant 0 : i32
      %dma_wait3A_728 = arith.constant 0 : i32
      %dma_wait3A_729 = tpu.memref_slice %arg57[%arg0, %dma_wait3A_727, %dma_wait3A_728] : memref<2x500480x8xf32, #tpu.memory_space<hbm>> -> memref<1x500480x8xf32, #tpu.memory_space<hbm>>
      %dma_wait3A_730 = tpu.memref_squeeze %dma_wait3A_729 : memref<1x500480x8xf32, #tpu.memory_space<hbm>> -> memref<500480x8xf32, #tpu.memory_space<hbm>>
      %dma_wait3A_731 = arith.constant 0 : i32
      %dma_wait3A_732 = arith.constant 0 : i32
      %dma_wait3A_733 = tpu.memref_slice %dma_wait3A_730[%dma_wait3A_731, %dma_wait3A_732] : memref<500480x8xf32, #tpu.memory_space<hbm>> -> memref<500480x8xf32, #tpu.memory_space<hbm>>
      tpu.wait_indirect_dma semaphore(%arg54 : memref<!tpu.dma_semaphore, #tpu.memory_space<semaphore_mem>>) src(%dma_wait3A_733 : memref<500480x8xf32, #tpu.memory_space<hbm>>) dst(%dma_wait3A_724 : memref<128x8xf32, #tpu.memory_space<vmem>>)
      %add3A_734 = arith.constant 2 : i32
      %add3A_735 = arith.addi %add3A_607, %add3A_734 : i32
      %lt3A_736 = arith.cmpi slt, %add3A_735, %select_n3A : i32
      %convert_element_type3A_737 = arith.extui %lt3A_736 : i1 to i32
      %cond3A_738 = arith.constant 0 : i32
      %cond3A_739 = arith.cmpi ne, %convert_element_type3A_737, %cond3A_738 : i32
      scf.if %cond3A_739 {
        %add3A_783 = arith.constant 2 : i32
        %add3A_784 = arith.addi %add3A_607, %add3A_783 : i32
        %mul3A_785 = arith.constant 32 : i32
        %mul3A_786 = arith.muli %add3A_784, %mul3A_785 : i32
        %add3A_787 = arith.addi %add3A, %mul3A_786 : i32
        %mul3A_788 = arith.constant 640 : i32
        %mul3A_789 = arith.muli %add3A_787, %mul3A_788 : i32
        %dma_start3A_790 = tpu.memref_slice %arg5[%mul3A_789] : memref<2000000xi32, #tpu.memory_space<hbm>> -> memref<640xi32, #tpu.memory_space<hbm>>
        %dma_start3A_791 = tpu.memref_slice %arg5[%mul3A_789] : memref<2000000xi32, #tpu.memory_space<hbm>> -> memref<640xi32, #tpu.memory_space<hbm>>
        tpu.enqueue_dma source(%dma_start3A_791 : memref<640xi32, #tpu.memory_space<hbm>>) target(%arg40 : memref<640xi32, #tpu.memory_space<vmem>>) target_semaphore(%arg52 : memref<!tpu.dma_semaphore, #tpu.memory_space<semaphore_mem>>)
        %dma_start3A_792 = tpu.memref_slice %arg7[%mul3A_789] : memref<2000000xi32, #tpu.memory_space<hbm>> -> memref<640xi32, #tpu.memory_space<hbm>>
        %dma_start3A_793 = tpu.memref_slice %arg7[%mul3A_789] : memref<2000000xi32, #tpu.memory_space<hbm>> -> memref<640xi32, #tpu.memory_space<hbm>>
        tpu.enqueue_dma source(%dma_start3A_793 : memref<640xi32, #tpu.memory_space<hbm>>) target(%arg41 : memref<640xi32, #tpu.memory_space<vmem>>) target_semaphore(%arg52 : memref<!tpu.dma_semaphore, #tpu.memory_space<semaphore_mem>>)
      } else {
      }
      %mul3A_740 = arith.constant 32 : i32
      %mul3A_741 = arith.muli %add3A_607, %mul3A_740 : i32
      %add3A_742 = arith.addi %add3A, %mul3A_741 : i32
      %mul3A_743 = arith.constant 640 : i32
      %mul3A_744 = arith.muli %add3A_742, %mul3A_743 : i32
      %dma_wait3A_745 = tpu.memref_slice %arg2[%mul3A_744] : memref<2000000xf32, #tpu.memory_space<hbm>> -> memref<640xf32, #tpu.memory_space<hbm>>
      %dma_wait3A_746 = tpu.memref_slice %arg2[%mul3A_744] : memref<2000000xf32, #tpu.memory_space<hbm>> -> memref<640xf32, #tpu.memory_space<hbm>>
      tpu.wait_dma2 semaphore(%arg53 : memref<!tpu.dma_semaphore, #tpu.memory_space<semaphore_mem>>) src(%dma_wait3A_746 : memref<640xf32, #tpu.memory_space<hbm>>) dst(%arg44 : memref<640xf32, #tpu.memory_space<vmem>>)
      %dma_wait3A_747 = tpu.memref_slice %arg3[%mul3A_744] : memref<2000000xf32, #tpu.memory_space<hbm>> -> memref<640xf32, #tpu.memory_space<hbm>>
      %dma_wait3A_748 = tpu.memref_slice %arg3[%mul3A_744] : memref<2000000xf32, #tpu.memory_space<hbm>> -> memref<640xf32, #tpu.memory_space<hbm>>
      tpu.wait_dma2 semaphore(%arg53 : memref<!tpu.dma_semaphore, #tpu.memory_space<semaphore_mem>>) src(%dma_wait3A_748 : memref<640xf32, #tpu.memory_space<hbm>>) dst(%arg45 : memref<640xf32, #tpu.memory_space<vmem>>)
      %dma_wait3A_749 = tpu.memref_slice %arg4[%mul3A_744] : memref<2000000xf32, #tpu.memory_space<hbm>> -> memref<640xf32, #tpu.memory_space<hbm>>
      %dma_wait3A_750 = tpu.memref_slice %arg4[%mul3A_744] : memref<2000000xf32, #tpu.memory_space<hbm>> -> memref<640xf32, #tpu.memory_space<hbm>>
      tpu.wait_dma2 semaphore(%arg53 : memref<!tpu.dma_semaphore, #tpu.memory_space<semaphore_mem>>) src(%dma_wait3A_750 : memref<640xf32, #tpu.memory_space<hbm>>) dst(%arg46 : memref<640xf32, #tpu.memory_space<vmem>>)
      %dma_wait3A_751 = tpu.memref_slice %arg8[%mul3A_744] : memref<2000000xf32, #tpu.memory_space<hbm>> -> memref<640xf32, #tpu.memory_space<hbm>>
      %dma_wait3A_752 = tpu.memref_slice %arg8[%mul3A_744] : memref<2000000xf32, #tpu.memory_space<hbm>> -> memref<640xf32, #tpu.memory_space<hbm>>
      tpu.wait_dma2 semaphore(%arg53 : memref<!tpu.dma_semaphore, #tpu.memory_space<semaphore_mem>>) src(%dma_wait3A_752 : memref<640xf32, #tpu.memory_space<hbm>>) dst(%arg43 : memref<640xf32, #tpu.memory_space<vmem>>)
      %dma_wait3A_753 = tpu.memref_slice %arg6[%mul3A_744] : memref<2000000xi32, #tpu.memory_space<hbm>> -> memref<640xi32, #tpu.memory_space<hbm>>
      %dma_wait3A_754 = tpu.memref_slice %arg6[%mul3A_744] : memref<2000000xi32, #tpu.memory_space<hbm>> -> memref<640xi32, #tpu.memory_space<hbm>>
      tpu.wait_dma2 semaphore(%arg53 : memref<!tpu.dma_semaphore, #tpu.memory_space<semaphore_mem>>) src(%dma_wait3A_754 : memref<640xi32, #tpu.memory_space<hbm>>) dst(%arg42 : memref<640xi32, #tpu.memory_space<vmem>>)
      %ge3A_755 = arith.constant 2 : i32
      %ge3A_756 = arith.cmpi sge, %add3A_607, %ge3A_755 : i32
      %convert_element_type3A_757 = arith.extui %ge3A_756 : i1 to i32
      %cond3A_758 = arith.constant 0 : i32
      %cond3A_759 = arith.cmpi ne, %convert_element_type3A_757, %cond3A_758 : i32
      scf.if %cond3A_759 {
        %sub3A_783 = arith.constant 2 : i32
        %sub3A_784 = arith.subi %add3A_607, %sub3A_783 : i32
        %mul3A_785 = arith.constant 32 : i32
        %mul3A_786 = arith.muli %sub3A_784, %mul3A_785 : i32
        %add3A_787 = arith.addi %add3A, %mul3A_786 : i32
        %mul3A_788 = arith.constant 640 : i32
        %mul3A_789 = arith.muli %add3A_787, %mul3A_788 : i32
        %dma_wait3A_790 = tpu.memref_slice %arg21[%mul3A_789] : memref<2000000xf32, #tpu.memory_space<hbm>> -> memref<640xf32, #tpu.memory_space<hbm>>
        %dma_wait3A_791 = tpu.memref_slice %arg21[%mul3A_789] : memref<2000000xf32, #tpu.memory_space<hbm>> -> memref<640xf32, #tpu.memory_space<hbm>>
        tpu.wait_dma2 semaphore(%arg55 : memref<!tpu.dma_semaphore, #tpu.memory_space<semaphore_mem>>) src(%arg49 : memref<640xf32, #tpu.memory_space<vmem>>) dst(%dma_wait3A_791 : memref<640xf32, #tpu.memory_space<hbm>>)
        %dma_wait3A_792 = tpu.memref_slice %arg22[%mul3A_789] : memref<2000000xf32, #tpu.memory_space<hbm>> -> memref<640xf32, #tpu.memory_space<hbm>>
        %dma_wait3A_793 = tpu.memref_slice %arg22[%mul3A_789] : memref<2000000xf32, #tpu.memory_space<hbm>> -> memref<640xf32, #tpu.memory_space<hbm>>
        tpu.wait_dma2 semaphore(%arg55 : memref<!tpu.dma_semaphore, #tpu.memory_space<semaphore_mem>>) src(%arg50 : memref<640xf32, #tpu.memory_space<vmem>>) dst(%dma_wait3A_793 : memref<640xf32, #tpu.memory_space<hbm>>)
        %dma_wait3A_794 = tpu.memref_slice %arg23[%mul3A_789] : memref<2000000xf32, #tpu.memory_space<hbm>> -> memref<640xf32, #tpu.memory_space<hbm>>
        %dma_wait3A_795 = tpu.memref_slice %arg23[%mul3A_789] : memref<2000000xf32, #tpu.memory_space<hbm>> -> memref<640xf32, #tpu.memory_space<hbm>>
        tpu.wait_dma2 semaphore(%arg55 : memref<!tpu.dma_semaphore, #tpu.memory_space<semaphore_mem>>) src(%arg51 : memref<640xf32, #tpu.memory_space<vmem>>) dst(%dma_wait3A_795 : memref<640xf32, #tpu.memory_space<hbm>>)
      } else {
      }
      %scan3A_760 = arith.constant 0 : i32
      %scan3A_761 = arith.constant 0 : i32
      %scan3A_762 = arith.constant 40 : i32
      %scan3A_763 = arith.addi %scan3A_761, %scan3A_762 : i32
      %scan3A_764 = arith.constant 1 : i32
      scf.for %scan3A_783 = %scan3A_761 to %scan3A_763 step %scan3A_764  : i32 {
        %mul3A_784 = arith.constant 16 : i32
        %mul3A_785 = arith.muli %scan3A_783, %mul3A_784 : i32
        %add3A_786 = vector.broadcast %mul3A_785 : i32 to vector<16xi32>
        %add3A_787 = arith.addi %add3A_786, %iota3A : vector<16xi32>
        %get3A = arith.index_cast %mul3A_785 : i32 to index
        %get3A_788 = tpu.vector_load %arg42[%get3A] {strides = array<i32>} : memref<640xi32, #tpu.memory_space<vmem>>, vector<16xi32>,
        %get3A_789 = arith.index_cast %mul3A_785 : i32 to index
        %get3A_790 = tpu.vector_load %arg43[%get3A_789] {strides = array<i32>} : memref<640xf32, #tpu.memory_space<vmem>>, vector<16xf32>,
        %gather3A_791 = tpu.vector_load_idx %arg47[%add3A_787, %broadcast_in_dim3A_23] : memref<640x8xf32, #tpu.memory_space<vmem>>[vector<16xi32>, vector<16xi32>], vector<16xf32>,
        %gather3A_792 = tpu.vector_load_idx %arg47[%add3A_787, %broadcast_in_dim3A_25] : memref<640x8xf32, #tpu.memory_space<vmem>>[vector<16xi32>, vector<16xi32>], vector<16xf32>,
        %gather3A_793 = tpu.vector_load_idx %arg47[%add3A_787, %broadcast_in_dim3A_27] : memref<640x8xf32, #tpu.memory_space<vmem>>[vector<16xi32>, vector<16xi32>], vector<16xf32>,
        %gather3A_794 = tpu.vector_load_idx %arg47[%add3A_787, %broadcast_in_dim3A_29] : memref<640x8xf32, #tpu.memory_space<vmem>>[vector<16xi32>, vector<16xi32>], vector<16xf32>,
        %gather3A_795 = tpu.vector_load_idx %arg47[%add3A_787, %broadcast_in_dim3A_31] : memref<640x8xf32, #tpu.memory_space<vmem>>[vector<16xi32>, vector<16xi32>], vector<16xf32>,
        %gather3A_796 = tpu.vector_load_idx %arg47[%add3A_787, %broadcast_in_dim3A_33] : memref<640x8xf32, #tpu.memory_space<vmem>>[vector<16xi32>, vector<16xi32>], vector<16xf32>,
        %gather3A_797 = tpu.vector_load_idx %arg47[%add3A_787, %broadcast_in_dim3A_35] : memref<640x8xf32, #tpu.memory_space<vmem>>[vector<16xi32>, vector<16xi32>], vector<16xf32>,
        %gather3A_798 = tpu.vector_load_idx %arg47[%add3A_787, %broadcast_in_dim3A_37] : memref<640x8xf32, #tpu.memory_space<vmem>>[vector<16xi32>, vector<16xi32>], vector<16xf32>,
        %gather3A_799 = tpu.vector_load_idx %arg48[%add3A_787, %broadcast_in_dim3A_23] : memref<640x8xf32, #tpu.memory_space<vmem>>[vector<16xi32>, vector<16xi32>], vector<16xf32>,
        %gather3A_800 = tpu.vector_load_idx %arg48[%add3A_787, %broadcast_in_dim3A_25] : memref<640x8xf32, #tpu.memory_space<vmem>>[vector<16xi32>, vector<16xi32>], vector<16xf32>,
        %gather3A_801 = tpu.vector_load_idx %arg48[%add3A_787, %broadcast_in_dim3A_27] : memref<640x8xf32, #tpu.memory_space<vmem>>[vector<16xi32>, vector<16xi32>], vector<16xf32>,
        %get3A_802 = arith.index_cast %mul3A_785 : i32 to index
        %get3A_803 = tpu.vector_load %arg44[%get3A_802] {strides = array<i32>} : memref<640xf32, #tpu.memory_space<vmem>>, vector<16xf32>,
        %get3A_804 = arith.index_cast %mul3A_785 : i32 to index
        %get3A_805 = tpu.vector_load %arg45[%get3A_804] {strides = array<i32>} : memref<640xf32, #tpu.memory_space<vmem>>, vector<16xf32>,
        %get3A_806 = arith.index_cast %mul3A_785 : i32 to index
        %get3A_807 = tpu.vector_load %arg46[%get3A_806] {strides = array<i32>} : memref<640xf32, #tpu.memory_space<vmem>>, vector<16xf32>,
        %gather3A_808 = tpu.vector_load_idx %arg60[%get3A_788] : memref<16xf32, #tpu.memory_space<vmem>>[vector<16xi32>], vector<16xf32>,
        %gather3A_809 = tpu.vector_load_idx %arg61[%get3A_788] : memref<16xf32, #tpu.memory_space<vmem>>[vector<16xi32>], vector<16xf32>,
        %gather3A_810 = tpu.vector_load_idx %arg62[%get3A_788] : memref<16xf32, #tpu.memory_space<vmem>>[vector<16xi32>], vector<16xf32>,
        %gather3A_811 = tpu.vector_load_idx %arg63[%get3A_788] : memref<16xf32, #tpu.memory_space<vmem>>[vector<16xi32>], vector<16xf32>,
        %gather3A_812 = tpu.vector_load_idx %arg64[%get3A_788] : memref<16xf32, #tpu.memory_space<vmem>>[vector<16xi32>], vector<16xf32>,
        %gather3A_813 = tpu.vector_load_idx %arg65[%get3A_788] : memref<16xf32, #tpu.memory_space<vmem>>[vector<16xi32>], vector<16xf32>,
        %gather3A_814 = tpu.vector_load_idx %arg66[%get3A_788] : memref<16xf32, #tpu.memory_space<vmem>>[vector<16xi32>], vector<16xf32>,
        %mul3A_815 = arith.mulf %gather3A_811, %gather3A_794 : vector<16xf32>
        %mul3A_816 = arith.mulf %gather3A_808, %gather3A_791 : vector<16xf32>
        %sub3A_817 = arith.subf %mul3A_815, %mul3A_816 : vector<16xf32>
        %mul3A_818 = arith.mulf %gather3A_809, %gather3A_792 : vector<16xf32>
        %sub3A_819 = arith.subf %sub3A_817, %mul3A_818 : vector<16xf32>
        %mul3A_820 = arith.mulf %gather3A_810, %gather3A_793 : vector<16xf32>
        %sub3A_821 = arith.subf %sub3A_819, %mul3A_820 : vector<16xf32>
        %mul3A_822 = arith.mulf %gather3A_811, %gather3A_791 : vector<16xf32>
        %mul3A_823 = arith.mulf %gather3A_808, %gather3A_794 : vector<16xf32>
        %add3A_824 = arith.addf %mul3A_822, %mul3A_823 : vector<16xf32>
        %mul3A_825 = arith.mulf %gather3A_809, %gather3A_793 : vector<16xf32>
        %add3A_826 = arith.addf %add3A_824, %mul3A_825 : vector<16xf32>
        %mul3A_827 = arith.mulf %gather3A_810, %gather3A_792 : vector<16xf32>
        %sub3A_828 = arith.subf %add3A_826, %mul3A_827 : vector<16xf32>
        %mul3A_829 = arith.mulf %gather3A_811, %gather3A_792 : vector<16xf32>
        %mul3A_830 = arith.mulf %gather3A_808, %gather3A_793 : vector<16xf32>
        %sub3A_831 = arith.subf %mul3A_829, %mul3A_830 : vector<16xf32>
        %mul3A_832 = arith.mulf %gather3A_809, %gather3A_794 : vector<16xf32>
        %add3A_833 = arith.addf %sub3A_831, %mul3A_832 : vector<16xf32>
        %mul3A_834 = arith.mulf %gather3A_810, %gather3A_791 : vector<16xf32>
        %add3A_835 = arith.addf %add3A_833, %mul3A_834 : vector<16xf32>
        %mul3A_836 = arith.mulf %gather3A_811, %gather3A_793 : vector<16xf32>
        %mul3A_837 = arith.mulf %gather3A_808, %gather3A_792 : vector<16xf32>
        %add3A_838 = arith.addf %mul3A_836, %mul3A_837 : vector<16xf32>
        %mul3A_839 = arith.mulf %gather3A_809, %gather3A_791 : vector<16xf32>
        %sub3A_840 = arith.subf %add3A_838, %mul3A_839 : vector<16xf32>
        %mul3A_841 = arith.mulf %gather3A_810, %gather3A_794 : vector<16xf32>
        %add3A_842 = arith.addf %sub3A_840, %mul3A_841 : vector<16xf32>
        %add3A_843 = arith.addf %gather3A_812, %gather3A_795 : vector<16xf32>
        %add3A_844 = arith.addf %gather3A_813, %gather3A_796 : vector<16xf32>
        %add3A_845 = arith.addf %gather3A_814, %gather3A_797 : vector<16xf32>
        %mul3A_846 = arith.mulf %add3A_844, %gather3A_793 : vector<16xf32>
        %mul3A_847 = arith.mulf %add3A_845, %gather3A_792 : vector<16xf32>
        %sub3A_848 = arith.subf %mul3A_846, %mul3A_847 : vector<16xf32>
        %mul3A_849 = arith.mulf %add3A_845, %gather3A_791 : vector<16xf32>
        %mul3A_850 = arith.mulf %add3A_843, %gather3A_793 : vector<16xf32>
        %sub3A_851 = arith.subf %mul3A_849, %mul3A_850 : vector<16xf32>
        %mul3A_852 = arith.mulf %add3A_843, %gather3A_792 : vector<16xf32>
        %mul3A_853 = arith.mulf %add3A_844, %gather3A_791 : vector<16xf32>
        %sub3A_854 = arith.subf %mul3A_852, %mul3A_853 : vector<16xf32>
        %mul3A_855 = arith.constant 2.000000e+00 : f32
        %mul3A_856 = vector.broadcast %mul3A_855 : f32 to vector<16xf32>
        %mul3A_857 = arith.mulf %mul3A_856, %sub3A_848 : vector<16xf32>
        %mul3A_858 = arith.constant 2.000000e+00 : f32
        %mul3A_859 = vector.broadcast %mul3A_858 : f32 to vector<16xf32>
        %mul3A_860 = arith.mulf %mul3A_859, %sub3A_851 : vector<16xf32>
        %mul3A_861 = arith.constant 2.000000e+00 : f32
        %mul3A_862 = vector.broadcast %mul3A_861 : f32 to vector<16xf32>
        %mul3A_863 = arith.mulf %mul3A_862, %sub3A_854 : vector<16xf32>
        %mul3A_864 = arith.mulf %mul3A_860, %gather3A_793 : vector<16xf32>
        %mul3A_865 = arith.mulf %mul3A_863, %gather3A_792 : vector<16xf32>
        %sub3A_866 = arith.subf %mul3A_864, %mul3A_865 : vector<16xf32>
        %mul3A_867 = arith.mulf %mul3A_863, %gather3A_791 : vector<16xf32>
        %mul3A_868 = arith.mulf %mul3A_857, %gather3A_793 : vector<16xf32>
        %sub3A_869 = arith.subf %mul3A_867, %mul3A_868 : vector<16xf32>
        %mul3A_870 = arith.mulf %mul3A_857, %gather3A_792 : vector<16xf32>
        %mul3A_871 = arith.mulf %mul3A_860, %gather3A_791 : vector<16xf32>
        %sub3A_872 = arith.subf %mul3A_870, %mul3A_871 : vector<16xf32>
        %mul3A_873 = arith.mulf %gather3A_794, %mul3A_857 : vector<16xf32>
        %add3A_874 = arith.addf %add3A_843, %mul3A_873 : vector<16xf32>
        %add3A_875 = arith.addf %add3A_874, %sub3A_866 : vector<16xf32>
        %mul3A_876 = arith.mulf %gather3A_794, %mul3A_860 : vector<16xf32>
        %add3A_877 = arith.addf %add3A_844, %mul3A_876 : vector<16xf32>
        %add3A_878 = arith.addf %add3A_877, %sub3A_869 : vector<16xf32>
        %mul3A_879 = arith.mulf %gather3A_794, %mul3A_863 : vector<16xf32>
        %add3A_880 = arith.addf %add3A_845, %mul3A_879 : vector<16xf32>
        %add3A_881 = arith.addf %add3A_880, %sub3A_872 : vector<16xf32>
        %mul3A_882 = arith.mulf %get3A_805, %add3A_842 : vector<16xf32>
        %mul3A_883 = arith.mulf %get3A_807, %add3A_835 : vector<16xf32>
        %sub3A_884 = arith.subf %mul3A_882, %mul3A_883 : vector<16xf32>
        %mul3A_885 = arith.mulf %get3A_807, %sub3A_828 : vector<16xf32>
        %mul3A_886 = arith.mulf %get3A_803, %add3A_842 : vector<16xf32>
        %sub3A_887 = arith.subf %mul3A_885, %mul3A_886 : vector<16xf32>
        %mul3A_888 = arith.mulf %get3A_803, %add3A_835 : vector<16xf32>
        %mul3A_889 = arith.mulf %get3A_805, %sub3A_828 : vector<16xf32>
        %sub3A_890 = arith.subf %mul3A_888, %mul3A_889 : vector<16xf32>
        %mul3A_891 = arith.constant 2.000000e+00 : f32
        %mul3A_892 = vector.broadcast %mul3A_891 : f32 to vector<16xf32>
        %mul3A_893 = arith.mulf %mul3A_892, %sub3A_884 : vector<16xf32>
        %mul3A_894 = arith.constant 2.000000e+00 : f32
        %mul3A_895 = vector.broadcast %mul3A_894 : f32 to vector<16xf32>
        %mul3A_896 = arith.mulf %mul3A_895, %sub3A_887 : vector<16xf32>
        %mul3A_897 = arith.constant 2.000000e+00 : f32
        %mul3A_898 = vector.broadcast %mul3A_897 : f32 to vector<16xf32>
        %mul3A_899 = arith.mulf %mul3A_898, %sub3A_890 : vector<16xf32>
        %mul3A_900 = arith.mulf %mul3A_896, %add3A_842 : vector<16xf32>
        %mul3A_901 = arith.mulf %mul3A_899, %add3A_835 : vector<16xf32>
        %sub3A_902 = arith.subf %mul3A_900, %mul3A_901 : vector<16xf32>
        %mul3A_903 = arith.mulf %mul3A_899, %sub3A_828 : vector<16xf32>
        %mul3A_904 = arith.mulf %mul3A_893, %add3A_842 : vector<16xf32>
        %sub3A_905 = arith.subf %mul3A_903, %mul3A_904 : vector<16xf32>
        %mul3A_906 = arith.mulf %mul3A_893, %add3A_835 : vector<16xf32>
        %mul3A_907 = arith.mulf %mul3A_896, %sub3A_828 : vector<16xf32>
        %sub3A_908 = arith.subf %mul3A_906, %mul3A_907 : vector<16xf32>
        %mul3A_909 = arith.mulf %sub3A_821, %mul3A_893 : vector<16xf32>
        %add3A_910 = arith.addf %get3A_803, %mul3A_909 : vector<16xf32>
        %add3A_911 = arith.addf %add3A_910, %sub3A_902 : vector<16xf32>
        %mul3A_912 = arith.mulf %sub3A_821, %mul3A_896 : vector<16xf32>
        %add3A_913 = arith.addf %get3A_805, %mul3A_912 : vector<16xf32>
        %add3A_914 = arith.addf %add3A_913, %sub3A_905 : vector<16xf32>
        %mul3A_915 = arith.mulf %sub3A_821, %mul3A_899 : vector<16xf32>
        %add3A_916 = arith.addf %get3A_807, %mul3A_915 : vector<16xf32>
        %add3A_917 = arith.addf %add3A_916, %sub3A_908 : vector<16xf32>
        %add3A_918 = arith.addf %gather3A_799, %add3A_875 : vector<16xf32>
        %mul3A_919 = arith.mulf %get3A_790, %add3A_911 : vector<16xf32>
        %sub3A_920 = arith.subf %add3A_918, %mul3A_919 : vector<16xf32>
        %mul3A_921 = arith.mulf %gather3A_798, %sub3A_920 : vector<16xf32>
        %swap3A_922 = arith.index_cast %mul3A_785 : i32 to index
        %swap3A_923 = tpu.vector_load %arg49[%swap3A_922] {strides = array<i32>} : memref<640xf32, #tpu.memory_space<vmem>>, vector<16xf32>,
        tpu.vector_store %arg49[%swap3A_922], %mul3A_921 {strides = array<i32>} : memref<640xf32, #tpu.memory_space<vmem>>, vector<16xf32>,
        %add3A_924 = arith.addf %gather3A_800, %add3A_878 : vector<16xf32>
        %mul3A_925 = arith.mulf %get3A_790, %add3A_914 : vector<16xf32>
        %sub3A_926 = arith.subf %add3A_924, %mul3A_925 : vector<16xf32>
        %mul3A_927 = arith.mulf %gather3A_798, %sub3A_926 : vector<16xf32>
        %swap3A_928 = arith.index_cast %mul3A_785 : i32 to index
        %swap3A_929 = tpu.vector_load %arg50[%swap3A_928] {strides = array<i32>} : memref<640xf32, #tpu.memory_space<vmem>>, vector<16xf32>,
        tpu.vector_store %arg50[%swap3A_928], %mul3A_927 {strides = array<i32>} : memref<640xf32, #tpu.memory_space<vmem>>, vector<16xf32>,
        %add3A_930 = arith.addf %gather3A_801, %add3A_881 : vector<16xf32>
        %mul3A_931 = arith.mulf %get3A_790, %add3A_917 : vector<16xf32>
        %sub3A_932 = arith.subf %add3A_930, %mul3A_931 : vector<16xf32>
        %mul3A_933 = arith.mulf %gather3A_798, %sub3A_932 : vector<16xf32>
        %swap3A_934 = arith.index_cast %mul3A_785 : i32 to index
        %swap3A_935 = tpu.vector_load %arg51[%swap3A_934] {strides = array<i32>} : memref<640xf32, #tpu.memory_space<vmem>>, vector<16xf32>,
        tpu.vector_store %arg51[%swap3A_934], %mul3A_933 {strides = array<i32>} : memref<640xf32, #tpu.memory_space<vmem>>, vector<16xf32>,
      }
      %scan3A_765 = arith.constant 40 : i32
      %mul3A_766 = arith.constant 32 : i32
      %mul3A_767 = arith.muli %add3A_607, %mul3A_766 : i32
      %add3A_768 = arith.addi %add3A, %mul3A_767 : i32
      %mul3A_769 = arith.constant 640 : i32
      %mul3A_770 = arith.muli %add3A_768, %mul3A_769 : i32
      %dma_start3A_771 = tpu.memref_slice %arg21[%mul3A_770] : memref<2000000xf32, #tpu.memory_space<hbm>> -> memref<640xf32, #tpu.memory_space<hbm>>
      %dma_start3A_772 = tpu.memref_slice %arg21[%mul3A_770] : memref<2000000xf32, #tpu.memory_space<hbm>> -> memref<640xf32, #tpu.memory_space<hbm>>
      tpu.enqueue_dma source(%arg49 : memref<640xf32, #tpu.memory_space<vmem>>) target(%dma_start3A_772 : memref<640xf32, #tpu.memory_space<hbm>>) target_semaphore(%arg55 : memref<!tpu.dma_semaphore, #tpu.memory_space<semaphore_mem>>)
      %dma_start3A_773 = tpu.memref_slice %arg22[%mul3A_770] : memref<2000000xf32, #tpu.memory_space<hbm>> -> memref<640xf32, #tpu.memory_space<hbm>>
      %dma_start3A_774 = tpu.memref_slice %arg22[%mul3A_770] : memref<2000000xf32, #tpu.memory_space<hbm>> -> memref<640xf32, #tpu.memory_space<hbm>>
      tpu.enqueue_dma source(%arg50 : memref<640xf32, #tpu.memory_space<vmem>>) target(%dma_start3A_774 : memref<640xf32, #tpu.memory_space<hbm>>) target_semaphore(%arg55 : memref<!tpu.dma_semaphore, #tpu.memory_space<semaphore_mem>>)
      %dma_start3A_775 = tpu.memref_slice %arg23[%mul3A_770] : memref<2000000xf32, #tpu.memory_space<hbm>> -> memref<640xf32, #tpu.memory_space<hbm>>
      %dma_start3A_776 = tpu.memref_slice %arg23[%mul3A_770] : memref<2000000xf32, #tpu.memory_space<hbm>> -> memref<640xf32, #tpu.memory_space<hbm>>
      tpu.enqueue_dma source(%arg51 : memref<640xf32, #tpu.memory_space<vmem>>) target(%dma_start3A_776 : memref<640xf32, #tpu.memory_space<hbm>>) target_semaphore(%arg55 : memref<!tpu.dma_semaphore, #tpu.memory_space<semaphore_mem>>)
      %add3A_777 = arith.constant 2 : i32
      %add3A_778 = arith.addi %add3A_607, %add3A_777 : i32
      %lt3A_779 = arith.cmpi slt, %add3A_778, %select_n3A : i32
      %convert_element_type3A_780 = arith.extui %lt3A_779 : i1 to i32
      %cond3A_781 = arith.constant 0 : i32
      %cond3A_782 = arith.cmpi ne, %convert_element_type3A_780, %cond3A_781 : i32
      scf.if %cond3A_782 {
        %add3A_783 = arith.constant 2 : i32
        %add3A_784 = arith.addi %add3A_607, %add3A_783 : i32
        %mul3A_785 = arith.constant 32 : i32
        %mul3A_786 = arith.muli %add3A_784, %mul3A_785 : i32
        %add3A_787 = arith.addi %add3A, %mul3A_786 : i32
        %mul3A_788 = arith.constant 640 : i32
        %mul3A_789 = arith.muli %add3A_787, %mul3A_788 : i32
        %dma_start3A_790 = tpu.memref_slice %arg2[%mul3A_789] : memref<2000000xf32, #tpu.memory_space<hbm>> -> memref<640xf32, #tpu.memory_space<hbm>>
        %dma_start3A_791 = tpu.memref_slice %arg2[%mul3A_789] : memref<2000000xf32, #tpu.memory_space<hbm>> -> memref<640xf32, #tpu.memory_space<hbm>>
        tpu.enqueue_dma source(%dma_start3A_791 : memref<640xf32, #tpu.memory_space<hbm>>) target(%arg44 : memref<640xf32, #tpu.memory_space<vmem>>) target_semaphore(%arg53 : memref<!tpu.dma_semaphore, #tpu.memory_space<semaphore_mem>>)
        %dma_start3A_792 = tpu.memref_slice %arg3[%mul3A_789] : memref<2000000xf32, #tpu.memory_space<hbm>> -> memref<640xf32, #tpu.memory_space<hbm>>
        %dma_start3A_793 = tpu.memref_slice %arg3[%mul3A_789] : memref<2000000xf32, #tpu.memory_space<hbm>> -> memref<640xf32, #tpu.memory_space<hbm>>
        tpu.enqueue_dma source(%dma_start3A_793 : memref<640xf32, #tpu.memory_space<hbm>>) target(%arg45 : memref<640xf32, #tpu.memory_space<vmem>>) target_semaphore(%arg53 : memref<!tpu.dma_semaphore, #tpu.memory_space<semaphore_mem>>)
        %dma_start3A_794 = tpu.memref_slice %arg4[%mul3A_789] : memref<2000000xf32, #tpu.memory_space<hbm>> -> memref<640xf32, #tpu.memory_space<hbm>>
        %dma_start3A_795 = tpu.memref_slice %arg4[%mul3A_789] : memref<2000000xf32, #tpu.memory_space<hbm>> -> memref<640xf32, #tpu.memory_space<hbm>>
        tpu.enqueue_dma source(%dma_start3A_795 : memref<640xf32, #tpu.memory_space<hbm>>) target(%arg46 : memref<640xf32, #tpu.memory_space<vmem>>) target_semaphore(%arg53 : memref<!tpu.dma_semaphore, #tpu.memory_space<semaphore_mem>>)
        %dma_start3A_796 = tpu.memref_slice %arg8[%mul3A_789] : memref<2000000xf32, #tpu.memory_space<hbm>> -> memref<640xf32, #tpu.memory_space<hbm>>
        %dma_start3A_797 = tpu.memref_slice %arg8[%mul3A_789] : memref<2000000xf32, #tpu.memory_space<hbm>> -> memref<640xf32, #tpu.memory_space<hbm>>
        tpu.enqueue_dma source(%dma_start3A_797 : memref<640xf32, #tpu.memory_space<hbm>>) target(%arg43 : memref<640xf32, #tpu.memory_space<vmem>>) target_semaphore(%arg53 : memref<!tpu.dma_semaphore, #tpu.memory_space<semaphore_mem>>)
        %dma_start3A_798 = tpu.memref_slice %arg6[%mul3A_789] : memref<2000000xi32, #tpu.memory_space<hbm>> -> memref<640xi32, #tpu.memory_space<hbm>>
        %dma_start3A_799 = tpu.memref_slice %arg6[%mul3A_789] : memref<2000000xi32, #tpu.memory_space<hbm>> -> memref<640xi32, #tpu.memory_space<hbm>>
        tpu.enqueue_dma source(%dma_start3A_799 : memref<640xi32, #tpu.memory_space<hbm>>) target(%arg42 : memref<640xi32, #tpu.memory_space<vmem>>) target_semaphore(%arg53 : memref<!tpu.dma_semaphore, #tpu.memory_space<semaphore_mem>>)
      } else {
      }
    }
    %while3A_391 = arith.constant 1 : i32
    scf.for %while3A_429 = %while3A_389 to %while3A_385 step %while3A_391  : i32 {
      %mul3A_430 = arith.constant 2 : i32
      %mul3A_431 = arith.muli %mul3A_430, %while3A_429 : i32
      %add3A_432 = arith.constant 1 : i32
      %add3A_433 = arith.addi %mul3A_431, %add3A_432 : i32
      %lt3A_434 = arith.cmpi slt, %add3A_433, %select_n3A : i32
      %convert_element_type3A_435 = arith.extui %lt3A_434 : i1 to i32
      %cond3A_436 = arith.constant 0 : i32
      %cond3A_437 = arith.cmpi ne, %convert_element_type3A_435, %cond3A_436 : i32
      scf.if %cond3A_437 {
        %add3A_783 = arith.constant 1 : i32
        %add3A_784 = arith.addi %mul3A_431, %add3A_783 : i32
        %mul3A_785 = arith.constant 32 : i32
        %mul3A_786 = arith.muli %add3A_784, %mul3A_785 : i32
        %add3A_787 = arith.addi %add3A, %mul3A_786 : i32
        %mul3A_788 = arith.constant 640 : i32
        %mul3A_789 = arith.muli %add3A_787, %mul3A_788 : i32
        %dma_wait3A_790 = tpu.memref_slice %arg5[%mul3A_789] : memref<2000000xi32, #tpu.memory_space<hbm>> -> memref<640xi32, #tpu.memory_space<hbm>>
        %dma_wait3A_791 = tpu.memref_slice %arg5[%mul3A_789] : memref<2000000xi32, #tpu.memory_space<hbm>> -> memref<640xi32, #tpu.memory_space<hbm>>
        tpu.wait_dma2 semaphore(%arg52 : memref<!tpu.dma_semaphore, #tpu.memory_space<semaphore_mem>>) src(%dma_wait3A_791 : memref<640xi32, #tpu.memory_space<hbm>>) dst(%arg40 : memref<640xi32, #tpu.memory_space<vmem>>)
        %dma_wait3A_792 = tpu.memref_slice %arg7[%mul3A_789] : memref<2000000xi32, #tpu.memory_space<hbm>> -> memref<640xi32, #tpu.memory_space<hbm>>
        %dma_wait3A_793 = tpu.memref_slice %arg7[%mul3A_789] : memref<2000000xi32, #tpu.memory_space<hbm>> -> memref<640xi32, #tpu.memory_space<hbm>>
        tpu.wait_dma2 semaphore(%arg52 : memref<!tpu.dma_semaphore, #tpu.memory_space<semaphore_mem>>) src(%dma_wait3A_793 : memref<640xi32, #tpu.memory_space<hbm>>) dst(%arg41 : memref<640xi32, #tpu.memory_space<vmem>>)
        %add3A_794 = arith.constant 1 : i32
        %add3A_795 = arith.addi %mul3A_431, %add3A_794 : i32
        %dma_start3A_796 = arith.constant 0 : i32
        %dma_start3A_797 = arith.constant 0 : i32
        %dma_start3A_798 = tpu.memref_slice %arg47[%dma_start3A_796, %dma_start3A_797] : memref<640x8xf32, #tpu.memory_space<vmem>> -> memref<128x8xf32, #tpu.memory_space<vmem>>
        %dma_start3A_799 = arith.constant 0 : i32
        %dma_start3A_800 = tpu.memref_slice %arg40[%dma_start3A_799] : memref<640xi32, #tpu.memory_space<vmem>> -> memref<128xi32, #tpu.memory_space<vmem>>
        %dma_start3A_801 = arith.constant 0 : i32
        %dma_start3A_802 = arith.constant 0 : i32
        %dma_start3A_803 = tpu.memref_slice %arg56[%arg0, %dma_start3A_801, %dma_start3A_802] : memref<2x50176x8xf32, #tpu.memory_space<hbm>> -> memref<1x50176x8xf32, #tpu.memory_space<hbm>>
        %dma_start3A_804 = tpu.memref_squeeze %dma_start3A_803 : memref<1x50176x8xf32, #tpu.memory_space<hbm>> -> memref<50176x8xf32, #tpu.memory_space<hbm>>
        %dma_start3A_805 = arith.constant 0 : i32
        %dma_start3A_806 = arith.constant 0 : i32
        %dma_start3A_807 = tpu.memref_slice %dma_start3A_804[%dma_start3A_805, %dma_start3A_806] : memref<50176x8xf32, #tpu.memory_space<hbm>> -> memref<50176x8xf32, #tpu.memory_space<hbm>>
        tpu.enqueue_indirect_dma source(%dma_start3A_807 : memref<50176x8xf32, #tpu.memory_space<hbm>>) target(%dma_start3A_798 : memref<128x8xf32, #tpu.memory_space<vmem>>) offsets(%dma_start3A_800 : memref<128xi32, #tpu.memory_space<vmem>>) semaphore(%arg54 : memref<!tpu.dma_semaphore, #tpu.memory_space<semaphore_mem>>)
        %dma_start3A_808 = arith.constant 0 : i32
        %dma_start3A_809 = arith.constant 0 : i32
        %dma_start3A_810 = tpu.memref_slice %arg48[%dma_start3A_808, %dma_start3A_809] : memref<640x8xf32, #tpu.memory_space<vmem>> -> memref<128x8xf32, #tpu.memory_space<vmem>>
        %dma_start3A_811 = arith.constant 0 : i32
        %dma_start3A_812 = tpu.memref_slice %arg41[%dma_start3A_811] : memref<640xi32, #tpu.memory_space<vmem>> -> memref<128xi32, #tpu.memory_space<vmem>>
        %dma_start3A_813 = arith.constant 0 : i32
        %dma_start3A_814 = arith.constant 0 : i32
        %dma_start3A_815 = tpu.memref_slice %arg57[%arg0, %dma_start3A_813, %dma_start3A_814] : memref<2x500480x8xf32, #tpu.memory_space<hbm>> -> memref<1x500480x8xf32, #tpu.memory_space<hbm>>
        %dma_start3A_816 = tpu.memref_squeeze %dma_start3A_815 : memref<1x500480x8xf32, #tpu.memory_space<hbm>> -> memref<500480x8xf32, #tpu.memory_space<hbm>>
        %dma_start3A_817 = arith.constant 0 : i32
        %dma_start3A_818 = arith.constant 0 : i32
        %dma_start3A_819 = tpu.memref_slice %dma_start3A_816[%dma_start3A_817, %dma_start3A_818] : memref<500480x8xf32, #tpu.memory_space<hbm>> -> memref<500480x8xf32, #tpu.memory_space<hbm>>
        tpu.enqueue_indirect_dma source(%dma_start3A_819 : memref<500480x8xf32, #tpu.memory_space<hbm>>) target(%dma_start3A_810 : memref<128x8xf32, #tpu.memory_space<vmem>>) offsets(%dma_start3A_812 : memref<128xi32, #tpu.memory_space<vmem>>) semaphore(%arg54 : memref<!tpu.dma_semaphore, #tpu.memory_space<semaphore_mem>>)
        %dma_start3A_820 = arith.constant 128 : i32
        %dma_start3A_821 = arith.constant 0 : i32
        %dma_start3A_822 = tpu.memref_slice %arg47[%dma_start3A_820, %dma_start3A_821] : memref<640x8xf32, #tpu.memory_space<vmem>> -> memref<128x8xf32, #tpu.memory_space<vmem>>
        %dma_start3A_823 = arith.constant 128 : i32
        %dma_start3A_824 = tpu.memref_slice %arg40[%dma_start3A_823] : memref<640xi32, #tpu.memory_space<vmem>> -> memref<128xi32, #tpu.memory_space<vmem>>
        %dma_start3A_825 = arith.constant 0 : i32
        %dma_start3A_826 = arith.constant 0 : i32
        %dma_start3A_827 = tpu.memref_slice %arg56[%arg0, %dma_start3A_825, %dma_start3A_826] : memref<2x50176x8xf32, #tpu.memory_space<hbm>> -> memref<1x50176x8xf32, #tpu.memory_space<hbm>>
        %dma_start3A_828 = tpu.memref_squeeze %dma_start3A_827 : memref<1x50176x8xf32, #tpu.memory_space<hbm>> -> memref<50176x8xf32, #tpu.memory_space<hbm>>
        %dma_start3A_829 = arith.constant 0 : i32
        %dma_start3A_830 = arith.constant 0 : i32
        %dma_start3A_831 = tpu.memref_slice %dma_start3A_828[%dma_start3A_829, %dma_start3A_830] : memref<50176x8xf32, #tpu.memory_space<hbm>> -> memref<50176x8xf32, #tpu.memory_space<hbm>>
        tpu.enqueue_indirect_dma source(%dma_start3A_831 : memref<50176x8xf32, #tpu.memory_space<hbm>>) target(%dma_start3A_822 : memref<128x8xf32, #tpu.memory_space<vmem>>) offsets(%dma_start3A_824 : memref<128xi32, #tpu.memory_space<vmem>>) semaphore(%arg54 : memref<!tpu.dma_semaphore, #tpu.memory_space<semaphore_mem>>)
        %dma_start3A_832 = arith.constant 128 : i32
        %dma_start3A_833 = arith.constant 0 : i32
        %dma_start3A_834 = tpu.memref_slice %arg48[%dma_start3A_832, %dma_start3A_833] : memref<640x8xf32, #tpu.memory_space<vmem>> -> memref<128x8xf32, #tpu.memory_space<vmem>>
        %dma_start3A_835 = arith.constant 128 : i32
        %dma_start3A_836 = tpu.memref_slice %arg41[%dma_start3A_835] : memref<640xi32, #tpu.memory_space<vmem>> -> memref<128xi32, #tpu.memory_space<vmem>>
        %dma_start3A_837 = arith.constant 0 : i32
        %dma_start3A_838 = arith.constant 0 : i32
        %dma_start3A_839 = tpu.memref_slice %arg57[%arg0, %dma_start3A_837, %dma_start3A_838] : memref<2x500480x8xf32, #tpu.memory_space<hbm>> -> memref<1x500480x8xf32, #tpu.memory_space<hbm>>
        %dma_start3A_840 = tpu.memref_squeeze %dma_start3A_839 : memref<1x500480x8xf32, #tpu.memory_space<hbm>> -> memref<500480x8xf32, #tpu.memory_space<hbm>>
        %dma_start3A_841 = arith.constant 0 : i32
        %dma_start3A_842 = arith.constant 0 : i32
        %dma_start3A_843 = tpu.memref_slice %dma_start3A_840[%dma_start3A_841, %dma_start3A_842] : memref<500480x8xf32, #tpu.memory_space<hbm>> -> memref<500480x8xf32, #tpu.memory_space<hbm>>
        tpu.enqueue_indirect_dma source(%dma_start3A_843 : memref<500480x8xf32, #tpu.memory_space<hbm>>) target(%dma_start3A_834 : memref<128x8xf32, #tpu.memory_space<vmem>>) offsets(%dma_start3A_836 : memref<128xi32, #tpu.memory_space<vmem>>) semaphore(%arg54 : memref<!tpu.dma_semaphore, #tpu.memory_space<semaphore_mem>>)
        %dma_start3A_844 = arith.constant 256 : i32
        %dma_start3A_845 = arith.constant 0 : i32
        %dma_start3A_846 = tpu.memref_slice %arg47[%dma_start3A_844, %dma_start3A_845] : memref<640x8xf32, #tpu.memory_space<vmem>> -> memref<128x8xf32, #tpu.memory_space<vmem>>
        %dma_start3A_847 = arith.constant 256 : i32
        %dma_start3A_848 = tpu.memref_slice %arg40[%dma_start3A_847] : memref<640xi32, #tpu.memory_space<vmem>> -> memref<128xi32, #tpu.memory_space<vmem>>
        %dma_start3A_849 = arith.constant 0 : i32
        %dma_start3A_850 = arith.constant 0 : i32
        %dma_start3A_851 = tpu.memref_slice %arg56[%arg0, %dma_start3A_849, %dma_start3A_850] : memref<2x50176x8xf32, #tpu.memory_space<hbm>> -> memref<1x50176x8xf32, #tpu.memory_space<hbm>>
        %dma_start3A_852 = tpu.memref_squeeze %dma_start3A_851 : memref<1x50176x8xf32, #tpu.memory_space<hbm>> -> memref<50176x8xf32, #tpu.memory_space<hbm>>
        %dma_start3A_853 = arith.constant 0 : i32
        %dma_start3A_854 = arith.constant 0 : i32
        %dma_start3A_855 = tpu.memref_slice %dma_start3A_852[%dma_start3A_853, %dma_start3A_854] : memref<50176x8xf32, #tpu.memory_space<hbm>> -> memref<50176x8xf32, #tpu.memory_space<hbm>>
        tpu.enqueue_indirect_dma source(%dma_start3A_855 : memref<50176x8xf32, #tpu.memory_space<hbm>>) target(%dma_start3A_846 : memref<128x8xf32, #tpu.memory_space<vmem>>) offsets(%dma_start3A_848 : memref<128xi32, #tpu.memory_space<vmem>>) semaphore(%arg54 : memref<!tpu.dma_semaphore, #tpu.memory_space<semaphore_mem>>)
        %dma_start3A_856 = arith.constant 256 : i32
        %dma_start3A_857 = arith.constant 0 : i32
        %dma_start3A_858 = tpu.memref_slice %arg48[%dma_start3A_856, %dma_start3A_857] : memref<640x8xf32, #tpu.memory_space<vmem>> -> memref<128x8xf32, #tpu.memory_space<vmem>>
        %dma_start3A_859 = arith.constant 256 : i32
        %dma_start3A_860 = tpu.memref_slice %arg41[%dma_start3A_859] : memref<640xi32, #tpu.memory_space<vmem>> -> memref<128xi32, #tpu.memory_space<vmem>>
        %dma_start3A_861 = arith.constant 0 : i32
        %dma_start3A_862 = arith.constant 0 : i32
        %dma_start3A_863 = tpu.memref_slice %arg57[%arg0, %dma_start3A_861, %dma_start3A_862] : memref<2x500480x8xf32, #tpu.memory_space<hbm>> -> memref<1x500480x8xf32, #tpu.memory_space<hbm>>
        %dma_start3A_864 = tpu.memref_squeeze %dma_start3A_863 : memref<1x500480x8xf32, #tpu.memory_space<hbm>> -> memref<500480x8xf32, #tpu.memory_space<hbm>>
        %dma_start3A_865 = arith.constant 0 : i32
        %dma_start3A_866 = arith.constant 0 : i32
        %dma_start3A_867 = tpu.memref_slice %dma_start3A_864[%dma_start3A_865, %dma_start3A_866] : memref<500480x8xf32, #tpu.memory_space<hbm>> -> memref<500480x8xf32, #tpu.memory_space<hbm>>
        tpu.enqueue_indirect_dma source(%dma_start3A_867 : memref<500480x8xf32, #tpu.memory_space<hbm>>) target(%dma_start3A_858 : memref<128x8xf32, #tpu.memory_space<vmem>>) offsets(%dma_start3A_860 : memref<128xi32, #tpu.memory_space<vmem>>) semaphore(%arg54 : memref<!tpu.dma_semaphore, #tpu.memory_space<semaphore_mem>>)
        %dma_start3A_868 = arith.constant 384 : i32
        %dma_start3A_869 = arith.constant 0 : i32
        %dma_start3A_870 = tpu.memref_slice %arg47[%dma_start3A_868, %dma_start3A_869] : memref<640x8xf32, #tpu.memory_space<vmem>> -> memref<128x8xf32, #tpu.memory_space<vmem>>
        %dma_start3A_871 = arith.constant 384 : i32
        %dma_start3A_872 = tpu.memref_slice %arg40[%dma_start3A_871] : memref<640xi32, #tpu.memory_space<vmem>> -> memref<128xi32, #tpu.memory_space<vmem>>
        %dma_start3A_873 = arith.constant 0 : i32
        %dma_start3A_874 = arith.constant 0 : i32
        %dma_start3A_875 = tpu.memref_slice %arg56[%arg0, %dma_start3A_873, %dma_start3A_874] : memref<2x50176x8xf32, #tpu.memory_space<hbm>> -> memref<1x50176x8xf32, #tpu.memory_space<hbm>>
        %dma_start3A_876 = tpu.memref_squeeze %dma_start3A_875 : memref<1x50176x8xf32, #tpu.memory_space<hbm>> -> memref<50176x8xf32, #tpu.memory_space<hbm>>
        %dma_start3A_877 = arith.constant 0 : i32
        %dma_start3A_878 = arith.constant 0 : i32
        %dma_start3A_879 = tpu.memref_slice %dma_start3A_876[%dma_start3A_877, %dma_start3A_878] : memref<50176x8xf32, #tpu.memory_space<hbm>> -> memref<50176x8xf32, #tpu.memory_space<hbm>>
        tpu.enqueue_indirect_dma source(%dma_start3A_879 : memref<50176x8xf32, #tpu.memory_space<hbm>>) target(%dma_start3A_870 : memref<128x8xf32, #tpu.memory_space<vmem>>) offsets(%dma_start3A_872 : memref<128xi32, #tpu.memory_space<vmem>>) semaphore(%arg54 : memref<!tpu.dma_semaphore, #tpu.memory_space<semaphore_mem>>)
        %dma_start3A_880 = arith.constant 384 : i32
        %dma_start3A_881 = arith.constant 0 : i32
        %dma_start3A_882 = tpu.memref_slice %arg48[%dma_start3A_880, %dma_start3A_881] : memref<640x8xf32, #tpu.memory_space<vmem>> -> memref<128x8xf32, #tpu.memory_space<vmem>>
        %dma_start3A_883 = arith.constant 384 : i32
        %dma_start3A_884 = tpu.memref_slice %arg41[%dma_start3A_883] : memref<640xi32, #tpu.memory_space<vmem>> -> memref<128xi32, #tpu.memory_space<vmem>>
        %dma_start3A_885 = arith.constant 0 : i32
        %dma_start3A_886 = arith.constant 0 : i32
        %dma_start3A_887 = tpu.memref_slice %arg57[%arg0, %dma_start3A_885, %dma_start3A_886] : memref<2x500480x8xf32, #tpu.memory_space<hbm>> -> memref<1x500480x8xf32, #tpu.memory_space<hbm>>
        %dma_start3A_888 = tpu.memref_squeeze %dma_start3A_887 : memref<1x500480x8xf32, #tpu.memory_space<hbm>> -> memref<500480x8xf32, #tpu.memory_space<hbm>>
        %dma_start3A_889 = arith.constant 0 : i32
        %dma_start3A_890 = arith.constant 0 : i32
        %dma_start3A_891 = tpu.memref_slice %dma_start3A_888[%dma_start3A_889, %dma_start3A_890] : memref<500480x8xf32, #tpu.memory_space<hbm>> -> memref<500480x8xf32, #tpu.memory_space<hbm>>
        tpu.enqueue_indirect_dma source(%dma_start3A_891 : memref<500480x8xf32, #tpu.memory_space<hbm>>) target(%dma_start3A_882 : memref<128x8xf32, #tpu.memory_space<vmem>>) offsets(%dma_start3A_884 : memref<128xi32, #tpu.memory_space<vmem>>) semaphore(%arg54 : memref<!tpu.dma_semaphore, #tpu.memory_space<semaphore_mem>>)
        %dma_start3A_892 = arith.constant 512 : i32
        %dma_start3A_893 = arith.constant 0 : i32
        %dma_start3A_894 = tpu.memref_slice %arg47[%dma_start3A_892, %dma_start3A_893] : memref<640x8xf32, #tpu.memory_space<vmem>> -> memref<128x8xf32, #tpu.memory_space<vmem>>
        %dma_start3A_895 = arith.constant 512 : i32
        %dma_start3A_896 = tpu.memref_slice %arg40[%dma_start3A_895] : memref<640xi32, #tpu.memory_space<vmem>> -> memref<128xi32, #tpu.memory_space<vmem>>
        %dma_start3A_897 = arith.constant 0 : i32
        %dma_start3A_898 = arith.constant 0 : i32
        %dma_start3A_899 = tpu.memref_slice %arg56[%arg0, %dma_start3A_897, %dma_start3A_898] : memref<2x50176x8xf32, #tpu.memory_space<hbm>> -> memref<1x50176x8xf32, #tpu.memory_space<hbm>>
        %dma_start3A_900 = tpu.memref_squeeze %dma_start3A_899 : memref<1x50176x8xf32, #tpu.memory_space<hbm>> -> memref<50176x8xf32, #tpu.memory_space<hbm>>
        %dma_start3A_901 = arith.constant 0 : i32
        %dma_start3A_902 = arith.constant 0 : i32
        %dma_start3A_903 = tpu.memref_slice %dma_start3A_900[%dma_start3A_901, %dma_start3A_902] : memref<50176x8xf32, #tpu.memory_space<hbm>> -> memref<50176x8xf32, #tpu.memory_space<hbm>>
        tpu.enqueue_indirect_dma source(%dma_start3A_903 : memref<50176x8xf32, #tpu.memory_space<hbm>>) target(%dma_start3A_894 : memref<128x8xf32, #tpu.memory_space<vmem>>) offsets(%dma_start3A_896 : memref<128xi32, #tpu.memory_space<vmem>>) semaphore(%arg54 : memref<!tpu.dma_semaphore, #tpu.memory_space<semaphore_mem>>)
        %dma_start3A_904 = arith.constant 512 : i32
        %dma_start3A_905 = arith.constant 0 : i32
        %dma_start3A_906 = tpu.memref_slice %arg48[%dma_start3A_904, %dma_start3A_905] : memref<640x8xf32, #tpu.memory_space<vmem>> -> memref<128x8xf32, #tpu.memory_space<vmem>>
        %dma_start3A_907 = arith.constant 512 : i32
        %dma_start3A_908 = tpu.memref_slice %arg41[%dma_start3A_907] : memref<640xi32, #tpu.memory_space<vmem>> -> memref<128xi32, #tpu.memory_space<vmem>>
        %dma_start3A_909 = arith.constant 0 : i32
        %dma_start3A_910 = arith.constant 0 : i32
        %dma_start3A_911 = tpu.memref_slice %arg57[%arg0, %dma_start3A_909, %dma_start3A_910] : memref<2x500480x8xf32, #tpu.memory_space<hbm>> -> memref<1x500480x8xf32, #tpu.memory_space<hbm>>
        %dma_start3A_912 = tpu.memref_squeeze %dma_start3A_911 : memref<1x500480x8xf32, #tpu.memory_space<hbm>> -> memref<500480x8xf32, #tpu.memory_space<hbm>>
        %dma_start3A_913 = arith.constant 0 : i32
        %dma_start3A_914 = arith.constant 0 : i32
        %dma_start3A_915 = tpu.memref_slice %dma_start3A_912[%dma_start3A_913, %dma_start3A_914] : memref<500480x8xf32, #tpu.memory_space<hbm>> -> memref<500480x8xf32, #tpu.memory_space<hbm>>
        tpu.enqueue_indirect_dma source(%dma_start3A_915 : memref<500480x8xf32, #tpu.memory_space<hbm>>) target(%dma_start3A_906 : memref<128x8xf32, #tpu.memory_space<vmem>>) offsets(%dma_start3A_908 : memref<128xi32, #tpu.memory_space<vmem>>) semaphore(%arg54 : memref<!tpu.dma_semaphore, #tpu.memory_space<semaphore_mem>>)
      } else {
      }
      %dma_wait3A_438 = arith.constant 0 : i32
      %dma_wait3A_439 = arith.constant 0 : i32
      %dma_wait3A_440 = tpu.memref_slice %arg31[%dma_wait3A_438, %dma_wait3A_439] : memref<640x8xf32, #tpu.memory_space<vmem>> -> memref<128x8xf32, #tpu.memory_space<vmem>>
      %dma_wait3A_441 = arith.constant 0 : i32
      %dma_wait3A_442 = tpu.memref_slice %arg24[%dma_wait3A_441] : memref<640xi32, #tpu.memory_space<vmem>> -> memref<128xi32, #tpu.memory_space<vmem>>
      %dma_wait3A_443 = arith.constant 0 : i32
      %dma_wait3A_444 = arith.constant 0 : i32
      %dma_wait3A_445 = tpu.memref_slice %arg56[%arg0, %dma_wait3A_443, %dma_wait3A_444] : memref<2x50176x8xf32, #tpu.memory_space<hbm>> -> memref<1x50176x8xf32, #tpu.memory_space<hbm>>
      %dma_wait3A_446 = tpu.memref_squeeze %dma_wait3A_445 : memref<1x50176x8xf32, #tpu.memory_space<hbm>> -> memref<50176x8xf32, #tpu.memory_space<hbm>>
      %dma_wait3A_447 = arith.constant 0 : i32
      %dma_wait3A_448 = arith.constant 0 : i32
      %dma_wait3A_449 = tpu.memref_slice %dma_wait3A_446[%dma_wait3A_447, %dma_wait3A_448] : memref<50176x8xf32, #tpu.memory_space<hbm>> -> memref<50176x8xf32, #tpu.memory_space<hbm>>
      tpu.wait_indirect_dma semaphore(%arg38 : memref<!tpu.dma_semaphore, #tpu.memory_space<semaphore_mem>>) src(%dma_wait3A_449 : memref<50176x8xf32, #tpu.memory_space<hbm>>) dst(%dma_wait3A_440 : memref<128x8xf32, #tpu.memory_space<vmem>>)
      %dma_wait3A_450 = arith.constant 0 : i32
      %dma_wait3A_451 = arith.constant 0 : i32
      %dma_wait3A_452 = tpu.memref_slice %arg32[%dma_wait3A_450, %dma_wait3A_451] : memref<640x8xf32, #tpu.memory_space<vmem>> -> memref<128x8xf32, #tpu.memory_space<vmem>>
      %dma_wait3A_453 = arith.constant 0 : i32
      %dma_wait3A_454 = tpu.memref_slice %arg25[%dma_wait3A_453] : memref<640xi32, #tpu.memory_space<vmem>> -> memref<128xi32, #tpu.memory_space<vmem>>
      %dma_wait3A_455 = arith.constant 0 : i32
      %dma_wait3A_456 = arith.constant 0 : i32
      %dma_wait3A_457 = tpu.memref_slice %arg57[%arg0, %dma_wait3A_455, %dma_wait3A_456] : memref<2x500480x8xf32, #tpu.memory_space<hbm>> -> memref<1x500480x8xf32, #tpu.memory_space<hbm>>
      %dma_wait3A_458 = tpu.memref_squeeze %dma_wait3A_457 : memref<1x500480x8xf32, #tpu.memory_space<hbm>> -> memref<500480x8xf32, #tpu.memory_space<hbm>>
      %dma_wait3A_459 = arith.constant 0 : i32
      %dma_wait3A_460 = arith.constant 0 : i32
      %dma_wait3A_461 = tpu.memref_slice %dma_wait3A_458[%dma_wait3A_459, %dma_wait3A_460] : memref<500480x8xf32, #tpu.memory_space<hbm>> -> memref<500480x8xf32, #tpu.memory_space<hbm>>
      tpu.wait_indirect_dma semaphore(%arg38 : memref<!tpu.dma_semaphore, #tpu.memory_space<semaphore_mem>>) src(%dma_wait3A_461 : memref<500480x8xf32, #tpu.memory_space<hbm>>) dst(%dma_wait3A_452 : memref<128x8xf32, #tpu.memory_space<vmem>>)
      %dma_wait3A_462 = arith.constant 128 : i32
      %dma_wait3A_463 = arith.constant 0 : i32
      %dma_wait3A_464 = tpu.memref_slice %arg31[%dma_wait3A_462, %dma_wait3A_463] : memref<640x8xf32, #tpu.memory_space<vmem>> -> memref<128x8xf32, #tpu.memory_space<vmem>>
      %dma_wait3A_465 = arith.constant 128 : i32
      %dma_wait3A_466 = tpu.memref_slice %arg24[%dma_wait3A_465] : memref<640xi32, #tpu.memory_space<vmem>> -> memref<128xi32, #tpu.memory_space<vmem>>
      %dma_wait3A_467 = arith.constant 0 : i32
      %dma_wait3A_468 = arith.constant 0 : i32
      %dma_wait3A_469 = tpu.memref_slice %arg56[%arg0, %dma_wait3A_467, %dma_wait3A_468] : memref<2x50176x8xf32, #tpu.memory_space<hbm>> -> memref<1x50176x8xf32, #tpu.memory_space<hbm>>
      %dma_wait3A_470 = tpu.memref_squeeze %dma_wait3A_469 : memref<1x50176x8xf32, #tpu.memory_space<hbm>> -> memref<50176x8xf32, #tpu.memory_space<hbm>>
      %dma_wait3A_471 = arith.constant 0 : i32
      %dma_wait3A_472 = arith.constant 0 : i32
      %dma_wait3A_473 = tpu.memref_slice %dma_wait3A_470[%dma_wait3A_471, %dma_wait3A_472] : memref<50176x8xf32, #tpu.memory_space<hbm>> -> memref<50176x8xf32, #tpu.memory_space<hbm>>
      tpu.wait_indirect_dma semaphore(%arg38 : memref<!tpu.dma_semaphore, #tpu.memory_space<semaphore_mem>>) src(%dma_wait3A_473 : memref<50176x8xf32, #tpu.memory_space<hbm>>) dst(%dma_wait3A_464 : memref<128x8xf32, #tpu.memory_space<vmem>>)
      %dma_wait3A_474 = arith.constant 128 : i32
      %dma_wait3A_475 = arith.constant 0 : i32
      %dma_wait3A_476 = tpu.memref_slice %arg32[%dma_wait3A_474, %dma_wait3A_475] : memref<640x8xf32, #tpu.memory_space<vmem>> -> memref<128x8xf32, #tpu.memory_space<vmem>>
      %dma_wait3A_477 = arith.constant 128 : i32
      %dma_wait3A_478 = tpu.memref_slice %arg25[%dma_wait3A_477] : memref<640xi32, #tpu.memory_space<vmem>> -> memref<128xi32, #tpu.memory_space<vmem>>
      %dma_wait3A_479 = arith.constant 0 : i32
      %dma_wait3A_480 = arith.constant 0 : i32
      %dma_wait3A_481 = tpu.memref_slice %arg57[%arg0, %dma_wait3A_479, %dma_wait3A_480] : memref<2x500480x8xf32, #tpu.memory_space<hbm>> -> memref<1x500480x8xf32, #tpu.memory_space<hbm>>
      %dma_wait3A_482 = tpu.memref_squeeze %dma_wait3A_481 : memref<1x500480x8xf32, #tpu.memory_space<hbm>> -> memref<500480x8xf32, #tpu.memory_space<hbm>>
      %dma_wait3A_483 = arith.constant 0 : i32
      %dma_wait3A_484 = arith.constant 0 : i32
      %dma_wait3A_485 = tpu.memref_slice %dma_wait3A_482[%dma_wait3A_483, %dma_wait3A_484] : memref<500480x8xf32, #tpu.memory_space<hbm>> -> memref<500480x8xf32, #tpu.memory_space<hbm>>
      tpu.wait_indirect_dma semaphore(%arg38 : memref<!tpu.dma_semaphore, #tpu.memory_space<semaphore_mem>>) src(%dma_wait3A_485 : memref<500480x8xf32, #tpu.memory_space<hbm>>) dst(%dma_wait3A_476 : memref<128x8xf32, #tpu.memory_space<vmem>>)
      %dma_wait3A_486 = arith.constant 256 : i32
      %dma_wait3A_487 = arith.constant 0 : i32
      %dma_wait3A_488 = tpu.memref_slice %arg31[%dma_wait3A_486, %dma_wait3A_487] : memref<640x8xf32, #tpu.memory_space<vmem>> -> memref<128x8xf32, #tpu.memory_space<vmem>>
      %dma_wait3A_489 = arith.constant 256 : i32
      %dma_wait3A_490 = tpu.memref_slice %arg24[%dma_wait3A_489] : memref<640xi32, #tpu.memory_space<vmem>> -> memref<128xi32, #tpu.memory_space<vmem>>
      %dma_wait3A_491 = arith.constant 0 : i32
      %dma_wait3A_492 = arith.constant 0 : i32
      %dma_wait3A_493 = tpu.memref_slice %arg56[%arg0, %dma_wait3A_491, %dma_wait3A_492] : memref<2x50176x8xf32, #tpu.memory_space<hbm>> -> memref<1x50176x8xf32, #tpu.memory_space<hbm>>
      %dma_wait3A_494 = tpu.memref_squeeze %dma_wait3A_493 : memref<1x50176x8xf32, #tpu.memory_space<hbm>> -> memref<50176x8xf32, #tpu.memory_space<hbm>>
      %dma_wait3A_495 = arith.constant 0 : i32
      %dma_wait3A_496 = arith.constant 0 : i32
      %dma_wait3A_497 = tpu.memref_slice %dma_wait3A_494[%dma_wait3A_495, %dma_wait3A_496] : memref<50176x8xf32, #tpu.memory_space<hbm>> -> memref<50176x8xf32, #tpu.memory_space<hbm>>
      tpu.wait_indirect_dma semaphore(%arg38 : memref<!tpu.dma_semaphore, #tpu.memory_space<semaphore_mem>>) src(%dma_wait3A_497 : memref<50176x8xf32, #tpu.memory_space<hbm>>) dst(%dma_wait3A_488 : memref<128x8xf32, #tpu.memory_space<vmem>>)
      %dma_wait3A_498 = arith.constant 256 : i32
      %dma_wait3A_499 = arith.constant 0 : i32
      %dma_wait3A_500 = tpu.memref_slice %arg32[%dma_wait3A_498, %dma_wait3A_499] : memref<640x8xf32, #tpu.memory_space<vmem>> -> memref<128x8xf32, #tpu.memory_space<vmem>>
      %dma_wait3A_501 = arith.constant 256 : i32
      %dma_wait3A_502 = tpu.memref_slice %arg25[%dma_wait3A_501] : memref<640xi32, #tpu.memory_space<vmem>> -> memref<128xi32, #tpu.memory_space<vmem>>
      %dma_wait3A_503 = arith.constant 0 : i32
      %dma_wait3A_504 = arith.constant 0 : i32
      %dma_wait3A_505 = tpu.memref_slice %arg57[%arg0, %dma_wait3A_503, %dma_wait3A_504] : memref<2x500480x8xf32, #tpu.memory_space<hbm>> -> memref<1x500480x8xf32, #tpu.memory_space<hbm>>
      %dma_wait3A_506 = tpu.memref_squeeze %dma_wait3A_505 : memref<1x500480x8xf32, #tpu.memory_space<hbm>> -> memref<500480x8xf32, #tpu.memory_space<hbm>>
      %dma_wait3A_507 = arith.constant 0 : i32
      %dma_wait3A_508 = arith.constant 0 : i32
      %dma_wait3A_509 = tpu.memref_slice %dma_wait3A_506[%dma_wait3A_507, %dma_wait3A_508] : memref<500480x8xf32, #tpu.memory_space<hbm>> -> memref<500480x8xf32, #tpu.memory_space<hbm>>
      tpu.wait_indirect_dma semaphore(%arg38 : memref<!tpu.dma_semaphore, #tpu.memory_space<semaphore_mem>>) src(%dma_wait3A_509 : memref<500480x8xf32, #tpu.memory_space<hbm>>) dst(%dma_wait3A_500 : memref<128x8xf32, #tpu.memory_space<vmem>>)
      %dma_wait3A_510 = arith.constant 384 : i32
      %dma_wait3A_511 = arith.constant 0 : i32
      %dma_wait3A_512 = tpu.memref_slice %arg31[%dma_wait3A_510, %dma_wait3A_511] : memref<640x8xf32, #tpu.memory_space<vmem>> -> memref<128x8xf32, #tpu.memory_space<vmem>>
      %dma_wait3A_513 = arith.constant 384 : i32
      %dma_wait3A_514 = tpu.memref_slice %arg24[%dma_wait3A_513] : memref<640xi32, #tpu.memory_space<vmem>> -> memref<128xi32, #tpu.memory_space<vmem>>
      %dma_wait3A_515 = arith.constant 0 : i32
      %dma_wait3A_516 = arith.constant 0 : i32
      %dma_wait3A_517 = tpu.memref_slice %arg56[%arg0, %dma_wait3A_515, %dma_wait3A_516] : memref<2x50176x8xf32, #tpu.memory_space<hbm>> -> memref<1x50176x8xf32, #tpu.memory_space<hbm>>
      %dma_wait3A_518 = tpu.memref_squeeze %dma_wait3A_517 : memref<1x50176x8xf32, #tpu.memory_space<hbm>> -> memref<50176x8xf32, #tpu.memory_space<hbm>>
      %dma_wait3A_519 = arith.constant 0 : i32
      %dma_wait3A_520 = arith.constant 0 : i32
      %dma_wait3A_521 = tpu.memref_slice %dma_wait3A_518[%dma_wait3A_519, %dma_wait3A_520] : memref<50176x8xf32, #tpu.memory_space<hbm>> -> memref<50176x8xf32, #tpu.memory_space<hbm>>
      tpu.wait_indirect_dma semaphore(%arg38 : memref<!tpu.dma_semaphore, #tpu.memory_space<semaphore_mem>>) src(%dma_wait3A_521 : memref<50176x8xf32, #tpu.memory_space<hbm>>) dst(%dma_wait3A_512 : memref<128x8xf32, #tpu.memory_space<vmem>>)
      %dma_wait3A_522 = arith.constant 384 : i32
      %dma_wait3A_523 = arith.constant 0 : i32
      %dma_wait3A_524 = tpu.memref_slice %arg32[%dma_wait3A_522, %dma_wait3A_523] : memref<640x8xf32, #tpu.memory_space<vmem>> -> memref<128x8xf32, #tpu.memory_space<vmem>>
      %dma_wait3A_525 = arith.constant 384 : i32
      %dma_wait3A_526 = tpu.memref_slice %arg25[%dma_wait3A_525] : memref<640xi32, #tpu.memory_space<vmem>> -> memref<128xi32, #tpu.memory_space<vmem>>
      %dma_wait3A_527 = arith.constant 0 : i32
      %dma_wait3A_528 = arith.constant 0 : i32
      %dma_wait3A_529 = tpu.memref_slice %arg57[%arg0, %dma_wait3A_527, %dma_wait3A_528] : memref<2x500480x8xf32, #tpu.memory_space<hbm>> -> memref<1x500480x8xf32, #tpu.memory_space<hbm>>
      %dma_wait3A_530 = tpu.memref_squeeze %dma_wait3A_529 : memref<1x500480x8xf32, #tpu.memory_space<hbm>> -> memref<500480x8xf32, #tpu.memory_space<hbm>>
      %dma_wait3A_531 = arith.constant 0 : i32
      %dma_wait3A_532 = arith.constant 0 : i32
      %dma_wait3A_533 = tpu.memref_slice %dma_wait3A_530[%dma_wait3A_531, %dma_wait3A_532] : memref<500480x8xf32, #tpu.memory_space<hbm>> -> memref<500480x8xf32, #tpu.memory_space<hbm>>
      tpu.wait_indirect_dma semaphore(%arg38 : memref<!tpu.dma_semaphore, #tpu.memory_space<semaphore_mem>>) src(%dma_wait3A_533 : memref<500480x8xf32, #tpu.memory_space<hbm>>) dst(%dma_wait3A_524 : memref<128x8xf32, #tpu.memory_space<vmem>>)
      %dma_wait3A_534 = arith.constant 512 : i32
      %dma_wait3A_535 = arith.constant 0 : i32
      %dma_wait3A_536 = tpu.memref_slice %arg31[%dma_wait3A_534, %dma_wait3A_535] : memref<640x8xf32, #tpu.memory_space<vmem>> -> memref<128x8xf32, #tpu.memory_space<vmem>>
      %dma_wait3A_537 = arith.constant 512 : i32
      %dma_wait3A_538 = tpu.memref_slice %arg24[%dma_wait3A_537] : memref<640xi32, #tpu.memory_space<vmem>> -> memref<128xi32, #tpu.memory_space<vmem>>
      %dma_wait3A_539 = arith.constant 0 : i32
      %dma_wait3A_540 = arith.constant 0 : i32
      %dma_wait3A_541 = tpu.memref_slice %arg56[%arg0, %dma_wait3A_539, %dma_wait3A_540] : memref<2x50176x8xf32, #tpu.memory_space<hbm>> -> memref<1x50176x8xf32, #tpu.memory_space<hbm>>
      %dma_wait3A_542 = tpu.memref_squeeze %dma_wait3A_541 : memref<1x50176x8xf32, #tpu.memory_space<hbm>> -> memref<50176x8xf32, #tpu.memory_space<hbm>>
      %dma_wait3A_543 = arith.constant 0 : i32
      %dma_wait3A_544 = arith.constant 0 : i32
      %dma_wait3A_545 = tpu.memref_slice %dma_wait3A_542[%dma_wait3A_543, %dma_wait3A_544] : memref<50176x8xf32, #tpu.memory_space<hbm>> -> memref<50176x8xf32, #tpu.memory_space<hbm>>
      tpu.wait_indirect_dma semaphore(%arg38 : memref<!tpu.dma_semaphore, #tpu.memory_space<semaphore_mem>>) src(%dma_wait3A_545 : memref<50176x8xf32, #tpu.memory_space<hbm>>) dst(%dma_wait3A_536 : memref<128x8xf32, #tpu.memory_space<vmem>>)
      %dma_wait3A_546 = arith.constant 512 : i32
      %dma_wait3A_547 = arith.constant 0 : i32
      %dma_wait3A_548 = tpu.memref_slice %arg32[%dma_wait3A_546, %dma_wait3A_547] : memref<640x8xf32, #tpu.memory_space<vmem>> -> memref<128x8xf32, #tpu.memory_space<vmem>>
      %dma_wait3A_549 = arith.constant 512 : i32
      %dma_wait3A_550 = tpu.memref_slice %arg25[%dma_wait3A_549] : memref<640xi32, #tpu.memory_space<vmem>> -> memref<128xi32, #tpu.memory_space<vmem>>
      %dma_wait3A_551 = arith.constant 0 : i32
      %dma_wait3A_552 = arith.constant 0 : i32
      %dma_wait3A_553 = tpu.memref_slice %arg57[%arg0, %dma_wait3A_551, %dma_wait3A_552] : memref<2x500480x8xf32, #tpu.memory_space<hbm>> -> memref<1x500480x8xf32, #tpu.memory_space<hbm>>
      %dma_wait3A_554 = tpu.memref_squeeze %dma_wait3A_553 : memref<1x500480x8xf32, #tpu.memory_space<hbm>> -> memref<500480x8xf32, #tpu.memory_space<hbm>>
      %dma_wait3A_555 = arith.constant 0 : i32
      %dma_wait3A_556 = arith.constant 0 : i32
      %dma_wait3A_557 = tpu.memref_slice %dma_wait3A_554[%dma_wait3A_555, %dma_wait3A_556] : memref<500480x8xf32, #tpu.memory_space<hbm>> -> memref<500480x8xf32, #tpu.memory_space<hbm>>
      tpu.wait_indirect_dma semaphore(%arg38 : memref<!tpu.dma_semaphore, #tpu.memory_space<semaphore_mem>>) src(%dma_wait3A_557 : memref<500480x8xf32, #tpu.memory_space<hbm>>) dst(%dma_wait3A_548 : memref<128x8xf32, #tpu.memory_space<vmem>>)
      %add3A_558 = arith.constant 2 : i32
      %add3A_559 = arith.addi %mul3A_431, %add3A_558 : i32
      %lt3A_560 = arith.cmpi slt, %add3A_559, %select_n3A : i32
      %convert_element_type3A_561 = arith.extui %lt3A_560 : i1 to i32
      %cond3A_562 = arith.constant 0 : i32
      %cond3A_563 = arith.cmpi ne, %convert_element_type3A_561, %cond3A_562 : i32
      scf.if %cond3A_563 {
        %add3A_783 = arith.constant 2 : i32
        %add3A_784 = arith.addi %mul3A_431, %add3A_783 : i32
        %mul3A_785 = arith.constant 32 : i32
        %mul3A_786 = arith.muli %add3A_784, %mul3A_785 : i32
        %add3A_787 = arith.addi %add3A, %mul3A_786 : i32
        %mul3A_788 = arith.constant 640 : i32
        %mul3A_789 = arith.muli %add3A_787, %mul3A_788 : i32
        %dma_start3A_790 = tpu.memref_slice %arg5[%mul3A_789] : memref<2000000xi32, #tpu.memory_space<hbm>> -> memref<640xi32, #tpu.memory_space<hbm>>
        %dma_start3A_791 = tpu.memref_slice %arg5[%mul3A_789] : memref<2000000xi32, #tpu.memory_space<hbm>> -> memref<640xi32, #tpu.memory_space<hbm>>
        tpu.enqueue_dma source(%dma_start3A_791 : memref<640xi32, #tpu.memory_space<hbm>>) target(%arg24 : memref<640xi32, #tpu.memory_space<vmem>>) target_semaphore(%arg36 : memref<!tpu.dma_semaphore, #tpu.memory_space<semaphore_mem>>)
        %dma_start3A_792 = tpu.memref_slice %arg7[%mul3A_789] : memref<2000000xi32, #tpu.memory_space<hbm>> -> memref<640xi32, #tpu.memory_space<hbm>>
        %dma_start3A_793 = tpu.memref_slice %arg7[%mul3A_789] : memref<2000000xi32, #tpu.memory_space<hbm>> -> memref<640xi32, #tpu.memory_space<hbm>>
        tpu.enqueue_dma source(%dma_start3A_793 : memref<640xi32, #tpu.memory_space<hbm>>) target(%arg25 : memref<640xi32, #tpu.memory_space<vmem>>) target_semaphore(%arg36 : memref<!tpu.dma_semaphore, #tpu.memory_space<semaphore_mem>>)
      } else {
      }
      %mul3A_564 = arith.constant 32 : i32
      %mul3A_565 = arith.muli %mul3A_431, %mul3A_564 : i32
      %add3A_566 = arith.addi %add3A, %mul3A_565 : i32
      %mul3A_567 = arith.constant 640 : i32
      %mul3A_568 = arith.muli %add3A_566, %mul3A_567 : i32
      %dma_wait3A_569 = tpu.memref_slice %arg2[%mul3A_568] : memref<2000000xf32, #tpu.memory_space<hbm>> -> memref<640xf32, #tpu.memory_space<hbm>>
      %dma_wait3A_570 = tpu.memref_slice %arg2[%mul3A_568] : memref<2000000xf32, #tpu.memory_space<hbm>> -> memref<640xf32, #tpu.memory_space<hbm>>
      tpu.wait_dma2 semaphore(%arg37 : memref<!tpu.dma_semaphore, #tpu.memory_space<semaphore_mem>>) src(%dma_wait3A_570 : memref<640xf32, #tpu.memory_space<hbm>>) dst(%arg28 : memref<640xf32, #tpu.memory_space<vmem>>)
      %dma_wait3A_571 = tpu.memref_slice %arg3[%mul3A_568] : memref<2000000xf32, #tpu.memory_space<hbm>> -> memref<640xf32, #tpu.memory_space<hbm>>
      %dma_wait3A_572 = tpu.memref_slice %arg3[%mul3A_568] : memref<2000000xf32, #tpu.memory_space<hbm>> -> memref<640xf32, #tpu.memory_space<hbm>>
      tpu.wait_dma2 semaphore(%arg37 : memref<!tpu.dma_semaphore, #tpu.memory_space<semaphore_mem>>) src(%dma_wait3A_572 : memref<640xf32, #tpu.memory_space<hbm>>) dst(%arg29 : memref<640xf32, #tpu.memory_space<vmem>>)
      %dma_wait3A_573 = tpu.memref_slice %arg4[%mul3A_568] : memref<2000000xf32, #tpu.memory_space<hbm>> -> memref<640xf32, #tpu.memory_space<hbm>>
      %dma_wait3A_574 = tpu.memref_slice %arg4[%mul3A_568] : memref<2000000xf32, #tpu.memory_space<hbm>> -> memref<640xf32, #tpu.memory_space<hbm>>
      tpu.wait_dma2 semaphore(%arg37 : memref<!tpu.dma_semaphore, #tpu.memory_space<semaphore_mem>>) src(%dma_wait3A_574 : memref<640xf32, #tpu.memory_space<hbm>>) dst(%arg30 : memref<640xf32, #tpu.memory_space<vmem>>)
      %dma_wait3A_575 = tpu.memref_slice %arg8[%mul3A_568] : memref<2000000xf32, #tpu.memory_space<hbm>> -> memref<640xf32, #tpu.memory_space<hbm>>
      %dma_wait3A_576 = tpu.memref_slice %arg8[%mul3A_568] : memref<2000000xf32, #tpu.memory_space<hbm>> -> memref<640xf32, #tpu.memory_space<hbm>>
      tpu.wait_dma2 semaphore(%arg37 : memref<!tpu.dma_semaphore, #tpu.memory_space<semaphore_mem>>) src(%dma_wait3A_576 : memref<640xf32, #tpu.memory_space<hbm>>) dst(%arg27 : memref<640xf32, #tpu.memory_space<vmem>>)
      %dma_wait3A_577 = tpu.memref_slice %arg6[%mul3A_568] : memref<2000000xi32, #tpu.memory_space<hbm>> -> memref<640xi32, #tpu.memory_space<hbm>>
      %dma_wait3A_578 = tpu.memref_slice %arg6[%mul3A_568] : memref<2000000xi32, #tpu.memory_space<hbm>> -> memref<640xi32, #tpu.memory_space<hbm>>
      tpu.wait_dma2 semaphore(%arg37 : memref<!tpu.dma_semaphore, #tpu.memory_space<semaphore_mem>>) src(%dma_wait3A_578 : memref<640xi32, #tpu.memory_space<hbm>>) dst(%arg26 : memref<640xi32, #tpu.memory_space<vmem>>)
      %ge3A = arith.constant 2 : i32
      %ge3A_579 = arith.cmpi sge, %mul3A_431, %ge3A : i32
      %convert_element_type3A_580 = arith.extui %ge3A_579 : i1 to i32
      %cond3A_581 = arith.constant 0 : i32
      %cond3A_582 = arith.cmpi ne, %convert_element_type3A_580, %cond3A_581 : i32
      scf.if %cond3A_582 {
        %sub3A_783 = arith.constant 2 : i32
        %sub3A_784 = arith.subi %mul3A_431, %sub3A_783 : i32
        %mul3A_785 = arith.constant 32 : i32
        %mul3A_786 = arith.muli %sub3A_784, %mul3A_785 : i32
        %add3A_787 = arith.addi %add3A, %mul3A_786 : i32
        %mul3A_788 = arith.constant 640 : i32
        %mul3A_789 = arith.muli %add3A_787, %mul3A_788 : i32
        %dma_wait3A_790 = tpu.memref_slice %arg21[%mul3A_789] : memref<2000000xf32, #tpu.memory_space<hbm>> -> memref<640xf32, #tpu.memory_space<hbm>>
        %dma_wait3A_791 = tpu.memref_slice %arg21[%mul3A_789] : memref<2000000xf32, #tpu.memory_space<hbm>> -> memref<640xf32, #tpu.memory_space<hbm>>
        tpu.wait_dma2 semaphore(%arg39 : memref<!tpu.dma_semaphore, #tpu.memory_space<semaphore_mem>>) src(%arg33 : memref<640xf32, #tpu.memory_space<vmem>>) dst(%dma_wait3A_791 : memref<640xf32, #tpu.memory_space<hbm>>)
        %dma_wait3A_792 = tpu.memref_slice %arg22[%mul3A_789] : memref<2000000xf32, #tpu.memory_space<hbm>> -> memref<640xf32, #tpu.memory_space<hbm>>
        %dma_wait3A_793 = tpu.memref_slice %arg22[%mul3A_789] : memref<2000000xf32, #tpu.memory_space<hbm>> -> memref<640xf32, #tpu.memory_space<hbm>>
        tpu.wait_dma2 semaphore(%arg39 : memref<!tpu.dma_semaphore, #tpu.memory_space<semaphore_mem>>) src(%arg34 : memref<640xf32, #tpu.memory_space<vmem>>) dst(%dma_wait3A_793 : memref<640xf32, #tpu.memory_space<hbm>>)
        %dma_wait3A_794 = tpu.memref_slice %arg23[%mul3A_789] : memref<2000000xf32, #tpu.memory_space<hbm>> -> memref<640xf32, #tpu.memory_space<hbm>>
        %dma_wait3A_795 = tpu.memref_slice %arg23[%mul3A_789] : memref<2000000xf32, #tpu.memory_space<hbm>> -> memref<640xf32, #tpu.memory_space<hbm>>
        tpu.wait_dma2 semaphore(%arg39 : memref<!tpu.dma_semaphore, #tpu.memory_space<semaphore_mem>>) src(%arg35 : memref<640xf32, #tpu.memory_space<vmem>>) dst(%dma_wait3A_795 : memref<640xf32, #tpu.memory_space<hbm>>)
      } else {
      }
      %scan3A_583 = arith.constant 0 : i32
      %scan3A_584 = arith.constant 0 : i32
      %scan3A_585 = arith.constant 40 : i32
      %scan3A_586 = arith.addi %scan3A_584, %scan3A_585 : i32
      %scan3A_587 = arith.constant 1 : i32
      scf.for %scan3A_783 = %scan3A_584 to %scan3A_586 step %scan3A_587  : i32 {
        %mul3A_784 = arith.constant 16 : i32
        %mul3A_785 = arith.muli %scan3A_783, %mul3A_784 : i32
        %add3A_786 = vector.broadcast %mul3A_785 : i32 to vector<16xi32>
        %add3A_787 = arith.addi %add3A_786, %iota3A : vector<16xi32>
        %get3A = arith.index_cast %mul3A_785 : i32 to index
        %get3A_788 = tpu.vector_load %arg26[%get3A] {strides = array<i32>} : memref<640xi32, #tpu.memory_space<vmem>>, vector<16xi32>,
        %get3A_789 = arith.index_cast %mul3A_785 : i32 to index
        %get3A_790 = tpu.vector_load %arg27[%get3A_789] {strides = array<i32>} : memref<640xf32, #tpu.memory_space<vmem>>, vector<16xf32>,
        %gather3A_791 = tpu.vector_load_idx %arg31[%add3A_787, %broadcast_in_dim3A_23] : memref<640x8xf32, #tpu.memory_space<vmem>>[vector<16xi32>, vector<16xi32>], vector<16xf32>,
        %gather3A_792 = tpu.vector_load_idx %arg31[%add3A_787, %broadcast_in_dim3A_25] : memref<640x8xf32, #tpu.memory_space<vmem>>[vector<16xi32>, vector<16xi32>], vector<16xf32>,
        %gather3A_793 = tpu.vector_load_idx %arg31[%add3A_787, %broadcast_in_dim3A_27] : memref<640x8xf32, #tpu.memory_space<vmem>>[vector<16xi32>, vector<16xi32>], vector<16xf32>,
        %gather3A_794 = tpu.vector_load_idx %arg31[%add3A_787, %broadcast_in_dim3A_29] : memref<640x8xf32, #tpu.memory_space<vmem>>[vector<16xi32>, vector<16xi32>], vector<16xf32>,
        %gather3A_795 = tpu.vector_load_idx %arg31[%add3A_787, %broadcast_in_dim3A_31] : memref<640x8xf32, #tpu.memory_space<vmem>>[vector<16xi32>, vector<16xi32>], vector<16xf32>,
        %gather3A_796 = tpu.vector_load_idx %arg31[%add3A_787, %broadcast_in_dim3A_33] : memref<640x8xf32, #tpu.memory_space<vmem>>[vector<16xi32>, vector<16xi32>], vector<16xf32>,
        %gather3A_797 = tpu.vector_load_idx %arg31[%add3A_787, %broadcast_in_dim3A_35] : memref<640x8xf32, #tpu.memory_space<vmem>>[vector<16xi32>, vector<16xi32>], vector<16xf32>,
        %gather3A_798 = tpu.vector_load_idx %arg31[%add3A_787, %broadcast_in_dim3A_37] : memref<640x8xf32, #tpu.memory_space<vmem>>[vector<16xi32>, vector<16xi32>], vector<16xf32>,
        %gather3A_799 = tpu.vector_load_idx %arg32[%add3A_787, %broadcast_in_dim3A_23] : memref<640x8xf32, #tpu.memory_space<vmem>>[vector<16xi32>, vector<16xi32>], vector<16xf32>,
        %gather3A_800 = tpu.vector_load_idx %arg32[%add3A_787, %broadcast_in_dim3A_25] : memref<640x8xf32, #tpu.memory_space<vmem>>[vector<16xi32>, vector<16xi32>], vector<16xf32>,
        %gather3A_801 = tpu.vector_load_idx %arg32[%add3A_787, %broadcast_in_dim3A_27] : memref<640x8xf32, #tpu.memory_space<vmem>>[vector<16xi32>, vector<16xi32>], vector<16xf32>,
        %get3A_802 = arith.index_cast %mul3A_785 : i32 to index
        %get3A_803 = tpu.vector_load %arg28[%get3A_802] {strides = array<i32>} : memref<640xf32, #tpu.memory_space<vmem>>, vector<16xf32>,
        %get3A_804 = arith.index_cast %mul3A_785 : i32 to index
        %get3A_805 = tpu.vector_load %arg29[%get3A_804] {strides = array<i32>} : memref<640xf32, #tpu.memory_space<vmem>>, vector<16xf32>,
        %get3A_806 = arith.index_cast %mul3A_785 : i32 to index
        %get3A_807 = tpu.vector_load %arg30[%get3A_806] {strides = array<i32>} : memref<640xf32, #tpu.memory_space<vmem>>, vector<16xf32>,
        %gather3A_808 = tpu.vector_load_idx %arg60[%get3A_788] : memref<16xf32, #tpu.memory_space<vmem>>[vector<16xi32>], vector<16xf32>,
        %gather3A_809 = tpu.vector_load_idx %arg61[%get3A_788] : memref<16xf32, #tpu.memory_space<vmem>>[vector<16xi32>], vector<16xf32>,
        %gather3A_810 = tpu.vector_load_idx %arg62[%get3A_788] : memref<16xf32, #tpu.memory_space<vmem>>[vector<16xi32>], vector<16xf32>,
        %gather3A_811 = tpu.vector_load_idx %arg63[%get3A_788] : memref<16xf32, #tpu.memory_space<vmem>>[vector<16xi32>], vector<16xf32>,
        %gather3A_812 = tpu.vector_load_idx %arg64[%get3A_788] : memref<16xf32, #tpu.memory_space<vmem>>[vector<16xi32>], vector<16xf32>,
        %gather3A_813 = tpu.vector_load_idx %arg65[%get3A_788] : memref<16xf32, #tpu.memory_space<vmem>>[vector<16xi32>], vector<16xf32>,
        %gather3A_814 = tpu.vector_load_idx %arg66[%get3A_788] : memref<16xf32, #tpu.memory_space<vmem>>[vector<16xi32>], vector<16xf32>,
        %mul3A_815 = arith.mulf %gather3A_811, %gather3A_794 : vector<16xf32>
        %mul3A_816 = arith.mulf %gather3A_808, %gather3A_791 : vector<16xf32>
        %sub3A_817 = arith.subf %mul3A_815, %mul3A_816 : vector<16xf32>
        %mul3A_818 = arith.mulf %gather3A_809, %gather3A_792 : vector<16xf32>
        %sub3A_819 = arith.subf %sub3A_817, %mul3A_818 : vector<16xf32>
        %mul3A_820 = arith.mulf %gather3A_810, %gather3A_793 : vector<16xf32>
        %sub3A_821 = arith.subf %sub3A_819, %mul3A_820 : vector<16xf32>
        %mul3A_822 = arith.mulf %gather3A_811, %gather3A_791 : vector<16xf32>
        %mul3A_823 = arith.mulf %gather3A_808, %gather3A_794 : vector<16xf32>
        %add3A_824 = arith.addf %mul3A_822, %mul3A_823 : vector<16xf32>
        %mul3A_825 = arith.mulf %gather3A_809, %gather3A_793 : vector<16xf32>
        %add3A_826 = arith.addf %add3A_824, %mul3A_825 : vector<16xf32>
        %mul3A_827 = arith.mulf %gather3A_810, %gather3A_792 : vector<16xf32>
        %sub3A_828 = arith.subf %add3A_826, %mul3A_827 : vector<16xf32>
        %mul3A_829 = arith.mulf %gather3A_811, %gather3A_792 : vector<16xf32>
        %mul3A_830 = arith.mulf %gather3A_808, %gather3A_793 : vector<16xf32>
        %sub3A_831 = arith.subf %mul3A_829, %mul3A_830 : vector<16xf32>
        %mul3A_832 = arith.mulf %gather3A_809, %gather3A_794 : vector<16xf32>
        %add3A_833 = arith.addf %sub3A_831, %mul3A_832 : vector<16xf32>
        %mul3A_834 = arith.mulf %gather3A_810, %gather3A_791 : vector<16xf32>
        %add3A_835 = arith.addf %add3A_833, %mul3A_834 : vector<16xf32>
        %mul3A_836 = arith.mulf %gather3A_811, %gather3A_793 : vector<16xf32>
        %mul3A_837 = arith.mulf %gather3A_808, %gather3A_792 : vector<16xf32>
        %add3A_838 = arith.addf %mul3A_836, %mul3A_837 : vector<16xf32>
        %mul3A_839 = arith.mulf %gather3A_809, %gather3A_791 : vector<16xf32>
        %sub3A_840 = arith.subf %add3A_838, %mul3A_839 : vector<16xf32>
        %mul3A_841 = arith.mulf %gather3A_810, %gather3A_794 : vector<16xf32>
        %add3A_842 = arith.addf %sub3A_840, %mul3A_841 : vector<16xf32>
        %add3A_843 = arith.addf %gather3A_812, %gather3A_795 : vector<16xf32>
        %add3A_844 = arith.addf %gather3A_813, %gather3A_796 : vector<16xf32>
        %add3A_845 = arith.addf %gather3A_814, %gather3A_797 : vector<16xf32>
        %mul3A_846 = arith.mulf %add3A_844, %gather3A_793 : vector<16xf32>
        %mul3A_847 = arith.mulf %add3A_845, %gather3A_792 : vector<16xf32>
        %sub3A_848 = arith.subf %mul3A_846, %mul3A_847 : vector<16xf32>
        %mul3A_849 = arith.mulf %add3A_845, %gather3A_791 : vector<16xf32>
        %mul3A_850 = arith.mulf %add3A_843, %gather3A_793 : vector<16xf32>
        %sub3A_851 = arith.subf %mul3A_849, %mul3A_850 : vector<16xf32>
        %mul3A_852 = arith.mulf %add3A_843, %gather3A_792 : vector<16xf32>
        %mul3A_853 = arith.mulf %add3A_844, %gather3A_791 : vector<16xf32>
        %sub3A_854 = arith.subf %mul3A_852, %mul3A_853 : vector<16xf32>
        %mul3A_855 = arith.constant 2.000000e+00 : f32
        %mul3A_856 = vector.broadcast %mul3A_855 : f32 to vector<16xf32>
        %mul3A_857 = arith.mulf %mul3A_856, %sub3A_848 : vector<16xf32>
        %mul3A_858 = arith.constant 2.000000e+00 : f32
        %mul3A_859 = vector.broadcast %mul3A_858 : f32 to vector<16xf32>
        %mul3A_860 = arith.mulf %mul3A_859, %sub3A_851 : vector<16xf32>
        %mul3A_861 = arith.constant 2.000000e+00 : f32
        %mul3A_862 = vector.broadcast %mul3A_861 : f32 to vector<16xf32>
        %mul3A_863 = arith.mulf %mul3A_862, %sub3A_854 : vector<16xf32>
        %mul3A_864 = arith.mulf %mul3A_860, %gather3A_793 : vector<16xf32>
        %mul3A_865 = arith.mulf %mul3A_863, %gather3A_792 : vector<16xf32>
        %sub3A_866 = arith.subf %mul3A_864, %mul3A_865 : vector<16xf32>
        %mul3A_867 = arith.mulf %mul3A_863, %gather3A_791 : vector<16xf32>
        %mul3A_868 = arith.mulf %mul3A_857, %gather3A_793 : vector<16xf32>
        %sub3A_869 = arith.subf %mul3A_867, %mul3A_868 : vector<16xf32>
        %mul3A_870 = arith.mulf %mul3A_857, %gather3A_792 : vector<16xf32>
        %mul3A_871 = arith.mulf %mul3A_860, %gather3A_791 : vector<16xf32>
        %sub3A_872 = arith.subf %mul3A_870, %mul3A_871 : vector<16xf32>
        %mul3A_873 = arith.mulf %gather3A_794, %mul3A_857 : vector<16xf32>
        %add3A_874 = arith.addf %add3A_843, %mul3A_873 : vector<16xf32>
        %add3A_875 = arith.addf %add3A_874, %sub3A_866 : vector<16xf32>
        %mul3A_876 = arith.mulf %gather3A_794, %mul3A_860 : vector<16xf32>
        %add3A_877 = arith.addf %add3A_844, %mul3A_876 : vector<16xf32>
        %add3A_878 = arith.addf %add3A_877, %sub3A_869 : vector<16xf32>
        %mul3A_879 = arith.mulf %gather3A_794, %mul3A_863 : vector<16xf32>
        %add3A_880 = arith.addf %add3A_845, %mul3A_879 : vector<16xf32>
        %add3A_881 = arith.addf %add3A_880, %sub3A_872 : vector<16xf32>
        %mul3A_882 = arith.mulf %get3A_805, %add3A_842 : vector<16xf32>
        %mul3A_883 = arith.mulf %get3A_807, %add3A_835 : vector<16xf32>
        %sub3A_884 = arith.subf %mul3A_882, %mul3A_883 : vector<16xf32>
        %mul3A_885 = arith.mulf %get3A_807, %sub3A_828 : vector<16xf32>
        %mul3A_886 = arith.mulf %get3A_803, %add3A_842 : vector<16xf32>
        %sub3A_887 = arith.subf %mul3A_885, %mul3A_886 : vector<16xf32>
        %mul3A_888 = arith.mulf %get3A_803, %add3A_835 : vector<16xf32>
        %mul3A_889 = arith.mulf %get3A_805, %sub3A_828 : vector<16xf32>
        %sub3A_890 = arith.subf %mul3A_888, %mul3A_889 : vector<16xf32>
        %mul3A_891 = arith.constant 2.000000e+00 : f32
        %mul3A_892 = vector.broadcast %mul3A_891 : f32 to vector<16xf32>
        %mul3A_893 = arith.mulf %mul3A_892, %sub3A_884 : vector<16xf32>
        %mul3A_894 = arith.constant 2.000000e+00 : f32
        %mul3A_895 = vector.broadcast %mul3A_894 : f32 to vector<16xf32>
        %mul3A_896 = arith.mulf %mul3A_895, %sub3A_887 : vector<16xf32>
        %mul3A_897 = arith.constant 2.000000e+00 : f32
        %mul3A_898 = vector.broadcast %mul3A_897 : f32 to vector<16xf32>
        %mul3A_899 = arith.mulf %mul3A_898, %sub3A_890 : vector<16xf32>
        %mul3A_900 = arith.mulf %mul3A_896, %add3A_842 : vector<16xf32>
        %mul3A_901 = arith.mulf %mul3A_899, %add3A_835 : vector<16xf32>
        %sub3A_902 = arith.subf %mul3A_900, %mul3A_901 : vector<16xf32>
        %mul3A_903 = arith.mulf %mul3A_899, %sub3A_828 : vector<16xf32>
        %mul3A_904 = arith.mulf %mul3A_893, %add3A_842 : vector<16xf32>
        %sub3A_905 = arith.subf %mul3A_903, %mul3A_904 : vector<16xf32>
        %mul3A_906 = arith.mulf %mul3A_893, %add3A_835 : vector<16xf32>
        %mul3A_907 = arith.mulf %mul3A_896, %sub3A_828 : vector<16xf32>
        %sub3A_908 = arith.subf %mul3A_906, %mul3A_907 : vector<16xf32>
        %mul3A_909 = arith.mulf %sub3A_821, %mul3A_893 : vector<16xf32>
        %add3A_910 = arith.addf %get3A_803, %mul3A_909 : vector<16xf32>
        %add3A_911 = arith.addf %add3A_910, %sub3A_902 : vector<16xf32>
        %mul3A_912 = arith.mulf %sub3A_821, %mul3A_896 : vector<16xf32>
        %add3A_913 = arith.addf %get3A_805, %mul3A_912 : vector<16xf32>
        %add3A_914 = arith.addf %add3A_913, %sub3A_905 : vector<16xf32>
        %mul3A_915 = arith.mulf %sub3A_821, %mul3A_899 : vector<16xf32>
        %add3A_916 = arith.addf %get3A_807, %mul3A_915 : vector<16xf32>
        %add3A_917 = arith.addf %add3A_916, %sub3A_908 : vector<16xf32>
        %add3A_918 = arith.addf %gather3A_799, %add3A_875 : vector<16xf32>
        %mul3A_919 = arith.mulf %get3A_790, %add3A_911 : vector<16xf32>
        %sub3A_920 = arith.subf %add3A_918, %mul3A_919 : vector<16xf32>
        %mul3A_921 = arith.mulf %gather3A_798, %sub3A_920 : vector<16xf32>
        %swap3A_922 = arith.index_cast %mul3A_785 : i32 to index
        %swap3A_923 = tpu.vector_load %arg33[%swap3A_922] {strides = array<i32>} : memref<640xf32, #tpu.memory_space<vmem>>, vector<16xf32>,
        tpu.vector_store %arg33[%swap3A_922], %mul3A_921 {strides = array<i32>} : memref<640xf32, #tpu.memory_space<vmem>>, vector<16xf32>,
        %add3A_924 = arith.addf %gather3A_800, %add3A_878 : vector<16xf32>
        %mul3A_925 = arith.mulf %get3A_790, %add3A_914 : vector<16xf32>
        %sub3A_926 = arith.subf %add3A_924, %mul3A_925 : vector<16xf32>
        %mul3A_927 = arith.mulf %gather3A_798, %sub3A_926 : vector<16xf32>
        %swap3A_928 = arith.index_cast %mul3A_785 : i32 to index
        %swap3A_929 = tpu.vector_load %arg34[%swap3A_928] {strides = array<i32>} : memref<640xf32, #tpu.memory_space<vmem>>, vector<16xf32>,
        tpu.vector_store %arg34[%swap3A_928], %mul3A_927 {strides = array<i32>} : memref<640xf32, #tpu.memory_space<vmem>>, vector<16xf32>,
        %add3A_930 = arith.addf %gather3A_801, %add3A_881 : vector<16xf32>
        %mul3A_931 = arith.mulf %get3A_790, %add3A_917 : vector<16xf32>
        %sub3A_932 = arith.subf %add3A_930, %mul3A_931 : vector<16xf32>
        %mul3A_933 = arith.mulf %gather3A_798, %sub3A_932 : vector<16xf32>
        %swap3A_934 = arith.index_cast %mul3A_785 : i32 to index
        %swap3A_935 = tpu.vector_load %arg35[%swap3A_934] {strides = array<i32>} : memref<640xf32, #tpu.memory_space<vmem>>, vector<16xf32>,
        tpu.vector_store %arg35[%swap3A_934], %mul3A_933 {strides = array<i32>} : memref<640xf32, #tpu.memory_space<vmem>>, vector<16xf32>,
      }
      %scan3A_588 = arith.constant 40 : i32
      %mul3A_589 = arith.constant 32 : i32
      %mul3A_590 = arith.muli %mul3A_431, %mul3A_589 : i32
      %add3A_591 = arith.addi %add3A, %mul3A_590 : i32
      %mul3A_592 = arith.constant 640 : i32
      %mul3A_593 = arith.muli %add3A_591, %mul3A_592 : i32
      %dma_start3A_594 = tpu.memref_slice %arg21[%mul3A_593] : memref<2000000xf32, #tpu.memory_space<hbm>> -> memref<640xf32, #tpu.memory_space<hbm>>
      %dma_start3A_595 = tpu.memref_slice %arg21[%mul3A_593] : memref<2000000xf32, #tpu.memory_space<hbm>> -> memref<640xf32, #tpu.memory_space<hbm>>
      tpu.enqueue_dma source(%arg33 : memref<640xf32, #tpu.memory_space<vmem>>) target(%dma_start3A_595 : memref<640xf32, #tpu.memory_space<hbm>>) target_semaphore(%arg39 : memref<!tpu.dma_semaphore, #tpu.memory_space<semaphore_mem>>)
      %dma_start3A_596 = tpu.memref_slice %arg22[%mul3A_593] : memref<2000000xf32, #tpu.memory_space<hbm>> -> memref<640xf32, #tpu.memory_space<hbm>>
      %dma_start3A_597 = tpu.memref_slice %arg22[%mul3A_593] : memref<2000000xf32, #tpu.memory_space<hbm>> -> memref<640xf32, #tpu.memory_space<hbm>>
      tpu.enqueue_dma source(%arg34 : memref<640xf32, #tpu.memory_space<vmem>>) target(%dma_start3A_597 : memref<640xf32, #tpu.memory_space<hbm>>) target_semaphore(%arg39 : memref<!tpu.dma_semaphore, #tpu.memory_space<semaphore_mem>>)
      %dma_start3A_598 = tpu.memref_slice %arg23[%mul3A_593] : memref<2000000xf32, #tpu.memory_space<hbm>> -> memref<640xf32, #tpu.memory_space<hbm>>
      %dma_start3A_599 = tpu.memref_slice %arg23[%mul3A_593] : memref<2000000xf32, #tpu.memory_space<hbm>> -> memref<640xf32, #tpu.memory_space<hbm>>
      tpu.enqueue_dma source(%arg35 : memref<640xf32, #tpu.memory_space<vmem>>) target(%dma_start3A_599 : memref<640xf32, #tpu.memory_space<hbm>>) target_semaphore(%arg39 : memref<!tpu.dma_semaphore, #tpu.memory_space<semaphore_mem>>)
      %add3A_600 = arith.constant 2 : i32
      %add3A_601 = arith.addi %mul3A_431, %add3A_600 : i32
      %lt3A_602 = arith.cmpi slt, %add3A_601, %select_n3A : i32
      %convert_element_type3A_603 = arith.extui %lt3A_602 : i1 to i32
      %cond3A_604 = arith.constant 0 : i32
      %cond3A_605 = arith.cmpi ne, %convert_element_type3A_603, %cond3A_604 : i32
      scf.if %cond3A_605 {
        %add3A_783 = arith.constant 2 : i32
        %add3A_784 = arith.addi %mul3A_431, %add3A_783 : i32
        %mul3A_785 = arith.constant 32 : i32
        %mul3A_786 = arith.muli %add3A_784, %mul3A_785 : i32
        %add3A_787 = arith.addi %add3A, %mul3A_786 : i32
        %mul3A_788 = arith.constant 640 : i32
        %mul3A_789 = arith.muli %add3A_787, %mul3A_788 : i32
        %dma_start3A_790 = tpu.memref_slice %arg2[%mul3A_789] : memref<2000000xf32, #tpu.memory_space<hbm>> -> memref<640xf32, #tpu.memory_space<hbm>>
        %dma_start3A_791 = tpu.memref_slice %arg2[%mul3A_789] : memref<2000000xf32, #tpu.memory_space<hbm>> -> memref<640xf32, #tpu.memory_space<hbm>>
        tpu.enqueue_dma source(%dma_start3A_791 : memref<640xf32, #tpu.memory_space<hbm>>) target(%arg28 : memref<640xf32, #tpu.memory_space<vmem>>) target_semaphore(%arg37 : memref<!tpu.dma_semaphore, #tpu.memory_space<semaphore_mem>>)
        %dma_start3A_792 = tpu.memref_slice %arg3[%mul3A_789] : memref<2000000xf32, #tpu.memory_space<hbm>> -> memref<640xf32, #tpu.memory_space<hbm>>
        %dma_start3A_793 = tpu.memref_slice %arg3[%mul3A_789] : memref<2000000xf32, #tpu.memory_space<hbm>> -> memref<640xf32, #tpu.memory_space<hbm>>
        tpu.enqueue_dma source(%dma_start3A_793 : memref<640xf32, #tpu.memory_space<hbm>>) target(%arg29 : memref<640xf32, #tpu.memory_space<vmem>>) target_semaphore(%arg37 : memref<!tpu.dma_semaphore, #tpu.memory_space<semaphore_mem>>)
        %dma_start3A_794 = tpu.memref_slice %arg4[%mul3A_789] : memref<2000000xf32, #tpu.memory_space<hbm>> -> memref<640xf32, #tpu.memory_space<hbm>>
        %dma_start3A_795 = tpu.memref_slice %arg4[%mul3A_789] : memref<2000000xf32, #tpu.memory_space<hbm>> -> memref<640xf32, #tpu.memory_space<hbm>>
        tpu.enqueue_dma source(%dma_start3A_795 : memref<640xf32, #tpu.memory_space<hbm>>) target(%arg30 : memref<640xf32, #tpu.memory_space<vmem>>) target_semaphore(%arg37 : memref<!tpu.dma_semaphore, #tpu.memory_space<semaphore_mem>>)
        %dma_start3A_796 = tpu.memref_slice %arg8[%mul3A_789] : memref<2000000xf32, #tpu.memory_space<hbm>> -> memref<640xf32, #tpu.memory_space<hbm>>
        %dma_start3A_797 = tpu.memref_slice %arg8[%mul3A_789] : memref<2000000xf32, #tpu.memory_space<hbm>> -> memref<640xf32, #tpu.memory_space<hbm>>
        tpu.enqueue_dma source(%dma_start3A_797 : memref<640xf32, #tpu.memory_space<hbm>>) target(%arg27 : memref<640xf32, #tpu.memory_space<vmem>>) target_semaphore(%arg37 : memref<!tpu.dma_semaphore, #tpu.memory_space<semaphore_mem>>)
        %dma_start3A_798 = tpu.memref_slice %arg6[%mul3A_789] : memref<2000000xi32, #tpu.memory_space<hbm>> -> memref<640xi32, #tpu.memory_space<hbm>>
        %dma_start3A_799 = tpu.memref_slice %arg6[%mul3A_789] : memref<2000000xi32, #tpu.memory_space<hbm>> -> memref<640xi32, #tpu.memory_space<hbm>>
        tpu.enqueue_dma source(%dma_start3A_799 : memref<640xi32, #tpu.memory_space<hbm>>) target(%arg26 : memref<640xi32, #tpu.memory_space<vmem>>) target_semaphore(%arg37 : memref<!tpu.dma_semaphore, #tpu.memory_space<semaphore_mem>>)
      } else {
      }
      %add3A_606 = arith.constant 1 : i32
      %add3A_607 = arith.addi %mul3A_431, %add3A_606 : i32
      %add3A_608 = arith.constant 1 : i32
      %add3A_609 = arith.addi %add3A_607, %add3A_608 : i32
      %lt3A_610 = arith.cmpi slt, %add3A_609, %select_n3A : i32
      %convert_element_type3A_611 = arith.extui %lt3A_610 : i1 to i32
      %cond3A_612 = arith.constant 0 : i32
      %cond3A_613 = arith.cmpi ne, %convert_element_type3A_611, %cond3A_612 : i32
      scf.if %cond3A_613 {
        %add3A_783 = arith.constant 1 : i32
        %add3A_784 = arith.addi %add3A_607, %add3A_783 : i32
        %mul3A_785 = arith.constant 32 : i32
        %mul3A_786 = arith.muli %add3A_784, %mul3A_785 : i32
        %add3A_787 = arith.addi %add3A, %mul3A_786 : i32
        %mul3A_788 = arith.constant 640 : i32
        %mul3A_789 = arith.muli %add3A_787, %mul3A_788 : i32
        %dma_wait3A_790 = tpu.memref_slice %arg5[%mul3A_789] : memref<2000000xi32, #tpu.memory_space<hbm>> -> memref<640xi32, #tpu.memory_space<hbm>>
        %dma_wait3A_791 = tpu.memref_slice %arg5[%mul3A_789] : memref<2000000xi32, #tpu.memory_space<hbm>> -> memref<640xi32, #tpu.memory_space<hbm>>
        tpu.wait_dma2 semaphore(%arg36 : memref<!tpu.dma_semaphore, #tpu.memory_space<semaphore_mem>>) src(%dma_wait3A_791 : memref<640xi32, #tpu.memory_space<hbm>>) dst(%arg24 : memref<640xi32, #tpu.memory_space<vmem>>)
        %dma_wait3A_792 = tpu.memref_slice %arg7[%mul3A_789] : memref<2000000xi32, #tpu.memory_space<hbm>> -> memref<640xi32, #tpu.memory_space<hbm>>
        %dma_wait3A_793 = tpu.memref_slice %arg7[%mul3A_789] : memref<2000000xi32, #tpu.memory_space<hbm>> -> memref<640xi32, #tpu.memory_space<hbm>>
        tpu.wait_dma2 semaphore(%arg36 : memref<!tpu.dma_semaphore, #tpu.memory_space<semaphore_mem>>) src(%dma_wait3A_793 : memref<640xi32, #tpu.memory_space<hbm>>) dst(%arg25 : memref<640xi32, #tpu.memory_space<vmem>>)
        %add3A_794 = arith.constant 1 : i32
        %add3A_795 = arith.addi %add3A_607, %add3A_794 : i32
        %dma_start3A_796 = arith.constant 0 : i32
        %dma_start3A_797 = arith.constant 0 : i32
        %dma_start3A_798 = tpu.memref_slice %arg31[%dma_start3A_796, %dma_start3A_797] : memref<640x8xf32, #tpu.memory_space<vmem>> -> memref<128x8xf32, #tpu.memory_space<vmem>>
        %dma_start3A_799 = arith.constant 0 : i32
        %dma_start3A_800 = tpu.memref_slice %arg24[%dma_start3A_799] : memref<640xi32, #tpu.memory_space<vmem>> -> memref<128xi32, #tpu.memory_space<vmem>>
        %dma_start3A_801 = arith.constant 0 : i32
        %dma_start3A_802 = arith.constant 0 : i32
        %dma_start3A_803 = tpu.memref_slice %arg56[%arg0, %dma_start3A_801, %dma_start3A_802] : memref<2x50176x8xf32, #tpu.memory_space<hbm>> -> memref<1x50176x8xf32, #tpu.memory_space<hbm>>
        %dma_start3A_804 = tpu.memref_squeeze %dma_start3A_803 : memref<1x50176x8xf32, #tpu.memory_space<hbm>> -> memref<50176x8xf32, #tpu.memory_space<hbm>>
        %dma_start3A_805 = arith.constant 0 : i32
        %dma_start3A_806 = arith.constant 0 : i32
        %dma_start3A_807 = tpu.memref_slice %dma_start3A_804[%dma_start3A_805, %dma_start3A_806] : memref<50176x8xf32, #tpu.memory_space<hbm>> -> memref<50176x8xf32, #tpu.memory_space<hbm>>
        tpu.enqueue_indirect_dma source(%dma_start3A_807 : memref<50176x8xf32, #tpu.memory_space<hbm>>) target(%dma_start3A_798 : memref<128x8xf32, #tpu.memory_space<vmem>>) offsets(%dma_start3A_800 : memref<128xi32, #tpu.memory_space<vmem>>) semaphore(%arg38 : memref<!tpu.dma_semaphore, #tpu.memory_space<semaphore_mem>>)
        %dma_start3A_808 = arith.constant 0 : i32
        %dma_start3A_809 = arith.constant 0 : i32
        %dma_start3A_810 = tpu.memref_slice %arg32[%dma_start3A_808, %dma_start3A_809] : memref<640x8xf32, #tpu.memory_space<vmem>> -> memref<128x8xf32, #tpu.memory_space<vmem>>
        %dma_start3A_811 = arith.constant 0 : i32
        %dma_start3A_812 = tpu.memref_slice %arg25[%dma_start3A_811] : memref<640xi32, #tpu.memory_space<vmem>> -> memref<128xi32, #tpu.memory_space<vmem>>
        %dma_start3A_813 = arith.constant 0 : i32
        %dma_start3A_814 = arith.constant 0 : i32
        %dma_start3A_815 = tpu.memref_slice %arg57[%arg0, %dma_start3A_813, %dma_start3A_814] : memref<2x500480x8xf32, #tpu.memory_space<hbm>> -> memref<1x500480x8xf32, #tpu.memory_space<hbm>>
        %dma_start3A_816 = tpu.memref_squeeze %dma_start3A_815 : memref<1x500480x8xf32, #tpu.memory_space<hbm>> -> memref<500480x8xf32, #tpu.memory_space<hbm>>
        %dma_start3A_817 = arith.constant 0 : i32
        %dma_start3A_818 = arith.constant 0 : i32
        %dma_start3A_819 = tpu.memref_slice %dma_start3A_816[%dma_start3A_817, %dma_start3A_818] : memref<500480x8xf32, #tpu.memory_space<hbm>> -> memref<500480x8xf32, #tpu.memory_space<hbm>>
        tpu.enqueue_indirect_dma source(%dma_start3A_819 : memref<500480x8xf32, #tpu.memory_space<hbm>>) target(%dma_start3A_810 : memref<128x8xf32, #tpu.memory_space<vmem>>) offsets(%dma_start3A_812 : memref<128xi32, #tpu.memory_space<vmem>>) semaphore(%arg38 : memref<!tpu.dma_semaphore, #tpu.memory_space<semaphore_mem>>)
        %dma_start3A_820 = arith.constant 128 : i32
        %dma_start3A_821 = arith.constant 0 : i32
        %dma_start3A_822 = tpu.memref_slice %arg31[%dma_start3A_820, %dma_start3A_821] : memref<640x8xf32, #tpu.memory_space<vmem>> -> memref<128x8xf32, #tpu.memory_space<vmem>>
        %dma_start3A_823 = arith.constant 128 : i32
        %dma_start3A_824 = tpu.memref_slice %arg24[%dma_start3A_823] : memref<640xi32, #tpu.memory_space<vmem>> -> memref<128xi32, #tpu.memory_space<vmem>>
        %dma_start3A_825 = arith.constant 0 : i32
        %dma_start3A_826 = arith.constant 0 : i32
        %dma_start3A_827 = tpu.memref_slice %arg56[%arg0, %dma_start3A_825, %dma_start3A_826] : memref<2x50176x8xf32, #tpu.memory_space<hbm>> -> memref<1x50176x8xf32, #tpu.memory_space<hbm>>
        %dma_start3A_828 = tpu.memref_squeeze %dma_start3A_827 : memref<1x50176x8xf32, #tpu.memory_space<hbm>> -> memref<50176x8xf32, #tpu.memory_space<hbm>>
        %dma_start3A_829 = arith.constant 0 : i32
        %dma_start3A_830 = arith.constant 0 : i32
        %dma_start3A_831 = tpu.memref_slice %dma_start3A_828[%dma_start3A_829, %dma_start3A_830] : memref<50176x8xf32, #tpu.memory_space<hbm>> -> memref<50176x8xf32, #tpu.memory_space<hbm>>
        tpu.enqueue_indirect_dma source(%dma_start3A_831 : memref<50176x8xf32, #tpu.memory_space<hbm>>) target(%dma_start3A_822 : memref<128x8xf32, #tpu.memory_space<vmem>>) offsets(%dma_start3A_824 : memref<128xi32, #tpu.memory_space<vmem>>) semaphore(%arg38 : memref<!tpu.dma_semaphore, #tpu.memory_space<semaphore_mem>>)
        %dma_start3A_832 = arith.constant 128 : i32
        %dma_start3A_833 = arith.constant 0 : i32
        %dma_start3A_834 = tpu.memref_slice %arg32[%dma_start3A_832, %dma_start3A_833] : memref<640x8xf32, #tpu.memory_space<vmem>> -> memref<128x8xf32, #tpu.memory_space<vmem>>
        %dma_start3A_835 = arith.constant 128 : i32
        %dma_start3A_836 = tpu.memref_slice %arg25[%dma_start3A_835] : memref<640xi32, #tpu.memory_space<vmem>> -> memref<128xi32, #tpu.memory_space<vmem>>
        %dma_start3A_837 = arith.constant 0 : i32
        %dma_start3A_838 = arith.constant 0 : i32
        %dma_start3A_839 = tpu.memref_slice %arg57[%arg0, %dma_start3A_837, %dma_start3A_838] : memref<2x500480x8xf32, #tpu.memory_space<hbm>> -> memref<1x500480x8xf32, #tpu.memory_space<hbm>>
        %dma_start3A_840 = tpu.memref_squeeze %dma_start3A_839 : memref<1x500480x8xf32, #tpu.memory_space<hbm>> -> memref<500480x8xf32, #tpu.memory_space<hbm>>
        %dma_start3A_841 = arith.constant 0 : i32
        %dma_start3A_842 = arith.constant 0 : i32
        %dma_start3A_843 = tpu.memref_slice %dma_start3A_840[%dma_start3A_841, %dma_start3A_842] : memref<500480x8xf32, #tpu.memory_space<hbm>> -> memref<500480x8xf32, #tpu.memory_space<hbm>>
        tpu.enqueue_indirect_dma source(%dma_start3A_843 : memref<500480x8xf32, #tpu.memory_space<hbm>>) target(%dma_start3A_834 : memref<128x8xf32, #tpu.memory_space<vmem>>) offsets(%dma_start3A_836 : memref<128xi32, #tpu.memory_space<vmem>>) semaphore(%arg38 : memref<!tpu.dma_semaphore, #tpu.memory_space<semaphore_mem>>)
        %dma_start3A_844 = arith.constant 256 : i32
        %dma_start3A_845 = arith.constant 0 : i32
        %dma_start3A_846 = tpu.memref_slice %arg31[%dma_start3A_844, %dma_start3A_845] : memref<640x8xf32, #tpu.memory_space<vmem>> -> memref<128x8xf32, #tpu.memory_space<vmem>>
        %dma_start3A_847 = arith.constant 256 : i32
        %dma_start3A_848 = tpu.memref_slice %arg24[%dma_start3A_847] : memref<640xi32, #tpu.memory_space<vmem>> -> memref<128xi32, #tpu.memory_space<vmem>>
        %dma_start3A_849 = arith.constant 0 : i32
        %dma_start3A_850 = arith.constant 0 : i32
        %dma_start3A_851 = tpu.memref_slice %arg56[%arg0, %dma_start3A_849, %dma_start3A_850] : memref<2x50176x8xf32, #tpu.memory_space<hbm>> -> memref<1x50176x8xf32, #tpu.memory_space<hbm>>
        %dma_start3A_852 = tpu.memref_squeeze %dma_start3A_851 : memref<1x50176x8xf32, #tpu.memory_space<hbm>> -> memref<50176x8xf32, #tpu.memory_space<hbm>>
        %dma_start3A_853 = arith.constant 0 : i32
        %dma_start3A_854 = arith.constant 0 : i32
        %dma_start3A_855 = tpu.memref_slice %dma_start3A_852[%dma_start3A_853, %dma_start3A_854] : memref<50176x8xf32, #tpu.memory_space<hbm>> -> memref<50176x8xf32, #tpu.memory_space<hbm>>
        tpu.enqueue_indirect_dma source(%dma_start3A_855 : memref<50176x8xf32, #tpu.memory_space<hbm>>) target(%dma_start3A_846 : memref<128x8xf32, #tpu.memory_space<vmem>>) offsets(%dma_start3A_848 : memref<128xi32, #tpu.memory_space<vmem>>) semaphore(%arg38 : memref<!tpu.dma_semaphore, #tpu.memory_space<semaphore_mem>>)
        %dma_start3A_856 = arith.constant 256 : i32
        %dma_start3A_857 = arith.constant 0 : i32
        %dma_start3A_858 = tpu.memref_slice %arg32[%dma_start3A_856, %dma_start3A_857] : memref<640x8xf32, #tpu.memory_space<vmem>> -> memref<128x8xf32, #tpu.memory_space<vmem>>
        %dma_start3A_859 = arith.constant 256 : i32
        %dma_start3A_860 = tpu.memref_slice %arg25[%dma_start3A_859] : memref<640xi32, #tpu.memory_space<vmem>> -> memref<128xi32, #tpu.memory_space<vmem>>
        %dma_start3A_861 = arith.constant 0 : i32
        %dma_start3A_862 = arith.constant 0 : i32
        %dma_start3A_863 = tpu.memref_slice %arg57[%arg0, %dma_start3A_861, %dma_start3A_862] : memref<2x500480x8xf32, #tpu.memory_space<hbm>> -> memref<1x500480x8xf32, #tpu.memory_space<hbm>>
        %dma_start3A_864 = tpu.memref_squeeze %dma_start3A_863 : memref<1x500480x8xf32, #tpu.memory_space<hbm>> -> memref<500480x8xf32, #tpu.memory_space<hbm>>
        %dma_start3A_865 = arith.constant 0 : i32
        %dma_start3A_866 = arith.constant 0 : i32
        %dma_start3A_867 = tpu.memref_slice %dma_start3A_864[%dma_start3A_865, %dma_start3A_866] : memref<500480x8xf32, #tpu.memory_space<hbm>> -> memref<500480x8xf32, #tpu.memory_space<hbm>>
        tpu.enqueue_indirect_dma source(%dma_start3A_867 : memref<500480x8xf32, #tpu.memory_space<hbm>>) target(%dma_start3A_858 : memref<128x8xf32, #tpu.memory_space<vmem>>) offsets(%dma_start3A_860 : memref<128xi32, #tpu.memory_space<vmem>>) semaphore(%arg38 : memref<!tpu.dma_semaphore, #tpu.memory_space<semaphore_mem>>)
        %dma_start3A_868 = arith.constant 384 : i32
        %dma_start3A_869 = arith.constant 0 : i32
        %dma_start3A_870 = tpu.memref_slice %arg31[%dma_start3A_868, %dma_start3A_869] : memref<640x8xf32, #tpu.memory_space<vmem>> -> memref<128x8xf32, #tpu.memory_space<vmem>>
        %dma_start3A_871 = arith.constant 384 : i32
        %dma_start3A_872 = tpu.memref_slice %arg24[%dma_start3A_871] : memref<640xi32, #tpu.memory_space<vmem>> -> memref<128xi32, #tpu.memory_space<vmem>>
        %dma_start3A_873 = arith.constant 0 : i32
        %dma_start3A_874 = arith.constant 0 : i32
        %dma_start3A_875 = tpu.memref_slice %arg56[%arg0, %dma_start3A_873, %dma_start3A_874] : memref<2x50176x8xf32, #tpu.memory_space<hbm>> -> memref<1x50176x8xf32, #tpu.memory_space<hbm>>
        %dma_start3A_876 = tpu.memref_squeeze %dma_start3A_875 : memref<1x50176x8xf32, #tpu.memory_space<hbm>> -> memref<50176x8xf32, #tpu.memory_space<hbm>>
        %dma_start3A_877 = arith.constant 0 : i32
        %dma_start3A_878 = arith.constant 0 : i32
        %dma_start3A_879 = tpu.memref_slice %dma_start3A_876[%dma_start3A_877, %dma_start3A_878] : memref<50176x8xf32, #tpu.memory_space<hbm>> -> memref<50176x8xf32, #tpu.memory_space<hbm>>
        tpu.enqueue_indirect_dma source(%dma_start3A_879 : memref<50176x8xf32, #tpu.memory_space<hbm>>) target(%dma_start3A_870 : memref<128x8xf32, #tpu.memory_space<vmem>>) offsets(%dma_start3A_872 : memref<128xi32, #tpu.memory_space<vmem>>) semaphore(%arg38 : memref<!tpu.dma_semaphore, #tpu.memory_space<semaphore_mem>>)
        %dma_start3A_880 = arith.constant 384 : i32
        %dma_start3A_881 = arith.constant 0 : i32
        %dma_start3A_882 = tpu.memref_slice %arg32[%dma_start3A_880, %dma_start3A_881] : memref<640x8xf32, #tpu.memory_space<vmem>> -> memref<128x8xf32, #tpu.memory_space<vmem>>
        %dma_start3A_883 = arith.constant 384 : i32
        %dma_start3A_884 = tpu.memref_slice %arg25[%dma_start3A_883] : memref<640xi32, #tpu.memory_space<vmem>> -> memref<128xi32, #tpu.memory_space<vmem>>
        %dma_start3A_885 = arith.constant 0 : i32
        %dma_start3A_886 = arith.constant 0 : i32
        %dma_start3A_887 = tpu.memref_slice %arg57[%arg0, %dma_start3A_885, %dma_start3A_886] : memref<2x500480x8xf32, #tpu.memory_space<hbm>> -> memref<1x500480x8xf32, #tpu.memory_space<hbm>>
        %dma_start3A_888 = tpu.memref_squeeze %dma_start3A_887 : memref<1x500480x8xf32, #tpu.memory_space<hbm>> -> memref<500480x8xf32, #tpu.memory_space<hbm>>
        %dma_start3A_889 = arith.constant 0 : i32
        %dma_start3A_890 = arith.constant 0 : i32
        %dma_start3A_891 = tpu.memref_slice %dma_start3A_888[%dma_start3A_889, %dma_start3A_890] : memref<500480x8xf32, #tpu.memory_space<hbm>> -> memref<500480x8xf32, #tpu.memory_space<hbm>>
        tpu.enqueue_indirect_dma source(%dma_start3A_891 : memref<500480x8xf32, #tpu.memory_space<hbm>>) target(%dma_start3A_882 : memref<128x8xf32, #tpu.memory_space<vmem>>) offsets(%dma_start3A_884 : memref<128xi32, #tpu.memory_space<vmem>>) semaphore(%arg38 : memref<!tpu.dma_semaphore, #tpu.memory_space<semaphore_mem>>)
        %dma_start3A_892 = arith.constant 512 : i32
        %dma_start3A_893 = arith.constant 0 : i32
        %dma_start3A_894 = tpu.memref_slice %arg31[%dma_start3A_892, %dma_start3A_893] : memref<640x8xf32, #tpu.memory_space<vmem>> -> memref<128x8xf32, #tpu.memory_space<vmem>>
        %dma_start3A_895 = arith.constant 512 : i32
        %dma_start3A_896 = tpu.memref_slice %arg24[%dma_start3A_895] : memref<640xi32, #tpu.memory_space<vmem>> -> memref<128xi32, #tpu.memory_space<vmem>>
        %dma_start3A_897 = arith.constant 0 : i32
        %dma_start3A_898 = arith.constant 0 : i32
        %dma_start3A_899 = tpu.memref_slice %arg56[%arg0, %dma_start3A_897, %dma_start3A_898] : memref<2x50176x8xf32, #tpu.memory_space<hbm>> -> memref<1x50176x8xf32, #tpu.memory_space<hbm>>
        %dma_start3A_900 = tpu.memref_squeeze %dma_start3A_899 : memref<1x50176x8xf32, #tpu.memory_space<hbm>> -> memref<50176x8xf32, #tpu.memory_space<hbm>>
        %dma_start3A_901 = arith.constant 0 : i32
        %dma_start3A_902 = arith.constant 0 : i32
        %dma_start3A_903 = tpu.memref_slice %dma_start3A_900[%dma_start3A_901, %dma_start3A_902] : memref<50176x8xf32, #tpu.memory_space<hbm>> -> memref<50176x8xf32, #tpu.memory_space<hbm>>
        tpu.enqueue_indirect_dma source(%dma_start3A_903 : memref<50176x8xf32, #tpu.memory_space<hbm>>) target(%dma_start3A_894 : memref<128x8xf32, #tpu.memory_space<vmem>>) offsets(%dma_start3A_896 : memref<128xi32, #tpu.memory_space<vmem>>) semaphore(%arg38 : memref<!tpu.dma_semaphore, #tpu.memory_space<semaphore_mem>>)
        %dma_start3A_904 = arith.constant 512 : i32
        %dma_start3A_905 = arith.constant 0 : i32
        %dma_start3A_906 = tpu.memref_slice %arg32[%dma_start3A_904, %dma_start3A_905] : memref<640x8xf32, #tpu.memory_space<vmem>> -> memref<128x8xf32, #tpu.memory_space<vmem>>
        %dma_start3A_907 = arith.constant 512 : i32
        %dma_start3A_908 = tpu.memref_slice %arg25[%dma_start3A_907] : memref<640xi32, #tpu.memory_space<vmem>> -> memref<128xi32, #tpu.memory_space<vmem>>
        %dma_start3A_909 = arith.constant 0 : i32
        %dma_start3A_910 = arith.constant 0 : i32
        %dma_start3A_911 = tpu.memref_slice %arg57[%arg0, %dma_start3A_909, %dma_start3A_910] : memref<2x500480x8xf32, #tpu.memory_space<hbm>> -> memref<1x500480x8xf32, #tpu.memory_space<hbm>>
        %dma_start3A_912 = tpu.memref_squeeze %dma_start3A_911 : memref<1x500480x8xf32, #tpu.memory_space<hbm>> -> memref<500480x8xf32, #tpu.memory_space<hbm>>
        %dma_start3A_913 = arith.constant 0 : i32
        %dma_start3A_914 = arith.constant 0 : i32
        %dma_start3A_915 = tpu.memref_slice %dma_start3A_912[%dma_start3A_913, %dma_start3A_914] : memref<500480x8xf32, #tpu.memory_space<hbm>> -> memref<500480x8xf32, #tpu.memory_space<hbm>>
        tpu.enqueue_indirect_dma source(%dma_start3A_915 : memref<500480x8xf32, #tpu.memory_space<hbm>>) target(%dma_start3A_906 : memref<128x8xf32, #tpu.memory_space<vmem>>) offsets(%dma_start3A_908 : memref<128xi32, #tpu.memory_space<vmem>>) semaphore(%arg38 : memref<!tpu.dma_semaphore, #tpu.memory_space<semaphore_mem>>)
      } else {
      }
      %dma_wait3A_614 = arith.constant 0 : i32
      %dma_wait3A_615 = arith.constant 0 : i32
      %dma_wait3A_616 = tpu.memref_slice %arg47[%dma_wait3A_614, %dma_wait3A_615] : memref<640x8xf32, #tpu.memory_space<vmem>> -> memref<128x8xf32, #tpu.memory_space<vmem>>
      %dma_wait3A_617 = arith.constant 0 : i32
      %dma_wait3A_618 = tpu.memref_slice %arg40[%dma_wait3A_617] : memref<640xi32, #tpu.memory_space<vmem>> -> memref<128xi32, #tpu.memory_space<vmem>>
      %dma_wait3A_619 = arith.constant 0 : i32
      %dma_wait3A_620 = arith.constant 0 : i32
      %dma_wait3A_621 = tpu.memref_slice %arg56[%arg0, %dma_wait3A_619, %dma_wait3A_620] : memref<2x50176x8xf32, #tpu.memory_space<hbm>> -> memref<1x50176x8xf32, #tpu.memory_space<hbm>>
      %dma_wait3A_622 = tpu.memref_squeeze %dma_wait3A_621 : memref<1x50176x8xf32, #tpu.memory_space<hbm>> -> memref<50176x8xf32, #tpu.memory_space<hbm>>
      %dma_wait3A_623 = arith.constant 0 : i32
      %dma_wait3A_624 = arith.constant 0 : i32
      %dma_wait3A_625 = tpu.memref_slice %dma_wait3A_622[%dma_wait3A_623, %dma_wait3A_624] : memref<50176x8xf32, #tpu.memory_space<hbm>> -> memref<50176x8xf32, #tpu.memory_space<hbm>>
      tpu.wait_indirect_dma semaphore(%arg54 : memref<!tpu.dma_semaphore, #tpu.memory_space<semaphore_mem>>) src(%dma_wait3A_625 : memref<50176x8xf32, #tpu.memory_space<hbm>>) dst(%dma_wait3A_616 : memref<128x8xf32, #tpu.memory_space<vmem>>)
      %dma_wait3A_626 = arith.constant 0 : i32
      %dma_wait3A_627 = arith.constant 0 : i32
      %dma_wait3A_628 = tpu.memref_slice %arg48[%dma_wait3A_626, %dma_wait3A_627] : memref<640x8xf32, #tpu.memory_space<vmem>> -> memref<128x8xf32, #tpu.memory_space<vmem>>
      %dma_wait3A_629 = arith.constant 0 : i32
      %dma_wait3A_630 = tpu.memref_slice %arg41[%dma_wait3A_629] : memref<640xi32, #tpu.memory_space<vmem>> -> memref<128xi32, #tpu.memory_space<vmem>>
      %dma_wait3A_631 = arith.constant 0 : i32
      %dma_wait3A_632 = arith.constant 0 : i32
      %dma_wait3A_633 = tpu.memref_slice %arg57[%arg0, %dma_wait3A_631, %dma_wait3A_632] : memref<2x500480x8xf32, #tpu.memory_space<hbm>> -> memref<1x500480x8xf32, #tpu.memory_space<hbm>>
      %dma_wait3A_634 = tpu.memref_squeeze %dma_wait3A_633 : memref<1x500480x8xf32, #tpu.memory_space<hbm>> -> memref<500480x8xf32, #tpu.memory_space<hbm>>
      %dma_wait3A_635 = arith.constant 0 : i32
      %dma_wait3A_636 = arith.constant 0 : i32
      %dma_wait3A_637 = tpu.memref_slice %dma_wait3A_634[%dma_wait3A_635, %dma_wait3A_636] : memref<500480x8xf32, #tpu.memory_space<hbm>> -> memref<500480x8xf32, #tpu.memory_space<hbm>>
      tpu.wait_indirect_dma semaphore(%arg54 : memref<!tpu.dma_semaphore, #tpu.memory_space<semaphore_mem>>) src(%dma_wait3A_637 : memref<500480x8xf32, #tpu.memory_space<hbm>>) dst(%dma_wait3A_628 : memref<128x8xf32, #tpu.memory_space<vmem>>)
      %dma_wait3A_638 = arith.constant 128 : i32
      %dma_wait3A_639 = arith.constant 0 : i32
      %dma_wait3A_640 = tpu.memref_slice %arg47[%dma_wait3A_638, %dma_wait3A_639] : memref<640x8xf32, #tpu.memory_space<vmem>> -> memref<128x8xf32, #tpu.memory_space<vmem>>
      %dma_wait3A_641 = arith.constant 128 : i32
      %dma_wait3A_642 = tpu.memref_slice %arg40[%dma_wait3A_641] : memref<640xi32, #tpu.memory_space<vmem>> -> memref<128xi32, #tpu.memory_space<vmem>>
      %dma_wait3A_643 = arith.constant 0 : i32
      %dma_wait3A_644 = arith.constant 0 : i32
      %dma_wait3A_645 = tpu.memref_slice %arg56[%arg0, %dma_wait3A_643, %dma_wait3A_644] : memref<2x50176x8xf32, #tpu.memory_space<hbm>> -> memref<1x50176x8xf32, #tpu.memory_space<hbm>>
      %dma_wait3A_646 = tpu.memref_squeeze %dma_wait3A_645 : memref<1x50176x8xf32, #tpu.memory_space<hbm>> -> memref<50176x8xf32, #tpu.memory_space<hbm>>
      %dma_wait3A_647 = arith.constant 0 : i32
      %dma_wait3A_648 = arith.constant 0 : i32
      %dma_wait3A_649 = tpu.memref_slice %dma_wait3A_646[%dma_wait3A_647, %dma_wait3A_648] : memref<50176x8xf32, #tpu.memory_space<hbm>> -> memref<50176x8xf32, #tpu.memory_space<hbm>>
      tpu.wait_indirect_dma semaphore(%arg54 : memref<!tpu.dma_semaphore, #tpu.memory_space<semaphore_mem>>) src(%dma_wait3A_649 : memref<50176x8xf32, #tpu.memory_space<hbm>>) dst(%dma_wait3A_640 : memref<128x8xf32, #tpu.memory_space<vmem>>)
      %dma_wait3A_650 = arith.constant 128 : i32
      %dma_wait3A_651 = arith.constant 0 : i32
      %dma_wait3A_652 = tpu.memref_slice %arg48[%dma_wait3A_650, %dma_wait3A_651] : memref<640x8xf32, #tpu.memory_space<vmem>> -> memref<128x8xf32, #tpu.memory_space<vmem>>
      %dma_wait3A_653 = arith.constant 128 : i32
      %dma_wait3A_654 = tpu.memref_slice %arg41[%dma_wait3A_653] : memref<640xi32, #tpu.memory_space<vmem>> -> memref<128xi32, #tpu.memory_space<vmem>>
      %dma_wait3A_655 = arith.constant 0 : i32
      %dma_wait3A_656 = arith.constant 0 : i32
      %dma_wait3A_657 = tpu.memref_slice %arg57[%arg0, %dma_wait3A_655, %dma_wait3A_656] : memref<2x500480x8xf32, #tpu.memory_space<hbm>> -> memref<1x500480x8xf32, #tpu.memory_space<hbm>>
      %dma_wait3A_658 = tpu.memref_squeeze %dma_wait3A_657 : memref<1x500480x8xf32, #tpu.memory_space<hbm>> -> memref<500480x8xf32, #tpu.memory_space<hbm>>
      %dma_wait3A_659 = arith.constant 0 : i32
      %dma_wait3A_660 = arith.constant 0 : i32
      %dma_wait3A_661 = tpu.memref_slice %dma_wait3A_658[%dma_wait3A_659, %dma_wait3A_660] : memref<500480x8xf32, #tpu.memory_space<hbm>> -> memref<500480x8xf32, #tpu.memory_space<hbm>>
      tpu.wait_indirect_dma semaphore(%arg54 : memref<!tpu.dma_semaphore, #tpu.memory_space<semaphore_mem>>) src(%dma_wait3A_661 : memref<500480x8xf32, #tpu.memory_space<hbm>>) dst(%dma_wait3A_652 : memref<128x8xf32, #tpu.memory_space<vmem>>)
      %dma_wait3A_662 = arith.constant 256 : i32
      %dma_wait3A_663 = arith.constant 0 : i32
      %dma_wait3A_664 = tpu.memref_slice %arg47[%dma_wait3A_662, %dma_wait3A_663] : memref<640x8xf32, #tpu.memory_space<vmem>> -> memref<128x8xf32, #tpu.memory_space<vmem>>
      %dma_wait3A_665 = arith.constant 256 : i32
      %dma_wait3A_666 = tpu.memref_slice %arg40[%dma_wait3A_665] : memref<640xi32, #tpu.memory_space<vmem>> -> memref<128xi32, #tpu.memory_space<vmem>>
      %dma_wait3A_667 = arith.constant 0 : i32
      %dma_wait3A_668 = arith.constant 0 : i32
      %dma_wait3A_669 = tpu.memref_slice %arg56[%arg0, %dma_wait3A_667, %dma_wait3A_668] : memref<2x50176x8xf32, #tpu.memory_space<hbm>> -> memref<1x50176x8xf32, #tpu.memory_space<hbm>>
      %dma_wait3A_670 = tpu.memref_squeeze %dma_wait3A_669 : memref<1x50176x8xf32, #tpu.memory_space<hbm>> -> memref<50176x8xf32, #tpu.memory_space<hbm>>
      %dma_wait3A_671 = arith.constant 0 : i32
      %dma_wait3A_672 = arith.constant 0 : i32
      %dma_wait3A_673 = tpu.memref_slice %dma_wait3A_670[%dma_wait3A_671, %dma_wait3A_672] : memref<50176x8xf32, #tpu.memory_space<hbm>> -> memref<50176x8xf32, #tpu.memory_space<hbm>>
      tpu.wait_indirect_dma semaphore(%arg54 : memref<!tpu.dma_semaphore, #tpu.memory_space<semaphore_mem>>) src(%dma_wait3A_673 : memref<50176x8xf32, #tpu.memory_space<hbm>>) dst(%dma_wait3A_664 : memref<128x8xf32, #tpu.memory_space<vmem>>)
      %dma_wait3A_674 = arith.constant 256 : i32
      %dma_wait3A_675 = arith.constant 0 : i32
      %dma_wait3A_676 = tpu.memref_slice %arg48[%dma_wait3A_674, %dma_wait3A_675] : memref<640x8xf32, #tpu.memory_space<vmem>> -> memref<128x8xf32, #tpu.memory_space<vmem>>
      %dma_wait3A_677 = arith.constant 256 : i32
      %dma_wait3A_678 = tpu.memref_slice %arg41[%dma_wait3A_677] : memref<640xi32, #tpu.memory_space<vmem>> -> memref<128xi32, #tpu.memory_space<vmem>>
      %dma_wait3A_679 = arith.constant 0 : i32
      %dma_wait3A_680 = arith.constant 0 : i32
      %dma_wait3A_681 = tpu.memref_slice %arg57[%arg0, %dma_wait3A_679, %dma_wait3A_680] : memref<2x500480x8xf32, #tpu.memory_space<hbm>> -> memref<1x500480x8xf32, #tpu.memory_space<hbm>>
      %dma_wait3A_682 = tpu.memref_squeeze %dma_wait3A_681 : memref<1x500480x8xf32, #tpu.memory_space<hbm>> -> memref<500480x8xf32, #tpu.memory_space<hbm>>
      %dma_wait3A_683 = arith.constant 0 : i32
      %dma_wait3A_684 = arith.constant 0 : i32
      %dma_wait3A_685 = tpu.memref_slice %dma_wait3A_682[%dma_wait3A_683, %dma_wait3A_684] : memref<500480x8xf32, #tpu.memory_space<hbm>> -> memref<500480x8xf32, #tpu.memory_space<hbm>>
      tpu.wait_indirect_dma semaphore(%arg54 : memref<!tpu.dma_semaphore, #tpu.memory_space<semaphore_mem>>) src(%dma_wait3A_685 : memref<500480x8xf32, #tpu.memory_space<hbm>>) dst(%dma_wait3A_676 : memref<128x8xf32, #tpu.memory_space<vmem>>)
      %dma_wait3A_686 = arith.constant 384 : i32
      %dma_wait3A_687 = arith.constant 0 : i32
      %dma_wait3A_688 = tpu.memref_slice %arg47[%dma_wait3A_686, %dma_wait3A_687] : memref<640x8xf32, #tpu.memory_space<vmem>> -> memref<128x8xf32, #tpu.memory_space<vmem>>
      %dma_wait3A_689 = arith.constant 384 : i32
      %dma_wait3A_690 = tpu.memref_slice %arg40[%dma_wait3A_689] : memref<640xi32, #tpu.memory_space<vmem>> -> memref<128xi32, #tpu.memory_space<vmem>>
      %dma_wait3A_691 = arith.constant 0 : i32
      %dma_wait3A_692 = arith.constant 0 : i32
      %dma_wait3A_693 = tpu.memref_slice %arg56[%arg0, %dma_wait3A_691, %dma_wait3A_692] : memref<2x50176x8xf32, #tpu.memory_space<hbm>> -> memref<1x50176x8xf32, #tpu.memory_space<hbm>>
      %dma_wait3A_694 = tpu.memref_squeeze %dma_wait3A_693 : memref<1x50176x8xf32, #tpu.memory_space<hbm>> -> memref<50176x8xf32, #tpu.memory_space<hbm>>
      %dma_wait3A_695 = arith.constant 0 : i32
      %dma_wait3A_696 = arith.constant 0 : i32
      %dma_wait3A_697 = tpu.memref_slice %dma_wait3A_694[%dma_wait3A_695, %dma_wait3A_696] : memref<50176x8xf32, #tpu.memory_space<hbm>> -> memref<50176x8xf32, #tpu.memory_space<hbm>>
      tpu.wait_indirect_dma semaphore(%arg54 : memref<!tpu.dma_semaphore, #tpu.memory_space<semaphore_mem>>) src(%dma_wait3A_697 : memref<50176x8xf32, #tpu.memory_space<hbm>>) dst(%dma_wait3A_688 : memref<128x8xf32, #tpu.memory_space<vmem>>)
      %dma_wait3A_698 = arith.constant 384 : i32
      %dma_wait3A_699 = arith.constant 0 : i32
      %dma_wait3A_700 = tpu.memref_slice %arg48[%dma_wait3A_698, %dma_wait3A_699] : memref<640x8xf32, #tpu.memory_space<vmem>> -> memref<128x8xf32, #tpu.memory_space<vmem>>
      %dma_wait3A_701 = arith.constant 384 : i32
      %dma_wait3A_702 = tpu.memref_slice %arg41[%dma_wait3A_701] : memref<640xi32, #tpu.memory_space<vmem>> -> memref<128xi32, #tpu.memory_space<vmem>>
      %dma_wait3A_703 = arith.constant 0 : i32
      %dma_wait3A_704 = arith.constant 0 : i32
      %dma_wait3A_705 = tpu.memref_slice %arg57[%arg0, %dma_wait3A_703, %dma_wait3A_704] : memref<2x500480x8xf32, #tpu.memory_space<hbm>> -> memref<1x500480x8xf32, #tpu.memory_space<hbm>>
      %dma_wait3A_706 = tpu.memref_squeeze %dma_wait3A_705 : memref<1x500480x8xf32, #tpu.memory_space<hbm>> -> memref<500480x8xf32, #tpu.memory_space<hbm>>
      %dma_wait3A_707 = arith.constant 0 : i32
      %dma_wait3A_708 = arith.constant 0 : i32
      %dma_wait3A_709 = tpu.memref_slice %dma_wait3A_706[%dma_wait3A_707, %dma_wait3A_708] : memref<500480x8xf32, #tpu.memory_space<hbm>> -> memref<500480x8xf32, #tpu.memory_space<hbm>>
      tpu.wait_indirect_dma semaphore(%arg54 : memref<!tpu.dma_semaphore, #tpu.memory_space<semaphore_mem>>) src(%dma_wait3A_709 : memref<500480x8xf32, #tpu.memory_space<hbm>>) dst(%dma_wait3A_700 : memref<128x8xf32, #tpu.memory_space<vmem>>)
      %dma_wait3A_710 = arith.constant 512 : i32
      %dma_wait3A_711 = arith.constant 0 : i32
      %dma_wait3A_712 = tpu.memref_slice %arg47[%dma_wait3A_710, %dma_wait3A_711] : memref<640x8xf32, #tpu.memory_space<vmem>> -> memref<128x8xf32, #tpu.memory_space<vmem>>
      %dma_wait3A_713 = arith.constant 512 : i32
      %dma_wait3A_714 = tpu.memref_slice %arg40[%dma_wait3A_713] : memref<640xi32, #tpu.memory_space<vmem>> -> memref<128xi32, #tpu.memory_space<vmem>>
      %dma_wait3A_715 = arith.constant 0 : i32
      %dma_wait3A_716 = arith.constant 0 : i32
      %dma_wait3A_717 = tpu.memref_slice %arg56[%arg0, %dma_wait3A_715, %dma_wait3A_716] : memref<2x50176x8xf32, #tpu.memory_space<hbm>> -> memref<1x50176x8xf32, #tpu.memory_space<hbm>>
      %dma_wait3A_718 = tpu.memref_squeeze %dma_wait3A_717 : memref<1x50176x8xf32, #tpu.memory_space<hbm>> -> memref<50176x8xf32, #tpu.memory_space<hbm>>
      %dma_wait3A_719 = arith.constant 0 : i32
      %dma_wait3A_720 = arith.constant 0 : i32
      %dma_wait3A_721 = tpu.memref_slice %dma_wait3A_718[%dma_wait3A_719, %dma_wait3A_720] : memref<50176x8xf32, #tpu.memory_space<hbm>> -> memref<50176x8xf32, #tpu.memory_space<hbm>>
      tpu.wait_indirect_dma semaphore(%arg54 : memref<!tpu.dma_semaphore, #tpu.memory_space<semaphore_mem>>) src(%dma_wait3A_721 : memref<50176x8xf32, #tpu.memory_space<hbm>>) dst(%dma_wait3A_712 : memref<128x8xf32, #tpu.memory_space<vmem>>)
      %dma_wait3A_722 = arith.constant 512 : i32
      %dma_wait3A_723 = arith.constant 0 : i32
      %dma_wait3A_724 = tpu.memref_slice %arg48[%dma_wait3A_722, %dma_wait3A_723] : memref<640x8xf32, #tpu.memory_space<vmem>> -> memref<128x8xf32, #tpu.memory_space<vmem>>
      %dma_wait3A_725 = arith.constant 512 : i32
      %dma_wait3A_726 = tpu.memref_slice %arg41[%dma_wait3A_725] : memref<640xi32, #tpu.memory_space<vmem>> -> memref<128xi32, #tpu.memory_space<vmem>>
      %dma_wait3A_727 = arith.constant 0 : i32
      %dma_wait3A_728 = arith.constant 0 : i32
      %dma_wait3A_729 = tpu.memref_slice %arg57[%arg0, %dma_wait3A_727, %dma_wait3A_728] : memref<2x500480x8xf32, #tpu.memory_space<hbm>> -> memref<1x500480x8xf32, #tpu.memory_space<hbm>>
      %dma_wait3A_730 = tpu.memref_squeeze %dma_wait3A_729 : memref<1x500480x8xf32, #tpu.memory_space<hbm>> -> memref<500480x8xf32, #tpu.memory_space<hbm>>
      %dma_wait3A_731 = arith.constant 0 : i32
      %dma_wait3A_732 = arith.constant 0 : i32
      %dma_wait3A_733 = tpu.memref_slice %dma_wait3A_730[%dma_wait3A_731, %dma_wait3A_732] : memref<500480x8xf32, #tpu.memory_space<hbm>> -> memref<500480x8xf32, #tpu.memory_space<hbm>>
      tpu.wait_indirect_dma semaphore(%arg54 : memref<!tpu.dma_semaphore, #tpu.memory_space<semaphore_mem>>) src(%dma_wait3A_733 : memref<500480x8xf32, #tpu.memory_space<hbm>>) dst(%dma_wait3A_724 : memref<128x8xf32, #tpu.memory_space<vmem>>)
      %add3A_734 = arith.constant 2 : i32
      %add3A_735 = arith.addi %add3A_607, %add3A_734 : i32
      %lt3A_736 = arith.cmpi slt, %add3A_735, %select_n3A : i32
      %convert_element_type3A_737 = arith.extui %lt3A_736 : i1 to i32
      %cond3A_738 = arith.constant 0 : i32
      %cond3A_739 = arith.cmpi ne, %convert_element_type3A_737, %cond3A_738 : i32
      scf.if %cond3A_739 {
        %add3A_783 = arith.constant 2 : i32
        %add3A_784 = arith.addi %add3A_607, %add3A_783 : i32
        %mul3A_785 = arith.constant 32 : i32
        %mul3A_786 = arith.muli %add3A_784, %mul3A_785 : i32
        %add3A_787 = arith.addi %add3A, %mul3A_786 : i32
        %mul3A_788 = arith.constant 640 : i32
        %mul3A_789 = arith.muli %add3A_787, %mul3A_788 : i32
        %dma_start3A_790 = tpu.memref_slice %arg5[%mul3A_789] : memref<2000000xi32, #tpu.memory_space<hbm>> -> memref<640xi32, #tpu.memory_space<hbm>>
        %dma_start3A_791 = tpu.memref_slice %arg5[%mul3A_789] : memref<2000000xi32, #tpu.memory_space<hbm>> -> memref<640xi32, #tpu.memory_space<hbm>>
        tpu.enqueue_dma source(%dma_start3A_791 : memref<640xi32, #tpu.memory_space<hbm>>) target(%arg40 : memref<640xi32, #tpu.memory_space<vmem>>) target_semaphore(%arg52 : memref<!tpu.dma_semaphore, #tpu.memory_space<semaphore_mem>>)
        %dma_start3A_792 = tpu.memref_slice %arg7[%mul3A_789] : memref<2000000xi32, #tpu.memory_space<hbm>> -> memref<640xi32, #tpu.memory_space<hbm>>
        %dma_start3A_793 = tpu.memref_slice %arg7[%mul3A_789] : memref<2000000xi32, #tpu.memory_space<hbm>> -> memref<640xi32, #tpu.memory_space<hbm>>
        tpu.enqueue_dma source(%dma_start3A_793 : memref<640xi32, #tpu.memory_space<hbm>>) target(%arg41 : memref<640xi32, #tpu.memory_space<vmem>>) target_semaphore(%arg52 : memref<!tpu.dma_semaphore, #tpu.memory_space<semaphore_mem>>)
      } else {
      }
      %mul3A_740 = arith.constant 32 : i32
      %mul3A_741 = arith.muli %add3A_607, %mul3A_740 : i32
      %add3A_742 = arith.addi %add3A, %mul3A_741 : i32
      %mul3A_743 = arith.constant 640 : i32
      %mul3A_744 = arith.muli %add3A_742, %mul3A_743 : i32
      %dma_wait3A_745 = tpu.memref_slice %arg2[%mul3A_744] : memref<2000000xf32, #tpu.memory_space<hbm>> -> memref<640xf32, #tpu.memory_space<hbm>>
      %dma_wait3A_746 = tpu.memref_slice %arg2[%mul3A_744] : memref<2000000xf32, #tpu.memory_space<hbm>> -> memref<640xf32, #tpu.memory_space<hbm>>
      tpu.wait_dma2 semaphore(%arg53 : memref<!tpu.dma_semaphore, #tpu.memory_space<semaphore_mem>>) src(%dma_wait3A_746 : memref<640xf32, #tpu.memory_space<hbm>>) dst(%arg44 : memref<640xf32, #tpu.memory_space<vmem>>)
      %dma_wait3A_747 = tpu.memref_slice %arg3[%mul3A_744] : memref<2000000xf32, #tpu.memory_space<hbm>> -> memref<640xf32, #tpu.memory_space<hbm>>
      %dma_wait3A_748 = tpu.memref_slice %arg3[%mul3A_744] : memref<2000000xf32, #tpu.memory_space<hbm>> -> memref<640xf32, #tpu.memory_space<hbm>>
      tpu.wait_dma2 semaphore(%arg53 : memref<!tpu.dma_semaphore, #tpu.memory_space<semaphore_mem>>) src(%dma_wait3A_748 : memref<640xf32, #tpu.memory_space<hbm>>) dst(%arg45 : memref<640xf32, #tpu.memory_space<vmem>>)
      %dma_wait3A_749 = tpu.memref_slice %arg4[%mul3A_744] : memref<2000000xf32, #tpu.memory_space<hbm>> -> memref<640xf32, #tpu.memory_space<hbm>>
      %dma_wait3A_750 = tpu.memref_slice %arg4[%mul3A_744] : memref<2000000xf32, #tpu.memory_space<hbm>> -> memref<640xf32, #tpu.memory_space<hbm>>
      tpu.wait_dma2 semaphore(%arg53 : memref<!tpu.dma_semaphore, #tpu.memory_space<semaphore_mem>>) src(%dma_wait3A_750 : memref<640xf32, #tpu.memory_space<hbm>>) dst(%arg46 : memref<640xf32, #tpu.memory_space<vmem>>)
      %dma_wait3A_751 = tpu.memref_slice %arg8[%mul3A_744] : memref<2000000xf32, #tpu.memory_space<hbm>> -> memref<640xf32, #tpu.memory_space<hbm>>
      %dma_wait3A_752 = tpu.memref_slice %arg8[%mul3A_744] : memref<2000000xf32, #tpu.memory_space<hbm>> -> memref<640xf32, #tpu.memory_space<hbm>>
      tpu.wait_dma2 semaphore(%arg53 : memref<!tpu.dma_semaphore, #tpu.memory_space<semaphore_mem>>) src(%dma_wait3A_752 : memref<640xf32, #tpu.memory_space<hbm>>) dst(%arg43 : memref<640xf32, #tpu.memory_space<vmem>>)
      %dma_wait3A_753 = tpu.memref_slice %arg6[%mul3A_744] : memref<2000000xi32, #tpu.memory_space<hbm>> -> memref<640xi32, #tpu.memory_space<hbm>>
      %dma_wait3A_754 = tpu.memref_slice %arg6[%mul3A_744] : memref<2000000xi32, #tpu.memory_space<hbm>> -> memref<640xi32, #tpu.memory_space<hbm>>
      tpu.wait_dma2 semaphore(%arg53 : memref<!tpu.dma_semaphore, #tpu.memory_space<semaphore_mem>>) src(%dma_wait3A_754 : memref<640xi32, #tpu.memory_space<hbm>>) dst(%arg42 : memref<640xi32, #tpu.memory_space<vmem>>)
      %ge3A_755 = arith.constant 2 : i32
      %ge3A_756 = arith.cmpi sge, %add3A_607, %ge3A_755 : i32
      %convert_element_type3A_757 = arith.extui %ge3A_756 : i1 to i32
      %cond3A_758 = arith.constant 0 : i32
      %cond3A_759 = arith.cmpi ne, %convert_element_type3A_757, %cond3A_758 : i32
      scf.if %cond3A_759 {
        %sub3A_783 = arith.constant 2 : i32
        %sub3A_784 = arith.subi %add3A_607, %sub3A_783 : i32
        %mul3A_785 = arith.constant 32 : i32
        %mul3A_786 = arith.muli %sub3A_784, %mul3A_785 : i32
        %add3A_787 = arith.addi %add3A, %mul3A_786 : i32
        %mul3A_788 = arith.constant 640 : i32
        %mul3A_789 = arith.muli %add3A_787, %mul3A_788 : i32
        %dma_wait3A_790 = tpu.memref_slice %arg21[%mul3A_789] : memref<2000000xf32, #tpu.memory_space<hbm>> -> memref<640xf32, #tpu.memory_space<hbm>>
        %dma_wait3A_791 = tpu.memref_slice %arg21[%mul3A_789] : memref<2000000xf32, #tpu.memory_space<hbm>> -> memref<640xf32, #tpu.memory_space<hbm>>
        tpu.wait_dma2 semaphore(%arg55 : memref<!tpu.dma_semaphore, #tpu.memory_space<semaphore_mem>>) src(%arg49 : memref<640xf32, #tpu.memory_space<vmem>>) dst(%dma_wait3A_791 : memref<640xf32, #tpu.memory_space<hbm>>)
        %dma_wait3A_792 = tpu.memref_slice %arg22[%mul3A_789] : memref<2000000xf32, #tpu.memory_space<hbm>> -> memref<640xf32, #tpu.memory_space<hbm>>
        %dma_wait3A_793 = tpu.memref_slice %arg22[%mul3A_789] : memref<2000000xf32, #tpu.memory_space<hbm>> -> memref<640xf32, #tpu.memory_space<hbm>>
        tpu.wait_dma2 semaphore(%arg55 : memref<!tpu.dma_semaphore, #tpu.memory_space<semaphore_mem>>) src(%arg50 : memref<640xf32, #tpu.memory_space<vmem>>) dst(%dma_wait3A_793 : memref<640xf32, #tpu.memory_space<hbm>>)
        %dma_wait3A_794 = tpu.memref_slice %arg23[%mul3A_789] : memref<2000000xf32, #tpu.memory_space<hbm>> -> memref<640xf32, #tpu.memory_space<hbm>>
        %dma_wait3A_795 = tpu.memref_slice %arg23[%mul3A_789] : memref<2000000xf32, #tpu.memory_space<hbm>> -> memref<640xf32, #tpu.memory_space<hbm>>
        tpu.wait_dma2 semaphore(%arg55 : memref<!tpu.dma_semaphore, #tpu.memory_space<semaphore_mem>>) src(%arg51 : memref<640xf32, #tpu.memory_space<vmem>>) dst(%dma_wait3A_795 : memref<640xf32, #tpu.memory_space<hbm>>)
      } else {
      }
      %scan3A_760 = arith.constant 0 : i32
      %scan3A_761 = arith.constant 0 : i32
      %scan3A_762 = arith.constant 40 : i32
      %scan3A_763 = arith.addi %scan3A_761, %scan3A_762 : i32
      %scan3A_764 = arith.constant 1 : i32
      scf.for %scan3A_783 = %scan3A_761 to %scan3A_763 step %scan3A_764  : i32 {
        %mul3A_784 = arith.constant 16 : i32
        %mul3A_785 = arith.muli %scan3A_783, %mul3A_784 : i32
        %add3A_786 = vector.broadcast %mul3A_785 : i32 to vector<16xi32>
        %add3A_787 = arith.addi %add3A_786, %iota3A : vector<16xi32>
        %get3A = arith.index_cast %mul3A_785 : i32 to index
        %get3A_788 = tpu.vector_load %arg42[%get3A] {strides = array<i32>} : memref<640xi32, #tpu.memory_space<vmem>>, vector<16xi32>,
        %get3A_789 = arith.index_cast %mul3A_785 : i32 to index
        %get3A_790 = tpu.vector_load %arg43[%get3A_789] {strides = array<i32>} : memref<640xf32, #tpu.memory_space<vmem>>, vector<16xf32>,
        %gather3A_791 = tpu.vector_load_idx %arg47[%add3A_787, %broadcast_in_dim3A_23] : memref<640x8xf32, #tpu.memory_space<vmem>>[vector<16xi32>, vector<16xi32>], vector<16xf32>,
        %gather3A_792 = tpu.vector_load_idx %arg47[%add3A_787, %broadcast_in_dim3A_25] : memref<640x8xf32, #tpu.memory_space<vmem>>[vector<16xi32>, vector<16xi32>], vector<16xf32>,
        %gather3A_793 = tpu.vector_load_idx %arg47[%add3A_787, %broadcast_in_dim3A_27] : memref<640x8xf32, #tpu.memory_space<vmem>>[vector<16xi32>, vector<16xi32>], vector<16xf32>,
        %gather3A_794 = tpu.vector_load_idx %arg47[%add3A_787, %broadcast_in_dim3A_29] : memref<640x8xf32, #tpu.memory_space<vmem>>[vector<16xi32>, vector<16xi32>], vector<16xf32>,
        %gather3A_795 = tpu.vector_load_idx %arg47[%add3A_787, %broadcast_in_dim3A_31] : memref<640x8xf32, #tpu.memory_space<vmem>>[vector<16xi32>, vector<16xi32>], vector<16xf32>,
        %gather3A_796 = tpu.vector_load_idx %arg47[%add3A_787, %broadcast_in_dim3A_33] : memref<640x8xf32, #tpu.memory_space<vmem>>[vector<16xi32>, vector<16xi32>], vector<16xf32>,
        %gather3A_797 = tpu.vector_load_idx %arg47[%add3A_787, %broadcast_in_dim3A_35] : memref<640x8xf32, #tpu.memory_space<vmem>>[vector<16xi32>, vector<16xi32>], vector<16xf32>,
        %gather3A_798 = tpu.vector_load_idx %arg47[%add3A_787, %broadcast_in_dim3A_37] : memref<640x8xf32, #tpu.memory_space<vmem>>[vector<16xi32>, vector<16xi32>], vector<16xf32>,
        %gather3A_799 = tpu.vector_load_idx %arg48[%add3A_787, %broadcast_in_dim3A_23] : memref<640x8xf32, #tpu.memory_space<vmem>>[vector<16xi32>, vector<16xi32>], vector<16xf32>,
        %gather3A_800 = tpu.vector_load_idx %arg48[%add3A_787, %broadcast_in_dim3A_25] : memref<640x8xf32, #tpu.memory_space<vmem>>[vector<16xi32>, vector<16xi32>], vector<16xf32>,
        %gather3A_801 = tpu.vector_load_idx %arg48[%add3A_787, %broadcast_in_dim3A_27] : memref<640x8xf32, #tpu.memory_space<vmem>>[vector<16xi32>, vector<16xi32>], vector<16xf32>,
        %get3A_802 = arith.index_cast %mul3A_785 : i32 to index
        %get3A_803 = tpu.vector_load %arg44[%get3A_802] {strides = array<i32>} : memref<640xf32, #tpu.memory_space<vmem>>, vector<16xf32>,
        %get3A_804 = arith.index_cast %mul3A_785 : i32 to index
        %get3A_805 = tpu.vector_load %arg45[%get3A_804] {strides = array<i32>} : memref<640xf32, #tpu.memory_space<vmem>>, vector<16xf32>,
        %get3A_806 = arith.index_cast %mul3A_785 : i32 to index
        %get3A_807 = tpu.vector_load %arg46[%get3A_806] {strides = array<i32>} : memref<640xf32, #tpu.memory_space<vmem>>, vector<16xf32>,
        %gather3A_808 = tpu.vector_load_idx %arg60[%get3A_788] : memref<16xf32, #tpu.memory_space<vmem>>[vector<16xi32>], vector<16xf32>,
        %gather3A_809 = tpu.vector_load_idx %arg61[%get3A_788] : memref<16xf32, #tpu.memory_space<vmem>>[vector<16xi32>], vector<16xf32>,
        %gather3A_810 = tpu.vector_load_idx %arg62[%get3A_788] : memref<16xf32, #tpu.memory_space<vmem>>[vector<16xi32>], vector<16xf32>,
        %gather3A_811 = tpu.vector_load_idx %arg63[%get3A_788] : memref<16xf32, #tpu.memory_space<vmem>>[vector<16xi32>], vector<16xf32>,
        %gather3A_812 = tpu.vector_load_idx %arg64[%get3A_788] : memref<16xf32, #tpu.memory_space<vmem>>[vector<16xi32>], vector<16xf32>,
        %gather3A_813 = tpu.vector_load_idx %arg65[%get3A_788] : memref<16xf32, #tpu.memory_space<vmem>>[vector<16xi32>], vector<16xf32>,
        %gather3A_814 = tpu.vector_load_idx %arg66[%get3A_788] : memref<16xf32, #tpu.memory_space<vmem>>[vector<16xi32>], vector<16xf32>,
        %mul3A_815 = arith.mulf %gather3A_811, %gather3A_794 : vector<16xf32>
        %mul3A_816 = arith.mulf %gather3A_808, %gather3A_791 : vector<16xf32>
        %sub3A_817 = arith.subf %mul3A_815, %mul3A_816 : vector<16xf32>
        %mul3A_818 = arith.mulf %gather3A_809, %gather3A_792 : vector<16xf32>
        %sub3A_819 = arith.subf %sub3A_817, %mul3A_818 : vector<16xf32>
        %mul3A_820 = arith.mulf %gather3A_810, %gather3A_793 : vector<16xf32>
        %sub3A_821 = arith.subf %sub3A_819, %mul3A_820 : vector<16xf32>
        %mul3A_822 = arith.mulf %gather3A_811, %gather3A_791 : vector<16xf32>
        %mul3A_823 = arith.mulf %gather3A_808, %gather3A_794 : vector<16xf32>
        %add3A_824 = arith.addf %mul3A_822, %mul3A_823 : vector<16xf32>
        %mul3A_825 = arith.mulf %gather3A_809, %gather3A_793 : vector<16xf32>
        %add3A_826 = arith.addf %add3A_824, %mul3A_825 : vector<16xf32>
        %mul3A_827 = arith.mulf %gather3A_810, %gather3A_792 : vector<16xf32>
        %sub3A_828 = arith.subf %add3A_826, %mul3A_827 : vector<16xf32>
        %mul3A_829 = arith.mulf %gather3A_811, %gather3A_792 : vector<16xf32>
        %mul3A_830 = arith.mulf %gather3A_808, %gather3A_793 : vector<16xf32>
        %sub3A_831 = arith.subf %mul3A_829, %mul3A_830 : vector<16xf32>
        %mul3A_832 = arith.mulf %gather3A_809, %gather3A_794 : vector<16xf32>
        %add3A_833 = arith.addf %sub3A_831, %mul3A_832 : vector<16xf32>
        %mul3A_834 = arith.mulf %gather3A_810, %gather3A_791 : vector<16xf32>
        %add3A_835 = arith.addf %add3A_833, %mul3A_834 : vector<16xf32>
        %mul3A_836 = arith.mulf %gather3A_811, %gather3A_793 : vector<16xf32>
        %mul3A_837 = arith.mulf %gather3A_808, %gather3A_792 : vector<16xf32>
        %add3A_838 = arith.addf %mul3A_836, %mul3A_837 : vector<16xf32>
        %mul3A_839 = arith.mulf %gather3A_809, %gather3A_791 : vector<16xf32>
        %sub3A_840 = arith.subf %add3A_838, %mul3A_839 : vector<16xf32>
        %mul3A_841 = arith.mulf %gather3A_810, %gather3A_794 : vector<16xf32>
        %add3A_842 = arith.addf %sub3A_840, %mul3A_841 : vector<16xf32>
        %add3A_843 = arith.addf %gather3A_812, %gather3A_795 : vector<16xf32>
        %add3A_844 = arith.addf %gather3A_813, %gather3A_796 : vector<16xf32>
        %add3A_845 = arith.addf %gather3A_814, %gather3A_797 : vector<16xf32>
        %mul3A_846 = arith.mulf %add3A_844, %gather3A_793 : vector<16xf32>
        %mul3A_847 = arith.mulf %add3A_845, %gather3A_792 : vector<16xf32>
        %sub3A_848 = arith.subf %mul3A_846, %mul3A_847 : vector<16xf32>
        %mul3A_849 = arith.mulf %add3A_845, %gather3A_791 : vector<16xf32>
        %mul3A_850 = arith.mulf %add3A_843, %gather3A_793 : vector<16xf32>
        %sub3A_851 = arith.subf %mul3A_849, %mul3A_850 : vector<16xf32>
        %mul3A_852 = arith.mulf %add3A_843, %gather3A_792 : vector<16xf32>
        %mul3A_853 = arith.mulf %add3A_844, %gather3A_791 : vector<16xf32>
        %sub3A_854 = arith.subf %mul3A_852, %mul3A_853 : vector<16xf32>
        %mul3A_855 = arith.constant 2.000000e+00 : f32
        %mul3A_856 = vector.broadcast %mul3A_855 : f32 to vector<16xf32>
        %mul3A_857 = arith.mulf %mul3A_856, %sub3A_848 : vector<16xf32>
        %mul3A_858 = arith.constant 2.000000e+00 : f32
        %mul3A_859 = vector.broadcast %mul3A_858 : f32 to vector<16xf32>
        %mul3A_860 = arith.mulf %mul3A_859, %sub3A_851 : vector<16xf32>
        %mul3A_861 = arith.constant 2.000000e+00 : f32
        %mul3A_862 = vector.broadcast %mul3A_861 : f32 to vector<16xf32>
        %mul3A_863 = arith.mulf %mul3A_862, %sub3A_854 : vector<16xf32>
        %mul3A_864 = arith.mulf %mul3A_860, %gather3A_793 : vector<16xf32>
        %mul3A_865 = arith.mulf %mul3A_863, %gather3A_792 : vector<16xf32>
        %sub3A_866 = arith.subf %mul3A_864, %mul3A_865 : vector<16xf32>
        %mul3A_867 = arith.mulf %mul3A_863, %gather3A_791 : vector<16xf32>
        %mul3A_868 = arith.mulf %mul3A_857, %gather3A_793 : vector<16xf32>
        %sub3A_869 = arith.subf %mul3A_867, %mul3A_868 : vector<16xf32>
        %mul3A_870 = arith.mulf %mul3A_857, %gather3A_792 : vector<16xf32>
        %mul3A_871 = arith.mulf %mul3A_860, %gather3A_791 : vector<16xf32>
        %sub3A_872 = arith.subf %mul3A_870, %mul3A_871 : vector<16xf32>
        %mul3A_873 = arith.mulf %gather3A_794, %mul3A_857 : vector<16xf32>
        %add3A_874 = arith.addf %add3A_843, %mul3A_873 : vector<16xf32>
        %add3A_875 = arith.addf %add3A_874, %sub3A_866 : vector<16xf32>
        %mul3A_876 = arith.mulf %gather3A_794, %mul3A_860 : vector<16xf32>
        %add3A_877 = arith.addf %add3A_844, %mul3A_876 : vector<16xf32>
        %add3A_878 = arith.addf %add3A_877, %sub3A_869 : vector<16xf32>
        %mul3A_879 = arith.mulf %gather3A_794, %mul3A_863 : vector<16xf32>
        %add3A_880 = arith.addf %add3A_845, %mul3A_879 : vector<16xf32>
        %add3A_881 = arith.addf %add3A_880, %sub3A_872 : vector<16xf32>
        %mul3A_882 = arith.mulf %get3A_805, %add3A_842 : vector<16xf32>
        %mul3A_883 = arith.mulf %get3A_807, %add3A_835 : vector<16xf32>
        %sub3A_884 = arith.subf %mul3A_882, %mul3A_883 : vector<16xf32>
        %mul3A_885 = arith.mulf %get3A_807, %sub3A_828 : vector<16xf32>
        %mul3A_886 = arith.mulf %get3A_803, %add3A_842 : vector<16xf32>
        %sub3A_887 = arith.subf %mul3A_885, %mul3A_886 : vector<16xf32>
        %mul3A_888 = arith.mulf %get3A_803, %add3A_835 : vector<16xf32>
        %mul3A_889 = arith.mulf %get3A_805, %sub3A_828 : vector<16xf32>
        %sub3A_890 = arith.subf %mul3A_888, %mul3A_889 : vector<16xf32>
        %mul3A_891 = arith.constant 2.000000e+00 : f32
        %mul3A_892 = vector.broadcast %mul3A_891 : f32 to vector<16xf32>
        %mul3A_893 = arith.mulf %mul3A_892, %sub3A_884 : vector<16xf32>
        %mul3A_894 = arith.constant 2.000000e+00 : f32
        %mul3A_895 = vector.broadcast %mul3A_894 : f32 to vector<16xf32>
        %mul3A_896 = arith.mulf %mul3A_895, %sub3A_887 : vector<16xf32>
        %mul3A_897 = arith.constant 2.000000e+00 : f32
        %mul3A_898 = vector.broadcast %mul3A_897 : f32 to vector<16xf32>
        %mul3A_899 = arith.mulf %mul3A_898, %sub3A_890 : vector<16xf32>
        %mul3A_900 = arith.mulf %mul3A_896, %add3A_842 : vector<16xf32>
        %mul3A_901 = arith.mulf %mul3A_899, %add3A_835 : vector<16xf32>
        %sub3A_902 = arith.subf %mul3A_900, %mul3A_901 : vector<16xf32>
        %mul3A_903 = arith.mulf %mul3A_899, %sub3A_828 : vector<16xf32>
        %mul3A_904 = arith.mulf %mul3A_893, %add3A_842 : vector<16xf32>
        %sub3A_905 = arith.subf %mul3A_903, %mul3A_904 : vector<16xf32>
        %mul3A_906 = arith.mulf %mul3A_893, %add3A_835 : vector<16xf32>
        %mul3A_907 = arith.mulf %mul3A_896, %sub3A_828 : vector<16xf32>
        %sub3A_908 = arith.subf %mul3A_906, %mul3A_907 : vector<16xf32>
        %mul3A_909 = arith.mulf %sub3A_821, %mul3A_893 : vector<16xf32>
        %add3A_910 = arith.addf %get3A_803, %mul3A_909 : vector<16xf32>
        %add3A_911 = arith.addf %add3A_910, %sub3A_902 : vector<16xf32>
        %mul3A_912 = arith.mulf %sub3A_821, %mul3A_896 : vector<16xf32>
        %add3A_913 = arith.addf %get3A_805, %mul3A_912 : vector<16xf32>
        %add3A_914 = arith.addf %add3A_913, %sub3A_905 : vector<16xf32>
        %mul3A_915 = arith.mulf %sub3A_821, %mul3A_899 : vector<16xf32>
        %add3A_916 = arith.addf %get3A_807, %mul3A_915 : vector<16xf32>
        %add3A_917 = arith.addf %add3A_916, %sub3A_908 : vector<16xf32>
        %add3A_918 = arith.addf %gather3A_799, %add3A_875 : vector<16xf32>
        %mul3A_919 = arith.mulf %get3A_790, %add3A_911 : vector<16xf32>
        %sub3A_920 = arith.subf %add3A_918, %mul3A_919 : vector<16xf32>
        %mul3A_921 = arith.mulf %gather3A_798, %sub3A_920 : vector<16xf32>
        %swap3A_922 = arith.index_cast %mul3A_785 : i32 to index
        %swap3A_923 = tpu.vector_load %arg49[%swap3A_922] {strides = array<i32>} : memref<640xf32, #tpu.memory_space<vmem>>, vector<16xf32>,
        tpu.vector_store %arg49[%swap3A_922], %mul3A_921 {strides = array<i32>} : memref<640xf32, #tpu.memory_space<vmem>>, vector<16xf32>,
        %add3A_924 = arith.addf %gather3A_800, %add3A_878 : vector<16xf32>
        %mul3A_925 = arith.mulf %get3A_790, %add3A_914 : vector<16xf32>
        %sub3A_926 = arith.subf %add3A_924, %mul3A_925 : vector<16xf32>
        %mul3A_927 = arith.mulf %gather3A_798, %sub3A_926 : vector<16xf32>
        %swap3A_928 = arith.index_cast %mul3A_785 : i32 to index
        %swap3A_929 = tpu.vector_load %arg50[%swap3A_928] {strides = array<i32>} : memref<640xf32, #tpu.memory_space<vmem>>, vector<16xf32>,
        tpu.vector_store %arg50[%swap3A_928], %mul3A_927 {strides = array<i32>} : memref<640xf32, #tpu.memory_space<vmem>>, vector<16xf32>,
        %add3A_930 = arith.addf %gather3A_801, %add3A_881 : vector<16xf32>
        %mul3A_931 = arith.mulf %get3A_790, %add3A_917 : vector<16xf32>
        %sub3A_932 = arith.subf %add3A_930, %mul3A_931 : vector<16xf32>
        %mul3A_933 = arith.mulf %gather3A_798, %sub3A_932 : vector<16xf32>
        %swap3A_934 = arith.index_cast %mul3A_785 : i32 to index
        %swap3A_935 = tpu.vector_load %arg51[%swap3A_934] {strides = array<i32>} : memref<640xf32, #tpu.memory_space<vmem>>, vector<16xf32>,
        tpu.vector_store %arg51[%swap3A_934], %mul3A_933 {strides = array<i32>} : memref<640xf32, #tpu.memory_space<vmem>>, vector<16xf32>,
      }
      %scan3A_765 = arith.constant 40 : i32
      %mul3A_766 = arith.constant 32 : i32
      %mul3A_767 = arith.muli %add3A_607, %mul3A_766 : i32
      %add3A_768 = arith.addi %add3A, %mul3A_767 : i32
      %mul3A_769 = arith.constant 640 : i32
      %mul3A_770 = arith.muli %add3A_768, %mul3A_769 : i32
      %dma_start3A_771 = tpu.memref_slice %arg21[%mul3A_770] : memref<2000000xf32, #tpu.memory_space<hbm>> -> memref<640xf32, #tpu.memory_space<hbm>>
      %dma_start3A_772 = tpu.memref_slice %arg21[%mul3A_770] : memref<2000000xf32, #tpu.memory_space<hbm>> -> memref<640xf32, #tpu.memory_space<hbm>>
      tpu.enqueue_dma source(%arg49 : memref<640xf32, #tpu.memory_space<vmem>>) target(%dma_start3A_772 : memref<640xf32, #tpu.memory_space<hbm>>) target_semaphore(%arg55 : memref<!tpu.dma_semaphore, #tpu.memory_space<semaphore_mem>>)
      %dma_start3A_773 = tpu.memref_slice %arg22[%mul3A_770] : memref<2000000xf32, #tpu.memory_space<hbm>> -> memref<640xf32, #tpu.memory_space<hbm>>
      %dma_start3A_774 = tpu.memref_slice %arg22[%mul3A_770] : memref<2000000xf32, #tpu.memory_space<hbm>> -> memref<640xf32, #tpu.memory_space<hbm>>
      tpu.enqueue_dma source(%arg50 : memref<640xf32, #tpu.memory_space<vmem>>) target(%dma_start3A_774 : memref<640xf32, #tpu.memory_space<hbm>>) target_semaphore(%arg55 : memref<!tpu.dma_semaphore, #tpu.memory_space<semaphore_mem>>)
      %dma_start3A_775 = tpu.memref_slice %arg23[%mul3A_770] : memref<2000000xf32, #tpu.memory_space<hbm>> -> memref<640xf32, #tpu.memory_space<hbm>>
      %dma_start3A_776 = tpu.memref_slice %arg23[%mul3A_770] : memref<2000000xf32, #tpu.memory_space<hbm>> -> memref<640xf32, #tpu.memory_space<hbm>>
      tpu.enqueue_dma source(%arg51 : memref<640xf32, #tpu.memory_space<vmem>>) target(%dma_start3A_776 : memref<640xf32, #tpu.memory_space<hbm>>) target_semaphore(%arg55 : memref<!tpu.dma_semaphore, #tpu.memory_space<semaphore_mem>>)
      %add3A_777 = arith.constant 2 : i32
      %add3A_778 = arith.addi %add3A_607, %add3A_777 : i32
      %lt3A_779 = arith.cmpi slt, %add3A_778, %select_n3A : i32
      %convert_element_type3A_780 = arith.extui %lt3A_779 : i1 to i32
      %cond3A_781 = arith.constant 0 : i32
      %cond3A_782 = arith.cmpi ne, %convert_element_type3A_780, %cond3A_781 : i32
      scf.if %cond3A_782 {
        %add3A_783 = arith.constant 2 : i32
        %add3A_784 = arith.addi %add3A_607, %add3A_783 : i32
        %mul3A_785 = arith.constant 32 : i32
        %mul3A_786 = arith.muli %add3A_784, %mul3A_785 : i32
        %add3A_787 = arith.addi %add3A, %mul3A_786 : i32
        %mul3A_788 = arith.constant 640 : i32
        %mul3A_789 = arith.muli %add3A_787, %mul3A_788 : i32
        %dma_start3A_790 = tpu.memref_slice %arg2[%mul3A_789] : memref<2000000xf32, #tpu.memory_space<hbm>> -> memref<640xf32, #tpu.memory_space<hbm>>
        %dma_start3A_791 = tpu.memref_slice %arg2[%mul3A_789] : memref<2000000xf32, #tpu.memory_space<hbm>> -> memref<640xf32, #tpu.memory_space<hbm>>
        tpu.enqueue_dma source(%dma_start3A_791 : memref<640xf32, #tpu.memory_space<hbm>>) target(%arg44 : memref<640xf32, #tpu.memory_space<vmem>>) target_semaphore(%arg53 : memref<!tpu.dma_semaphore, #tpu.memory_space<semaphore_mem>>)
        %dma_start3A_792 = tpu.memref_slice %arg3[%mul3A_789] : memref<2000000xf32, #tpu.memory_space<hbm>> -> memref<640xf32, #tpu.memory_space<hbm>>
        %dma_start3A_793 = tpu.memref_slice %arg3[%mul3A_789] : memref<2000000xf32, #tpu.memory_space<hbm>> -> memref<640xf32, #tpu.memory_space<hbm>>
        tpu.enqueue_dma source(%dma_start3A_793 : memref<640xf32, #tpu.memory_space<hbm>>) target(%arg45 : memref<640xf32, #tpu.memory_space<vmem>>) target_semaphore(%arg53 : memref<!tpu.dma_semaphore, #tpu.memory_space<semaphore_mem>>)
        %dma_start3A_794 = tpu.memref_slice %arg4[%mul3A_789] : memref<2000000xf32, #tpu.memory_space<hbm>> -> memref<640xf32, #tpu.memory_space<hbm>>
        %dma_start3A_795 = tpu.memref_slice %arg4[%mul3A_789] : memref<2000000xf32, #tpu.memory_space<hbm>> -> memref<640xf32, #tpu.memory_space<hbm>>
        tpu.enqueue_dma source(%dma_start3A_795 : memref<640xf32, #tpu.memory_space<hbm>>) target(%arg46 : memref<640xf32, #tpu.memory_space<vmem>>) target_semaphore(%arg53 : memref<!tpu.dma_semaphore, #tpu.memory_space<semaphore_mem>>)
        %dma_start3A_796 = tpu.memref_slice %arg8[%mul3A_789] : memref<2000000xf32, #tpu.memory_space<hbm>> -> memref<640xf32, #tpu.memory_space<hbm>>
        %dma_start3A_797 = tpu.memref_slice %arg8[%mul3A_789] : memref<2000000xf32, #tpu.memory_space<hbm>> -> memref<640xf32, #tpu.memory_space<hbm>>
        tpu.enqueue_dma source(%dma_start3A_797 : memref<640xf32, #tpu.memory_space<hbm>>) target(%arg43 : memref<640xf32, #tpu.memory_space<vmem>>) target_semaphore(%arg53 : memref<!tpu.dma_semaphore, #tpu.memory_space<semaphore_mem>>)
        %dma_start3A_798 = tpu.memref_slice %arg6[%mul3A_789] : memref<2000000xi32, #tpu.memory_space<hbm>> -> memref<640xi32, #tpu.memory_space<hbm>>
        %dma_start3A_799 = tpu.memref_slice %arg6[%mul3A_789] : memref<2000000xi32, #tpu.memory_space<hbm>> -> memref<640xi32, #tpu.memory_space<hbm>>
        tpu.enqueue_dma source(%dma_start3A_799 : memref<640xi32, #tpu.memory_space<hbm>>) target(%arg42 : memref<640xi32, #tpu.memory_space<vmem>>) target_semaphore(%arg53 : memref<!tpu.dma_semaphore, #tpu.memory_space<semaphore_mem>>)
      } else {
      }
    }
    %jit3A_392 = arith.constant 2 : i32
    %eq3A = arith.constant 0 : i32
    %eq3A_393 = arith.cmpi eq, %jit3A_392, %eq3A : i32
    %jit3A_394 = arith.constant 1 : i32
    %select_n3A_395 = arith.select %eq3A_393, %jit3A_394, %jit3A_392 : i32
    %rem3A_396 = arith.remsi %select_n3A, %select_n3A_395 : i32
    %ne3A_397 = arith.constant 0 : i32
    %ne3A_398 = arith.cmpi ne, %rem3A_396, %ne3A_397 : i32
    %lt3A = arith.constant 0 : i32
    %lt3A_399 = arith.cmpi slt, %rem3A_396, %lt3A : i32
    %lt3A_400 = arith.constant 0 : i32
    %lt3A_401 = arith.cmpi slt, %select_n3A_395, %lt3A_400 : i32
    %ne3A_402 = arith.xori %lt3A_399, %lt3A_401 : i1
    %and3A_403 = arith.andi %ne3A_402, %ne3A_398 : i1
    %add3A_404 = arith.addi %rem3A_396, %select_n3A_395 : i32
    %select_n3A_405 = arith.select %and3A_403, %add3A_404, %rem3A_396 : i32
    %eq3A_406 = arith.constant 1 : i32
    %eq3A_407 = arith.cmpi eq, %select_n3A_405, %eq3A_406 : i32
    %convert_element_type3A = arith.extui %eq3A_407 : i1 to i32
    %cond3A = arith.constant 0 : i32
    %cond3A_408 = arith.cmpi ne, %convert_element_type3A, %cond3A : i32
    scf.if %cond3A_408 {
      %sub3A_429 = arith.constant 1 : i32
      %sub3A_430 = arith.subi %select_n3A, %sub3A_429 : i32
      %add3A_431 = arith.constant 1 : i32
      %add3A_432 = arith.addi %sub3A_430, %add3A_431 : i32
      %lt3A_433 = arith.cmpi slt, %add3A_432, %select_n3A : i32
      %convert_element_type3A_434 = arith.extui %lt3A_433 : i1 to i32
      %cond3A_435 = arith.constant 0 : i32
      %cond3A_436 = arith.cmpi ne, %convert_element_type3A_434, %cond3A_435 : i32
      scf.if %cond3A_436 {
        %add3A_605 = arith.constant 1 : i32
        %add3A_606 = arith.addi %sub3A_430, %add3A_605 : i32
        %mul3A_607 = arith.constant 32 : i32
        %mul3A_608 = arith.muli %add3A_606, %mul3A_607 : i32
        %add3A_609 = arith.addi %add3A, %mul3A_608 : i32
        %mul3A_610 = arith.constant 640 : i32
        %mul3A_611 = arith.muli %add3A_609, %mul3A_610 : i32
        %dma_wait3A_612 = tpu.memref_slice %arg5[%mul3A_611] : memref<2000000xi32, #tpu.memory_space<hbm>> -> memref<640xi32, #tpu.memory_space<hbm>>
        %dma_wait3A_613 = tpu.memref_slice %arg5[%mul3A_611] : memref<2000000xi32, #tpu.memory_space<hbm>> -> memref<640xi32, #tpu.memory_space<hbm>>
        tpu.wait_dma2 semaphore(%arg52 : memref<!tpu.dma_semaphore, #tpu.memory_space<semaphore_mem>>) src(%dma_wait3A_613 : memref<640xi32, #tpu.memory_space<hbm>>) dst(%arg40 : memref<640xi32, #tpu.memory_space<vmem>>)
        %dma_wait3A_614 = tpu.memref_slice %arg7[%mul3A_611] : memref<2000000xi32, #tpu.memory_space<hbm>> -> memref<640xi32, #tpu.memory_space<hbm>>
        %dma_wait3A_615 = tpu.memref_slice %arg7[%mul3A_611] : memref<2000000xi32, #tpu.memory_space<hbm>> -> memref<640xi32, #tpu.memory_space<hbm>>
        tpu.wait_dma2 semaphore(%arg52 : memref<!tpu.dma_semaphore, #tpu.memory_space<semaphore_mem>>) src(%dma_wait3A_615 : memref<640xi32, #tpu.memory_space<hbm>>) dst(%arg41 : memref<640xi32, #tpu.memory_space<vmem>>)
        %add3A_616 = arith.constant 1 : i32
        %add3A_617 = arith.addi %sub3A_430, %add3A_616 : i32
        %dma_start3A_618 = arith.constant 0 : i32
        %dma_start3A_619 = arith.constant 0 : i32
        %dma_start3A_620 = tpu.memref_slice %arg47[%dma_start3A_618, %dma_start3A_619] : memref<640x8xf32, #tpu.memory_space<vmem>> -> memref<128x8xf32, #tpu.memory_space<vmem>>
        %dma_start3A_621 = arith.constant 0 : i32
        %dma_start3A_622 = tpu.memref_slice %arg40[%dma_start3A_621] : memref<640xi32, #tpu.memory_space<vmem>> -> memref<128xi32, #tpu.memory_space<vmem>>
        %dma_start3A_623 = arith.constant 0 : i32
        %dma_start3A_624 = arith.constant 0 : i32
        %dma_start3A_625 = tpu.memref_slice %arg56[%arg0, %dma_start3A_623, %dma_start3A_624] : memref<2x50176x8xf32, #tpu.memory_space<hbm>> -> memref<1x50176x8xf32, #tpu.memory_space<hbm>>
        %dma_start3A_626 = tpu.memref_squeeze %dma_start3A_625 : memref<1x50176x8xf32, #tpu.memory_space<hbm>> -> memref<50176x8xf32, #tpu.memory_space<hbm>>
        %dma_start3A_627 = arith.constant 0 : i32
        %dma_start3A_628 = arith.constant 0 : i32
        %dma_start3A_629 = tpu.memref_slice %dma_start3A_626[%dma_start3A_627, %dma_start3A_628] : memref<50176x8xf32, #tpu.memory_space<hbm>> -> memref<50176x8xf32, #tpu.memory_space<hbm>>
        tpu.enqueue_indirect_dma source(%dma_start3A_629 : memref<50176x8xf32, #tpu.memory_space<hbm>>) target(%dma_start3A_620 : memref<128x8xf32, #tpu.memory_space<vmem>>) offsets(%dma_start3A_622 : memref<128xi32, #tpu.memory_space<vmem>>) semaphore(%arg54 : memref<!tpu.dma_semaphore, #tpu.memory_space<semaphore_mem>>)
        %dma_start3A_630 = arith.constant 0 : i32
        %dma_start3A_631 = arith.constant 0 : i32
        %dma_start3A_632 = tpu.memref_slice %arg48[%dma_start3A_630, %dma_start3A_631] : memref<640x8xf32, #tpu.memory_space<vmem>> -> memref<128x8xf32, #tpu.memory_space<vmem>>
        %dma_start3A_633 = arith.constant 0 : i32
        %dma_start3A_634 = tpu.memref_slice %arg41[%dma_start3A_633] : memref<640xi32, #tpu.memory_space<vmem>> -> memref<128xi32, #tpu.memory_space<vmem>>
        %dma_start3A_635 = arith.constant 0 : i32
        %dma_start3A_636 = arith.constant 0 : i32
        %dma_start3A_637 = tpu.memref_slice %arg57[%arg0, %dma_start3A_635, %dma_start3A_636] : memref<2x500480x8xf32, #tpu.memory_space<hbm>> -> memref<1x500480x8xf32, #tpu.memory_space<hbm>>
        %dma_start3A_638 = tpu.memref_squeeze %dma_start3A_637 : memref<1x500480x8xf32, #tpu.memory_space<hbm>> -> memref<500480x8xf32, #tpu.memory_space<hbm>>
        %dma_start3A_639 = arith.constant 0 : i32
        %dma_start3A_640 = arith.constant 0 : i32
        %dma_start3A_641 = tpu.memref_slice %dma_start3A_638[%dma_start3A_639, %dma_start3A_640] : memref<500480x8xf32, #tpu.memory_space<hbm>> -> memref<500480x8xf32, #tpu.memory_space<hbm>>
        tpu.enqueue_indirect_dma source(%dma_start3A_641 : memref<500480x8xf32, #tpu.memory_space<hbm>>) target(%dma_start3A_632 : memref<128x8xf32, #tpu.memory_space<vmem>>) offsets(%dma_start3A_634 : memref<128xi32, #tpu.memory_space<vmem>>) semaphore(%arg54 : memref<!tpu.dma_semaphore, #tpu.memory_space<semaphore_mem>>)
        %dma_start3A_642 = arith.constant 128 : i32
        %dma_start3A_643 = arith.constant 0 : i32
        %dma_start3A_644 = tpu.memref_slice %arg47[%dma_start3A_642, %dma_start3A_643] : memref<640x8xf32, #tpu.memory_space<vmem>> -> memref<128x8xf32, #tpu.memory_space<vmem>>
        %dma_start3A_645 = arith.constant 128 : i32
        %dma_start3A_646 = tpu.memref_slice %arg40[%dma_start3A_645] : memref<640xi32, #tpu.memory_space<vmem>> -> memref<128xi32, #tpu.memory_space<vmem>>
        %dma_start3A_647 = arith.constant 0 : i32
        %dma_start3A_648 = arith.constant 0 : i32
        %dma_start3A_649 = tpu.memref_slice %arg56[%arg0, %dma_start3A_647, %dma_start3A_648] : memref<2x50176x8xf32, #tpu.memory_space<hbm>> -> memref<1x50176x8xf32, #tpu.memory_space<hbm>>
        %dma_start3A_650 = tpu.memref_squeeze %dma_start3A_649 : memref<1x50176x8xf32, #tpu.memory_space<hbm>> -> memref<50176x8xf32, #tpu.memory_space<hbm>>
        %dma_start3A_651 = arith.constant 0 : i32
        %dma_start3A_652 = arith.constant 0 : i32
        %dma_start3A_653 = tpu.memref_slice %dma_start3A_650[%dma_start3A_651, %dma_start3A_652] : memref<50176x8xf32, #tpu.memory_space<hbm>> -> memref<50176x8xf32, #tpu.memory_space<hbm>>
        tpu.enqueue_indirect_dma source(%dma_start3A_653 : memref<50176x8xf32, #tpu.memory_space<hbm>>) target(%dma_start3A_644 : memref<128x8xf32, #tpu.memory_space<vmem>>) offsets(%dma_start3A_646 : memref<128xi32, #tpu.memory_space<vmem>>) semaphore(%arg54 : memref<!tpu.dma_semaphore, #tpu.memory_space<semaphore_mem>>)
        %dma_start3A_654 = arith.constant 128 : i32
        %dma_start3A_655 = arith.constant 0 : i32
        %dma_start3A_656 = tpu.memref_slice %arg48[%dma_start3A_654, %dma_start3A_655] : memref<640x8xf32, #tpu.memory_space<vmem>> -> memref<128x8xf32, #tpu.memory_space<vmem>>
        %dma_start3A_657 = arith.constant 128 : i32
        %dma_start3A_658 = tpu.memref_slice %arg41[%dma_start3A_657] : memref<640xi32, #tpu.memory_space<vmem>> -> memref<128xi32, #tpu.memory_space<vmem>>
        %dma_start3A_659 = arith.constant 0 : i32
        %dma_start3A_660 = arith.constant 0 : i32
        %dma_start3A_661 = tpu.memref_slice %arg57[%arg0, %dma_start3A_659, %dma_start3A_660] : memref<2x500480x8xf32, #tpu.memory_space<hbm>> -> memref<1x500480x8xf32, #tpu.memory_space<hbm>>
        %dma_start3A_662 = tpu.memref_squeeze %dma_start3A_661 : memref<1x500480x8xf32, #tpu.memory_space<hbm>> -> memref<500480x8xf32, #tpu.memory_space<hbm>>
        %dma_start3A_663 = arith.constant 0 : i32
        %dma_start3A_664 = arith.constant 0 : i32
        %dma_start3A_665 = tpu.memref_slice %dma_start3A_662[%dma_start3A_663, %dma_start3A_664] : memref<500480x8xf32, #tpu.memory_space<hbm>> -> memref<500480x8xf32, #tpu.memory_space<hbm>>
        tpu.enqueue_indirect_dma source(%dma_start3A_665 : memref<500480x8xf32, #tpu.memory_space<hbm>>) target(%dma_start3A_656 : memref<128x8xf32, #tpu.memory_space<vmem>>) offsets(%dma_start3A_658 : memref<128xi32, #tpu.memory_space<vmem>>) semaphore(%arg54 : memref<!tpu.dma_semaphore, #tpu.memory_space<semaphore_mem>>)
        %dma_start3A_666 = arith.constant 256 : i32
        %dma_start3A_667 = arith.constant 0 : i32
        %dma_start3A_668 = tpu.memref_slice %arg47[%dma_start3A_666, %dma_start3A_667] : memref<640x8xf32, #tpu.memory_space<vmem>> -> memref<128x8xf32, #tpu.memory_space<vmem>>
        %dma_start3A_669 = arith.constant 256 : i32
        %dma_start3A_670 = tpu.memref_slice %arg40[%dma_start3A_669] : memref<640xi32, #tpu.memory_space<vmem>> -> memref<128xi32, #tpu.memory_space<vmem>>
        %dma_start3A_671 = arith.constant 0 : i32
        %dma_start3A_672 = arith.constant 0 : i32
        %dma_start3A_673 = tpu.memref_slice %arg56[%arg0, %dma_start3A_671, %dma_start3A_672] : memref<2x50176x8xf32, #tpu.memory_space<hbm>> -> memref<1x50176x8xf32, #tpu.memory_space<hbm>>
        %dma_start3A_674 = tpu.memref_squeeze %dma_start3A_673 : memref<1x50176x8xf32, #tpu.memory_space<hbm>> -> memref<50176x8xf32, #tpu.memory_space<hbm>>
        %dma_start3A_675 = arith.constant 0 : i32
        %dma_start3A_676 = arith.constant 0 : i32
        %dma_start3A_677 = tpu.memref_slice %dma_start3A_674[%dma_start3A_675, %dma_start3A_676] : memref<50176x8xf32, #tpu.memory_space<hbm>> -> memref<50176x8xf32, #tpu.memory_space<hbm>>
        tpu.enqueue_indirect_dma source(%dma_start3A_677 : memref<50176x8xf32, #tpu.memory_space<hbm>>) target(%dma_start3A_668 : memref<128x8xf32, #tpu.memory_space<vmem>>) offsets(%dma_start3A_670 : memref<128xi32, #tpu.memory_space<vmem>>) semaphore(%arg54 : memref<!tpu.dma_semaphore, #tpu.memory_space<semaphore_mem>>)
        %dma_start3A_678 = arith.constant 256 : i32
        %dma_start3A_679 = arith.constant 0 : i32
        %dma_start3A_680 = tpu.memref_slice %arg48[%dma_start3A_678, %dma_start3A_679] : memref<640x8xf32, #tpu.memory_space<vmem>> -> memref<128x8xf32, #tpu.memory_space<vmem>>
        %dma_start3A_681 = arith.constant 256 : i32
        %dma_start3A_682 = tpu.memref_slice %arg41[%dma_start3A_681] : memref<640xi32, #tpu.memory_space<vmem>> -> memref<128xi32, #tpu.memory_space<vmem>>
        %dma_start3A_683 = arith.constant 0 : i32
        %dma_start3A_684 = arith.constant 0 : i32
        %dma_start3A_685 = tpu.memref_slice %arg57[%arg0, %dma_start3A_683, %dma_start3A_684] : memref<2x500480x8xf32, #tpu.memory_space<hbm>> -> memref<1x500480x8xf32, #tpu.memory_space<hbm>>
        %dma_start3A_686 = tpu.memref_squeeze %dma_start3A_685 : memref<1x500480x8xf32, #tpu.memory_space<hbm>> -> memref<500480x8xf32, #tpu.memory_space<hbm>>
        %dma_start3A_687 = arith.constant 0 : i32
        %dma_start3A_688 = arith.constant 0 : i32
        %dma_start3A_689 = tpu.memref_slice %dma_start3A_686[%dma_start3A_687, %dma_start3A_688] : memref<500480x8xf32, #tpu.memory_space<hbm>> -> memref<500480x8xf32, #tpu.memory_space<hbm>>
        tpu.enqueue_indirect_dma source(%dma_start3A_689 : memref<500480x8xf32, #tpu.memory_space<hbm>>) target(%dma_start3A_680 : memref<128x8xf32, #tpu.memory_space<vmem>>) offsets(%dma_start3A_682 : memref<128xi32, #tpu.memory_space<vmem>>) semaphore(%arg54 : memref<!tpu.dma_semaphore, #tpu.memory_space<semaphore_mem>>)
        %dma_start3A_690 = arith.constant 384 : i32
        %dma_start3A_691 = arith.constant 0 : i32
        %dma_start3A_692 = tpu.memref_slice %arg47[%dma_start3A_690, %dma_start3A_691] : memref<640x8xf32, #tpu.memory_space<vmem>> -> memref<128x8xf32, #tpu.memory_space<vmem>>
        %dma_start3A_693 = arith.constant 384 : i32
        %dma_start3A_694 = tpu.memref_slice %arg40[%dma_start3A_693] : memref<640xi32, #tpu.memory_space<vmem>> -> memref<128xi32, #tpu.memory_space<vmem>>
        %dma_start3A_695 = arith.constant 0 : i32
        %dma_start3A_696 = arith.constant 0 : i32
        %dma_start3A_697 = tpu.memref_slice %arg56[%arg0, %dma_start3A_695, %dma_start3A_696] : memref<2x50176x8xf32, #tpu.memory_space<hbm>> -> memref<1x50176x8xf32, #tpu.memory_space<hbm>>
        %dma_start3A_698 = tpu.memref_squeeze %dma_start3A_697 : memref<1x50176x8xf32, #tpu.memory_space<hbm>> -> memref<50176x8xf32, #tpu.memory_space<hbm>>
        %dma_start3A_699 = arith.constant 0 : i32
        %dma_start3A_700 = arith.constant 0 : i32
        %dma_start3A_701 = tpu.memref_slice %dma_start3A_698[%dma_start3A_699, %dma_start3A_700] : memref<50176x8xf32, #tpu.memory_space<hbm>> -> memref<50176x8xf32, #tpu.memory_space<hbm>>
        tpu.enqueue_indirect_dma source(%dma_start3A_701 : memref<50176x8xf32, #tpu.memory_space<hbm>>) target(%dma_start3A_692 : memref<128x8xf32, #tpu.memory_space<vmem>>) offsets(%dma_start3A_694 : memref<128xi32, #tpu.memory_space<vmem>>) semaphore(%arg54 : memref<!tpu.dma_semaphore, #tpu.memory_space<semaphore_mem>>)
        %dma_start3A_702 = arith.constant 384 : i32
        %dma_start3A_703 = arith.constant 0 : i32
        %dma_start3A_704 = tpu.memref_slice %arg48[%dma_start3A_702, %dma_start3A_703] : memref<640x8xf32, #tpu.memory_space<vmem>> -> memref<128x8xf32, #tpu.memory_space<vmem>>
        %dma_start3A_705 = arith.constant 384 : i32
        %dma_start3A_706 = tpu.memref_slice %arg41[%dma_start3A_705] : memref<640xi32, #tpu.memory_space<vmem>> -> memref<128xi32, #tpu.memory_space<vmem>>
        %dma_start3A_707 = arith.constant 0 : i32
        %dma_start3A_708 = arith.constant 0 : i32
        %dma_start3A_709 = tpu.memref_slice %arg57[%arg0, %dma_start3A_707, %dma_start3A_708] : memref<2x500480x8xf32, #tpu.memory_space<hbm>> -> memref<1x500480x8xf32, #tpu.memory_space<hbm>>
        %dma_start3A_710 = tpu.memref_squeeze %dma_start3A_709 : memref<1x500480x8xf32, #tpu.memory_space<hbm>> -> memref<500480x8xf32, #tpu.memory_space<hbm>>
        %dma_start3A_711 = arith.constant 0 : i32
        %dma_start3A_712 = arith.constant 0 : i32
        %dma_start3A_713 = tpu.memref_slice %dma_start3A_710[%dma_start3A_711, %dma_start3A_712] : memref<500480x8xf32, #tpu.memory_space<hbm>> -> memref<500480x8xf32, #tpu.memory_space<hbm>>
        tpu.enqueue_indirect_dma source(%dma_start3A_713 : memref<500480x8xf32, #tpu.memory_space<hbm>>) target(%dma_start3A_704 : memref<128x8xf32, #tpu.memory_space<vmem>>) offsets(%dma_start3A_706 : memref<128xi32, #tpu.memory_space<vmem>>) semaphore(%arg54 : memref<!tpu.dma_semaphore, #tpu.memory_space<semaphore_mem>>)
        %dma_start3A_714 = arith.constant 512 : i32
        %dma_start3A_715 = arith.constant 0 : i32
        %dma_start3A_716 = tpu.memref_slice %arg47[%dma_start3A_714, %dma_start3A_715] : memref<640x8xf32, #tpu.memory_space<vmem>> -> memref<128x8xf32, #tpu.memory_space<vmem>>
        %dma_start3A_717 = arith.constant 512 : i32
        %dma_start3A_718 = tpu.memref_slice %arg40[%dma_start3A_717] : memref<640xi32, #tpu.memory_space<vmem>> -> memref<128xi32, #tpu.memory_space<vmem>>
        %dma_start3A_719 = arith.constant 0 : i32
        %dma_start3A_720 = arith.constant 0 : i32
        %dma_start3A_721 = tpu.memref_slice %arg56[%arg0, %dma_start3A_719, %dma_start3A_720] : memref<2x50176x8xf32, #tpu.memory_space<hbm>> -> memref<1x50176x8xf32, #tpu.memory_space<hbm>>
        %dma_start3A_722 = tpu.memref_squeeze %dma_start3A_721 : memref<1x50176x8xf32, #tpu.memory_space<hbm>> -> memref<50176x8xf32, #tpu.memory_space<hbm>>
        %dma_start3A_723 = arith.constant 0 : i32
        %dma_start3A_724 = arith.constant 0 : i32
        %dma_start3A_725 = tpu.memref_slice %dma_start3A_722[%dma_start3A_723, %dma_start3A_724] : memref<50176x8xf32, #tpu.memory_space<hbm>> -> memref<50176x8xf32, #tpu.memory_space<hbm>>
        tpu.enqueue_indirect_dma source(%dma_start3A_725 : memref<50176x8xf32, #tpu.memory_space<hbm>>) target(%dma_start3A_716 : memref<128x8xf32, #tpu.memory_space<vmem>>) offsets(%dma_start3A_718 : memref<128xi32, #tpu.memory_space<vmem>>) semaphore(%arg54 : memref<!tpu.dma_semaphore, #tpu.memory_space<semaphore_mem>>)
        %dma_start3A_726 = arith.constant 512 : i32
        %dma_start3A_727 = arith.constant 0 : i32
        %dma_start3A_728 = tpu.memref_slice %arg48[%dma_start3A_726, %dma_start3A_727] : memref<640x8xf32, #tpu.memory_space<vmem>> -> memref<128x8xf32, #tpu.memory_space<vmem>>
        %dma_start3A_729 = arith.constant 512 : i32
        %dma_start3A_730 = tpu.memref_slice %arg41[%dma_start3A_729] : memref<640xi32, #tpu.memory_space<vmem>> -> memref<128xi32, #tpu.memory_space<vmem>>
        %dma_start3A_731 = arith.constant 0 : i32
        %dma_start3A_732 = arith.constant 0 : i32
        %dma_start3A_733 = tpu.memref_slice %arg57[%arg0, %dma_start3A_731, %dma_start3A_732] : memref<2x500480x8xf32, #tpu.memory_space<hbm>> -> memref<1x500480x8xf32, #tpu.memory_space<hbm>>
        %dma_start3A_734 = tpu.memref_squeeze %dma_start3A_733 : memref<1x500480x8xf32, #tpu.memory_space<hbm>> -> memref<500480x8xf32, #tpu.memory_space<hbm>>
        %dma_start3A_735 = arith.constant 0 : i32
        %dma_start3A_736 = arith.constant 0 : i32
        %dma_start3A_737 = tpu.memref_slice %dma_start3A_734[%dma_start3A_735, %dma_start3A_736] : memref<500480x8xf32, #tpu.memory_space<hbm>> -> memref<500480x8xf32, #tpu.memory_space<hbm>>
        tpu.enqueue_indirect_dma source(%dma_start3A_737 : memref<500480x8xf32, #tpu.memory_space<hbm>>) target(%dma_start3A_728 : memref<128x8xf32, #tpu.memory_space<vmem>>) offsets(%dma_start3A_730 : memref<128xi32, #tpu.memory_space<vmem>>) semaphore(%arg54 : memref<!tpu.dma_semaphore, #tpu.memory_space<semaphore_mem>>)
      } else {
      }
      %dma_wait3A_437 = arith.constant 0 : i32
      %dma_wait3A_438 = arith.constant 0 : i32
      %dma_wait3A_439 = tpu.memref_slice %arg31[%dma_wait3A_437, %dma_wait3A_438] : memref<640x8xf32, #tpu.memory_space<vmem>> -> memref<128x8xf32, #tpu.memory_space<vmem>>
      %dma_wait3A_440 = arith.constant 0 : i32
      %dma_wait3A_441 = tpu.memref_slice %arg24[%dma_wait3A_440] : memref<640xi32, #tpu.memory_space<vmem>> -> memref<128xi32, #tpu.memory_space<vmem>>
      %dma_wait3A_442 = arith.constant 0 : i32
      %dma_wait3A_443 = arith.constant 0 : i32
      %dma_wait3A_444 = tpu.memref_slice %arg56[%arg0, %dma_wait3A_442, %dma_wait3A_443] : memref<2x50176x8xf32, #tpu.memory_space<hbm>> -> memref<1x50176x8xf32, #tpu.memory_space<hbm>>
      %dma_wait3A_445 = tpu.memref_squeeze %dma_wait3A_444 : memref<1x50176x8xf32, #tpu.memory_space<hbm>> -> memref<50176x8xf32, #tpu.memory_space<hbm>>
      %dma_wait3A_446 = arith.constant 0 : i32
      %dma_wait3A_447 = arith.constant 0 : i32
      %dma_wait3A_448 = tpu.memref_slice %dma_wait3A_445[%dma_wait3A_446, %dma_wait3A_447] : memref<50176x8xf32, #tpu.memory_space<hbm>> -> memref<50176x8xf32, #tpu.memory_space<hbm>>
      tpu.wait_indirect_dma semaphore(%arg38 : memref<!tpu.dma_semaphore, #tpu.memory_space<semaphore_mem>>) src(%dma_wait3A_448 : memref<50176x8xf32, #tpu.memory_space<hbm>>) dst(%dma_wait3A_439 : memref<128x8xf32, #tpu.memory_space<vmem>>)
      %dma_wait3A_449 = arith.constant 0 : i32
      %dma_wait3A_450 = arith.constant 0 : i32
      %dma_wait3A_451 = tpu.memref_slice %arg32[%dma_wait3A_449, %dma_wait3A_450] : memref<640x8xf32, #tpu.memory_space<vmem>> -> memref<128x8xf32, #tpu.memory_space<vmem>>
      %dma_wait3A_452 = arith.constant 0 : i32
      %dma_wait3A_453 = tpu.memref_slice %arg25[%dma_wait3A_452] : memref<640xi32, #tpu.memory_space<vmem>> -> memref<128xi32, #tpu.memory_space<vmem>>
      %dma_wait3A_454 = arith.constant 0 : i32
      %dma_wait3A_455 = arith.constant 0 : i32
      %dma_wait3A_456 = tpu.memref_slice %arg57[%arg0, %dma_wait3A_454, %dma_wait3A_455] : memref<2x500480x8xf32, #tpu.memory_space<hbm>> -> memref<1x500480x8xf32, #tpu.memory_space<hbm>>
      %dma_wait3A_457 = tpu.memref_squeeze %dma_wait3A_456 : memref<1x500480x8xf32, #tpu.memory_space<hbm>> -> memref<500480x8xf32, #tpu.memory_space<hbm>>
      %dma_wait3A_458 = arith.constant 0 : i32
      %dma_wait3A_459 = arith.constant 0 : i32
      %dma_wait3A_460 = tpu.memref_slice %dma_wait3A_457[%dma_wait3A_458, %dma_wait3A_459] : memref<500480x8xf32, #tpu.memory_space<hbm>> -> memref<500480x8xf32, #tpu.memory_space<hbm>>
      tpu.wait_indirect_dma semaphore(%arg38 : memref<!tpu.dma_semaphore, #tpu.memory_space<semaphore_mem>>) src(%dma_wait3A_460 : memref<500480x8xf32, #tpu.memory_space<hbm>>) dst(%dma_wait3A_451 : memref<128x8xf32, #tpu.memory_space<vmem>>)
      %dma_wait3A_461 = arith.constant 128 : i32
      %dma_wait3A_462 = arith.constant 0 : i32
      %dma_wait3A_463 = tpu.memref_slice %arg31[%dma_wait3A_461, %dma_wait3A_462] : memref<640x8xf32, #tpu.memory_space<vmem>> -> memref<128x8xf32, #tpu.memory_space<vmem>>
      %dma_wait3A_464 = arith.constant 128 : i32
      %dma_wait3A_465 = tpu.memref_slice %arg24[%dma_wait3A_464] : memref<640xi32, #tpu.memory_space<vmem>> -> memref<128xi32, #tpu.memory_space<vmem>>
      %dma_wait3A_466 = arith.constant 0 : i32
      %dma_wait3A_467 = arith.constant 0 : i32
      %dma_wait3A_468 = tpu.memref_slice %arg56[%arg0, %dma_wait3A_466, %dma_wait3A_467] : memref<2x50176x8xf32, #tpu.memory_space<hbm>> -> memref<1x50176x8xf32, #tpu.memory_space<hbm>>
      %dma_wait3A_469 = tpu.memref_squeeze %dma_wait3A_468 : memref<1x50176x8xf32, #tpu.memory_space<hbm>> -> memref<50176x8xf32, #tpu.memory_space<hbm>>
      %dma_wait3A_470 = arith.constant 0 : i32
      %dma_wait3A_471 = arith.constant 0 : i32
      %dma_wait3A_472 = tpu.memref_slice %dma_wait3A_469[%dma_wait3A_470, %dma_wait3A_471] : memref<50176x8xf32, #tpu.memory_space<hbm>> -> memref<50176x8xf32, #tpu.memory_space<hbm>>
      tpu.wait_indirect_dma semaphore(%arg38 : memref<!tpu.dma_semaphore, #tpu.memory_space<semaphore_mem>>) src(%dma_wait3A_472 : memref<50176x8xf32, #tpu.memory_space<hbm>>) dst(%dma_wait3A_463 : memref<128x8xf32, #tpu.memory_space<vmem>>)
      %dma_wait3A_473 = arith.constant 128 : i32
      %dma_wait3A_474 = arith.constant 0 : i32
      %dma_wait3A_475 = tpu.memref_slice %arg32[%dma_wait3A_473, %dma_wait3A_474] : memref<640x8xf32, #tpu.memory_space<vmem>> -> memref<128x8xf32, #tpu.memory_space<vmem>>
      %dma_wait3A_476 = arith.constant 128 : i32
      %dma_wait3A_477 = tpu.memref_slice %arg25[%dma_wait3A_476] : memref<640xi32, #tpu.memory_space<vmem>> -> memref<128xi32, #tpu.memory_space<vmem>>
      %dma_wait3A_478 = arith.constant 0 : i32
      %dma_wait3A_479 = arith.constant 0 : i32
      %dma_wait3A_480 = tpu.memref_slice %arg57[%arg0, %dma_wait3A_478, %dma_wait3A_479] : memref<2x500480x8xf32, #tpu.memory_space<hbm>> -> memref<1x500480x8xf32, #tpu.memory_space<hbm>>
      %dma_wait3A_481 = tpu.memref_squeeze %dma_wait3A_480 : memref<1x500480x8xf32, #tpu.memory_space<hbm>> -> memref<500480x8xf32, #tpu.memory_space<hbm>>
      %dma_wait3A_482 = arith.constant 0 : i32
      %dma_wait3A_483 = arith.constant 0 : i32
      %dma_wait3A_484 = tpu.memref_slice %dma_wait3A_481[%dma_wait3A_482, %dma_wait3A_483] : memref<500480x8xf32, #tpu.memory_space<hbm>> -> memref<500480x8xf32, #tpu.memory_space<hbm>>
      tpu.wait_indirect_dma semaphore(%arg38 : memref<!tpu.dma_semaphore, #tpu.memory_space<semaphore_mem>>) src(%dma_wait3A_484 : memref<500480x8xf32, #tpu.memory_space<hbm>>) dst(%dma_wait3A_475 : memref<128x8xf32, #tpu.memory_space<vmem>>)
      %dma_wait3A_485 = arith.constant 256 : i32
      %dma_wait3A_486 = arith.constant 0 : i32
      %dma_wait3A_487 = tpu.memref_slice %arg31[%dma_wait3A_485, %dma_wait3A_486] : memref<640x8xf32, #tpu.memory_space<vmem>> -> memref<128x8xf32, #tpu.memory_space<vmem>>
      %dma_wait3A_488 = arith.constant 256 : i32
      %dma_wait3A_489 = tpu.memref_slice %arg24[%dma_wait3A_488] : memref<640xi32, #tpu.memory_space<vmem>> -> memref<128xi32, #tpu.memory_space<vmem>>
      %dma_wait3A_490 = arith.constant 0 : i32
      %dma_wait3A_491 = arith.constant 0 : i32
      %dma_wait3A_492 = tpu.memref_slice %arg56[%arg0, %dma_wait3A_490, %dma_wait3A_491] : memref<2x50176x8xf32, #tpu.memory_space<hbm>> -> memref<1x50176x8xf32, #tpu.memory_space<hbm>>
      %dma_wait3A_493 = tpu.memref_squeeze %dma_wait3A_492 : memref<1x50176x8xf32, #tpu.memory_space<hbm>> -> memref<50176x8xf32, #tpu.memory_space<hbm>>
      %dma_wait3A_494 = arith.constant 0 : i32
      %dma_wait3A_495 = arith.constant 0 : i32
      %dma_wait3A_496 = tpu.memref_slice %dma_wait3A_493[%dma_wait3A_494, %dma_wait3A_495] : memref<50176x8xf32, #tpu.memory_space<hbm>> -> memref<50176x8xf32, #tpu.memory_space<hbm>>
      tpu.wait_indirect_dma semaphore(%arg38 : memref<!tpu.dma_semaphore, #tpu.memory_space<semaphore_mem>>) src(%dma_wait3A_496 : memref<50176x8xf32, #tpu.memory_space<hbm>>) dst(%dma_wait3A_487 : memref<128x8xf32, #tpu.memory_space<vmem>>)
      %dma_wait3A_497 = arith.constant 256 : i32
      %dma_wait3A_498 = arith.constant 0 : i32
      %dma_wait3A_499 = tpu.memref_slice %arg32[%dma_wait3A_497, %dma_wait3A_498] : memref<640x8xf32, #tpu.memory_space<vmem>> -> memref<128x8xf32, #tpu.memory_space<vmem>>
      %dma_wait3A_500 = arith.constant 256 : i32
      %dma_wait3A_501 = tpu.memref_slice %arg25[%dma_wait3A_500] : memref<640xi32, #tpu.memory_space<vmem>> -> memref<128xi32, #tpu.memory_space<vmem>>
      %dma_wait3A_502 = arith.constant 0 : i32
      %dma_wait3A_503 = arith.constant 0 : i32
      %dma_wait3A_504 = tpu.memref_slice %arg57[%arg0, %dma_wait3A_502, %dma_wait3A_503] : memref<2x500480x8xf32, #tpu.memory_space<hbm>> -> memref<1x500480x8xf32, #tpu.memory_space<hbm>>
      %dma_wait3A_505 = tpu.memref_squeeze %dma_wait3A_504 : memref<1x500480x8xf32, #tpu.memory_space<hbm>> -> memref<500480x8xf32, #tpu.memory_space<hbm>>
      %dma_wait3A_506 = arith.constant 0 : i32
      %dma_wait3A_507 = arith.constant 0 : i32
      %dma_wait3A_508 = tpu.memref_slice %dma_wait3A_505[%dma_wait3A_506, %dma_wait3A_507] : memref<500480x8xf32, #tpu.memory_space<hbm>> -> memref<500480x8xf32, #tpu.memory_space<hbm>>
      tpu.wait_indirect_dma semaphore(%arg38 : memref<!tpu.dma_semaphore, #tpu.memory_space<semaphore_mem>>) src(%dma_wait3A_508 : memref<500480x8xf32, #tpu.memory_space<hbm>>) dst(%dma_wait3A_499 : memref<128x8xf32, #tpu.memory_space<vmem>>)
      %dma_wait3A_509 = arith.constant 384 : i32
      %dma_wait3A_510 = arith.constant 0 : i32
      %dma_wait3A_511 = tpu.memref_slice %arg31[%dma_wait3A_509, %dma_wait3A_510] : memref<640x8xf32, #tpu.memory_space<vmem>> -> memref<128x8xf32, #tpu.memory_space<vmem>>
      %dma_wait3A_512 = arith.constant 384 : i32
      %dma_wait3A_513 = tpu.memref_slice %arg24[%dma_wait3A_512] : memref<640xi32, #tpu.memory_space<vmem>> -> memref<128xi32, #tpu.memory_space<vmem>>
      %dma_wait3A_514 = arith.constant 0 : i32
      %dma_wait3A_515 = arith.constant 0 : i32
      %dma_wait3A_516 = tpu.memref_slice %arg56[%arg0, %dma_wait3A_514, %dma_wait3A_515] : memref<2x50176x8xf32, #tpu.memory_space<hbm>> -> memref<1x50176x8xf32, #tpu.memory_space<hbm>>
      %dma_wait3A_517 = tpu.memref_squeeze %dma_wait3A_516 : memref<1x50176x8xf32, #tpu.memory_space<hbm>> -> memref<50176x8xf32, #tpu.memory_space<hbm>>
      %dma_wait3A_518 = arith.constant 0 : i32
      %dma_wait3A_519 = arith.constant 0 : i32
      %dma_wait3A_520 = tpu.memref_slice %dma_wait3A_517[%dma_wait3A_518, %dma_wait3A_519] : memref<50176x8xf32, #tpu.memory_space<hbm>> -> memref<50176x8xf32, #tpu.memory_space<hbm>>
      tpu.wait_indirect_dma semaphore(%arg38 : memref<!tpu.dma_semaphore, #tpu.memory_space<semaphore_mem>>) src(%dma_wait3A_520 : memref<50176x8xf32, #tpu.memory_space<hbm>>) dst(%dma_wait3A_511 : memref<128x8xf32, #tpu.memory_space<vmem>>)
      %dma_wait3A_521 = arith.constant 384 : i32
      %dma_wait3A_522 = arith.constant 0 : i32
      %dma_wait3A_523 = tpu.memref_slice %arg32[%dma_wait3A_521, %dma_wait3A_522] : memref<640x8xf32, #tpu.memory_space<vmem>> -> memref<128x8xf32, #tpu.memory_space<vmem>>
      %dma_wait3A_524 = arith.constant 384 : i32
      %dma_wait3A_525 = tpu.memref_slice %arg25[%dma_wait3A_524] : memref<640xi32, #tpu.memory_space<vmem>> -> memref<128xi32, #tpu.memory_space<vmem>>
      %dma_wait3A_526 = arith.constant 0 : i32
      %dma_wait3A_527 = arith.constant 0 : i32
      %dma_wait3A_528 = tpu.memref_slice %arg57[%arg0, %dma_wait3A_526, %dma_wait3A_527] : memref<2x500480x8xf32, #tpu.memory_space<hbm>> -> memref<1x500480x8xf32, #tpu.memory_space<hbm>>
      %dma_wait3A_529 = tpu.memref_squeeze %dma_wait3A_528 : memref<1x500480x8xf32, #tpu.memory_space<hbm>> -> memref<500480x8xf32, #tpu.memory_space<hbm>>
      %dma_wait3A_530 = arith.constant 0 : i32
      %dma_wait3A_531 = arith.constant 0 : i32
      %dma_wait3A_532 = tpu.memref_slice %dma_wait3A_529[%dma_wait3A_530, %dma_wait3A_531] : memref<500480x8xf32, #tpu.memory_space<hbm>> -> memref<500480x8xf32, #tpu.memory_space<hbm>>
      tpu.wait_indirect_dma semaphore(%arg38 : memref<!tpu.dma_semaphore, #tpu.memory_space<semaphore_mem>>) src(%dma_wait3A_532 : memref<500480x8xf32, #tpu.memory_space<hbm>>) dst(%dma_wait3A_523 : memref<128x8xf32, #tpu.memory_space<vmem>>)
      %dma_wait3A_533 = arith.constant 512 : i32
      %dma_wait3A_534 = arith.constant 0 : i32
      %dma_wait3A_535 = tpu.memref_slice %arg31[%dma_wait3A_533, %dma_wait3A_534] : memref<640x8xf32, #tpu.memory_space<vmem>> -> memref<128x8xf32, #tpu.memory_space<vmem>>
      %dma_wait3A_536 = arith.constant 512 : i32
      %dma_wait3A_537 = tpu.memref_slice %arg24[%dma_wait3A_536] : memref<640xi32, #tpu.memory_space<vmem>> -> memref<128xi32, #tpu.memory_space<vmem>>
      %dma_wait3A_538 = arith.constant 0 : i32
      %dma_wait3A_539 = arith.constant 0 : i32
      %dma_wait3A_540 = tpu.memref_slice %arg56[%arg0, %dma_wait3A_538, %dma_wait3A_539] : memref<2x50176x8xf32, #tpu.memory_space<hbm>> -> memref<1x50176x8xf32, #tpu.memory_space<hbm>>
      %dma_wait3A_541 = tpu.memref_squeeze %dma_wait3A_540 : memref<1x50176x8xf32, #tpu.memory_space<hbm>> -> memref<50176x8xf32, #tpu.memory_space<hbm>>
      %dma_wait3A_542 = arith.constant 0 : i32
      %dma_wait3A_543 = arith.constant 0 : i32
      %dma_wait3A_544 = tpu.memref_slice %dma_wait3A_541[%dma_wait3A_542, %dma_wait3A_543] : memref<50176x8xf32, #tpu.memory_space<hbm>> -> memref<50176x8xf32, #tpu.memory_space<hbm>>
      tpu.wait_indirect_dma semaphore(%arg38 : memref<!tpu.dma_semaphore, #tpu.memory_space<semaphore_mem>>) src(%dma_wait3A_544 : memref<50176x8xf32, #tpu.memory_space<hbm>>) dst(%dma_wait3A_535 : memref<128x8xf32, #tpu.memory_space<vmem>>)
      %dma_wait3A_545 = arith.constant 512 : i32
      %dma_wait3A_546 = arith.constant 0 : i32
      %dma_wait3A_547 = tpu.memref_slice %arg32[%dma_wait3A_545, %dma_wait3A_546] : memref<640x8xf32, #tpu.memory_space<vmem>> -> memref<128x8xf32, #tpu.memory_space<vmem>>
      %dma_wait3A_548 = arith.constant 512 : i32
      %dma_wait3A_549 = tpu.memref_slice %arg25[%dma_wait3A_548] : memref<640xi32, #tpu.memory_space<vmem>> -> memref<128xi32, #tpu.memory_space<vmem>>
      %dma_wait3A_550 = arith.constant 0 : i32
      %dma_wait3A_551 = arith.constant 0 : i32
      %dma_wait3A_552 = tpu.memref_slice %arg57[%arg0, %dma_wait3A_550, %dma_wait3A_551] : memref<2x500480x8xf32, #tpu.memory_space<hbm>> -> memref<1x500480x8xf32, #tpu.memory_space<hbm>>
      %dma_wait3A_553 = tpu.memref_squeeze %dma_wait3A_552 : memref<1x500480x8xf32, #tpu.memory_space<hbm>> -> memref<500480x8xf32, #tpu.memory_space<hbm>>
      %dma_wait3A_554 = arith.constant 0 : i32
      %dma_wait3A_555 = arith.constant 0 : i32
      %dma_wait3A_556 = tpu.memref_slice %dma_wait3A_553[%dma_wait3A_554, %dma_wait3A_555] : memref<500480x8xf32, #tpu.memory_space<hbm>> -> memref<500480x8xf32, #tpu.memory_space<hbm>>
      tpu.wait_indirect_dma semaphore(%arg38 : memref<!tpu.dma_semaphore, #tpu.memory_space<semaphore_mem>>) src(%dma_wait3A_556 : memref<500480x8xf32, #tpu.memory_space<hbm>>) dst(%dma_wait3A_547 : memref<128x8xf32, #tpu.memory_space<vmem>>)
      %add3A_557 = arith.constant 2 : i32
      %add3A_558 = arith.addi %sub3A_430, %add3A_557 : i32
      %lt3A_559 = arith.cmpi slt, %add3A_558, %select_n3A : i32
      %convert_element_type3A_560 = arith.extui %lt3A_559 : i1 to i32
      %cond3A_561 = arith.constant 0 : i32
      %cond3A_562 = arith.cmpi ne, %convert_element_type3A_560, %cond3A_561 : i32
      scf.if %cond3A_562 {
        %add3A_605 = arith.constant 2 : i32
        %add3A_606 = arith.addi %sub3A_430, %add3A_605 : i32
        %mul3A_607 = arith.constant 32 : i32
        %mul3A_608 = arith.muli %add3A_606, %mul3A_607 : i32
        %add3A_609 = arith.addi %add3A, %mul3A_608 : i32
        %mul3A_610 = arith.constant 640 : i32
        %mul3A_611 = arith.muli %add3A_609, %mul3A_610 : i32
        %dma_start3A_612 = tpu.memref_slice %arg5[%mul3A_611] : memref<2000000xi32, #tpu.memory_space<hbm>> -> memref<640xi32, #tpu.memory_space<hbm>>
        %dma_start3A_613 = tpu.memref_slice %arg5[%mul3A_611] : memref<2000000xi32, #tpu.memory_space<hbm>> -> memref<640xi32, #tpu.memory_space<hbm>>
        tpu.enqueue_dma source(%dma_start3A_613 : memref<640xi32, #tpu.memory_space<hbm>>) target(%arg24 : memref<640xi32, #tpu.memory_space<vmem>>) target_semaphore(%arg36 : memref<!tpu.dma_semaphore, #tpu.memory_space<semaphore_mem>>)
        %dma_start3A_614 = tpu.memref_slice %arg7[%mul3A_611] : memref<2000000xi32, #tpu.memory_space<hbm>> -> memref<640xi32, #tpu.memory_space<hbm>>
        %dma_start3A_615 = tpu.memref_slice %arg7[%mul3A_611] : memref<2000000xi32, #tpu.memory_space<hbm>> -> memref<640xi32, #tpu.memory_space<hbm>>
        tpu.enqueue_dma source(%dma_start3A_615 : memref<640xi32, #tpu.memory_space<hbm>>) target(%arg25 : memref<640xi32, #tpu.memory_space<vmem>>) target_semaphore(%arg36 : memref<!tpu.dma_semaphore, #tpu.memory_space<semaphore_mem>>)
      } else {
      }
      %mul3A_563 = arith.constant 32 : i32
      %mul3A_564 = arith.muli %sub3A_430, %mul3A_563 : i32
      %add3A_565 = arith.addi %add3A, %mul3A_564 : i32
      %mul3A_566 = arith.constant 640 : i32
      %mul3A_567 = arith.muli %add3A_565, %mul3A_566 : i32
      %dma_wait3A_568 = tpu.memref_slice %arg2[%mul3A_567] : memref<2000000xf32, #tpu.memory_space<hbm>> -> memref<640xf32, #tpu.memory_space<hbm>>
      %dma_wait3A_569 = tpu.memref_slice %arg2[%mul3A_567] : memref<2000000xf32, #tpu.memory_space<hbm>> -> memref<640xf32, #tpu.memory_space<hbm>>
      tpu.wait_dma2 semaphore(%arg37 : memref<!tpu.dma_semaphore, #tpu.memory_space<semaphore_mem>>) src(%dma_wait3A_569 : memref<640xf32, #tpu.memory_space<hbm>>) dst(%arg28 : memref<640xf32, #tpu.memory_space<vmem>>)
      %dma_wait3A_570 = tpu.memref_slice %arg3[%mul3A_567] : memref<2000000xf32, #tpu.memory_space<hbm>> -> memref<640xf32, #tpu.memory_space<hbm>>
      %dma_wait3A_571 = tpu.memref_slice %arg3[%mul3A_567] : memref<2000000xf32, #tpu.memory_space<hbm>> -> memref<640xf32, #tpu.memory_space<hbm>>
      tpu.wait_dma2 semaphore(%arg37 : memref<!tpu.dma_semaphore, #tpu.memory_space<semaphore_mem>>) src(%dma_wait3A_571 : memref<640xf32, #tpu.memory_space<hbm>>) dst(%arg29 : memref<640xf32, #tpu.memory_space<vmem>>)
      %dma_wait3A_572 = tpu.memref_slice %arg4[%mul3A_567] : memref<2000000xf32, #tpu.memory_space<hbm>> -> memref<640xf32, #tpu.memory_space<hbm>>
      %dma_wait3A_573 = tpu.memref_slice %arg4[%mul3A_567] : memref<2000000xf32, #tpu.memory_space<hbm>> -> memref<640xf32, #tpu.memory_space<hbm>>
      tpu.wait_dma2 semaphore(%arg37 : memref<!tpu.dma_semaphore, #tpu.memory_space<semaphore_mem>>) src(%dma_wait3A_573 : memref<640xf32, #tpu.memory_space<hbm>>) dst(%arg30 : memref<640xf32, #tpu.memory_space<vmem>>)
      %dma_wait3A_574 = tpu.memref_slice %arg8[%mul3A_567] : memref<2000000xf32, #tpu.memory_space<hbm>> -> memref<640xf32, #tpu.memory_space<hbm>>
      %dma_wait3A_575 = tpu.memref_slice %arg8[%mul3A_567] : memref<2000000xf32, #tpu.memory_space<hbm>> -> memref<640xf32, #tpu.memory_space<hbm>>
      tpu.wait_dma2 semaphore(%arg37 : memref<!tpu.dma_semaphore, #tpu.memory_space<semaphore_mem>>) src(%dma_wait3A_575 : memref<640xf32, #tpu.memory_space<hbm>>) dst(%arg27 : memref<640xf32, #tpu.memory_space<vmem>>)
      %dma_wait3A_576 = tpu.memref_slice %arg6[%mul3A_567] : memref<2000000xi32, #tpu.memory_space<hbm>> -> memref<640xi32, #tpu.memory_space<hbm>>
      %dma_wait3A_577 = tpu.memref_slice %arg6[%mul3A_567] : memref<2000000xi32, #tpu.memory_space<hbm>> -> memref<640xi32, #tpu.memory_space<hbm>>
      tpu.wait_dma2 semaphore(%arg37 : memref<!tpu.dma_semaphore, #tpu.memory_space<semaphore_mem>>) src(%dma_wait3A_577 : memref<640xi32, #tpu.memory_space<hbm>>) dst(%arg26 : memref<640xi32, #tpu.memory_space<vmem>>)
      %ge3A = arith.constant 2 : i32
      %ge3A_578 = arith.cmpi sge, %sub3A_430, %ge3A : i32
      %convert_element_type3A_579 = arith.extui %ge3A_578 : i1 to i32
      %cond3A_580 = arith.constant 0 : i32
      %cond3A_581 = arith.cmpi ne, %convert_element_type3A_579, %cond3A_580 : i32
      scf.if %cond3A_581 {
        %sub3A_605 = arith.constant 2 : i32
        %sub3A_606 = arith.subi %sub3A_430, %sub3A_605 : i32
        %mul3A_607 = arith.constant 32 : i32
        %mul3A_608 = arith.muli %sub3A_606, %mul3A_607 : i32
        %add3A_609 = arith.addi %add3A, %mul3A_608 : i32
        %mul3A_610 = arith.constant 640 : i32
        %mul3A_611 = arith.muli %add3A_609, %mul3A_610 : i32
        %dma_wait3A_612 = tpu.memref_slice %arg21[%mul3A_611] : memref<2000000xf32, #tpu.memory_space<hbm>> -> memref<640xf32, #tpu.memory_space<hbm>>
        %dma_wait3A_613 = tpu.memref_slice %arg21[%mul3A_611] : memref<2000000xf32, #tpu.memory_space<hbm>> -> memref<640xf32, #tpu.memory_space<hbm>>
        tpu.wait_dma2 semaphore(%arg39 : memref<!tpu.dma_semaphore, #tpu.memory_space<semaphore_mem>>) src(%arg33 : memref<640xf32, #tpu.memory_space<vmem>>) dst(%dma_wait3A_613 : memref<640xf32, #tpu.memory_space<hbm>>)
        %dma_wait3A_614 = tpu.memref_slice %arg22[%mul3A_611] : memref<2000000xf32, #tpu.memory_space<hbm>> -> memref<640xf32, #tpu.memory_space<hbm>>
        %dma_wait3A_615 = tpu.memref_slice %arg22[%mul3A_611] : memref<2000000xf32, #tpu.memory_space<hbm>> -> memref<640xf32, #tpu.memory_space<hbm>>
        tpu.wait_dma2 semaphore(%arg39 : memref<!tpu.dma_semaphore, #tpu.memory_space<semaphore_mem>>) src(%arg34 : memref<640xf32, #tpu.memory_space<vmem>>) dst(%dma_wait3A_615 : memref<640xf32, #tpu.memory_space<hbm>>)
        %dma_wait3A_616 = tpu.memref_slice %arg23[%mul3A_611] : memref<2000000xf32, #tpu.memory_space<hbm>> -> memref<640xf32, #tpu.memory_space<hbm>>
        %dma_wait3A_617 = tpu.memref_slice %arg23[%mul3A_611] : memref<2000000xf32, #tpu.memory_space<hbm>> -> memref<640xf32, #tpu.memory_space<hbm>>
        tpu.wait_dma2 semaphore(%arg39 : memref<!tpu.dma_semaphore, #tpu.memory_space<semaphore_mem>>) src(%arg35 : memref<640xf32, #tpu.memory_space<vmem>>) dst(%dma_wait3A_617 : memref<640xf32, #tpu.memory_space<hbm>>)
      } else {
      }
      %scan3A_582 = arith.constant 0 : i32
      %scan3A_583 = arith.constant 0 : i32
      %scan3A_584 = arith.constant 40 : i32
      %scan3A_585 = arith.addi %scan3A_583, %scan3A_584 : i32
      %scan3A_586 = arith.constant 1 : i32
      scf.for %scan3A_605 = %scan3A_583 to %scan3A_585 step %scan3A_586  : i32 {
        %mul3A_606 = arith.constant 16 : i32
        %mul3A_607 = arith.muli %scan3A_605, %mul3A_606 : i32
        %add3A_608 = vector.broadcast %mul3A_607 : i32 to vector<16xi32>
        %add3A_609 = arith.addi %add3A_608, %iota3A : vector<16xi32>
        %get3A = arith.index_cast %mul3A_607 : i32 to index
        %get3A_610 = tpu.vector_load %arg26[%get3A] {strides = array<i32>} : memref<640xi32, #tpu.memory_space<vmem>>, vector<16xi32>,
        %get3A_611 = arith.index_cast %mul3A_607 : i32 to index
        %get3A_612 = tpu.vector_load %arg27[%get3A_611] {strides = array<i32>} : memref<640xf32, #tpu.memory_space<vmem>>, vector<16xf32>,
        %gather3A_613 = tpu.vector_load_idx %arg31[%add3A_609, %broadcast_in_dim3A_23] : memref<640x8xf32, #tpu.memory_space<vmem>>[vector<16xi32>, vector<16xi32>], vector<16xf32>,
        %gather3A_614 = tpu.vector_load_idx %arg31[%add3A_609, %broadcast_in_dim3A_25] : memref<640x8xf32, #tpu.memory_space<vmem>>[vector<16xi32>, vector<16xi32>], vector<16xf32>,
        %gather3A_615 = tpu.vector_load_idx %arg31[%add3A_609, %broadcast_in_dim3A_27] : memref<640x8xf32, #tpu.memory_space<vmem>>[vector<16xi32>, vector<16xi32>], vector<16xf32>,
        %gather3A_616 = tpu.vector_load_idx %arg31[%add3A_609, %broadcast_in_dim3A_29] : memref<640x8xf32, #tpu.memory_space<vmem>>[vector<16xi32>, vector<16xi32>], vector<16xf32>,
        %gather3A_617 = tpu.vector_load_idx %arg31[%add3A_609, %broadcast_in_dim3A_31] : memref<640x8xf32, #tpu.memory_space<vmem>>[vector<16xi32>, vector<16xi32>], vector<16xf32>,
        %gather3A_618 = tpu.vector_load_idx %arg31[%add3A_609, %broadcast_in_dim3A_33] : memref<640x8xf32, #tpu.memory_space<vmem>>[vector<16xi32>, vector<16xi32>], vector<16xf32>,
        %gather3A_619 = tpu.vector_load_idx %arg31[%add3A_609, %broadcast_in_dim3A_35] : memref<640x8xf32, #tpu.memory_space<vmem>>[vector<16xi32>, vector<16xi32>], vector<16xf32>,
        %gather3A_620 = tpu.vector_load_idx %arg31[%add3A_609, %broadcast_in_dim3A_37] : memref<640x8xf32, #tpu.memory_space<vmem>>[vector<16xi32>, vector<16xi32>], vector<16xf32>,
        %gather3A_621 = tpu.vector_load_idx %arg32[%add3A_609, %broadcast_in_dim3A_23] : memref<640x8xf32, #tpu.memory_space<vmem>>[vector<16xi32>, vector<16xi32>], vector<16xf32>,
        %gather3A_622 = tpu.vector_load_idx %arg32[%add3A_609, %broadcast_in_dim3A_25] : memref<640x8xf32, #tpu.memory_space<vmem>>[vector<16xi32>, vector<16xi32>], vector<16xf32>,
        %gather3A_623 = tpu.vector_load_idx %arg32[%add3A_609, %broadcast_in_dim3A_27] : memref<640x8xf32, #tpu.memory_space<vmem>>[vector<16xi32>, vector<16xi32>], vector<16xf32>,
        %get3A_624 = arith.index_cast %mul3A_607 : i32 to index
        %get3A_625 = tpu.vector_load %arg28[%get3A_624] {strides = array<i32>} : memref<640xf32, #tpu.memory_space<vmem>>, vector<16xf32>,
        %get3A_626 = arith.index_cast %mul3A_607 : i32 to index
        %get3A_627 = tpu.vector_load %arg29[%get3A_626] {strides = array<i32>} : memref<640xf32, #tpu.memory_space<vmem>>, vector<16xf32>,
        %get3A_628 = arith.index_cast %mul3A_607 : i32 to index
        %get3A_629 = tpu.vector_load %arg30[%get3A_628] {strides = array<i32>} : memref<640xf32, #tpu.memory_space<vmem>>, vector<16xf32>,
        %gather3A_630 = tpu.vector_load_idx %arg60[%get3A_610] : memref<16xf32, #tpu.memory_space<vmem>>[vector<16xi32>], vector<16xf32>,
        %gather3A_631 = tpu.vector_load_idx %arg61[%get3A_610] : memref<16xf32, #tpu.memory_space<vmem>>[vector<16xi32>], vector<16xf32>,
        %gather3A_632 = tpu.vector_load_idx %arg62[%get3A_610] : memref<16xf32, #tpu.memory_space<vmem>>[vector<16xi32>], vector<16xf32>,
        %gather3A_633 = tpu.vector_load_idx %arg63[%get3A_610] : memref<16xf32, #tpu.memory_space<vmem>>[vector<16xi32>], vector<16xf32>,
        %gather3A_634 = tpu.vector_load_idx %arg64[%get3A_610] : memref<16xf32, #tpu.memory_space<vmem>>[vector<16xi32>], vector<16xf32>,
        %gather3A_635 = tpu.vector_load_idx %arg65[%get3A_610] : memref<16xf32, #tpu.memory_space<vmem>>[vector<16xi32>], vector<16xf32>,
        %gather3A_636 = tpu.vector_load_idx %arg66[%get3A_610] : memref<16xf32, #tpu.memory_space<vmem>>[vector<16xi32>], vector<16xf32>,
        %mul3A_637 = arith.mulf %gather3A_633, %gather3A_616 : vector<16xf32>
        %mul3A_638 = arith.mulf %gather3A_630, %gather3A_613 : vector<16xf32>
        %sub3A_639 = arith.subf %mul3A_637, %mul3A_638 : vector<16xf32>
        %mul3A_640 = arith.mulf %gather3A_631, %gather3A_614 : vector<16xf32>
        %sub3A_641 = arith.subf %sub3A_639, %mul3A_640 : vector<16xf32>
        %mul3A_642 = arith.mulf %gather3A_632, %gather3A_615 : vector<16xf32>
        %sub3A_643 = arith.subf %sub3A_641, %mul3A_642 : vector<16xf32>
        %mul3A_644 = arith.mulf %gather3A_633, %gather3A_613 : vector<16xf32>
        %mul3A_645 = arith.mulf %gather3A_630, %gather3A_616 : vector<16xf32>
        %add3A_646 = arith.addf %mul3A_644, %mul3A_645 : vector<16xf32>
        %mul3A_647 = arith.mulf %gather3A_631, %gather3A_615 : vector<16xf32>
        %add3A_648 = arith.addf %add3A_646, %mul3A_647 : vector<16xf32>
        %mul3A_649 = arith.mulf %gather3A_632, %gather3A_614 : vector<16xf32>
        %sub3A_650 = arith.subf %add3A_648, %mul3A_649 : vector<16xf32>
        %mul3A_651 = arith.mulf %gather3A_633, %gather3A_614 : vector<16xf32>
        %mul3A_652 = arith.mulf %gather3A_630, %gather3A_615 : vector<16xf32>
        %sub3A_653 = arith.subf %mul3A_651, %mul3A_652 : vector<16xf32>
        %mul3A_654 = arith.mulf %gather3A_631, %gather3A_616 : vector<16xf32>
        %add3A_655 = arith.addf %sub3A_653, %mul3A_654 : vector<16xf32>
        %mul3A_656 = arith.mulf %gather3A_632, %gather3A_613 : vector<16xf32>
        %add3A_657 = arith.addf %add3A_655, %mul3A_656 : vector<16xf32>
        %mul3A_658 = arith.mulf %gather3A_633, %gather3A_615 : vector<16xf32>
        %mul3A_659 = arith.mulf %gather3A_630, %gather3A_614 : vector<16xf32>
        %add3A_660 = arith.addf %mul3A_658, %mul3A_659 : vector<16xf32>
        %mul3A_661 = arith.mulf %gather3A_631, %gather3A_613 : vector<16xf32>
        %sub3A_662 = arith.subf %add3A_660, %mul3A_661 : vector<16xf32>
        %mul3A_663 = arith.mulf %gather3A_632, %gather3A_616 : vector<16xf32>
        %add3A_664 = arith.addf %sub3A_662, %mul3A_663 : vector<16xf32>
        %add3A_665 = arith.addf %gather3A_634, %gather3A_617 : vector<16xf32>
        %add3A_666 = arith.addf %gather3A_635, %gather3A_618 : vector<16xf32>
        %add3A_667 = arith.addf %gather3A_636, %gather3A_619 : vector<16xf32>
        %mul3A_668 = arith.mulf %add3A_666, %gather3A_615 : vector<16xf32>
        %mul3A_669 = arith.mulf %add3A_667, %gather3A_614 : vector<16xf32>
        %sub3A_670 = arith.subf %mul3A_668, %mul3A_669 : vector<16xf32>
        %mul3A_671 = arith.mulf %add3A_667, %gather3A_613 : vector<16xf32>
        %mul3A_672 = arith.mulf %add3A_665, %gather3A_615 : vector<16xf32>
        %sub3A_673 = arith.subf %mul3A_671, %mul3A_672 : vector<16xf32>
        %mul3A_674 = arith.mulf %add3A_665, %gather3A_614 : vector<16xf32>
        %mul3A_675 = arith.mulf %add3A_666, %gather3A_613 : vector<16xf32>
        %sub3A_676 = arith.subf %mul3A_674, %mul3A_675 : vector<16xf32>
        %mul3A_677 = arith.constant 2.000000e+00 : f32
        %mul3A_678 = vector.broadcast %mul3A_677 : f32 to vector<16xf32>
        %mul3A_679 = arith.mulf %mul3A_678, %sub3A_670 : vector<16xf32>
        %mul3A_680 = arith.constant 2.000000e+00 : f32
        %mul3A_681 = vector.broadcast %mul3A_680 : f32 to vector<16xf32>
        %mul3A_682 = arith.mulf %mul3A_681, %sub3A_673 : vector<16xf32>
        %mul3A_683 = arith.constant 2.000000e+00 : f32
        %mul3A_684 = vector.broadcast %mul3A_683 : f32 to vector<16xf32>
        %mul3A_685 = arith.mulf %mul3A_684, %sub3A_676 : vector<16xf32>
        %mul3A_686 = arith.mulf %mul3A_682, %gather3A_615 : vector<16xf32>
        %mul3A_687 = arith.mulf %mul3A_685, %gather3A_614 : vector<16xf32>
        %sub3A_688 = arith.subf %mul3A_686, %mul3A_687 : vector<16xf32>
        %mul3A_689 = arith.mulf %mul3A_685, %gather3A_613 : vector<16xf32>
        %mul3A_690 = arith.mulf %mul3A_679, %gather3A_615 : vector<16xf32>
        %sub3A_691 = arith.subf %mul3A_689, %mul3A_690 : vector<16xf32>
        %mul3A_692 = arith.mulf %mul3A_679, %gather3A_614 : vector<16xf32>
        %mul3A_693 = arith.mulf %mul3A_682, %gather3A_613 : vector<16xf32>
        %sub3A_694 = arith.subf %mul3A_692, %mul3A_693 : vector<16xf32>
        %mul3A_695 = arith.mulf %gather3A_616, %mul3A_679 : vector<16xf32>
        %add3A_696 = arith.addf %add3A_665, %mul3A_695 : vector<16xf32>
        %add3A_697 = arith.addf %add3A_696, %sub3A_688 : vector<16xf32>
        %mul3A_698 = arith.mulf %gather3A_616, %mul3A_682 : vector<16xf32>
        %add3A_699 = arith.addf %add3A_666, %mul3A_698 : vector<16xf32>
        %add3A_700 = arith.addf %add3A_699, %sub3A_691 : vector<16xf32>
        %mul3A_701 = arith.mulf %gather3A_616, %mul3A_685 : vector<16xf32>
        %add3A_702 = arith.addf %add3A_667, %mul3A_701 : vector<16xf32>
        %add3A_703 = arith.addf %add3A_702, %sub3A_694 : vector<16xf32>
        %mul3A_704 = arith.mulf %get3A_627, %add3A_664 : vector<16xf32>
        %mul3A_705 = arith.mulf %get3A_629, %add3A_657 : vector<16xf32>
        %sub3A_706 = arith.subf %mul3A_704, %mul3A_705 : vector<16xf32>
        %mul3A_707 = arith.mulf %get3A_629, %sub3A_650 : vector<16xf32>
        %mul3A_708 = arith.mulf %get3A_625, %add3A_664 : vector<16xf32>
        %sub3A_709 = arith.subf %mul3A_707, %mul3A_708 : vector<16xf32>
        %mul3A_710 = arith.mulf %get3A_625, %add3A_657 : vector<16xf32>
        %mul3A_711 = arith.mulf %get3A_627, %sub3A_650 : vector<16xf32>
        %sub3A_712 = arith.subf %mul3A_710, %mul3A_711 : vector<16xf32>
        %mul3A_713 = arith.constant 2.000000e+00 : f32
        %mul3A_714 = vector.broadcast %mul3A_713 : f32 to vector<16xf32>
        %mul3A_715 = arith.mulf %mul3A_714, %sub3A_706 : vector<16xf32>
        %mul3A_716 = arith.constant 2.000000e+00 : f32
        %mul3A_717 = vector.broadcast %mul3A_716 : f32 to vector<16xf32>
        %mul3A_718 = arith.mulf %mul3A_717, %sub3A_709 : vector<16xf32>
        %mul3A_719 = arith.constant 2.000000e+00 : f32
        %mul3A_720 = vector.broadcast %mul3A_719 : f32 to vector<16xf32>
        %mul3A_721 = arith.mulf %mul3A_720, %sub3A_712 : vector<16xf32>
        %mul3A_722 = arith.mulf %mul3A_718, %add3A_664 : vector<16xf32>
        %mul3A_723 = arith.mulf %mul3A_721, %add3A_657 : vector<16xf32>
        %sub3A_724 = arith.subf %mul3A_722, %mul3A_723 : vector<16xf32>
        %mul3A_725 = arith.mulf %mul3A_721, %sub3A_650 : vector<16xf32>
        %mul3A_726 = arith.mulf %mul3A_715, %add3A_664 : vector<16xf32>
        %sub3A_727 = arith.subf %mul3A_725, %mul3A_726 : vector<16xf32>
        %mul3A_728 = arith.mulf %mul3A_715, %add3A_657 : vector<16xf32>
        %mul3A_729 = arith.mulf %mul3A_718, %sub3A_650 : vector<16xf32>
        %sub3A_730 = arith.subf %mul3A_728, %mul3A_729 : vector<16xf32>
        %mul3A_731 = arith.mulf %sub3A_643, %mul3A_715 : vector<16xf32>
        %add3A_732 = arith.addf %get3A_625, %mul3A_731 : vector<16xf32>
        %add3A_733 = arith.addf %add3A_732, %sub3A_724 : vector<16xf32>
        %mul3A_734 = arith.mulf %sub3A_643, %mul3A_718 : vector<16xf32>
        %add3A_735 = arith.addf %get3A_627, %mul3A_734 : vector<16xf32>
        %add3A_736 = arith.addf %add3A_735, %sub3A_727 : vector<16xf32>
        %mul3A_737 = arith.mulf %sub3A_643, %mul3A_721 : vector<16xf32>
        %add3A_738 = arith.addf %get3A_629, %mul3A_737 : vector<16xf32>
        %add3A_739 = arith.addf %add3A_738, %sub3A_730 : vector<16xf32>
        %add3A_740 = arith.addf %gather3A_621, %add3A_697 : vector<16xf32>
        %mul3A_741 = arith.mulf %get3A_612, %add3A_733 : vector<16xf32>
        %sub3A_742 = arith.subf %add3A_740, %mul3A_741 : vector<16xf32>
        %mul3A_743 = arith.mulf %gather3A_620, %sub3A_742 : vector<16xf32>
        %swap3A_744 = arith.index_cast %mul3A_607 : i32 to index
        %swap3A_745 = tpu.vector_load %arg33[%swap3A_744] {strides = array<i32>} : memref<640xf32, #tpu.memory_space<vmem>>, vector<16xf32>,
        tpu.vector_store %arg33[%swap3A_744], %mul3A_743 {strides = array<i32>} : memref<640xf32, #tpu.memory_space<vmem>>, vector<16xf32>,
        %add3A_746 = arith.addf %gather3A_622, %add3A_700 : vector<16xf32>
        %mul3A_747 = arith.mulf %get3A_612, %add3A_736 : vector<16xf32>
        %sub3A_748 = arith.subf %add3A_746, %mul3A_747 : vector<16xf32>
        %mul3A_749 = arith.mulf %gather3A_620, %sub3A_748 : vector<16xf32>
        %swap3A_750 = arith.index_cast %mul3A_607 : i32 to index
        %swap3A_751 = tpu.vector_load %arg34[%swap3A_750] {strides = array<i32>} : memref<640xf32, #tpu.memory_space<vmem>>, vector<16xf32>,
        tpu.vector_store %arg34[%swap3A_750], %mul3A_749 {strides = array<i32>} : memref<640xf32, #tpu.memory_space<vmem>>, vector<16xf32>,
        %add3A_752 = arith.addf %gather3A_623, %add3A_703 : vector<16xf32>
        %mul3A_753 = arith.mulf %get3A_612, %add3A_739 : vector<16xf32>
        %sub3A_754 = arith.subf %add3A_752, %mul3A_753 : vector<16xf32>
        %mul3A_755 = arith.mulf %gather3A_620, %sub3A_754 : vector<16xf32>
        %swap3A_756 = arith.index_cast %mul3A_607 : i32 to index
        %swap3A_757 = tpu.vector_load %arg35[%swap3A_756] {strides = array<i32>} : memref<640xf32, #tpu.memory_space<vmem>>, vector<16xf32>,
        tpu.vector_store %arg35[%swap3A_756], %mul3A_755 {strides = array<i32>} : memref<640xf32, #tpu.memory_space<vmem>>, vector<16xf32>,
      }
      %scan3A_587 = arith.constant 40 : i32
      %mul3A_588 = arith.constant 32 : i32
      %mul3A_589 = arith.muli %sub3A_430, %mul3A_588 : i32
      %add3A_590 = arith.addi %add3A, %mul3A_589 : i32
      %mul3A_591 = arith.constant 640 : i32
      %mul3A_592 = arith.muli %add3A_590, %mul3A_591 : i32
      %dma_start3A_593 = tpu.memref_slice %arg21[%mul3A_592] : memref<2000000xf32, #tpu.memory_space<hbm>> -> memref<640xf32, #tpu.memory_space<hbm>>
      %dma_start3A_594 = tpu.memref_slice %arg21[%mul3A_592] : memref<2000000xf32, #tpu.memory_space<hbm>> -> memref<640xf32, #tpu.memory_space<hbm>>
      tpu.enqueue_dma source(%arg33 : memref<640xf32, #tpu.memory_space<vmem>>) target(%dma_start3A_594 : memref<640xf32, #tpu.memory_space<hbm>>) target_semaphore(%arg39 : memref<!tpu.dma_semaphore, #tpu.memory_space<semaphore_mem>>)
      %dma_start3A_595 = tpu.memref_slice %arg22[%mul3A_592] : memref<2000000xf32, #tpu.memory_space<hbm>> -> memref<640xf32, #tpu.memory_space<hbm>>
      %dma_start3A_596 = tpu.memref_slice %arg22[%mul3A_592] : memref<2000000xf32, #tpu.memory_space<hbm>> -> memref<640xf32, #tpu.memory_space<hbm>>
      tpu.enqueue_dma source(%arg34 : memref<640xf32, #tpu.memory_space<vmem>>) target(%dma_start3A_596 : memref<640xf32, #tpu.memory_space<hbm>>) target_semaphore(%arg39 : memref<!tpu.dma_semaphore, #tpu.memory_space<semaphore_mem>>)
      %dma_start3A_597 = tpu.memref_slice %arg23[%mul3A_592] : memref<2000000xf32, #tpu.memory_space<hbm>> -> memref<640xf32, #tpu.memory_space<hbm>>
      %dma_start3A_598 = tpu.memref_slice %arg23[%mul3A_592] : memref<2000000xf32, #tpu.memory_space<hbm>> -> memref<640xf32, #tpu.memory_space<hbm>>
      tpu.enqueue_dma source(%arg35 : memref<640xf32, #tpu.memory_space<vmem>>) target(%dma_start3A_598 : memref<640xf32, #tpu.memory_space<hbm>>) target_semaphore(%arg39 : memref<!tpu.dma_semaphore, #tpu.memory_space<semaphore_mem>>)
      %add3A_599 = arith.constant 2 : i32
      %add3A_600 = arith.addi %sub3A_430, %add3A_599 : i32
      %lt3A_601 = arith.cmpi slt, %add3A_600, %select_n3A : i32
      %convert_element_type3A_602 = arith.extui %lt3A_601 : i1 to i32
      %cond3A_603 = arith.constant 0 : i32
      %cond3A_604 = arith.cmpi ne, %convert_element_type3A_602, %cond3A_603 : i32
      scf.if %cond3A_604 {
        %add3A_605 = arith.constant 2 : i32
        %add3A_606 = arith.addi %sub3A_430, %add3A_605 : i32
        %mul3A_607 = arith.constant 32 : i32
        %mul3A_608 = arith.muli %add3A_606, %mul3A_607 : i32
        %add3A_609 = arith.addi %add3A, %mul3A_608 : i32
        %mul3A_610 = arith.constant 640 : i32
        %mul3A_611 = arith.muli %add3A_609, %mul3A_610 : i32
        %dma_start3A_612 = tpu.memref_slice %arg2[%mul3A_611] : memref<2000000xf32, #tpu.memory_space<hbm>> -> memref<640xf32, #tpu.memory_space<hbm>>
        %dma_start3A_613 = tpu.memref_slice %arg2[%mul3A_611] : memref<2000000xf32, #tpu.memory_space<hbm>> -> memref<640xf32, #tpu.memory_space<hbm>>
        tpu.enqueue_dma source(%dma_start3A_613 : memref<640xf32, #tpu.memory_space<hbm>>) target(%arg28 : memref<640xf32, #tpu.memory_space<vmem>>) target_semaphore(%arg37 : memref<!tpu.dma_semaphore, #tpu.memory_space<semaphore_mem>>)
        %dma_start3A_614 = tpu.memref_slice %arg3[%mul3A_611] : memref<2000000xf32, #tpu.memory_space<hbm>> -> memref<640xf32, #tpu.memory_space<hbm>>
        %dma_start3A_615 = tpu.memref_slice %arg3[%mul3A_611] : memref<2000000xf32, #tpu.memory_space<hbm>> -> memref<640xf32, #tpu.memory_space<hbm>>
        tpu.enqueue_dma source(%dma_start3A_615 : memref<640xf32, #tpu.memory_space<hbm>>) target(%arg29 : memref<640xf32, #tpu.memory_space<vmem>>) target_semaphore(%arg37 : memref<!tpu.dma_semaphore, #tpu.memory_space<semaphore_mem>>)
        %dma_start3A_616 = tpu.memref_slice %arg4[%mul3A_611] : memref<2000000xf32, #tpu.memory_space<hbm>> -> memref<640xf32, #tpu.memory_space<hbm>>
        %dma_start3A_617 = tpu.memref_slice %arg4[%mul3A_611] : memref<2000000xf32, #tpu.memory_space<hbm>> -> memref<640xf32, #tpu.memory_space<hbm>>
        tpu.enqueue_dma source(%dma_start3A_617 : memref<640xf32, #tpu.memory_space<hbm>>) target(%arg30 : memref<640xf32, #tpu.memory_space<vmem>>) target_semaphore(%arg37 : memref<!tpu.dma_semaphore, #tpu.memory_space<semaphore_mem>>)
        %dma_start3A_618 = tpu.memref_slice %arg8[%mul3A_611] : memref<2000000xf32, #tpu.memory_space<hbm>> -> memref<640xf32, #tpu.memory_space<hbm>>
        %dma_start3A_619 = tpu.memref_slice %arg8[%mul3A_611] : memref<2000000xf32, #tpu.memory_space<hbm>> -> memref<640xf32, #tpu.memory_space<hbm>>
        tpu.enqueue_dma source(%dma_start3A_619 : memref<640xf32, #tpu.memory_space<hbm>>) target(%arg27 : memref<640xf32, #tpu.memory_space<vmem>>) target_semaphore(%arg37 : memref<!tpu.dma_semaphore, #tpu.memory_space<semaphore_mem>>)
        %dma_start3A_620 = tpu.memref_slice %arg6[%mul3A_611] : memref<2000000xi32, #tpu.memory_space<hbm>> -> memref<640xi32, #tpu.memory_space<hbm>>
        %dma_start3A_621 = tpu.memref_slice %arg6[%mul3A_611] : memref<2000000xi32, #tpu.memory_space<hbm>> -> memref<640xi32, #tpu.memory_space<hbm>>
        tpu.enqueue_dma source(%dma_start3A_621 : memref<640xi32, #tpu.memory_space<hbm>>) target(%arg26 : memref<640xi32, #tpu.memory_space<vmem>>) target_semaphore(%arg37 : memref<!tpu.dma_semaphore, #tpu.memory_space<semaphore_mem>>)
      } else {
      }
    } else {
    }
    %add3A_409 = arith.constant 0 : i32
    %add3A_410 = arith.addi %add3A, %add3A_409 : i32
    %mul3A_411 = arith.constant 640 : i32
    %mul3A_412 = arith.muli %add3A_410, %mul3A_411 : i32
    %dma_wait3A_413 = tpu.memref_slice %arg21[%mul3A_412] : memref<2000000xf32, #tpu.memory_space<hbm>> -> memref<640xf32, #tpu.memory_space<hbm>>
    %dma_wait3A_414 = tpu.memref_slice %arg21[%mul3A_412] : memref<2000000xf32, #tpu.memory_space<hbm>> -> memref<640xf32, #tpu.memory_space<hbm>>
    tpu.wait_dma2 semaphore(%arg39 : memref<!tpu.dma_semaphore, #tpu.memory_space<semaphore_mem>>) src(%arg33 : memref<640xf32, #tpu.memory_space<vmem>>) dst(%dma_wait3A_414 : memref<640xf32, #tpu.memory_space<hbm>>)
    %dma_wait3A_415 = tpu.memref_slice %arg22[%mul3A_412] : memref<2000000xf32, #tpu.memory_space<hbm>> -> memref<640xf32, #tpu.memory_space<hbm>>
    %dma_wait3A_416 = tpu.memref_slice %arg22[%mul3A_412] : memref<2000000xf32, #tpu.memory_space<hbm>> -> memref<640xf32, #tpu.memory_space<hbm>>
    tpu.wait_dma2 semaphore(%arg39 : memref<!tpu.dma_semaphore, #tpu.memory_space<semaphore_mem>>) src(%arg34 : memref<640xf32, #tpu.memory_space<vmem>>) dst(%dma_wait3A_416 : memref<640xf32, #tpu.memory_space<hbm>>)
    %dma_wait3A_417 = tpu.memref_slice %arg23[%mul3A_412] : memref<2000000xf32, #tpu.memory_space<hbm>> -> memref<640xf32, #tpu.memory_space<hbm>>
    %dma_wait3A_418 = tpu.memref_slice %arg23[%mul3A_412] : memref<2000000xf32, #tpu.memory_space<hbm>> -> memref<640xf32, #tpu.memory_space<hbm>>
    tpu.wait_dma2 semaphore(%arg39 : memref<!tpu.dma_semaphore, #tpu.memory_space<semaphore_mem>>) src(%arg35 : memref<640xf32, #tpu.memory_space<vmem>>) dst(%dma_wait3A_418 : memref<640xf32, #tpu.memory_space<hbm>>)
    %add3A_419 = arith.constant 0 : i32
    %add3A_420 = arith.addi %add3A, %add3A_419 : i32
    %mul3A_421 = arith.constant 640 : i32
    %mul3A_422 = arith.muli %add3A_420, %mul3A_421 : i32
    %dma_wait3A_423 = tpu.memref_slice %arg21[%mul3A_422] : memref<2000000xf32, #tpu.memory_space<hbm>> -> memref<640xf32, #tpu.memory_space<hbm>>
    %dma_wait3A_424 = tpu.memref_slice %arg21[%mul3A_422] : memref<2000000xf32, #tpu.memory_space<hbm>> -> memref<640xf32, #tpu.memory_space<hbm>>
    tpu.wait_dma2 semaphore(%arg55 : memref<!tpu.dma_semaphore, #tpu.memory_space<semaphore_mem>>) src(%arg49 : memref<640xf32, #tpu.memory_space<vmem>>) dst(%dma_wait3A_424 : memref<640xf32, #tpu.memory_space<hbm>>)
    %dma_wait3A_425 = tpu.memref_slice %arg22[%mul3A_422] : memref<2000000xf32, #tpu.memory_space<hbm>> -> memref<640xf32, #tpu.memory_space<hbm>>
    %dma_wait3A_426 = tpu.memref_slice %arg22[%mul3A_422] : memref<2000000xf32, #tpu.memory_space<hbm>> -> memref<640xf32, #tpu.memory_space<hbm>>
    tpu.wait_dma2 semaphore(%arg55 : memref<!tpu.dma_semaphore, #tpu.memory_space<semaphore_mem>>) src(%arg50 : memref<640xf32, #tpu.memory_space<vmem>>) dst(%dma_wait3A_426 : memref<640xf32, #tpu.memory_space<hbm>>)
    %dma_wait3A_427 = tpu.memref_slice %arg23[%mul3A_422] : memref<2000000xf32, #tpu.memory_space<hbm>> -> memref<640xf32, #tpu.memory_space<hbm>>
    %dma_wait3A_428 = tpu.memref_slice %arg23[%mul3A_422] : memref<2000000xf32, #tpu.memory_space<hbm>> -> memref<640xf32, #tpu.memory_space<hbm>>
    tpu.wait_dma2 semaphore(%arg55 : memref<!tpu.dma_semaphore, #tpu.memory_space<semaphore_mem>>) src(%arg51 : memref<640xf32, #tpu.memory_space<vmem>>) dst(%dma_wait3A_428 : memref<640xf32, #tpu.memory_space<hbm>>)
    return
  }
}

</mosaic_0001>

<sc_bundles>
// kernel: kernel.3.cloned.1.call-start
scs
__scs_entry_jumppad:
0x0: {  	(pc) =	sbr.rel $0x88, $3  }
0x1: {  	(tag) =	ssettag $0x0;
	lr =	simm.s32 $0x1  }
0x2: {  	[smem:$0x3F97] =	sst lr;
	_ =	strace $0xD0000000  }
0x3: {  	_ = 	snop  }
0x4: {  	_ = 	snop  }
0x5: {  	_ = 	snop  }
0x6: {  	_ = 	snop  }
0x7: {  	_ = 	snop  }
__scs_overlays_trampoline_lowered:
0x8: {  	[smem:$0x3FA6] =	sst s0  }
0x9: {  	[smem:$0x3FA7] =	sst s1  }
0xa: {  	[smem:$0x3FA8] =	sst s2  }
0xb: {  	[smem:$0x3FA9] =	sst s3  }
0xc: {  	[smem:$0x3FAA] =	sst s4  }
0xd: {  	[smem:$0x3FAB] =	sst s5  }
0xe: {  	[smem:$0x3FAC] =	sst s6  }
0xf: {  	[smem:$0x3FAD] =	sst s7  }
0x10: {  	[smem:$0x3FAE] =	sst s8  }
0x11: {  	[smem:$0x3FAF] =	sst s9;
	s0 =	simm.s32 @!p0 $0x0  }
0x12: {  	s1 =	sld [smem:$0x3F95];
	s0 =	simm.s32 @p0 $0x1  }
0x13: {  	[smem:$0x3FB0] =	sst s0;
	s0 =	simm.s32 @!p1 $0x0  }
0x14: {  	s2 =	sld [smem:$0x3F94];
	s0 =	simm.s32 @p1 $0x1  }
0x15: {  	[smem:$0x3FB1] =	sst s0;
	s0 =	simm.s32 @!p2 $0x0  }
0x16: {  	s3 =	sld [smem:$0x3FDB];
	s0 =	simm.s32 @p2 $0x1  }
0x17: {  	s4 =	simm.s32 $0x1BF5;
	[smem:$0x3FB3] =	sst s0  }
0x18: {  	s0 =	sld [smem:$0x3F96];
	_ =	swait.ge [sflag:s4], $0x0  }
0x19: {  	s7 =	sld [smem:$0x3F97]  }
0x1a: {  	s8 =	sadd.s32 $0xFFFFE003, lr  }
0x1b: {  	s9 =	sadd.s32 $0xFFFFFEF7, lr;
	s5 =	simm.s32 $0xFFFFFFFF;
	p2 =	slt.u32 s8, $0xFFFFF086  }
0x1c: {  	p1 =	slt.u32 s9, $0xF7A;
	s5 =	simm.s32 @!p2 $0x0  }
0x1d: {  	s5 =	simm.s32 @p1 $0x1;
	p0 =	seq.s32 s7, s2  }
0x1e: {  	s7 =	smul.u32 @!p0 $0xF7A, s2;
	p2 =	seq.s32 @!p0 s5, $0x0  }
0x1f: {  	s9 =	smul.u32 $0xF7A, s1;
	s8 =	simm.s32 @!p0 $0x1BF5;
	p2 =	por !p2, p0  }
0x20: {  	[sflag:s8] =	ssyncset.s32 @!p0 $0xFFFFF086;
	s6 =	sadd.s32 @!p0 s3, s7;
	s7 =	simm.s32 @!p0 $0x108  }
0x21: {  	s3 =	sadd.s32 s3, s9;
	s6 =	sadd.s32 @!p0 $0x88, s6;
	s7 =	simm.s32 @p2 $0x1082  }
0x22: {  	[simem:s7], [sflag:s8] =	dma.local @!p0 [hbm:s6], $0xF7A  }
0x23: {  	s9 =	sor.u32 $0xD0000000, s2;
	s6 =	simm.s32 $0x108;
	_ =	swait.ge @!p0 [sflag:s8], $0x0  }
0x24: {  	s3 =	sadd.s32 $0x88, s3;
	s6 =	simm.s32 @!p1 $0x1082;
	[sflag:s4] =	ssyncset.s32 $0xFFFFF086  }
0x25: {  	[simem:s6], [sflag:s4] =	dma.local [hbm:s3], $0xF7A  }
0x26: {  	[smem:$0x3F97] =	sst s1;
	(tag) =	ssettag s2;
	_ =	strace s9  }
0x27: {  	s1 =	sld [smem:$0x3FA7]  }
0x28: {  	s2 =	sld [smem:$0x3FA8]  }
0x29: {  	s4 =	sld [smem:$0x3FAA]  }
0x2a: {  	p0 =	seq.s32 s5, $0x0;
	s5 =	sld [smem:$0x3FAB]  }
0x2b: {  	s6 =	sld [smem:$0x3FAC]  }
0x2c: {  	s7 =	sld [smem:$0x3FAD]  }
0x2d: {  	s3 =	simm.s32 $0x108;
	s8 =	sld [smem:$0x3FAE]  }
0x2e: {  	s3 =	simm.s32 @!p0 $0x1082;
	s9 =	sld [smem:$0x3FAF]  }
0x2f: {  	lr =	sadd.s32 s0, s3;
	s0 =	sld [smem:$0x3FA6]  }
0x30: {  	s3 =	sld [smem:$0x3FA9]  }
0x31: {  	[smem:$0x3FB2] =	sst s10  }
0x32: {  	s10 =	sld [smem:$0x3FB0];
	_ =	sdelay $0x3  }
0x33: {  	p0 =	seq.s32 s10, $0x1;
	s10 =	sld [smem:$0x3FB2];
	_ =	sdelay $0x3  }
0x34: {  	[smem:$0x3FB2] =	sst s10  }
0x35: {  	s10 =	sld [smem:$0x3FB1];
	_ =	sdelay $0x3  }
0x36: {  	p1 =	seq.s32 s10, $0x1;
	s10 =	sld [smem:$0x3FB2];
	_ =	sdelay $0x3  }
0x37: {  	[smem:$0x3FB2] =	sst s10  }
0x38: {  	s10 =	sld [smem:$0x3FB3]  }
0x39: {  	_ = 	snop;
	(pc) =	sbr.ind lr, $3  }
0x3a: {  	_ = 	snop  }
0x3b: {  	_ = 	snop  }
0x3c: {  	p2 =	seq.s32 s10, $0x1;
	s10 =	sld [smem:$0x3FB2]  }
0x3d: {  	_ =	shalt  }
0x3e: {  	_ =	shalt  }
0x3f: {  	_ =	shalt  }
0x40: {  	_ =	shalt  }
0x41: {  	_ =	shalt  }
0x42: {  	_ =	shalt  }
0x43: {  	_ =	shalt  }
0x44: {  	_ =	shalt  }
0x45: {  	_ =	shalt  }
0x46: {  	_ =	shalt  }
0x47: {  	_ =	shalt  }
0x48: {  	_ =	shalt  }
0x49: {  	_ =	shalt  }
0x4a: {  	_ =	shalt  }
0x4b: {  	_ =	shalt  }
0x4c: {  	_ =	shalt  }
0x4d: {  	_ =	shalt  }
0x4e: {  	_ =	shalt  }
0x4f: {  	_ =	shalt  }
0x50: {  	_ =	shalt  }
0x51: {  	_ =	shalt  }
0x52: {  	_ =	shalt  }
0x53: {  	_ =	shalt  }
0x54: {  	_ =	shalt  }
0x55: {  	_ =	shalt  }
0x56: {  	_ =	shalt  }
0x57: {  	_ =	shalt  }
0x58: {  	_ =	shalt  }
0x59: {  	_ =	shalt  }
0x5a: {  	_ =	shalt  }
0x5b: {  	_ =	shalt  }
0x5c: {  	_ =	shalt  }
0x5d: {  	_ =	shalt  }
0x5e: {  	_ =	shalt  }
0x5f: {  	_ =	shalt  }
0x60: {  	_ =	shalt  }
0x61: {  	_ =	shalt  }
0x62: {  	_ =	shalt  }
0x63: {  	_ =	shalt  }
0x64: {  	_ =	shalt  }
0x65: {  	_ =	shalt  }
0x66: {  	_ =	shalt  }
0x67: {  	_ =	shalt  }
0x68: {  	_ =	shalt  }
0x69: {  	_ =	shalt  }
0x6a: {  	_ =	shalt  }
0x6b: {  	_ =	shalt  }
0x6c: {  	_ =	shalt  }
0x6d: {  	_ =	shalt  }
0x6e: {  	_ =	shalt  }
0x6f: {  	_ =	shalt  }
0x70: {  	_ =	shalt  }
0x71: {  	_ =	shalt  }
0x72: {  	_ =	shalt  }
0x73: {  	_ =	shalt  }
0x74: {  	_ =	shalt  }
0x75: {  	_ =	shalt  }
0x76: {  	_ =	shalt  }
0x77: {  	_ =	shalt  }
0x78: {  	_ =	shalt  }
0x79: {  	_ =	shalt  }
0x7a: {  	_ =	shalt  }
0x7b: {  	_ =	shalt  }
0x7c: {  	_ =	shalt  }
0x7d: {  	_ =	shalt  }
0x7e: {  	_ =	shalt  }
0x7f: {  	_ =	shalt  }
0x80: {  	_ =	shalt  }
0x81: {  	_ =	shalt  }
0x82: {  	_ =	shalt  }
0x83: {  	_ =	shalt  }
0x84: {  	_ =	shalt  }
0x85: {  	_ =	shalt  }
0x86: {  	_ =	shalt  }
0x87: {  	_ =	shalt  }
.Lfunc_end0:
.L_simem_size_0:
called_computation_lowered:
.L_overlay_start_0:
0x88: {  	s2 =	sld [smem:$0x3FD9]  }
0x89: {  	s3 =	sld [smem:$0x3FFE];
	_ =	sdelay $0x1  }
0x8a: {  	s1 =	srdreg.scid  }
0x8b: {  	s0 =	sand.u32 $0x1, s1  }
0x8c: {  	s17 =	sshll.u32 s0, $0xA;
	s2 =	sadd.s32 s3, s2  }
0x8d: {  	s3 =	sadd.s32 s2, s17  }
0x8e: {  	[smem:$0x3FBE] =	sst s3  }
0x8f: {  	_ = 	snop  }
0x90: {  	s3 =	sld [smem:$0x3FC7]  }
0x91: {  	s4 =	sld [smem:$0x3FD0];
	(tm) =	ssettm $0x1  }
0x92: {  	s5 =	sld [smem:$0x3FFB];
	_ =	sdelay $0x3  }
0x93: {  	_ =	strace s5  }
0x94: {  	s5 =	sld [smem:$0x3FFC];
	_ =	sdelay $0x3  }
0x95: {  	_ =	strace s5  }
0x96: {  	s5 =	sld [smem:$0x3FFD];
	_ =	sdelay $0x3  }
0x97: {  	_ =	strace s5  }
0x98: {  	_ =	strace $0x8FFFFFFF  }
0x99: {  	s18 =	sld [smem:$0x3FDB];
	_ =	sdelay $0x1  }
0x9a: {  	s6 =	simm.s32 $_scs_section_size  }
0x9b: {  	s7 =	simm.s32 $_size__tile_overlayer_lowered;
	s8 =	simm.s32 $_tile_overlayer_lowered  }
0x9c: {  	s21 =	simm.s32 $0x1BFF;
	s20 =	sshll.u32 s8, $0x1;
	s5 =	sadd.s32 s6, s18  }
0x9d: {  	s9 =	simm.s32 $0x0;
	s19 =	sshll.u32 s7, $0x1;
	s7 =	sadd.s32 s20, s5  }
0x9e: {  	[timem:s9], [sflag:s21] =	dma.local [hbm:s7], s19  }
0x9f: {  	_ =	swait.ge [sflag:s21], s19  }
0xa0: {  	s6 =	ssub.s32 $0x0, s19;
	[sflag:s21] =	ssyncset.done $0x0  }
0xa1: {  	[sflag:s21] =	ssyncadd.s32 s6;
	_ =	sdelay $0x1  }
0xa2: {  	s22 =	simm.s32 $0x1B8B  }
0xa3: {  	_ =	swait.ge [sflag:s22], $0x1  }
0xa4: {  	[sflag:s22] =	ssyncset.done $0x0  }
0xa5: {  	s24 =	simm.s32 $0x1B8E;
	s23 =	sld [smem:$0x3FFE];
	[sflag:s22] =	ssyncadd.s32 $0xFFFFFFFF  }
0xa6: {  	s25 =	simm.s32 $execute0_lowered;
	[smem:$0x3FD2] =	sst s24  }
0xa7: {  	s7 =	sshll.u32 s25, $0x1;
	_ =	strace $0x80000046;
	[dreg:$0x1] =	wrdreg $0xFFFFFFFF  }
0xa8: {  	s26 =	simm.s32 $_size_execute0_lowered;
	s5 =	sadd.s32 s5, s7;
	[dreg:$0x0] =	wrdreg $0x0  }
0xa9: {  	s7 =	sshll.u32 s26, $0x1;
	[dreg:$0x2] =	wrdreg s5  }
0xaa: {  	[dreg:$0x3] =	wrdreg s7  }
0xab: {  	[dreg:$0x4] =	wrdreg $0xC0  }
0xac: {  	_ =	task [dreg:s9], $0x5FFFF  }
0xad: {  	[dreg:$0x1] =	wrdreg $0xFFFFFFFF  }
0xae: {  	[dreg:$0x0] =	wrdreg $0x60  }
0xaf: {  	[dreg:$0x2] =	wrdreg s23  }
0xb0: {  	[dreg:$0x3] =	wrdreg s4  }
0xb1: {  	s28 =	sadd.s32 $0x800, s2;
	[dreg:$0x4] =	wrdreg s3  }
0xb2: {  	s2 =	sadd.s32 $0x19000, s2;
	[dreg:$0x5] =	wrdreg s28  }
0xb3: {  	[dreg:$0x6] =	wrdreg s2  }
0xb4: {  	[dreg:$0x7] =	wrdreg $0x9  }
0xb5: {  	_ =	task.clear_ibuf [dreg:s9], $0x8FFFF;
	_ =	strace $0x90000046  }
0xb6: {  	s29 =	simm.s32 $0x9;
	_ =	strace $0x80000048  }
0xb7: {  	_ =	swait.ge [sflag:s29], $0x1  }
0xb8: {  	[sflag:s29] =	ssyncadd.s32 $0xFFFFFFFF  }
0xb9: {  	_ =	strace $0x90000048  }
0xba: {  	_ =	sfence  }
0xbb: {  	s30 =	sld [smem:$0x0];
	_ =	sdelay $0x2  }
0xbc: {  	s31 =	sshll.u32 s1, $0xD;
	s1 =	sshrl.u32 s1, $0x2  }
0xbd: {  	s3 =	sand.u32 $0x4000, s31;
	s1 =	sadd.s32 s1, s30  }
0xbe: {  	s0 =	sor.u32 s3, s0;
	s1 =	sshll.u32 s1, $0x11  }
0xbf: {  	s0 =	sor.u32 s1, s0  }
0xc0: {  	s0 =	sadd.s32 $0x8F2B, s0  }
0xc1: {  	[sflag:s0] =	ssyncadd.remote.s32 $0x1  }
0xc2: {  	_ =	sfence.sel $0xFFFF  }
0xc3: {  	[dreg:$0x0] =	wrdreg $0xFFFFFFFF;
	(pc) =	sbr.abs _section_cstart, $3  }
0xc4: {  	[dreg:$0x1] =	wrdreg $0xFFFFFFFF  }
0xc5: {  	_ =	task.clear_ibuf [dreg:s9], $0x2FFFF;
	_ =	strace $0x9FFFFFFF  }
0xc6: {  	(tm) =	ssettm $0x7FFFFFFF  }
0xc7: {  	_ =	shalt  }
tec
execute0_lowered:
.L_overlay_start_1:
0x0: {  	(tag) =	ssettag $0x1  }
0x1: {  	s0 =	rddreg [dreg:$0x0]  }
0x2: {  	s15 =	rddreg [dreg:$0x1]  }
0x3: {  	s20 =	rddreg [dreg:$0x2]  }
0x4: {  	s1 =	rddreg [dreg:$0x3]  }
0x5: {  	s2 =	rddreg [dreg:$0x4];
	s3 =	simm.s32 $0x0  }
0x6: {  	[smem:$0x7FF] =	sst s3;
	s4 =	sadd.s32 $0x12FA00, s0  }
0x7: {  	s19 =	sadd.s32 $0x2BC00, s0;
	_ =	strace $0x80000047;
	[dreg:$0x9] =	wrdreg s4  }
0x8: {  	s21 =	sadd.s32 $0x1C600, s0;
	[dreg:$0xa] =	wrdreg s19  }
0x9: {  	s23 =	sadd.s32 $0xD000, s0;
	[dreg:$0xb] =	wrdreg s21  }
0xa: {  	s11 =	sadd.s32 $0x78400, s0;
	[dreg:$0xc] =	wrdreg s23  }
0xb: {  	s24 =	srdreg.scid;
	s3 =	sadd.s32 $0xF2800, s0;
	[dreg:$0x8] =	wrdreg s11  }
0xc: {  	s12 =	stileid.u32;
	s10 =	sadd.s32 $0xB5600, s0;
	[dreg:$0x6] =	wrdreg s3  }
0xd: {  	s22 =	sadd.s32 $0x12FC00, s0;
	s13 =	sadd.s32 $0x16CE00, s0;
	[dreg:$0x7] =	wrdreg s10  }
0xe: {  	s14 =	sadd.s32 $0x1AA000, s0;
	s6 =	smul.u32 $0x188, s12;
	[dreg:$0xd] =	wrdreg s13  }
0xf: {  	s8 =	sshll.u32 s12, $0x1;
	s4 =	sand.u32 $0x1, s24;
	[dreg:$0xe] =	wrdreg s14  }
0x10: {  	s5 =	ssub.s32 $0x2, s4;
	s9 =	smul.u32 $0xC400, s4;
	s8 =	sor.u32 s4, s8  }
0x11: {  	s4 =	smul.u32 $0x7A300, s4;
	s17 =	sadd.s32 s0, s6;
	[dreg:$0xf] =	wrdreg s8  }
0x12: {  	s7 =	sshrl.u32 s5, $0x1;
	s25 =	smul.u32 $0x280, s8;
	[dreg:$0x10] =	wrdreg s17  }
0x13: {  	s5 =	ssub.s32 s5, s7;
	s19 =	sadd.s32 s4, s2;
	s2 =	smul.u32 $0x50, s8  }
0x14: {  	s7 =	ssub.s32 $0xC54, s8;
	s18 =	sadd.s32 s9, s1;
	s4 =	sadd.s32 $0x1E7200, s0  }
0x15: {  	s26 =	sand.u32 $0x20, s7;
	[dreg:$0x11] =	wrdreg s4;
	s23 =	sadd.s32 s11, s2  }
0x16: {  	s9 =	sand.u32 $0xC60, s7;
	s24 =	sadd.s32 s20, s2;
	[dreg:$0x12] =	wrdreg s23  }
0x17: {  	s21 =	sshrl.u32 s25, $0x3;
	s25 =	sadd.s32 s3, s2;
	[dreg:$0x13] =	wrdreg s24  }
0x18: {  	p0 =	seq.s32 s26, $0x0;
	s26 =	sadd.s32 s10, s2;
	[dreg:$0x14] =	wrdreg s25  }
0x19: {  	s1 =	sor.u32 s8, s9;
	s8 =	sadd.s32 s15, s2;
	[dreg:$0x15] =	wrdreg s26  }
0x1a: {  	s16 =	sadd.s32 $0x3B200, s0;
	s9 =	sadd.s32 s22, s2;
	[dreg:$0x16] =	wrdreg s8  }
0x1b: {  	s2 =	sadd.s32 s16, s2;
	s0 =	sadd.s32 $0xA00, s21;
	[dreg:$0x17] =	wrdreg s9  }
0x1c: {  	[dreg:$0x18] =	wrdreg s2;
	s11 =	sadd.s32 s11, s0  }
0x1d: {  	s21 =	sadd.s32 s20, s0;
	[dreg:$0x19] =	wrdreg s11  }
0x1e: {  	s23 =	sadd.s32 s3, s0;
	[dreg:$0x1a] =	wrdreg s21  }
0x1f: {  	s24 =	sadd.s32 s10, s0;
	[dreg:$0x1b] =	wrdreg s23  }
0x20: {  	s25 =	sadd.s32 s15, s0;
	[dreg:$0x1c] =	wrdreg s24  }
0x21: {  	s30 =	simm.s32 $0x1180;
	s26 =	sadd.s32 s22, s0;
	[dreg:$0x1d] =	wrdreg s25  }
0x22: {  	s31 =	simm.s32 $0x2580;
	s0 =	sadd.s32 s16, s0;
	[dreg:$0x1e] =	wrdreg s26  }
0x23: {  	s28 =	simm.s32 $0xE490;
	s8 =	sshrl.u32 s7, $0x5;
	[dreg:$0x1f] =	wrdreg s0  }
0x24: {  	s6 =	smul.u32 $0xC40, s12;
	s9 =	sshrl.u32 s7, $0x6;
	[smem:$0x7F2] =	sst s8  }
0x25: {  	s29 =	simm.s32 $0xE4B0;
	s10 =	smax.u32 s5, $0x1;
	[smem:$0x7F3] =	sst s9  }
0x26: {  	s1 =	smul.u32 $0x50, s1;
	[smem:$0x7F4] =	sst s10;
	s0 =	sadd.s32 s6, s18  }
0x27: {  	s5 =	simm.s32 $0x0;
	s11 =	sadd.s32 $0xB600, s17;
	[smem:$0x7F5] =	sst s0  }
0x28: {  	s21 =	sadd.s32 $0x6800, s17;
	s23 =	sadd.s32 $0x4E00, s17;
	[smem:$0x7F6] =	sst s11  }
0x29: {  	s24 =	sadd.s32 $0x3400, s17;
	s25 =	sadd.s32 $0x1A00, s17;
	[smem:$0x7F9] =	sst s21  }
0x2a: {  	s26 =	smul.u32 $0x7A30, s12;
	s8 =	simm.s32 $0x9;
	[smem:$0x7FA] =	sst s23  }
0x2b: {  	s10 =	simm.s32 $0x7;
	s12 =	simm.s32 $0x6;
	[smem:$0x7FB] =	sst s24  }
0x2c: {  	s1 =	sadd.s32 $0xFFFFF600, s1;
	[smem:$0x7FC] =	sst s25;
	s24 =	simm.s32 $0x8200  }
0x2d: {  	s0 =	simm.s32 $0x3;
	s11 =	simm.s32 $0x2;
	s25 =	simm.s32 $0xE4A0  }
0x2e: {  	s23 =	simm.s32 $0x6680;
	s2 =	sadd.s32 s13, s1;
	[smem:$0x7FD] =	sst s26  }
.Ltmp0:
0x2f: {  	v2 =	vlaneseq.u32;
	s3 =	sadd.s32 s14, s1;
	[smem:$0x7EF] =	sst s2;
	(pc) =	sbr.rel .LBB2_1-.Ltmp0, $4  }
0x30: {  	v0 =	vmul.u32 $0x4, v2;
	s4 =	sadd.s32 s4, s1;
	s13 =	sadd.s32 $0x9C00, s17;
	[smem:$0x7F0] =	sst s3  }
0x31: {  	v1 =	vmul.u32 $0x8, v2;
	v7 =	vmul.u32 $0x3, v2;
	s14 =	sadd.s32 $0x8200, s17;
	s17 =	simm.s32 $0xE470;
	[smem:$0x7F1] =	sst s4  }
0x32: {  	v2 =	vor.u32 $0x1, v0;
	v3 =	vor.u32 $0x2, v0;
	v4 =	vor.u32 $0x3, v0;
	s26 =	simm.s32 $0xE480;
	s1 =	simm.s32 $0xE4C0;
	[smem:$0x7F7] =	sst s13  }
0x33: {  	v5 =	vor.u32 $0x40, v7;
	v6 =	vadd.s32 $0x41, v7;
	v7 =	vadd.s32 $0x42, v7;
	[smem:$0x7F8] =	sst s14;
	s2 =	simm.s32 $0xE4D0;
	s13 =	simm.s32 $0x5280  }
.LBB2_17:
0x34: {  	s3 =	simm.s32 $0x4  }
0x35: {  	_ =	swait.ge [sflag:s3], $0x280  }
0x36: {  	[sflag:s3] =	ssyncset.done $0x0  }
0x37: {  	[sflag:s3] =	ssyncadd.s32 $0xFFFFFD80  }
0x38: {  	_ =	swait.ge [sflag:s3], $0x280  }
0x39: {  	[sflag:s3] =	ssyncset.done $0x0  }
0x3a: {  	[sflag:s3] =	ssyncadd.s32 $0xFFFFFD80  }
0x3b: {  	_ =	swait.ge [sflag:s3], $0x280  }
0x3c: {  	[sflag:s3] =	ssyncset.done $0x0  }
0x3d: {  	s4 =	simm.s32 $0x8;
	[sflag:s3] =	ssyncadd.s32 $0xFFFFFD80  }
0x3e: {  	_ =	swait.ge [sflag:s4], $0x280  }
0x3f: {  	[sflag:s4] =	ssyncset.done $0x0  }
0x40: {  	[sflag:s4] =	ssyncadd.s32 $0xFFFFFD80  }
0x41: {  	_ =	swait.ge [sflag:s4], $0x280  }
0x42: {  	[sflag:s4] =	ssyncset.done $0x0  }
0x43: {  	[sflag:s4] =	ssyncadd.s32 $0xFFFFFD80  }
0x44: {  	_ =	swait.ge [sflag:s4], $0x280  }
0x45: {  	s21 =	sld [smem:$0x7F4];
	_ =	sdelay $0x1  }
0x46: {  	s5 =	sadd.s32 $0x1, s5  }
0x47: {  	p1 =	sne.s32 s5, s21  }
.Ltmp1:
0x48: {  	_ = 	snop;
	(pc) =	sbr.rel @!p1 .LBB2_18-.Ltmp1, $3  }
0x49: {  	_ =	sdelay $0x1  }
0x4a: {  	[sflag:s4] =	ssyncset.done $0x0  }
0x4b: {  	[sflag:s4] =	ssyncadd.s32 $0xFFFFFD80  }
.LBB2_1:
0x4c: {  	s3 =	sld [smem:$0x7F6]  }
0x4d: {  	[smem:$0x7EE] =	sst s5  }
0x4e: {  	s4 =	simm.s32 $0x0;
	s9 =	simm.s32 $0xE4E0;
	s14 =	sld [smem:$0x7F7]  }
0x4f: {  	[tilespmem:s9], [sflag:$0x9] =	stream.linear.gather [hbm4b:s3+s4], $0xC40, $0x38;
	[tilespmem:$0x146E0] =	vst v63  }
0x50: {  	s21 =	simm.s32 $0xF120;
	s5 =	sld [smem:$0x7F8]  }
0x51: {  	[tilespmem:s21], [sflag:$0x9] =	stream.linear.gather [hbm4b:s14+s4], $0xC40, $0x38;
	[tilespmem:$0x146E0] =	vst v63  }
0x52: {  	s6 =	simm.s32 $0xFD60;
	s7 =	sld [smem:$0x7F9]  }
0x53: {  	[tilespmem:s6], [sflag:$0x9] =	stream.linear.gather [hbm4b:s5+s4], $0xC40, $0x38;
	[tilespmem:$0x146E0] =	vst v63  }
0x54: {  	s9 =	simm.s32 $0x109A0;
	s14 =	sld [smem:$0x7FA]  }
0x55: {  	[tilespmem:s9], [sflag:$0x9] =	stream.linear.gather [hbm4b:s7+s4], $0xC40, $0x38;
	[tilespmem:$0x146E0] =	vst v63  }
0x56: {  	s21 =	simm.s32 $0x115E0;
	s5 =	sld [smem:$0x7FB]  }
0x57: {  	[tilespmem:s21], [sflag:$0x9] =	stream.linear.gather [hbm4b:s14+s4], $0xC40, $0x38;
	[tilespmem:$0x146E0] =	vst v63  }
0x58: {  	s6 =	simm.s32 $0x12220;
	s7 =	sld [smem:$0x7FC]  }
0x59: {  	[tilespmem:s6], [sflag:$0x9] =	stream.linear.gather [hbm4b:s5+s4], $0xC40, $0x38;
	[tilespmem:$0x146E0] =	vst v63  }
0x5a: {  	s9 =	simm.s32 $0x12E60  }
0x5b: {  	[tilespmem:s9], [sflag:$0x9] =	stream.linear.gather [hbm4b:s7+s4], $0xC40, $0x38;
	[tilespmem:$0x146E0] =	vst v63  }
0x5c: {  	s14 =	rddreg [dreg:$0x10];
	s21 =	simm.s32 $0x13AA0  }
0x5d: {  	[tilespmem:s21], [sflag:$0x9] =	stream.linear.gather [hbm4b:s14+s4], $0xC40, $0x38;
	[tilespmem:$0x146E0] =	vst v63  }
0x5e: {  	_ =	swait.ge [sflag:s8], $0xC40  }
0x5f: {  	[sflag:s8] =	ssyncset.done $0x0  }
0x60: {  	[sflag:s8] =	ssyncadd.s32 $0xFFFFF3C0  }
0x61: {  	_ =	swait.ge [sflag:s8], $0xC40  }
0x62: {  	[sflag:s8] =	ssyncset.done $0x0  }
0x63: {  	[sflag:s8] =	ssyncadd.s32 $0xFFFFF3C0  }
0x64: {  	_ =	swait.ge [sflag:s8], $0xC40  }
0x65: {  	[sflag:s8] =	ssyncset.done $0x0  }
0x66: {  	[sflag:s8] =	ssyncadd.s32 $0xFFFFF3C0  }
0x67: {  	_ =	swait.ge [sflag:s8], $0xC40  }
0x68: {  	[sflag:s8] =	ssyncset.done $0x0  }
0x69: {  	[sflag:s8] =	ssyncadd.s32 $0xFFFFF3C0  }
0x6a: {  	_ =	swait.ge [sflag:s8], $0xC40  }
0x6b: {  	[sflag:s8] =	ssyncset.done $0x0  }
0x6c: {  	[sflag:s8] =	ssyncadd.s32 $0xFFFFF3C0  }
0x6d: {  	_ =	swait.ge [sflag:s8], $0xC40  }
0x6e: {  	[sflag:s8] =	ssyncset.done $0x0  }
0x6f: {  	[sflag:s8] =	ssyncadd.s32 $0xFFFFF3C0  }
0x70: {  	_ =	swait.ge [sflag:s8], $0xC40  }
0x71: {  	[sflag:s8] =	ssyncset.done $0x0  }
0x72: {  	[sflag:s8] =	ssyncadd.s32 $0xFFFFF3C0  }
0x73: {  	_ =	swait.ge [sflag:s8], $0xC40  }
0x74: {  	v8 =	vmov s4;
	[sflag:s8] =	ssyncset.done $0x0  }
0x75: {  	v8 =	vshll.u32 v8, $0x3;
	s6 =	simm.s32 $0x0;
	[sflag:s8] =	ssyncadd.s32 $0xFFFFF3C0  }
0x76: {  	v10 =	vor.u32 v1, v8;
	v9 =	vld [tilespmem:s6+$0xE4E0];
	_ =	sdelay $0x4  }
0x77: {  	[tilespmem:v10+s24+$0x0] =	vst.idx.msk $0xffff, v9  }
0x78: {  	v9 =	vor.u32 $0x1, v10;
	v8 =	vld [tilespmem:s6+$0xF120];
	_ =	sdelay $0x4  }
0x79: {  	[tilespmem:v9+s24+$0x0] =	vst.idx.msk $0xffff, v8  }
0x7a: {  	v9 =	vor.u32 $0x2, v10;
	v8 =	vld [tilespmem:s6+$0xFD60];
	_ =	sdelay $0x4  }
0x7b: {  	[tilespmem:v9+s24+$0x0] =	vst.idx.msk $0xffff, v8  }
0x7c: {  	v9 =	vor.u32 $0x3, v10;
	v8 =	vld [tilespmem:s6+$0x109A0];
	_ =	sdelay $0x4  }
0x7d: {  	[tilespmem:v9+s24+$0x0] =	vst.idx.msk $0xffff, v8  }
0x7e: {  	v9 =	vor.u32 $0x4, v10;
	v8 =	vld [tilespmem:s6+$0x115E0];
	_ =	sdelay $0x4  }
0x7f: {  	[tilespmem:v9+s24+$0x0] =	vst.idx.msk $0xffff, v8  }
0x80: {  	v9 =	vor.u32 $0x5, v10;
	v8 =	vld [tilespmem:s6+$0x12220];
	_ =	sdelay $0x4  }
0x81: {  	[tilespmem:v9+s24+$0x0] =	vst.idx.msk $0xffff, v8  }
0x82: {  	v9 =	vor.u32 $0x6, v10;
	v8 =	vld [tilespmem:s6+$0x12E60];
	_ =	sdelay $0x4  }
0x83: {  	[tilespmem:v9+s24+$0x0] =	vst.idx.msk $0xffff, v8  }
0x84: {  	v9 =	vor.u32 $0x7, v10;
	v8 =	vld [tilespmem:s6+$0x13AA0];
	_ =	sdelay $0x2  }
0x85: {  	s4 =	simm.s32 $0x10  }
0x86: {  	s3 =	simm.s32 $0x0;
	s5 =	simm.s32 $0x40;
	v10 =	vmov s4;
	s6 =	simm.s32 $0x80  }
.LBB2_2:
0x87: {  	p1 =	sne.s32 s6, $0x30C0;
	v10 =	vshll.u32 v10, $0x3;
	s7 =	sshra.s32 s5, $0x2;
	[tilespmem:v9+s24+$0x0] =	vst.idx.msk $0xffff, v8;
	s5 =	smov.u32 s6  }
0x88: {  	v8 =	vld [tilespmem:s7+$0xE4E0];
	v9 =	vor.u32 v1, v10;
	_ =	sdelay $0x4  }
0x89: {  	[tilespmem:v9+s24+$0x0] =	vst.idx.msk $0xffff, v8  }
0x8a: {  	v10 =	vor.u32 $0x1, v9;
	v8 =	vld [tilespmem:s7+$0xF120];
	_ =	sdelay $0x4  }
0x8b: {  	[tilespmem:v10+s24+$0x0] =	vst.idx.msk $0xffff, v8  }
0x8c: {  	v10 =	vor.u32 $0x2, v9;
	v8 =	vld [tilespmem:s7+$0xFD60];
	_ =	sdelay $0x4  }
0x8d: {  	[tilespmem:v10+s24+$0x0] =	vst.idx.msk $0xffff, v8  }
0x8e: {  	v10 =	vor.u32 $0x3, v9;
	v8 =	vld [tilespmem:s7+$0x109A0];
	_ =	sdelay $0x4  }
0x8f: {  	[tilespmem:v10+s24+$0x0] =	vst.idx.msk $0xffff, v8  }
0x90: {  	v10 =	vor.u32 $0x4, v9;
	v8 =	vld [tilespmem:s7+$0x115E0];
	_ =	sdelay $0x4  }
0x91: {  	[tilespmem:v10+s24+$0x0] =	vst.idx.msk $0xffff, v8  }
0x92: {  	v10 =	vor.u32 $0x5, v9;
	v8 =	vld [tilespmem:s7+$0x12220];
	_ =	sdelay $0x4  }
0x93: {  	[tilespmem:v10+s24+$0x0] =	vst.idx.msk $0xffff, v8  }
0x94: {  	v10 =	vor.u32 $0x6, v9;
	v8 =	vld [tilespmem:s7+$0x12E60];
	_ =	sdelay $0x4  }
0x95: {  	[tilespmem:v10+s24+$0x0] =	vst.idx.msk $0xffff, v8  }
.Ltmp2:
0x96: {  	v9 =	vor.u32 $0x7, v9;
	v8 =	vld [tilespmem:s7+$0x13AA0];
	(pc) =	sbr.rel @p1 .LBB2_2-.Ltmp2, $3  }
0x97: {  	_ =	sdelay $0x1  }
0x98: {  	s4 =	sadd.s32 $0x10, s4  }
0x99: {  	s6 =	sadd.s32 $0x40, s6;
	v10 =	vmov s4  }
0x9a: {  	_ =	sdelay $0x3  }
0x9b: {  	v10 =	vshll.u32 v10, $0x3;
	s4 =	sshra.s32 s5, $0x2;
	[tilespmem:v9+s24+$0x0] =	vst.idx.msk $0xffff, v8  }
0x9c: {  	v8 =	vld [tilespmem:s4+$0xE4E0];
	v58 =	vor.u32 v1, v10;
	_ =	sdelay $0x4  }
0x9d: {  	[tilespmem:v58+s24+$0x0] =	vst.idx.msk $0xffff, v8  }
0x9e: {  	v10 =	vor.u32 $0x1, v58;
	v8 =	vld [tilespmem:s4+$0xF120];
	_ =	sdelay $0x4  }
0x9f: {  	[tilespmem:v10+s24+$0x0] =	vst.idx.msk $0xffff, v8  }
0xa0: {  	v59 =	vor.u32 $0x2, v58;
	v8 =	vld [tilespmem:s4+$0xFD60];
	_ =	sdelay $0x4  }
0xa1: {  	[tilespmem:v59+s24+$0x0] =	vst.idx.msk $0xffff, v8  }
0xa2: {  	v60 =	vor.u32 $0x3, v58;
	v8 =	vld [tilespmem:s4+$0x109A0];
	_ =	sdelay $0x4  }
0xa3: {  	[tilespmem:v60+s24+$0x0] =	vst.idx.msk $0xffff, v8  }
0xa4: {  	v61 =	vor.u32 $0x4, v58;
	v8 =	vld [tilespmem:s4+$0x115E0];
	_ =	sdelay $0x4  }
0xa5: {  	[tilespmem:v61+s24+$0x0] =	vst.idx.msk $0xffff, v8  }
0xa6: {  	v62 =	vor.u32 $0x5, v58;
	v8 =	vld [tilespmem:s4+$0x12220];
	_ =	sdelay $0x4  }
0xa7: {  	[tilespmem:v62+s24+$0x0] =	vst.idx.msk $0xffff, v8  }
0xa8: {  	v63 =	vor.u32 $0x6, v58;
	v8 =	vld [tilespmem:s4+$0x12E60];
	_ =	sdelay $0x4  }
0xa9: {  	[tilespmem:v63+s24+$0x0] =	vst.idx.msk $0xffff, v8  }
0xaa: {  	v9 =	vor.u32 $0x7, v58;
	v8 =	vld [tilespmem:s4+$0x13AA0];
	_ =	sdelay $0x2  }
0xab: {  	s21 =	sld [smem:$0x7F5];
	_ =	sdelay $0x1  }
0xac: {  	s4 =	simm.s32 $0x0;
	[tilespmem:v9+s24+$0x0] =	vst.idx.msk $0xffff, v8  }
0xad: {  	[hbm4b:s21+s4] =	stream.linear.scatter [tilespmem:s24], [sflag:$0x9], $0x6200, $0x38;
	[tilespmem:$0x146E0] =	vst v63  }
0xae: {  	_ =	swait.ge [sflag:s8], $0x6200  }
0xaf: {  	[sflag:s8] =	ssyncset.done $0x0  }
0xb0: {  	s5 =	simm.s32 $0x0;
	s21 =	simm.s32 $0x9;
	[sflag:s8] =	ssyncadd.s32 $0xFFFF9E00  }
.LBB2_4:
0xb1: {  	s7 =	sld [smem:$0x7FD]  }
0xb2: {  	s6 =	smul.u32 $0x550, s5;
	_ =	sdelay $0x1  }
0xb3: {  	s6 =	sadd.s32 s7, s6  }
0xb4: {  	s8 =	rddreg [dreg:$0xa];
	s7 =	sshrl.u32 s6, $0x3  }
0xb5: {  	s9 =	simm.s32 $0xE4E0;
	s14 =	rddreg [dreg:$0xb];
	s8 =	sadd.s32 s8, s7  }
0xb6: {  	[tilespmem:s9], [sflag:$0x9] =	stream.linear.gather [hbm4b:s8+s4], $0x550, $0x38;
	[tilespmem:$0x146E0] =	vst v63  }
0xb7: {  	s14 =	sadd.s32 s14, s7;
	s8 =	simm.s32 $0xF120  }
0xb8: {  	[tilespmem:s8], [sflag:$0x9] =	stream.linear.gather [hbm4b:s14+s4], $0x550, $0x38;
	[tilespmem:$0x146E0] =	vst v63  }
0xb9: {  	s14 =	rddreg [dreg:$0xc]  }
0xba: {  	s14 =	sadd.s32 s14, s7;
	s7 =	simm.s32 $0xFD60  }
0xbb: {  	[tilespmem:s7], [sflag:$0x9] =	stream.linear.gather [hbm4b:s14+s4], $0x550, $0x38;
	[tilespmem:$0x146E0] =	vst v63  }
0xbc: {  	_ =	swait.ge [sflag:s21], $0x550  }
0xbd: {  	[sflag:s21] =	ssyncset.done $0x0  }
0xbe: {  	[sflag:s21] =	ssyncadd.s32 $0xFFFFFAB0  }
0xbf: {  	_ =	swait.ge [sflag:s21], $0x550  }
0xc0: {  	[sflag:s21] =	ssyncset.done $0x0  }
0xc1: {  	[sflag:s21] =	ssyncadd.s32 $0xFFFFFAB0  }
0xc2: {  	_ =	swait.ge [sflag:s21], $0x550  }
0xc3: {  	v8 =	vmov s4;
	[sflag:s21] =	ssyncset.done $0x0  }
0xc4: {  	v8 =	vshll.u32 v8, $0x3;
	[sflag:s21] =	ssyncadd.s32 $0xFFFFFAB0  }
0xc5: {  	v10 =	vor.u32 v1, v8;
	v9 =	vld [tilespmem:s9+$0x0];
	_ =	sdelay $0x4  }
0xc6: {  	[tilespmem:v10+s24+$0x0] =	vst.idx.msk $0xffff, v9  }
0xc7: {  	v9 =	vor.u32 $0x1, v10;
	v8 =	vld [tilespmem:s8+$0x0];
	_ =	sdelay $0x4  }
0xc8: {  	[tilespmem:v9+s24+$0x0] =	vst.idx.msk $0xffff, v8  }
0xc9: {  	v9 =	vor.u32 $0x2, v10;
	v8 =	vld [tilespmem:s7+$0x0];
	_ =	sdelay $0x2  }
0xca: {  	s21 =	simm.s32 $0x10  }
0xcb: {  	s14 =	simm.s32 $0x20;
	v10 =	vmov s21  }
.LBB2_5:
0xcc: {  	p1 =	sne.s32 s14, $0x540;
	v10 =	vshll.u32 v10, $0x3;
	[tilespmem:v9+s24+$0x0] =	vst.idx.msk $0xffff, v8;
	s9 =	sadd.s32 $0x10, s9  }
0xcd: {  	v8 =	vld [tilespmem:s9+$0x0];
	v9 =	vor.u32 v1, v10;
	_ =	sdelay $0x4  }
0xce: {  	s8 =	sadd.s32 $0x10, s8;
	[tilespmem:v9+s24+$0x0] =	vst.idx.msk $0xffff, v8  }
0xcf: {  	v10 =	vor.u32 $0x1, v9;
	v8 =	vld [tilespmem:s8+$0x0];
	_ =	sdelay $0x4  }
0xd0: {  	s7 =	sadd.s32 $0x10, s7;
	[tilespmem:v10+s24+$0x0] =	vst.idx.msk $0xffff, v8  }
.Ltmp3:
0xd1: {  	v9 =	vor.u32 $0x2, v9;
	v8 =	vld [tilespmem:s7+$0x0];
	(pc) =	sbr.rel @p1 .LBB2_5-.Ltmp3, $2  }
0xd2: {  	_ =	sdelay $0x2  }
0xd3: {  	v10 =	vmov s14;
	s14 =	sadd.s32 $0x10, s14  }
0xd4: {  	_ =	sdelay $0x3  }
0xd5: {  	v10 =	vshll.u32 v10, $0x3;
	[tilespmem:v9+s24+$0x0] =	vst.idx.msk $0xffff, v8;
	s9 =	sadd.s32 $0x10, s9  }
0xd6: {  	v8 =	vld [tilespmem:s9+$0x0];
	v63 =	vor.u32 v1, v10;
	_ =	sdelay $0x4  }
0xd7: {  	s8 =	sadd.s32 $0x10, s8;
	[tilespmem:v63+s24+$0x0] =	vst.idx.msk $0xffff, v8  }
0xd8: {  	v10 =	vor.u32 $0x1, v63;
	v8 =	vld [tilespmem:s8+$0x0];
	_ =	sdelay $0x4  }
0xd9: {  	s7 =	sadd.s32 $0x10, s7;
	[tilespmem:v10+s24+$0x0] =	vst.idx.msk $0xffff, v8  }
0xda: {  	v9 =	vor.u32 $0x2, v63;
	v8 =	vld [tilespmem:s7+$0x0];
	_ =	sdelay $0x2  }
0xdb: {  	s5 =	sadd.s32 $0x1, s5  }
0xdc: {  	p1 =	sne.s32 s5, $0x17  }
.Ltmp4:
0xdd: {  	s6 =	sadd.s32 s6, s19;
	s21 =	simm.s32 $0x9;
	[tilespmem:v9+s24+$0x0] =	vst.idx.msk $0xffff, v8;
	(pc) =	sbr.rel @p1 .LBB2_4-.Ltmp4, $4  }
0xde: {  	[hbm4b:s6+s3] =	stream.linear.scatter [tilespmem:s24], [sflag:$0x9], $0x2A80, $0x38;
	[tilespmem:$0x146E0] =	vst v63  }
0xdf: {  	_ =	swait.ge [sflag:s21], $0x2A80  }
0xe0: {  	[sflag:s21] =	ssyncset.done $0x0  }
0xe1: {  	[sflag:s21] =	ssyncadd.s32 $0xFFFFD580  }
0xe2: {  	[bflag:$0x0] =	sbarrier.arrive $0xFFFF;
	s6 =	simm.s32 $0x0  }
0xe3: {  	s4 =	simm.s32 $0xE400;
	s5 =	simm.s32 $0xA;
	s3 =	rddreg [dreg:$0x9]  }
0xe4: {  	[tilespmem:s4], [sflag:$0xA] =	stream.linear.gather [hbm4b:s3+s6], $0x70, $0x38;
	[tilespmem:$0x146E0] =	vst v63  }
0xe5: {  	_ =	swait.ge [sflag:s5], $0x70  }
0xe6: {  	[sflag:s5] =	ssyncset.done $0x0  }
0xe7: {  	[sflag:s5] =	ssyncadd.s32 $0xFFFFFF90  }
0xe8: {  	v8 =	vld.idx.msk [tilespmem:v0+s4+$0x0], $0xffff  }
0xe9: {  	v9 =	vld.idx.msk [tilespmem:v2+s4+$0x0], $0xffff  }
0xea: {  	v10 =	vld.idx.msk [tilespmem:v3+s4+$0x0], $0xffff  }
0xeb: {  	v11 =	vld.idx.msk [tilespmem:v5+s4+$0x0], $0xffff  }
0xec: {  	v12 =	vld.idx.msk [tilespmem:v7+s4+$0x0], $0xffff  }
0xed: {  	v13 =	vld.idx.msk [tilespmem:v6+s4+$0x0], $0xffff;
	_ =	sdelay $0x3  }
0xee: {  	v14 =	vmul.f32 v12, v8;
	v15 =	vmul.f32 v11, v10  }
0xef: {  	v16 =	vmul.f32 v11, v9;
	v17 =	vmul.f32 v13, v8  }
0xf0: {  	v18 =	vmul.f32 v13, v10;
	v19 =	vmul.f32 v12, v9  }
0xf1: {  	v14 =	vsub.f32 v14, v15;
	v55 =	vsub.f32 v16, v17  }
0xf2: {  	v56 =	vld.idx.msk [tilespmem:v4+s4+$0x0], $0xffff;
	v57 =	vsub.f32 v18, v19  }
0xf3: {  	v14 =	vadd.f32 v14, v14;
	v15 =	vadd.f32 v55, v55  }
0xf4: {  	v17 =	vadd.f32 v57, v57  }
0xf5: {  	v58 =	vmul.f32 v14, v10;
	v59 =	vmul.f32 v15, v9  }
0xf6: {  	v20 =	vmul.f32 v15, v8;
	v21 =	vmul.f32 v17, v10  }
0xf7: {  	v22 =	vmul.f32 v17, v9;
	v17 =	vmul.f32 v17, v56  }
0xf8: {  	v60 =	vmul.f32 v14, v8;
	v14 =	vmul.f32 v14, v56;
	v18 =	vsub.f32 v58, v59  }
0xf9: {  	[tilespmem:$0xE470] =	vst v8;
	v15 =	vmul.f32 v15, v56;
	v20 =	vsub.f32 v20, v21;
	v11 =	vadd.f32 v17, v11  }
0xfa: {  	[tilespmem:$0xE480] =	vst v9;
	v8 =	vsub.f32 v22, v60;
	v13 =	vadd.f32 v14, v13  }
0xfb: {  	[tilespmem:$0xE490] =	vst v10;
	v62 =	vadd.f32 v15, v12;
	v61 =	vadd.f32 v18, v11  }
0xfc: {  	[tilespmem:$0xE4A0] =	vst v56;
	v63 =	vadd.f32 v20, v13  }
0xfd: {  	v8 =	vadd.f32 v8, v62;
	[tilespmem:$0xE4B0] =	vst v61  }
0xfe: {  	[tilespmem:$0xE4C0] =	vst v63  }
0xff: {  	s7 =	rddreg [dreg:$0x12];
	[tilespmem:$0xE4D0] =	vst v8  }
0x100: {  	[tilespmem:s6], [sflag:$0x1] =	stream.linear.gather [hbm4b:s7+s6], $0x280, $0x38;
	[tilespmem:$0x146E0] =	vst v63  }
0x101: {  	s8 =	rddreg [dreg:$0x13];
	s4 =	simm.s32 $0x280  }
0x102: {  	[tilespmem:s4], [sflag:$0x1] =	stream.linear.gather [hbm4b:s8+s6], $0x280, $0x38;
	[tilespmem:$0x146E0] =	vst v63  }
0x103: {  	s9 =	rddreg [dreg:$0x14];
	s5 =	simm.s32 $0xA00  }
0x104: {  	[tilespmem:s5], [sflag:$0x2] =	stream.linear.gather [hbm4b:s9+s6], $0x280, $0x38;
	[tilespmem:$0x146E0] =	vst v63  }
0x105: {  	s21 =	simm.s32 $0xC80;
	s14 =	rddreg [dreg:$0x15]  }
0x106: {  	[tilespmem:s21], [sflag:$0x2] =	stream.linear.gather [hbm4b:s14+s6], $0x280, $0x38;
	[tilespmem:$0x146E0] =	vst v63  }
0x107: {  	s7 =	simm.s32 $0xF00;
	s5 =	rddreg [dreg:$0x16]  }
0x108: {  	[tilespmem:s7], [sflag:$0x2] =	stream.linear.gather [hbm4b:s5+s6], $0x280, $0x38;
	[tilespmem:$0x146E0] =	vst v63  }
0x109: {  	s8 =	rddreg [dreg:$0x17];
	s9 =	simm.s32 $0x780  }
0x10a: {  	[tilespmem:s9], [sflag:$0x2] =	stream.linear.gather [hbm4b:s8+s6], $0x280, $0x38;
	[tilespmem:$0x146E0] =	vst v63  }
0x10b: {  	s14 =	rddreg [dreg:$0x18];
	s21 =	simm.s32 $0x500;
	s5 =	simm.s32 $0x1  }
0x10c: {  	[tilespmem:s21], [sflag:$0x2] =	stream.linear.gather [hbm4b:s14+s6], $0x280, $0x38;
	[tilespmem:$0x146E0] =	vst v63  }
0x10d: {  	_ =	swait.ge [sflag:s5], $0x280  }
0x10e: {  	[sflag:s5] =	ssyncset.done $0x0  }
0x10f: {  	[sflag:s5] =	ssyncadd.s32 $0xFFFFFD80  }
0x110: {  	_ =	swait.ge [sflag:s5], $0x280  }
0x111: {  	[sflag:s5] =	ssyncset.done $0x0  }
0x112: {  	s3 =	simm.s32 $0x80;
	[sflag:s5] =	ssyncadd.s32 $0xFFFFFD80  }
0x113: {  	[tilespmem:s30], [sflag:$0x3] =	stream.indirect.gather [hbm4b:s18+s3], $0x8, s6, s3, $0xb8;
	[tilespmem:$0x146E0] =	vst v63  }
0x114: {  	_ = 	snop  }
0x115: {  	[tilespmem:s31], [sflag:$0x3] =	stream.indirect.gather [hbm4b:s19+s3], $0x8, s4, s3, $0xb8;
	[tilespmem:$0x146E0] =	vst v63  }
0x116: {  	s7 =	simm.s32 $0x1580  }
0x117: {  	[tilespmem:s7], [sflag:$0x3] =	stream.indirect.gather [hbm4b:s18+s3], $0x8, s3, s3, $0xb8;
	[tilespmem:$0x146E0] =	vst v63  }
0x118: {  	s8 =	simm.s32 $0x300;
	s9 =	simm.s32 $0x2980  }
0x119: {  	[tilespmem:s9], [sflag:$0x3] =	stream.indirect.gather [hbm4b:s19+s3], $0x8, s8, s3, $0xb8;
	[tilespmem:$0x146E0] =	vst v63  }
0x11a: {  	s14 =	simm.s32 $0x100;
	s21 =	simm.s32 $0x1980  }
0x11b: {  	[tilespmem:s21], [sflag:$0x3] =	stream.indirect.gather [hbm4b:s18+s3], $0x8, s14, s3, $0xb8;
	[tilespmem:$0x146E0] =	vst v63  }
0x11c: {  	s5 =	simm.s32 $0x380;
	s7 =	simm.s32 $0x2D80  }
0x11d: {  	[tilespmem:s7], [sflag:$0x3] =	stream.indirect.gather [hbm4b:s19+s3], $0x8, s5, s3, $0xb8;
	[tilespmem:$0x146E0] =	vst v63  }
0x11e: {  	s8 =	simm.s32 $0x180;
	s9 =	simm.s32 $0x1D80  }
0x11f: {  	[tilespmem:s9], [sflag:$0x3] =	stream.indirect.gather [hbm4b:s18+s3], $0x8, s8, s3, $0xb8;
	[tilespmem:$0x146E0] =	vst v63  }
0x120: {  	s14 =	simm.s32 $0x400;
	s21 =	simm.s32 $0x3180  }
0x121: {  	[tilespmem:s21], [sflag:$0x3] =	stream.indirect.gather [hbm4b:s19+s3], $0x8, s14, s3, $0xb8;
	[tilespmem:$0x146E0] =	vst v63  }
0x122: {  	s5 =	simm.s32 $0x200;
	s7 =	simm.s32 $0x2180  }
0x123: {  	[tilespmem:s7], [sflag:$0x3] =	stream.indirect.gather [hbm4b:s18+s3], $0x8, s5, s3, $0xb8;
	[tilespmem:$0x146E0] =	vst v63  }
0x124: {  	s8 =	simm.s32 $0x480;
	s9 =	simm.s32 $0x3580  }
0x125: {  	[tilespmem:s9], [sflag:$0x3] =	stream.indirect.gather [hbm4b:s19+s3], $0x8, s8, s3, $0xb8;
	[tilespmem:$0x146E0] =	vst v63  }
0x126: {  	s14 =	rddreg [dreg:$0x19];
	s21 =	simm.s32 $0x4100  }
0x127: {  	[tilespmem:s21], [sflag:$0x5] =	stream.linear.gather [hbm4b:s14+s6], $0x280, $0x38;
	[tilespmem:$0x146E0] =	vst v63  }
0x128: {  	s5 =	rddreg [dreg:$0x1a];
	s7 =	simm.s32 $0x4380  }
0x129: {  	[tilespmem:s7], [sflag:$0x5] =	stream.linear.gather [hbm4b:s5+s6], $0x280, $0x38;
	[tilespmem:$0x146E0] =	vst v63  }
0x12a: {  	s8 =	rddreg [dreg:$0x1b];
	s9 =	simm.s32 $0x4B00  }
0x12b: {  	[tilespmem:s9], [sflag:$0x6] =	stream.linear.gather [hbm4b:s8+s6], $0x280, $0x38;
	[tilespmem:$0x146E0] =	vst v63  }
0x12c: {  	s14 =	rddreg [dreg:$0x1c];
	s21 =	simm.s32 $0x4D80  }
0x12d: {  	[tilespmem:s21], [sflag:$0x6] =	stream.linear.gather [hbm4b:s14+s6], $0x280, $0x38;
	[tilespmem:$0x146E0] =	vst v63  }
0x12e: {  	s5 =	rddreg [dreg:$0x1d];
	s7 =	simm.s32 $0x5000  }
0x12f: {  	[tilespmem:s7], [sflag:$0x6] =	stream.linear.gather [hbm4b:s5+s6], $0x280, $0x38;
	[tilespmem:$0x146E0] =	vst v63  }
0x130: {  	s8 =	rddreg [dreg:$0x1e];
	s9 =	simm.s32 $0x4880  }
0x131: {  	[tilespmem:s9], [sflag:$0x6] =	stream.linear.gather [hbm4b:s8+s6], $0x280, $0x38;
	[tilespmem:$0x146E0] =	vst v63  }
0x132: {  	s14 =	rddreg [dreg:$0x1f];
	s21 =	simm.s32 $0x4600;
	s9 =	simm.s32 $0x0  }
0x133: {  	[tilespmem:s21], [sflag:$0x6] =	stream.linear.gather [hbm4b:s14+s6], $0x280, $0x38;
	[tilespmem:$0x146E0] =	vst v63  }
.LBB2_8:
0x134: {  	s3 =	sld [smem:$0x7F2];
	_ =	sdelay $0x1  }
0x135: {  	s4 =	sshllo.u32 s9, $0x1  }
0x136: {  	p1 =	sge.u32 s4, s3  }
0x137: {  	s5 =	simm.s32 @!p1 $0x5  }
0x138: {  	_ =	swait.ge @!p1 [sflag:s5], $0x280  }
0x139: {  	[sflag:s5] =	ssyncset.done @!p1 $0x0  }
0x13a: {  	[sflag:s5] =	ssyncadd.s32 @!p1 $0xFFFFFD80  }
0x13b: {  	_ =	swait.ge @!p1 [sflag:s5], $0x280  }
0x13c: {  	s6 =	simm.s32 @!p1 $0x4100;
	[sflag:s5] =	ssyncset.done @!p1 $0x0  }
0x13d: {  	s7 =	simm.s32 @!p1 $0x5280;
	[sflag:s5] =	ssyncadd.s32 @!p1 $0xFFFFFD80;
	s5 =	simm.s32 @!p1 $0x80  }
0x13e: {  	[tilespmem:s7], [sflag:$0x7] =	stream.indirect.gather @!p1 [hbm4b:s18+s5], $0x8, s6, s5, $0xb8;
	[tilespmem:$0x146E0] =	vst v63  }
0x13f: {  	s6 =	simm.s32 @!p1 $0x4380;
	s7 =	simm.s32 @!p1 $0x6680  }
0x140: {  	[tilespmem:s7], [sflag:$0x7] =	stream.indirect.gather @!p1 [hbm4b:s19+s5], $0x8, s6, s5, $0xb8;
	[tilespmem:$0x146E0] =	vst v63  }
0x141: {  	s6 =	simm.s32 @!p1 $0x4180;
	s7 =	simm.s32 @!p1 $0x5680  }
0x142: {  	[tilespmem:s7], [sflag:$0x7] =	stream.indirect.gather @!p1 [hbm4b:s18+s5], $0x8, s6, s5, $0xb8;
	[tilespmem:$0x146E0] =	vst v63  }
0x143: {  	s6 =	simm.s32 @!p1 $0x4400;
	s7 =	simm.s32 @!p1 $0x6A80  }
0x144: {  	[tilespmem:s7], [sflag:$0x7] =	stream.indirect.gather @!p1 [hbm4b:s19+s5], $0x8, s6, s5, $0xb8;
	[tilespmem:$0x146E0] =	vst v63  }
0x145: {  	s6 =	simm.s32 @!p1 $0x4200;
	s7 =	simm.s32 @!p1 $0x5A80  }
0x146: {  	[tilespmem:s7], [sflag:$0x7] =	stream.indirect.gather @!p1 [hbm4b:s18+s5], $0x8, s6, s5, $0xb8;
	[tilespmem:$0x146E0] =	vst v63  }
0x147: {  	s6 =	simm.s32 @!p1 $0x4480;
	s7 =	simm.s32 @!p1 $0x6E80  }
0x148: {  	[tilespmem:s7], [sflag:$0x7] =	stream.indirect.gather @!p1 [hbm4b:s19+s5], $0x8, s6, s5, $0xb8;
	[tilespmem:$0x146E0] =	vst v63  }
0x149: {  	s6 =	simm.s32 @!p1 $0x4280;
	s7 =	simm.s32 @!p1 $0x5E80  }
0x14a: {  	[tilespmem:s7], [sflag:$0x7] =	stream.indirect.gather @!p1 [hbm4b:s18+s5], $0x8, s6, s5, $0xb8;
	[tilespmem:$0x146E0] =	vst v63  }
0x14b: {  	s6 =	simm.s32 @!p1 $0x4500;
	s7 =	simm.s32 @!p1 $0x7280  }
0x14c: {  	[tilespmem:s7], [sflag:$0x7] =	stream.indirect.gather @!p1 [hbm4b:s19+s5], $0x8, s6, s5, $0xb8;
	[tilespmem:$0x146E0] =	vst v63  }
0x14d: {  	s6 =	simm.s32 @!p1 $0x4300;
	s7 =	simm.s32 @!p1 $0x6280  }
0x14e: {  	[tilespmem:s7], [sflag:$0x7] =	stream.indirect.gather @!p1 [hbm4b:s18+s5], $0x8, s6, s5, $0xb8;
	[tilespmem:$0x146E0] =	vst v63  }
0x14f: {  	s6 =	simm.s32 @!p1 $0x4580;
	s7 =	simm.s32 @!p1 $0x7680  }
0x150: {  	[tilespmem:s7], [sflag:$0x7] =	stream.indirect.gather @!p1 [hbm4b:s19+s5], $0x8, s6, s5, $0xb8;
	[tilespmem:$0x146E0] =	vst v63  }
0x151: {  	_ =	swait.ge [sflag:s0], $0x400  }
0x152: {  	[sflag:s0] =	ssyncset.done $0x0  }
0x153: {  	[sflag:s0] =	ssyncadd.s32 $0xFFFFFC00  }
0x154: {  	_ =	swait.ge [sflag:s0], $0x400  }
0x155: {  	[sflag:s0] =	ssyncset.done $0x0  }
0x156: {  	[sflag:s0] =	ssyncadd.s32 $0xFFFFFC00  }
0x157: {  	_ =	swait.ge [sflag:s0], $0x400  }
0x158: {  	[sflag:s0] =	ssyncset.done $0x0  }
0x159: {  	[sflag:s0] =	ssyncadd.s32 $0xFFFFFC00  }
0x15a: {  	_ =	swait.ge [sflag:s0], $0x400  }
0x15b: {  	[sflag:s0] =	ssyncset.done $0x0  }
0x15c: {  	[sflag:s0] =	ssyncadd.s32 $0xFFFFFC00  }
0x15d: {  	_ =	swait.ge [sflag:s0], $0x400  }
0x15e: {  	[sflag:s0] =	ssyncset.done $0x0  }
0x15f: {  	[sflag:s0] =	ssyncadd.s32 $0xFFFFFC00  }
0x160: {  	_ =	swait.ge [sflag:s0], $0x400  }
0x161: {  	[sflag:s0] =	ssyncset.done $0x0  }
0x162: {  	[sflag:s0] =	ssyncadd.s32 $0xFFFFFC00  }
0x163: {  	_ =	swait.ge [sflag:s0], $0x400  }
0x164: {  	[sflag:s0] =	ssyncset.done $0x0  }
0x165: {  	[sflag:s0] =	ssyncadd.s32 $0xFFFFFC00  }
0x166: {  	_ =	swait.ge [sflag:s0], $0x400  }
0x167: {  	s21 =	smov.u32 s16;
	s5 =	sshll.u32 s9, $0x1;
	[sflag:s0] =	ssyncset.done $0x0  }
0x168: {  	s16 =	smov.u32 s22;
	s6 =	sadd.s32 $0x2, s5;
	[sflag:s0] =	ssyncadd.s32 $0xFFFFFC00  }
0x169: {  	s22 =	smov.u32 s15;
	p2 =	sge.u32 s6, s3;
	_ =	swait.ge [sflag:s0], $0x400  }
0x16a: {  	s6 =	sshll.u32 @!p2 s6, $0x5;
	[sflag:s0] =	ssyncset.done $0x0;
	s15 =	rddreg [dreg:$0xf]  }
0x16b: {  	[sflag:s0] =	ssyncadd.s32 $0xFFFFFC00;
	s6 =	sor.u32 @!p2 s15, s6  }
0x16c: {  	_ =	swait.ge [sflag:s0], $0x400;
	s6 =	smul.u32 @!p2 $0x50, s6  }
0x16d: {  	[sflag:s0] =	ssyncset.done $0x0;
	s3 =	rddreg [dreg:$0x8]  }
0x16e: {  	s8 =	simm.s32 @!p2 $0x0;
	[sflag:s0] =	ssyncadd.s32 $0xFFFFFC00;
	s7 =	sadd.s32 @!p2 s3, s6  }
0x16f: {  	[tilespmem:s8], [sflag:$0x1] =	stream.linear.gather @!p2 [hbm4b:s7+s8], $0x280, $0x38;
	[tilespmem:$0x146E0] =	vst v63  }
0x170: {  	s14 =	simm.s32 @!p2 $0x280;
	s7 =	sadd.s32 @!p2 s20, s6  }
0x171: {  	[tilespmem:s14], [sflag:$0x1] =	stream.linear.gather @!p2 [hbm4b:s7+s8], $0x280, $0x38;
	[tilespmem:$0x146E0] =	vst v63  }
0x172: {  	_ =	swait.ge [sflag:s11], $0x280  }
0x173: {  	[sflag:s11] =	ssyncset.done $0x0  }
0x174: {  	[sflag:s11] =	ssyncadd.s32 $0xFFFFFD80  }
0x175: {  	_ =	swait.ge [sflag:s11], $0x280  }
0x176: {  	[sflag:s11] =	ssyncset.done $0x0  }
0x177: {  	[sflag:s11] =	ssyncadd.s32 $0xFFFFFD80  }
0x178: {  	_ =	swait.ge [sflag:s11], $0x280  }
0x179: {  	[sflag:s11] =	ssyncset.done $0x0  }
0x17a: {  	[sflag:s11] =	ssyncadd.s32 $0xFFFFFD80  }
0x17b: {  	_ =	swait.ge [sflag:s11], $0x280  }
0x17c: {  	[sflag:s11] =	ssyncset.done $0x0  }
0x17d: {  	[sflag:s11] =	ssyncadd.s32 $0xFFFFFD80  }
0x17e: {  	_ =	swait.ge [sflag:s11], $0x280  }
0x17f: {  	p1 =	seq.s32 s9, $0x0;
	[sflag:s11] =	ssyncset.done $0x0  }
0x180: {  	s7 =	simm.s32 @!p1 $0x4;
	[sflag:s11] =	ssyncadd.s32 $0xFFFFFD80  }
0x181: {  	_ =	swait.ge @!p1 [sflag:s7], $0x280  }
0x182: {  	[sflag:s7] =	ssyncset.done @!p1 $0x0  }
0x183: {  	[sflag:s7] =	ssyncadd.s32 @!p1 $0xFFFFFD80  }
0x184: {  	_ =	swait.ge @!p1 [sflag:s7], $0x280  }
0x185: {  	s14 =	simm.s32 $0x0;
	[sflag:s7] =	ssyncset.done @!p1 $0x0  }
0x186: {  	v8 =	vmov s14;
	[sflag:s7] =	ssyncadd.s32 @!p1 $0xFFFFFD80  }
0x187: {  	v8 =	vshll.u32 v8, $0x3;
	_ =	swait.ge @!p1 [sflag:s7], $0x280  }
0x188: {  	v9 =	vor.u32 v1, v8;
	[sflag:s7] =	ssyncset.done @!p1 $0x0  }
0x189: {  	v11 =	vor.u32 $0x3, v9;
	[sflag:s7] =	ssyncadd.s32 @!p1 $0xFFFFFD80;
	s7 =	simm.s32 $0x0  }
0x18a: {  	v8 =	vor.u32 $0x2, v9;
	v15 =	vld [tilespmem:s7+$0x500];
	_ =	sdelay $0x1  }
0x18b: {  	v10 =	vor.u32 $0x1, v9;
	_ =	sdelay $0x1  }
0x18c: {  	v13 =	vld.idx.msk [tilespmem:v11+s30+$0x0], $0xffff  }
0x18d: {  	v11 =	vld.idx.msk [tilespmem:v8+s30+$0x0], $0xffff  }
0x18e: {  	v14 =	vld.idx.msk [tilespmem:v9+s30+$0x0], $0xffff  }
0x18f: {  	v12 =	vld.idx.msk [tilespmem:v10+s30+$0x0], $0xffff  }
0x190: {  	v17 =	vor.u32 $0x6, v9;
	v16 =	vld.idx.msk [tilespmem:v15+s26+$0x0], $0xffff  }
0x191: {  	v18 =	vld.idx.msk [tilespmem:v15+s25+$0x0], $0xffff  }
0x192: {  	v19 =	vld.idx.msk [tilespmem:v15+s17+$0x0], $0xffff  }
0x193: {  	v21 =	vld.idx.msk [tilespmem:v15+s28+$0x0], $0xffff  }
0x194: {  	v20 =	vor.u32 $0x5, v9  }
0x195: {  	v17 =	vld.idx.msk [tilespmem:v17+s30+$0x0], $0xffff  }
0x196: {  	v22 =	vor.u32 $0x4, v9;
	v25 =	vld.idx.msk [tilespmem:v15+s2+$0x0], $0xffff;
	v24 =	vmul.f32 v16, v14;
	v26 =	vmul.f32 v18, v12  }
0x197: {  	v27 =	vmul.f32 v16, v13;
	v28 =	vmul.f32 v19, v11  }
0x198: {  	v29 =	vmul.f32 v18, v11;
	v31 =	vmul.f32 v21, v11  }
0x199: {  	v30 =	vld.idx.msk [tilespmem:v20+s30+$0x0], $0xffff;
	v20 =	vmul.f32 v19, v12;
	v32 =	vmul.f32 v16, v12  }
0x19a: {  	v23 =	vld.idx.msk [tilespmem:v15+s1+$0x0], $0xffff;
	v33 =	vmul.f32 v18, v14;
	v34 =	vmul.f32 v16, v11  }
0x19b: {  	v22 =	vld.idx.msk [tilespmem:v22+s30+$0x0], $0xffff;
	v35 =	vmul.f32 v21, v14;
	v16 =	vmul.f32 v21, v13;
	v17 =	vadd.f32 v25, v17  }
0x19c: {  	v25 =	vmul.f32 v18, v13;
	v26 =	vsub.f32 v26, v28;
	v28 =	vld.idx.msk [tilespmem:v15+s29+$0x0], $0xffff;
	v15 =	vadd.f32 v29, v20  }
0x19d: {  	v29 =	vmul.f32 v21, v12;
	v21 =	vmul.f32 v19, v13  }
0x19e: {  	v26 =	vadd.f32 v26, v27;
	v24 =	vsub.f32 v15, v24;
	v27 =	vmul.f32 v19, v14  }
0x19f: {  	v20 =	vld [tilespmem:s7+$0xF00];
	v19 =	vadd.f32 v23, v30;
	v23 =	vadd.f32 v33, v21  }
0x1a0: {  	v15 =	vld [tilespmem:s7+$0xA00];
	v30 =	vmul.f32 v17, v12;
	v18 =	vadd.f32 v24, v16;
	v25 =	vsub.f32 v25, v27  }
0x1a1: {  	v24 =	vmul.f32 v17, v14;
	v16 =	vld [tilespmem:s7+$0xC80];
	v23 =	vadd.f32 v23, v34;
	v21 =	vadd.f32 v28, v22  }
0x1a2: {  	v63 =	vmul.f32 v19, v14;
	v28 =	vmul.f32 v19, v11;
	v22 =	vadd.f32 v26, v35  }
0x1a3: {  	v25 =	vsub.f32 v25, v32;
	v23 =	vsub.f32 v23, v29;
	v27 =	vmul.f32 v21, v11  }
0x1a4: {  	v26 =	vsub.f32 v28, v30;
	v28 =	vmul.f32 v21, v12;
	v32 =	vmul.f32 v22, v20  }
0x1a5: {  	v29 =	vmul.f32 v22, v15;
	v36 =	vmul.f32 v18, v15  }
0x1a6: {  	v24 =	vsub.f32 v24, v27;
	v27 =	vadd.f32 v26, v26;
	v26 =	vmul.f32 v23, v16  }
0x1a7: {  	v25 =	vsub.f32 v25, v31;
	v33 =	vmul.f32 v23, v20;
	v28 =	vsub.f32 v28, v63  }
0x1a8: {  	s3 =	smov.u32 s20;
	s20 =	sshll.u32 s9, $0x6;
	v35 =	vmul.f32 v18, v16;
	v34 =	vadd.f32 v24, v24;
	v26 =	vsub.f32 v29, v26  }
0x1a9: {  	s8 =	sor.u32 s15, s20;
	v24 =	vmul.f32 v27, v12;
	v31 =	vadd.f32 v28, v28;
	v30 =	vmul.f32 v27, v13  }
0x1aa: {  	s15 =	simm.s32 $0x0;
	s8 =	smul.u32 $0x280, s8;
	s14 =	simm.s32 $0x40;
	v28 =	vmul.f32 v34, v13;
	v29 =	vmul.f32 v34, v11;
	v26 =	vadd.f32 v26, v26  }
.LBB2_9:
0x1ab: {  	p3 =	sne.s32 s14, $0x9C0  }
0x1ac: {  	v34 =	vmul.f32 v34, v14;
	v32 =	vsub.f32 v35, v32;
	v33 =	vsub.f32 v33, v36;
	s15 =	sadd.s32 $0x10, s15;
	s20 =	smov.u32 s14;
	s14 =	sadd.s32 $0x40, s14  }
0x1ad: {  	v35 =	vor.u32 $0x7, v9;
	v36 =	vmul.f32 v26, v22;
	v37 =	vmul.f32 v26, v25  }
0x1ae: {  	v13 =	vmul.f32 v31, v13;
	v32 =	vadd.f32 v32, v32;
	v33 =	vadd.f32 v33, v33  }
0x1af: {  	v14 =	vmul.f32 v31, v14;
	v11 =	vmul.f32 v27, v11;
	v10 =	vld.idx.msk [tilespmem:v10+s31+$0x0], $0xffff;
	v20 =	vadd.f32 v37, v20  }
0x1b0: {  	v12 =	vmul.f32 v31, v12;
	v13 =	vadd.f32 v13, v17;
	v9 =	vld.idx.msk [tilespmem:v9+s31+$0x0], $0xffff;
	v17 =	vmul.f32 v33, v18  }
0x1b1: {  	v11 =	vsub.f32 v14, v11;
	v14 =	vadd.f32 v28, v19;
	v19 =	vmul.f32 v33, v25  }
0x1b2: {  	v21 =	vadd.f32 v30, v21;
	v12 =	vsub.f32 v29, v12;
	v18 =	vmul.f32 v32, v18  }
0x1b3: {  	v11 =	vadd.f32 v11, v14;
	v14 =	vsub.f32 v17, v36;
	v17 =	vmul.f32 v32, v22  }
0x1b4: {  	v12 =	vadd.f32 v12, v21;
	v21 =	vmul.f32 v33, v23;
	v22 =	vmul.f32 v32, v25  }
0x1b5: {  	v23 =	vmul.f32 v26, v23;
	v16 =	vadd.f32 v19, v16;
	v11 =	vadd.f32 v11, v10;
	v25 =	vld [tilespmem:s7+$0x780]  }
0x1b6: {  	v12 =	vadd.f32 v12, v9;
	v19 =	vld.idx.msk [tilespmem:v8+s31+$0x0], $0xffff;
	v8 =	vsub.f32 v17, v21  }
0x1b7: {  	v10 =	vsub.f32 v24, v34;
	v9 =	vmov s15;
	v17 =	vsub.f32 v23, v18  }
0x1b8: {  	v15 =	vadd.f32 v22, v15;
	v9 =	vshll.u32 v9, $0x3;
	v18 =	vadd.f32 v8, v20  }
0x1b9: {  	s20 =	sshra.s32 s20, $0x2;
	v9 =	vor.u32 v1, v9;
	v16 =	vadd.f32 v17, v16;
	v20 =	vld.idx.msk [tilespmem:v35+s30+$0x0], $0xffff  }
0x1ba: {  	v13 =	vadd.f32 v10, v13;
	v8 =	vor.u32 $0x2, v9;
	v21 =	vor.u32 $0x5, v9;
	v17 =	vld [tilespmem:s20+$0x500]  }
0x1bb: {  	v14 =	vadd.f32 v14, v15;
	v10 =	vor.u32 $0x1, v9;
	v15 =	vmul.f32 v16, v25  }
0x1bc: {  	v16 =	vor.u32 $0x3, v9;
	v18 =	vmul.f32 v18, v25;
	v13 =	vadd.f32 v13, v19  }
0x1bd: {  	v14 =	vmul.f32 v14, v25;
	v11 =	vsub.f32 v11, v15  }
0x1be: {  	v13 =	vsub.f32 v13, v18  }
0x1bf: {  	v12 =	vsub.f32 v12, v14;
	v11 =	vmul.f32 v11, v20  }
0x1c0: {  	v13 =	vmul.f32 v13, v20  }
0x1c1: {  	v12 =	vmul.f32 v12, v20;
	[tilespmem:s7+$0x3C00] =	vst v11  }
0x1c2: {  	[tilespmem:s7+$0x3E80] =	vst v13  }
0x1c3: {  	[tilespmem:s7+$0x3980] =	vst v12;
	s7 =	smov.u32 s20  }
0x1c4: {  	v13 =	vld.idx.msk [tilespmem:v16+s30+$0x0], $0xffff  }
0x1c5: {  	v15 =	vld.idx.msk [tilespmem:v17+s26+$0x0], $0xffff  }
0x1c6: {  	v11 =	vld.idx.msk [tilespmem:v8+s30+$0x0], $0xffff  }
0x1c7: {  	v14 =	vld.idx.msk [tilespmem:v9+s30+$0x0], $0xffff  }
0x1c8: {  	v12 =	vld.idx.msk [tilespmem:v10+s30+$0x0], $0xffff  }
0x1c9: {  	v16 =	vld.idx.msk [tilespmem:v17+s25+$0x0], $0xffff  }
0x1ca: {  	v18 =	vor.u32 $0x6, v9;
	v19 =	vld.idx.msk [tilespmem:v17+s17+$0x0], $0xffff  }
0x1cb: {  	v20 =	vld.idx.msk [tilespmem:v17+s28+$0x0], $0xffff  }
0x1cc: {  	v22 =	vor.u32 $0x4, v9  }
0x1cd: {  	v24 =	vmul.f32 v15, v14;
	v23 =	vld.idx.msk [tilespmem:v17+s1+$0x0], $0xffff  }
0x1ce: {  	v25 =	vld.idx.msk [tilespmem:v17+s2+$0x0], $0xffff  }
0x1cf: {  	v27 =	vmul.f32 v15, v13;
	v26 =	vmul.f32 v16, v12;
	v18 =	vld.idx.msk [tilespmem:v18+s30+$0x0], $0xffff  }
0x1d0: {  	v29 =	vmul.f32 v16, v11;
	v28 =	vmul.f32 v19, v11;
	v21 =	vld.idx.msk [tilespmem:v21+s30+$0x0], $0xffff  }
0x1d1: {  	v31 =	vmul.f32 v19, v12;
	v30 =	vmul.f32 v20, v11;
	v22 =	vld.idx.msk [tilespmem:v22+s30+$0x0], $0xffff  }
0x1d2: {  	v33 =	vmul.f32 v15, v12;
	v34 =	vmul.f32 v16, v14;
	v32 =	vld.idx.msk [tilespmem:v17+s29+$0x0], $0xffff;
	v17 =	vsub.f32 v26, v28  }
0x1d3: {  	v26 =	vmul.f32 v15, v11;
	v28 =	vmul.f32 v20, v14;
	v15 =	vadd.f32 v29, v31  }
0x1d4: {  	v29 =	vmul.f32 v20, v12;
	v31 =	vmul.f32 v20, v13;
	v27 =	vadd.f32 v17, v27  }
0x1d5: {  	v35 =	vmul.f32 v19, v13;
	v24 =	vsub.f32 v15, v24;
	v17 =	vadd.f32 v25, v18  }
0x1d6: {  	v36 =	vmul.f32 v19, v14;
	v25 =	vmul.f32 v16, v13;
	v19 =	vadd.f32 v23, v21;
	v20 =	vld [tilespmem:s7+$0xF00]  }
0x1d7: {  	v23 =	vadd.f32 v34, v35;
	v18 =	vadd.f32 v24, v31;
	v24 =	vmul.f32 v17, v14;
	v15 =	vld [tilespmem:s7+$0xA00]  }
0x1d8: {  	v21 =	vadd.f32 v32, v22;
	v31 =	vmul.f32 v19, v11;
	v32 =	vmul.f32 v17, v12;
	v16 =	vld [tilespmem:s7+$0xC80]  }
0x1d9: {  	v25 =	vsub.f32 v25, v36;
	v23 =	vadd.f32 v23, v26;
	v26 =	vmul.f32 v19, v14  }
0x1da: {  	v22 =	vadd.f32 v27, v28;
	v27 =	vsub.f32 v31, v32;
	v28 =	vmul.f32 v21, v11  }
0x1db: {  	v25 =	vsub.f32 v25, v33;
	v23 =	vsub.f32 v23, v29;
	v29 =	vmul.f32 v21, v12  }
0x1dc: {  	v24 =	vsub.f32 v24, v28;
	v32 =	vmul.f32 v22, v20;
	v28 =	vmul.f32 v22, v15  }
.Ltmp5:
0x1dd: {  	v25 =	vsub.f32 v25, v30;
	v27 =	vadd.f32 v27, v27;
	v30 =	vmul.f32 v23, v16;
	(pc) =	sbr.rel @p3 .LBB2_9-.Ltmp5, $4  }
0x1de: {  	v26 =	vsub.f32 v29, v26;
	v33 =	vmul.f32 v23, v20;
	v34 =	vadd.f32 v24, v24  }
0x1df: {  	v24 =	vmul.f32 v27, v12;
	v35 =	vmul.f32 v18, v16;
	v37 =	vsub.f32 v28, v30  }
0x1e0: {  	v36 =	vmul.f32 v18, v15;
	v31 =	vadd.f32 v26, v26;
	v28 =	vmul.f32 v34, v13  }
0x1e1: {  	v29 =	vmul.f32 v34, v11;
	v30 =	vmul.f32 v27, v13;
	v26 =	vadd.f32 v37, v37  }
0x1e2: {  	v34 =	vmul.f32 v34, v14;
	v32 =	vsub.f32 v35, v32  }
0x1e3: {  	v33 =	vsub.f32 v33, v36;
	v57 =	vor.u32 $0x7, v9;
	v13 =	vmul.f32 v31, v13  }
0x1e4: {  	v14 =	vmul.f32 v31, v14;
	v11 =	vmul.f32 v27, v11;
	v21 =	vadd.f32 v30, v21  }
0x1e5: {  	v12 =	vmul.f32 v31, v12;
	v32 =	vadd.f32 v32, v32;
	v33 =	vadd.f32 v33, v33  }
0x1e6: {  	v37 =	vmul.f32 v26, v25;
	v13 =	vadd.f32 v13, v17;
	v11 =	vsub.f32 v14, v11  }
0x1e7: {  	v58 =	vmul.f32 v26, v22;
	v14 =	vadd.f32 v28, v19;
	v12 =	vsub.f32 v29, v12  }
0x1e8: {  	v20 =	vadd.f32 v37, v20;
	v17 =	vmul.f32 v33, v18;
	v19 =	vmul.f32 v33, v25  }
0x1e9: {  	v10 =	vld.idx.msk [tilespmem:v10+s31+$0x0], $0xffff;
	v18 =	vmul.f32 v32, v18;
	v11 =	vadd.f32 v11, v14;
	v22 =	vmul.f32 v32, v22  }
0x1ea: {  	v9 =	vld.idx.msk [tilespmem:v9+s31+$0x0], $0xffff;
	v12 =	vadd.f32 v12, v21;
	v21 =	vmul.f32 v33, v23;
	v25 =	vmul.f32 v32, v25  }
0x1eb: {  	v14 =	vsub.f32 v17, v58;
	v17 =	vmul.f32 v26, v23;
	v23 =	vld [tilespmem:s7+$0x780];
	v16 =	vadd.f32 v19, v16  }
0x1ec: {  	v19 =	vsub.f32 v24, v34;
	v15 =	vadd.f32 v25, v15  }
0x1ed: {  	v8 =	vld.idx.msk [tilespmem:v8+s31+$0x0], $0xffff;
	v17 =	vsub.f32 v17, v18;
	v18 =	vsub.f32 v22, v21  }
0x1ee: {  	v10 =	vadd.f32 v11, v10;
	v11 =	vadd.f32 v14, v15  }
0x1ef: {  	v16 =	vadd.f32 v17, v16;
	v17 =	vadd.f32 v18, v20;
	v18 =	vld.idx.msk [tilespmem:v57+s30+$0x0], $0xffff  }
0x1f0: {  	v9 =	vadd.f32 v12, v9;
	v13 =	vadd.f32 v19, v13;
	v11 =	vmul.f32 v11, v23  }
0x1f1: {  	v14 =	vmul.f32 v16, v23  }
0x1f2: {  	v8 =	vadd.f32 v13, v8;
	v13 =	vmul.f32 v17, v23;
	v9 =	vsub.f32 v9, v11  }
0x1f3: {  	v10 =	vsub.f32 v10, v14  }
0x1f4: {  	v8 =	vsub.f32 v8, v13;
	v9 =	vmul.f32 v9, v18  }
0x1f5: {  	v10 =	vmul.f32 v10, v18  }
0x1f6: {  	v8 =	vmul.f32 v8, v18;
	[tilespmem:s7+$0x3980] =	vst v9  }
0x1f7: {  	s8 =	sshrl.u32 s8, $0x3;
	s14 =	rddreg [dreg:$0xd];
	[tilespmem:s7+$0x3C00] =	vst v10  }
0x1f8: {  	s15 =	simm.s32 $0x3980;
	[tilespmem:s7+$0x3E80] =	vst v8;
	s7 =	sadd.s32 s14, s8;
	s14 =	simm.s32 $0x0  }
0x1f9: {  	[hbm4b:s7+s14] =	stream.linear.scatter [tilespmem:s15], [sflag:$0x4], $0x280, $0x38;
	[tilespmem:$0x146E0] =	vst v63  }
0x1fa: {  	s15 =	rddreg [dreg:$0xe]  }
0x1fb: {  	s20 =	simm.s32 $0x3C00;
	s7 =	sadd.s32 s15, s8;
	s15 =	rddreg [dreg:$0x11]  }
0x1fc: {  	[hbm4b:s7+s14] =	stream.linear.scatter [tilespmem:s20], [sflag:$0x4], $0x280, $0x38;
	[tilespmem:$0x146E0] =	vst v63  }
0x1fd: {  	s7 =	sadd.s32 s15, s8;
	s20 =	simm.s32 $0x3E80  }
0x1fe: {  	[hbm4b:s7+s14] =	stream.linear.scatter [tilespmem:s20], [sflag:$0x4], $0x280, $0x38;
	[tilespmem:$0x146E0] =	vst v63  }
0x1ff: {  	s7 =	rddreg [dreg:$0x6]  }
0x200: {  	s8 =	simm.s32 @!p2 $0x0;
	s14 =	simm.s32 @!p2 $0xA00;
	s7 =	sadd.s32 @!p2 s7, s6  }
0x201: {  	[tilespmem:s14], [sflag:$0x2] =	stream.linear.gather @!p2 [hbm4b:s7+s8], $0x280, $0x38;
	[tilespmem:$0x146E0] =	vst v63  }
0x202: {  	s7 =	rddreg [dreg:$0x7]  }
0x203: {  	s14 =	simm.s32 @!p2 $0xC80;
	s7 =	sadd.s32 @!p2 s7, s6  }
0x204: {  	[tilespmem:s14], [sflag:$0x2] =	stream.linear.gather @!p2 [hbm4b:s7+s8], $0x280, $0x38;
	[tilespmem:$0x146E0] =	vst v63  }
0x205: {  	s7 =	sadd.s32 @!p2 s22, s6;
	s14 =	simm.s32 @!p2 $0xF00  }
0x206: {  	[tilespmem:s14], [sflag:$0x2] =	stream.linear.gather @!p2 [hbm4b:s7+s8], $0x280, $0x38;
	[tilespmem:$0x146E0] =	vst v63  }
0x207: {  	s7 =	sadd.s32 @!p2 s16, s6;
	s14 =	simm.s32 @!p2 $0x780  }
0x208: {  	[tilespmem:s14], [sflag:$0x2] =	stream.linear.gather @!p2 [hbm4b:s7+s8], $0x280, $0x38;
	[tilespmem:$0x146E0] =	vst v63  }
0x209: {  	s6 =	sadd.s32 @!p2 s21, s6;
	s7 =	simm.s32 @!p2 $0x500  }
0x20a: {  	[tilespmem:s7], [sflag:$0x2] =	stream.linear.gather @!p2 [hbm4b:s6+s8], $0x280, $0x38;
	[tilespmem:$0x146E0] =	vst v63  }
0x20b: {  	s6 =	simm.s32 @!p2 $0x1  }
0x20c: {  	_ =	swait.ge @!p2 [sflag:s6], $0x280  }
0x20d: {  	[sflag:s6] =	ssyncset.done @!p2 $0x0  }
0x20e: {  	[sflag:s6] =	ssyncadd.s32 @!p2 $0xFFFFFD80  }
0x20f: {  	_ =	swait.ge @!p2 [sflag:s6], $0x280  }
0x210: {  	[sflag:s6] =	ssyncset.done @!p2 $0x0  }
0x211: {  	s7 =	simm.s32 @!p2 $0x1180;
	[sflag:s6] =	ssyncadd.s32 @!p2 $0xFFFFFD80;
	s6 =	simm.s32 @!p2 $0x80  }
0x212: {  	[tilespmem:s7], [sflag:$0x3] =	stream.indirect.gather @!p2 [hbm4b:s18+s6], $0x8, s8, s6, $0xb8;
	[tilespmem:$0x146E0] =	vst v63  }
0x213: {  	s7 =	simm.s32 @!p2 $0x280;
	s8 =	simm.s32 @!p2 $0x2580  }
0x214: {  	[tilespmem:s8], [sflag:$0x3] =	stream.indirect.gather @!p2 [hbm4b:s19+s6], $0x8, s7, s6, $0xb8;
	[tilespmem:$0x146E0] =	vst v63  }
0x215: {  	s7 =	simm.s32 @!p2 $0x1580  }
0x216: {  	[tilespmem:s7], [sflag:$0x3] =	stream.indirect.gather @!p2 [hbm4b:s18+s6], $0x8, s6, s6, $0xb8;
	[tilespmem:$0x146E0] =	vst v63  }
0x217: {  	s8 =	simm.s32 @!p2 $0x2980;
	s7 =	simm.s32 @!p2 $0x300  }
0x218: {  	[tilespmem:s8], [sflag:$0x3] =	stream.indirect.gather @!p2 [hbm4b:s19+s6], $0x8, s7, s6, $0xb8;
	[tilespmem:$0x146E0] =	vst v63  }
0x219: {  	s7 =	simm.s32 @!p2 $0x100;
	s8 =	simm.s32 @!p2 $0x1980  }
0x21a: {  	[tilespmem:s8], [sflag:$0x3] =	stream.indirect.gather @!p2 [hbm4b:s18+s6], $0x8, s7, s6, $0xb8;
	[tilespmem:$0x146E0] =	vst v63  }
0x21b: {  	s7 =	simm.s32 @!p2 $0x380;
	s8 =	simm.s32 @!p2 $0x2D80  }
0x21c: {  	[tilespmem:s8], [sflag:$0x3] =	stream.indirect.gather @!p2 [hbm4b:s19+s6], $0x8, s7, s6, $0xb8;
	[tilespmem:$0x146E0] =	vst v63  }
0x21d: {  	s7 =	simm.s32 @!p2 $0x180;
	s8 =	simm.s32 @!p2 $0x1D80  }
0x21e: {  	[tilespmem:s8], [sflag:$0x3] =	stream.indirect.gather @!p2 [hbm4b:s18+s6], $0x8, s7, s6, $0xb8;
	[tilespmem:$0x146E0] =	vst v63  }
0x21f: {  	s7 =	simm.s32 @!p2 $0x400;
	s8 =	simm.s32 @!p2 $0x3180  }
0x220: {  	[tilespmem:s8], [sflag:$0x3] =	stream.indirect.gather @!p2 [hbm4b:s19+s6], $0x8, s7, s6, $0xb8;
	[tilespmem:$0x146E0] =	vst v63  }
0x221: {  	s7 =	simm.s32 @!p2 $0x200;
	s8 =	simm.s32 @!p2 $0x2180  }
0x222: {  	[tilespmem:s8], [sflag:$0x3] =	stream.indirect.gather @!p2 [hbm4b:s18+s6], $0x8, s7, s6, $0xb8;
	[tilespmem:$0x146E0] =	vst v63  }
0x223: {  	s7 =	simm.s32 @!p2 $0x480;
	s8 =	simm.s32 @!p2 $0x3580  }
0x224: {  	[tilespmem:s8], [sflag:$0x3] =	stream.indirect.gather @!p2 [hbm4b:s19+s6], $0x8, s7, s6, $0xb8;
	[tilespmem:$0x146E0] =	vst v63  }
0x225: {  	_ =	swait.ge [sflag:s10], $0x400  }
0x226: {  	[sflag:s10] =	ssyncset.done $0x0  }
0x227: {  	[sflag:s10] =	ssyncadd.s32 $0xFFFFFC00  }
0x228: {  	_ =	swait.ge [sflag:s10], $0x400  }
0x229: {  	[sflag:s10] =	ssyncset.done $0x0  }
0x22a: {  	[sflag:s10] =	ssyncadd.s32 $0xFFFFFC00  }
0x22b: {  	_ =	swait.ge [sflag:s10], $0x400  }
0x22c: {  	[sflag:s10] =	ssyncset.done $0x0  }
0x22d: {  	[sflag:s10] =	ssyncadd.s32 $0xFFFFFC00  }
0x22e: {  	_ =	swait.ge [sflag:s10], $0x400  }
0x22f: {  	[sflag:s10] =	ssyncset.done $0x0  }
0x230: {  	[sflag:s10] =	ssyncadd.s32 $0xFFFFFC00  }
0x231: {  	_ =	swait.ge [sflag:s10], $0x400  }
0x232: {  	[sflag:s10] =	ssyncset.done $0x0  }
0x233: {  	[sflag:s10] =	ssyncadd.s32 $0xFFFFFC00  }
0x234: {  	_ =	swait.ge [sflag:s10], $0x400  }
0x235: {  	[sflag:s10] =	ssyncset.done $0x0  }
0x236: {  	[sflag:s10] =	ssyncadd.s32 $0xFFFFFC00  }
0x237: {  	_ =	swait.ge [sflag:s10], $0x400  }
0x238: {  	[sflag:s10] =	ssyncset.done $0x0  }
0x239: {  	[sflag:s10] =	ssyncadd.s32 $0xFFFFFC00  }
0x23a: {  	_ =	swait.ge [sflag:s10], $0x400  }
0x23b: {  	[sflag:s10] =	ssyncset.done $0x0  }
0x23c: {  	[sflag:s10] =	ssyncadd.s32 $0xFFFFFC00  }
0x23d: {  	s15 =	smov.u32 s22;
	_ =	swait.ge [sflag:s10], $0x400  }
0x23e: {  	s22 =	smov.u32 s16;
	s16 =	smov.u32 s21;
	s21 =	sld [smem:$0x7F2]  }
0x23f: {  	[sflag:s10] =	ssyncset.done $0x0  }
0x240: {  	s5 =	sadd.s32 $0x3, s5;
	[sflag:s10] =	ssyncadd.s32 $0xFFFFFC00  }
0x241: {  	_ =	swait.ge [sflag:s10], $0x400;
	p2 =	sge.u32 s5, s21  }
0x242: {  	s14 =	rddreg [dreg:$0xf];
	s5 =	sshll.u32 @!p2 s5, $0x5  }
0x243: {  	s5 =	sor.u32 @!p2 s14, s5  }
0x244: {  	[sflag:s10] =	ssyncset.done $0x0;
	s5 =	smul.u32 @!p2 $0x50, s5  }
0x245: {  	s6 =	rddreg [dreg:$0x8];
	[sflag:s10] =	ssyncadd.s32 $0xFFFFFC00  }
0x246: {  	s7 =	simm.s32 @!p2 $0x0;
	s8 =	simm.s32 @!p2 $0x4100;
	s6 =	sadd.s32 @!p2 s6, s5  }
0x247: {  	[tilespmem:s8], [sflag:$0x5] =	stream.linear.gather @!p2 [hbm4b:s6+s7], $0x280, $0x38;
	[tilespmem:$0x146E0] =	vst v63  }
0x248: {  	s6 =	sadd.s32 @!p2 s3, s5;
	s8 =	simm.s32 @!p2 $0x4380  }
0x249: {  	[tilespmem:s8], [sflag:$0x5] =	stream.linear.gather @!p2 [hbm4b:s6+s7], $0x280, $0x38;
	[tilespmem:$0x146E0] =	vst v63  }
0x24a: {  	_ =	swait.ge [sflag:s12], $0x280  }
0x24b: {  	[sflag:s12] =	ssyncset.done $0x0  }
0x24c: {  	[sflag:s12] =	ssyncadd.s32 $0xFFFFFD80  }
0x24d: {  	_ =	swait.ge [sflag:s12], $0x280  }
0x24e: {  	[sflag:s12] =	ssyncset.done $0x0  }
0x24f: {  	[sflag:s12] =	ssyncadd.s32 $0xFFFFFD80  }
0x250: {  	_ =	swait.ge [sflag:s12], $0x280  }
0x251: {  	[sflag:s12] =	ssyncset.done $0x0  }
0x252: {  	[sflag:s12] =	ssyncadd.s32 $0xFFFFFD80  }
0x253: {  	_ =	swait.ge [sflag:s12], $0x280  }
0x254: {  	[sflag:s12] =	ssyncset.done $0x0  }
0x255: {  	[sflag:s12] =	ssyncadd.s32 $0xFFFFFD80  }
0x256: {  	_ =	swait.ge [sflag:s12], $0x280  }
0x257: {  	[sflag:s12] =	ssyncset.done $0x0  }
0x258: {  	s6 =	simm.s32 @!p1 $0x8;
	[sflag:s12] =	ssyncadd.s32 $0xFFFFFD80  }
0x259: {  	_ =	swait.ge @!p1 [sflag:s6], $0x280  }
0x25a: {  	[sflag:s6] =	ssyncset.done @!p1 $0x0  }
0x25b: {  	[sflag:s6] =	ssyncadd.s32 @!p1 $0xFFFFFD80  }
0x25c: {  	_ =	swait.ge @!p1 [sflag:s6], $0x280  }
0x25d: {  	s7 =	simm.s32 $0x0;
	[sflag:s6] =	ssyncset.done @!p1 $0x0  }
0x25e: {  	v8 =	vmov s7;
	[sflag:s6] =	ssyncadd.s32 @!p1 $0xFFFFFD80  }
0x25f: {  	v8 =	vshll.u32 v8, $0x3;
	_ =	swait.ge @!p1 [sflag:s6], $0x280  }
0x260: {  	v9 =	vor.u32 v1, v8;
	[sflag:s6] =	ssyncset.done @!p1 $0x0  }
0x261: {  	v11 =	vor.u32 $0x3, v9;
	[sflag:s6] =	ssyncadd.s32 @!p1 $0xFFFFFD80;
	s6 =	simm.s32 $0x0  }
0x262: {  	v8 =	vor.u32 $0x2, v9;
	v15 =	vld [tilespmem:s6+$0x4600];
	_ =	sdelay $0x1  }
0x263: {  	v10 =	vor.u32 $0x1, v9;
	_ =	sdelay $0x1  }
0x264: {  	v13 =	vld.idx.msk [tilespmem:v11+s13+$0x0], $0xffff  }
0x265: {  	v11 =	vld.idx.msk [tilespmem:v8+s13+$0x0], $0xffff  }
0x266: {  	v14 =	vld.idx.msk [tilespmem:v9+s13+$0x0], $0xffff  }
0x267: {  	v12 =	vld.idx.msk [tilespmem:v10+s13+$0x0], $0xffff  }
0x268: {  	v16 =	vld.idx.msk [tilespmem:v15+s26+$0x0], $0xffff  }
0x269: {  	v17 =	vor.u32 $0x6, v9;
	v18 =	vld.idx.msk [tilespmem:v15+s25+$0x0], $0xffff  }
0x26a: {  	v19 =	vld.idx.msk [tilespmem:v15+s17+$0x0], $0xffff  }
0x26b: {  	v20 =	vor.u32 $0x5, v9;
	v21 =	vld.idx.msk [tilespmem:v15+s28+$0x0], $0xffff;
	_ =	sdelay $0x1  }
0x26c: {  	v22 =	vor.u32 $0x4, v9;
	v24 =	vmul.f32 v16, v14  }
0x26d: {  	v17 =	vld.idx.msk [tilespmem:v17+s13+$0x0], $0xffff;
	v26 =	vmul.f32 v18, v12;
	v27 =	vmul.f32 v16, v13  }
0x26e: {  	v25 =	vld.idx.msk [tilespmem:v15+s2+$0x0], $0xffff;
	v28 =	vmul.f32 v19, v11;
	v29 =	vmul.f32 v18, v11  }
0x26f: {  	v30 =	vld.idx.msk [tilespmem:v20+s13+$0x0], $0xffff;
	v31 =	vmul.f32 v21, v11;
	v20 =	vmul.f32 v19, v12  }
0x270: {  	v23 =	vld.idx.msk [tilespmem:v15+s1+$0x0], $0xffff;
	v59 =	vmul.f32 v16, v12;
	v60 =	vmul.f32 v18, v14  }
0x271: {  	v22 =	vld.idx.msk [tilespmem:v22+s13+$0x0], $0xffff;
	v61 =	vmul.f32 v16, v11;
	v62 =	vmul.f32 v21, v14  }
0x272: {  	v16 =	vmul.f32 v21, v13;
	v26 =	vsub.f32 v26, v28;
	v28 =	vld.idx.msk [tilespmem:v15+s29+$0x0], $0xffff;
	v15 =	vadd.f32 v29, v20  }
0x273: {  	v17 =	vadd.f32 v25, v17;
	v29 =	vmul.f32 v21, v12;
	v21 =	vmul.f32 v19, v13  }
0x274: {  	v26 =	vadd.f32 v26, v27;
	v24 =	vsub.f32 v15, v24  }
0x275: {  	v20 =	vld [tilespmem:s6+$0x5000];
	v27 =	vmul.f32 v19, v14;
	v19 =	vadd.f32 v23, v30;
	v23 =	vadd.f32 v60, v21  }
0x276: {  	v25 =	vmul.f32 v18, v13;
	v15 =	vld [tilespmem:s6+$0x4B00];
	v30 =	vmul.f32 v17, v12;
	v18 =	vadd.f32 v24, v16  }
0x277: {  	v24 =	vmul.f32 v17, v14;
	v16 =	vld [tilespmem:s6+$0x4D80];
	v23 =	vadd.f32 v23, v61;
	v21 =	vadd.f32 v28, v22  }
0x278: {  	v25 =	vsub.f32 v25, v27;
	v28 =	vmul.f32 v19, v11;
	v22 =	vadd.f32 v26, v62  }
0x279: {  	v63 =	vmul.f32 v19, v14;
	v23 =	vsub.f32 v23, v29;
	v27 =	vmul.f32 v21, v11  }
0x27a: {  	v26 =	vsub.f32 v28, v30;
	v28 =	vmul.f32 v21, v12;
	v32 =	vmul.f32 v22, v20  }
0x27b: {  	v25 =	vsub.f32 v25, v59;
	v29 =	vmul.f32 v22, v15;
	v36 =	vmul.f32 v18, v15  }
0x27c: {  	v24 =	vsub.f32 v24, v27;
	v27 =	vadd.f32 v26, v26;
	v26 =	vmul.f32 v23, v16  }
0x27d: {  	v25 =	vsub.f32 v25, v31;
	v33 =	vmul.f32 v23, v20;
	v28 =	vsub.f32 v28, v63  }
0x27e: {  	s4 =	sshll.u32 s4, $0x5;
	v35 =	vmul.f32 v18, v16;
	v34 =	vadd.f32 v24, v24;
	v26 =	vsub.f32 v29, v26  }
0x27f: {  	s4 =	sor.u32 s14, s4;
	v24 =	vmul.f32 v27, v12;
	v31 =	vadd.f32 v28, v28;
	v30 =	vmul.f32 v27, v13  }
0x280: {  	s20 =	smov.u32 s3;
	s4 =	smul.u32 $0x280, s4;
	s8 =	simm.s32 $0x40;
	v28 =	vmul.f32 v34, v13;
	v29 =	vmul.f32 v34, v11;
	v26 =	vadd.f32 v26, v26  }
.LBB2_11:
0x281: {  	p1 =	sne.s32 s8, $0x9C0  }
0x282: {  	v34 =	vmul.f32 v34, v14;
	v32 =	vsub.f32 v35, v32;
	v33 =	vsub.f32 v33, v36;
	s7 =	sadd.s32 $0x10, s7;
	s14 =	smov.u32 s8;
	s8 =	sadd.s32 $0x40, s8  }
0x283: {  	v35 =	vor.u32 $0x7, v9;
	v36 =	vmul.f32 v26, v22;
	v37 =	vmul.f32 v26, v25  }
0x284: {  	v13 =	vmul.f32 v31, v13;
	v32 =	vadd.f32 v32, v32;
	v33 =	vadd.f32 v33, v33  }
0x285: {  	v14 =	vmul.f32 v31, v14;
	v11 =	vmul.f32 v27, v11;
	v10 =	vld.idx.msk [tilespmem:v10+s23+$0x0], $0xffff;
	v20 =	vadd.f32 v37, v20  }
0x286: {  	v12 =	vmul.f32 v31, v12;
	v13 =	vadd.f32 v13, v17;
	v9 =	vld.idx.msk [tilespmem:v9+s23+$0x0], $0xffff;
	v17 =	vmul.f32 v33, v18  }
0x287: {  	v11 =	vsub.f32 v14, v11;
	v14 =	vadd.f32 v28, v19;
	v19 =	vmul.f32 v33, v25  }
0x288: {  	v21 =	vadd.f32 v30, v21;
	v12 =	vsub.f32 v29, v12;
	v18 =	vmul.f32 v32, v18  }
0x289: {  	v11 =	vadd.f32 v11, v14;
	v14 =	vsub.f32 v17, v36;
	v17 =	vmul.f32 v32, v22  }
0x28a: {  	v12 =	vadd.f32 v12, v21;
	v21 =	vmul.f32 v33, v23;
	v22 =	vmul.f32 v32, v25  }
0x28b: {  	v23 =	vmul.f32 v26, v23;
	v16 =	vadd.f32 v19, v16;
	v11 =	vadd.f32 v11, v10;
	v25 =	vld [tilespmem:s6+$0x4880]  }
0x28c: {  	v12 =	vadd.f32 v12, v9;
	v19 =	vld.idx.msk [tilespmem:v8+s23+$0x0], $0xffff;
	v8 =	vsub.f32 v17, v21  }
0x28d: {  	v10 =	vsub.f32 v24, v34;
	v9 =	vmov s7;
	v17 =	vsub.f32 v23, v18  }
0x28e: {  	v15 =	vadd.f32 v22, v15;
	v9 =	vshll.u32 v9, $0x3;
	v18 =	vadd.f32 v8, v20  }
0x28f: {  	s14 =	sshra.s32 s14, $0x2;
	v9 =	vor.u32 v1, v9;
	v16 =	vadd.f32 v17, v16;
	v20 =	vld.idx.msk [tilespmem:v35+s13+$0x0], $0xffff  }
0x290: {  	v13 =	vadd.f32 v10, v13;
	v8 =	vor.u32 $0x2, v9;
	v21 =	vor.u32 $0x5, v9;
	v17 =	vld [tilespmem:s14+$0x4600]  }
0x291: {  	v14 =	vadd.f32 v14, v15;
	v10 =	vor.u32 $0x1, v9;
	v15 =	vmul.f32 v16, v25  }
0x292: {  	v16 =	vor.u32 $0x3, v9;
	v18 =	vmul.f32 v18, v25;
	v13 =	vadd.f32 v13, v19  }
0x293: {  	v14 =	vmul.f32 v14, v25;
	v11 =	vsub.f32 v11, v15  }
0x294: {  	v13 =	vsub.f32 v13, v18  }
0x295: {  	v12 =	vsub.f32 v12, v14;
	v11 =	vmul.f32 v11, v20  }
0x296: {  	v13 =	vmul.f32 v13, v20  }
0x297: {  	v12 =	vmul.f32 v12, v20;
	[tilespmem:s6+$0x7D00] =	vst v11  }
0x298: {  	[tilespmem:s6+$0x7F80] =	vst v13  }
0x299: {  	[tilespmem:s6+$0x7A80] =	vst v12;
	s6 =	smov.u32 s14  }
0x29a: {  	v13 =	vld.idx.msk [tilespmem:v16+s13+$0x0], $0xffff  }
0x29b: {  	v15 =	vld.idx.msk [tilespmem:v17+s26+$0x0], $0xffff  }
0x29c: {  	v11 =	vld.idx.msk [tilespmem:v8+s13+$0x0], $0xffff  }
0x29d: {  	v14 =	vld.idx.msk [tilespmem:v9+s13+$0x0], $0xffff  }
0x29e: {  	v12 =	vld.idx.msk [tilespmem:v10+s13+$0x0], $0xffff  }
0x29f: {  	v16 =	vld.idx.msk [tilespmem:v17+s25+$0x0], $0xffff  }
0x2a0: {  	v18 =	vor.u32 $0x6, v9;
	v19 =	vld.idx.msk [tilespmem:v17+s17+$0x0], $0xffff  }
0x2a1: {  	v20 =	vld.idx.msk [tilespmem:v17+s28+$0x0], $0xffff  }
0x2a2: {  	v22 =	vor.u32 $0x4, v9  }
0x2a3: {  	v24 =	vmul.f32 v15, v14;
	v23 =	vld.idx.msk [tilespmem:v17+s1+$0x0], $0xffff  }
0x2a4: {  	v25 =	vld.idx.msk [tilespmem:v17+s2+$0x0], $0xffff  }
0x2a5: {  	v27 =	vmul.f32 v15, v13;
	v26 =	vmul.f32 v16, v12;
	v18 =	vld.idx.msk [tilespmem:v18+s13+$0x0], $0xffff  }
0x2a6: {  	v29 =	vmul.f32 v16, v11;
	v28 =	vmul.f32 v19, v11;
	v21 =	vld.idx.msk [tilespmem:v21+s13+$0x0], $0xffff  }
0x2a7: {  	v31 =	vmul.f32 v19, v12;
	v30 =	vmul.f32 v20, v11;
	v22 =	vld.idx.msk [tilespmem:v22+s13+$0x0], $0xffff  }
0x2a8: {  	v33 =	vmul.f32 v15, v12;
	v34 =	vmul.f32 v16, v14;
	v32 =	vld.idx.msk [tilespmem:v17+s29+$0x0], $0xffff;
	v17 =	vsub.f32 v26, v28  }
0x2a9: {  	v26 =	vmul.f32 v15, v11;
	v28 =	vmul.f32 v20, v14;
	v15 =	vadd.f32 v29, v31  }
0x2aa: {  	v29 =	vmul.f32 v20, v12;
	v31 =	vmul.f32 v20, v13;
	v27 =	vadd.f32 v17, v27  }
0x2ab: {  	v35 =	vmul.f32 v19, v13;
	v24 =	vsub.f32 v15, v24;
	v17 =	vadd.f32 v25, v18  }
0x2ac: {  	v36 =	vmul.f32 v19, v14;
	v25 =	vmul.f32 v16, v13;
	v19 =	vadd.f32 v23, v21;
	v20 =	vld [tilespmem:s6+$0x5000]  }
0x2ad: {  	v23 =	vadd.f32 v34, v35;
	v18 =	vadd.f32 v24, v31;
	v24 =	vmul.f32 v17, v14;
	v15 =	vld [tilespmem:s6+$0x4B00]  }
0x2ae: {  	v21 =	vadd.f32 v32, v22;
	v31 =	vmul.f32 v19, v11;
	v32 =	vmul.f32 v17, v12;
	v16 =	vld [tilespmem:s6+$0x4D80]  }
0x2af: {  	v25 =	vsub.f32 v25, v36;
	v23 =	vadd.f32 v23, v26;
	v26 =	vmul.f32 v19, v14  }
0x2b0: {  	v22 =	vadd.f32 v27, v28;
	v27 =	vsub.f32 v31, v32;
	v28 =	vmul.f32 v21, v11  }
0x2b1: {  	v25 =	vsub.f32 v25, v33;
	v23 =	vsub.f32 v23, v29;
	v29 =	vmul.f32 v21, v12  }
0x2b2: {  	v24 =	vsub.f32 v24, v28;
	v32 =	vmul.f32 v22, v20;
	v28 =	vmul.f32 v22, v15  }
.Ltmp6:
0x2b3: {  	v25 =	vsub.f32 v25, v30;
	v27 =	vadd.f32 v27, v27;
	v30 =	vmul.f32 v23, v16;
	(pc) =	sbr.rel @p1 .LBB2_11-.Ltmp6, $4  }
0x2b4: {  	v26 =	vsub.f32 v29, v26;
	v33 =	vmul.f32 v23, v20;
	v34 =	vadd.f32 v24, v24  }
0x2b5: {  	v24 =	vmul.f32 v27, v12;
	v35 =	vmul.f32 v18, v16;
	v37 =	vsub.f32 v28, v30  }
0x2b6: {  	v36 =	vmul.f32 v18, v15;
	v31 =	vadd.f32 v26, v26;
	v28 =	vmul.f32 v34, v13  }
0x2b7: {  	v29 =	vmul.f32 v34, v11;
	v30 =	vmul.f32 v27, v13;
	v26 =	vadd.f32 v37, v37  }
0x2b8: {  	v34 =	vmul.f32 v34, v14;
	v32 =	vsub.f32 v35, v32;
	v33 =	vsub.f32 v33, v36  }
0x2b9: {  	v43 =	vor.u32 $0x7, v9;
	v13 =	vmul.f32 v31, v13;
	v45 =	vmul.f32 v31, v14  }
0x2ba: {  	v11 =	vmul.f32 v27, v11;
	v12 =	vmul.f32 v31, v12;
	v47 =	vadd.f32 v28, v19  }
0x2bb: {  	v44 =	vmul.f32 v26, v22;
	v21 =	vadd.f32 v30, v21;
	v32 =	vadd.f32 v32, v32  }
0x2bc: {  	v37 =	vmul.f32 v26, v25;
	v33 =	vadd.f32 v33, v33;
	v13 =	vadd.f32 v13, v17  }
0x2bd: {  	v51 =	vmul.f32 v26, v23;
	v11 =	vsub.f32 v45, v11;
	v12 =	vsub.f32 v29, v12  }
0x2be: {  	v58 =	vsub.f32 v24, v34;
	v20 =	vadd.f32 v37, v20;
	v46 =	vmul.f32 v33, v18  }
0x2bf: {  	v10 =	vld.idx.msk [tilespmem:v10+s23+$0x0], $0xffff;
	v48 =	vmul.f32 v33, v25;
	v49 =	vmul.f32 v32, v18;
	v11 =	vadd.f32 v11, v47  }
0x2c0: {  	v54 =	vld [tilespmem:s6+$0x4880];
	v52 =	vmul.f32 v32, v22;
	v12 =	vadd.f32 v12, v21;
	v53 =	vmul.f32 v33, v23  }
0x2c1: {  	v8 =	vld.idx.msk [tilespmem:v8+s23+$0x0], $0xffff;
	v55 =	vmul.f32 v32, v25;
	v16 =	vadd.f32 v48, v16;
	v17 =	vsub.f32 v51, v49  }
0x2c2: {  	v56 =	vld.idx.msk [tilespmem:v9+s23+$0x0], $0xffff;
	v50 =	vsub.f32 v46, v44;
	v57 =	vsub.f32 v52, v53  }
0x2c3: {  	v15 =	vadd.f32 v55, v15;
	v16 =	vadd.f32 v17, v16  }
0x2c4: {  	v13 =	vadd.f32 v58, v13;
	v60 =	vld.idx.msk [tilespmem:v43+s13+$0x0], $0xffff;
	v59 =	vadd.f32 v57, v20  }
0x2c5: {  	v10 =	vadd.f32 v11, v10;
	v61 =	vadd.f32 v50, v15;
	v62 =	vmul.f32 v16, v54  }
0x2c6: {  	v8 =	vadd.f32 v13, v8;
	v63 =	vmul.f32 v59, v54  }
0x2c7: {  	v9 =	vadd.f32 v12, v56;
	v11 =	vmul.f32 v61, v54;
	v10 =	vsub.f32 v10, v62  }
0x2c8: {  	v8 =	vsub.f32 v8, v63  }
0x2c9: {  	v9 =	vsub.f32 v9, v11;
	v10 =	vmul.f32 v10, v60  }
0x2ca: {  	v8 =	vmul.f32 v8, v60  }
0x2cb: {  	v9 =	vmul.f32 v9, v60;
	[tilespmem:s6+$0x7D00] =	vst v10  }
0x2cc: {  	s4 =	sshrl.u32 s4, $0x3;
	s3 =	rddreg [dreg:$0xd];
	s7 =	simm.s32 $0x7A80;
	[tilespmem:s6+$0x7F80] =	vst v8  }
0x2cd: {  	s14 =	rddreg [dreg:$0xe];
	s8 =	sadd.s32 s3, s4;
	s3 =	simm.s32 $0x0;
	[tilespmem:s6+$0x7A80] =	vst v9  }
0x2ce: {  	[hbm4b:s8+s3] =	stream.linear.scatter [tilespmem:s7], [sflag:$0x8], $0x280, $0x38;
	[tilespmem:$0x146E0] =	vst v63  }
0x2cf: {  	s21 =	simm.s32 $0x7D00;
	s6 =	sadd.s32 s14, s4;
	s8 =	rddreg [dreg:$0x11]  }
0x2d0: {  	[hbm4b:s6+s3] =	stream.linear.scatter [tilespmem:s21], [sflag:$0x8], $0x280, $0x38;
	[tilespmem:$0x146E0] =	vst v63  }
0x2d1: {  	s14 =	simm.s32 $0x7F80;
	s4 =	sadd.s32 s8, s4;
	s21 =	sld [smem:$0x7F3]  }
0x2d2: {  	[hbm4b:s4+s3] =	stream.linear.scatter [tilespmem:s14], [sflag:$0x8], $0x280, $0x38;
	[tilespmem:$0x146E0] =	vst v63  }
0x2d3: {  	s7 =	simm.s32 @!p2 $0x4B00;
	s3 =	rddreg [dreg:$0x6]  }
0x2d4: {  	s6 =	simm.s32 @!p2 $0x0;
	s4 =	sadd.s32 @!p2 s3, s5;
	s3 =	rddreg [dreg:$0x7]  }
0x2d5: {  	[tilespmem:s7], [sflag:$0x6] =	stream.linear.gather @!p2 [hbm4b:s4+s6], $0x280, $0x38;
	[tilespmem:$0x146E0] =	vst v63  }
0x2d6: {  	s9 =	sadd.s32 $0x1, s9;
	s4 =	sadd.s32 @!p2 s3, s5;
	s7 =	simm.s32 @!p2 $0x4D80  }
0x2d7: {  	[tilespmem:s7], [sflag:$0x6] =	stream.linear.gather @!p2 [hbm4b:s4+s6], $0x280, $0x38;
	[tilespmem:$0x146E0] =	vst v63  }
0x2d8: {  	p1 =	sne.s32 s9, s21;
	s4 =	sadd.s32 @!p2 s15, s5;
	s7 =	simm.s32 @!p2 $0x5000  }
0x2d9: {  	[tilespmem:s7], [sflag:$0x6] =	stream.linear.gather @!p2 [hbm4b:s4+s6], $0x280, $0x38;
	[tilespmem:$0x146E0] =	vst v63  }
.Ltmp7:
0x2da: {  	_ = 	snop;
	(pc) =	sbr.rel @p1 .LBB2_8-.Ltmp7, $4  }
0x2db: {  	s4 =	sadd.s32 @!p2 s22, s5;
	s7 =	simm.s32 @!p2 $0x4880  }
0x2dc: {  	[tilespmem:s7], [sflag:$0x6] =	stream.linear.gather @!p2 [hbm4b:s4+s6], $0x280, $0x38;
	[tilespmem:$0x146E0] =	vst v63  }
0x2dd: {  	s4 =	sadd.s32 @!p2 s16, s5;
	s5 =	simm.s32 @!p2 $0x4600  }
0x2de: {  	[tilespmem:s5], [sflag:$0x6] =	stream.linear.gather @!p2 [hbm4b:s4+s6], $0x280, $0x38;
	[tilespmem:$0x146E0] =	vst v63  }
.Ltmp8:
0x2df: {  	(pc) =	sbr.rel @p0 .LBB2_17-.Ltmp8, $2  }
0x2e0: {  	_ =	sdelay $0x2  }
0x2e1: {  	s8 =	simm.s32 $0x9;
	s5 =	sld [smem:$0x7EE]  }
0x2e2: {  	_ =	swait.ge [sflag:s0], $0x400  }
0x2e3: {  	[sflag:s0] =	ssyncset.done $0x0  }
0x2e4: {  	[sflag:s0] =	ssyncadd.s32 $0xFFFFFC00  }
0x2e5: {  	_ =	swait.ge [sflag:s0], $0x400  }
0x2e6: {  	[sflag:s0] =	ssyncset.done $0x0  }
0x2e7: {  	[sflag:s0] =	ssyncadd.s32 $0xFFFFFC00  }
0x2e8: {  	_ =	swait.ge [sflag:s0], $0x400  }
0x2e9: {  	[sflag:s0] =	ssyncset.done $0x0  }
0x2ea: {  	[sflag:s0] =	ssyncadd.s32 $0xFFFFFC00  }
0x2eb: {  	_ =	swait.ge [sflag:s0], $0x400  }
0x2ec: {  	[sflag:s0] =	ssyncset.done $0x0  }
0x2ed: {  	[sflag:s0] =	ssyncadd.s32 $0xFFFFFC00  }
0x2ee: {  	_ =	swait.ge [sflag:s0], $0x400  }
0x2ef: {  	[sflag:s0] =	ssyncset.done $0x0  }
0x2f0: {  	[sflag:s0] =	ssyncadd.s32 $0xFFFFFC00  }
0x2f1: {  	_ =	swait.ge [sflag:s0], $0x400  }
0x2f2: {  	[sflag:s0] =	ssyncset.done $0x0  }
0x2f3: {  	[sflag:s0] =	ssyncadd.s32 $0xFFFFFC00  }
0x2f4: {  	_ =	swait.ge [sflag:s0], $0x400  }
0x2f5: {  	[sflag:s0] =	ssyncset.done $0x0  }
0x2f6: {  	[sflag:s0] =	ssyncadd.s32 $0xFFFFFC00  }
0x2f7: {  	_ =	swait.ge [sflag:s0], $0x400  }
0x2f8: {  	[sflag:s0] =	ssyncset.done $0x0  }
0x2f9: {  	[sflag:s0] =	ssyncadd.s32 $0xFFFFFC00  }
0x2fa: {  	_ =	swait.ge [sflag:s0], $0x400  }
0x2fb: {  	[sflag:s0] =	ssyncset.done $0x0  }
0x2fc: {  	[sflag:s0] =	ssyncadd.s32 $0xFFFFFC00  }
0x2fd: {  	_ =	swait.ge [sflag:s0], $0x400  }
0x2fe: {  	[sflag:s0] =	ssyncset.done $0x0  }
0x2ff: {  	[sflag:s0] =	ssyncadd.s32 $0xFFFFFC00  }
0x300: {  	_ =	swait.ge [sflag:s11], $0x280  }
0x301: {  	[sflag:s11] =	ssyncset.done $0x0  }
0x302: {  	[sflag:s11] =	ssyncadd.s32 $0xFFFFFD80  }
0x303: {  	_ =	swait.ge [sflag:s11], $0x280  }
0x304: {  	[sflag:s11] =	ssyncset.done $0x0  }
0x305: {  	[sflag:s11] =	ssyncadd.s32 $0xFFFFFD80  }
0x306: {  	_ =	swait.ge [sflag:s11], $0x280  }
0x307: {  	[sflag:s11] =	ssyncset.done $0x0  }
0x308: {  	[sflag:s11] =	ssyncadd.s32 $0xFFFFFD80  }
0x309: {  	_ =	swait.ge [sflag:s11], $0x280  }
0x30a: {  	[sflag:s11] =	ssyncset.done $0x0  }
0x30b: {  	[sflag:s11] =	ssyncadd.s32 $0xFFFFFD80  }
0x30c: {  	_ =	swait.ge [sflag:s11], $0x280  }
0x30d: {  	[sflag:s11] =	ssyncset.done $0x0  }
0x30e: {  	s3 =	simm.s32 $0x4;
	[sflag:s11] =	ssyncadd.s32 $0xFFFFFD80  }
0x30f: {  	_ =	swait.ge [sflag:s3], $0x280  }
0x310: {  	[sflag:s3] =	ssyncset.done $0x0  }
0x311: {  	[sflag:s3] =	ssyncadd.s32 $0xFFFFFD80  }
0x312: {  	_ =	swait.ge [sflag:s3], $0x280  }
0x313: {  	s5 =	simm.s32 $0x0;
	[sflag:s3] =	ssyncset.done $0x0  }
0x314: {  	v8 =	vmov s5;
	[sflag:s3] =	ssyncadd.s32 $0xFFFFFD80  }
0x315: {  	v8 =	vshll.u32 v8, $0x3;
	_ =	swait.ge [sflag:s3], $0x280  }
0x316: {  	v9 =	vor.u32 v1, v8;
	[sflag:s3] =	ssyncset.done $0x0  }
0x317: {  	s4 =	simm.s32 $0x0;
	v11 =	vor.u32 $0x3, v9;
	[sflag:s3] =	ssyncadd.s32 $0xFFFFFD80  }
0x318: {  	v8 =	vor.u32 $0x2, v9;
	v15 =	vld [tilespmem:s4+$0x500];
	_ =	sdelay $0x1  }
0x319: {  	v10 =	vor.u32 $0x1, v9;
	_ =	sdelay $0x1  }
0x31a: {  	v13 =	vld.idx.msk [tilespmem:v11+s30+$0x0], $0xffff  }
0x31b: {  	v11 =	vld.idx.msk [tilespmem:v8+s30+$0x0], $0xffff  }
0x31c: {  	v14 =	vld.idx.msk [tilespmem:v9+s30+$0x0], $0xffff  }
0x31d: {  	v12 =	vld.idx.msk [tilespmem:v10+s30+$0x0], $0xffff  }
0x31e: {  	v17 =	vor.u32 $0x6, v9;
	v16 =	vld.idx.msk [tilespmem:v15+s26+$0x0], $0xffff  }
0x31f: {  	v18 =	vld.idx.msk [tilespmem:v15+s25+$0x0], $0xffff  }
0x320: {  	v19 =	vld.idx.msk [tilespmem:v15+s17+$0x0], $0xffff  }
0x321: {  	v21 =	vld.idx.msk [tilespmem:v15+s28+$0x0], $0xffff  }
0x322: {  	v20 =	vor.u32 $0x5, v9  }
0x323: {  	v17 =	vld.idx.msk [tilespmem:v17+s30+$0x0], $0xffff  }
0x324: {  	v22 =	vor.u32 $0x4, v9;
	v25 =	vld.idx.msk [tilespmem:v15+s2+$0x0], $0xffff;
	v24 =	vmul.f32 v16, v14;
	v26 =	vmul.f32 v18, v12  }
0x325: {  	v27 =	vmul.f32 v16, v13;
	v28 =	vmul.f32 v19, v11  }
0x326: {  	v29 =	vmul.f32 v18, v11;
	v31 =	vmul.f32 v21, v11  }
0x327: {  	v30 =	vld.idx.msk [tilespmem:v20+s30+$0x0], $0xffff;
	v20 =	vmul.f32 v19, v12;
	v32 =	vmul.f32 v16, v12  }
0x328: {  	v23 =	vld.idx.msk [tilespmem:v15+s1+$0x0], $0xffff;
	v33 =	vmul.f32 v18, v14;
	v34 =	vmul.f32 v16, v11  }
0x329: {  	v22 =	vld.idx.msk [tilespmem:v22+s30+$0x0], $0xffff;
	v35 =	vmul.f32 v21, v14;
	v16 =	vmul.f32 v21, v13;
	v17 =	vadd.f32 v25, v17  }
0x32a: {  	v25 =	vmul.f32 v18, v13;
	v26 =	vsub.f32 v26, v28;
	v28 =	vld.idx.msk [tilespmem:v15+s29+$0x0], $0xffff;
	v15 =	vadd.f32 v29, v20  }
0x32b: {  	v29 =	vmul.f32 v21, v12;
	v21 =	vmul.f32 v19, v13  }
0x32c: {  	v26 =	vadd.f32 v26, v27;
	v24 =	vsub.f32 v15, v24;
	v27 =	vmul.f32 v19, v14  }
0x32d: {  	v20 =	vld [tilespmem:s4+$0xF00];
	v19 =	vadd.f32 v23, v30;
	v23 =	vadd.f32 v33, v21  }
0x32e: {  	v15 =	vld [tilespmem:s4+$0xA00];
	v30 =	vmul.f32 v17, v12;
	v18 =	vadd.f32 v24, v16;
	v25 =	vsub.f32 v25, v27  }
0x32f: {  	v24 =	vmul.f32 v17, v14;
	v16 =	vld [tilespmem:s4+$0xC80];
	v23 =	vadd.f32 v23, v34;
	v21 =	vadd.f32 v28, v22  }
0x330: {  	v63 =	vmul.f32 v19, v14;
	v28 =	vmul.f32 v19, v11;
	v22 =	vadd.f32 v26, v35  }
0x331: {  	v25 =	vsub.f32 v25, v32;
	v23 =	vsub.f32 v23, v29;
	v27 =	vmul.f32 v21, v11  }
0x332: {  	v26 =	vsub.f32 v28, v30;
	v28 =	vmul.f32 v21, v12;
	v32 =	vmul.f32 v22, v20  }
0x333: {  	v29 =	vmul.f32 v22, v15;
	v36 =	vmul.f32 v18, v15  }
0x334: {  	v24 =	vsub.f32 v24, v27;
	v27 =	vadd.f32 v26, v26;
	v26 =	vmul.f32 v23, v16  }
0x335: {  	v25 =	vsub.f32 v25, v31;
	v33 =	vmul.f32 v23, v20;
	v28 =	vsub.f32 v28, v63  }
0x336: {  	v35 =	vmul.f32 v18, v16;
	v34 =	vadd.f32 v24, v24;
	v26 =	vsub.f32 v29, v26  }
0x337: {  	v24 =	vmul.f32 v27, v12;
	v31 =	vadd.f32 v28, v28;
	v30 =	vmul.f32 v27, v13  }
0x338: {  	s6 =	simm.s32 $0x40;
	v28 =	vmul.f32 v34, v13;
	v29 =	vmul.f32 v34, v11;
	v26 =	vadd.f32 v26, v26  }
.LBB2_15:
0x339: {  	p1 =	sne.s32 s6, $0x9C0  }
0x33a: {  	v34 =	vmul.f32 v34, v14;
	v32 =	vsub.f32 v35, v32;
	v33 =	vsub.f32 v33, v36;
	s5 =	sadd.s32 $0x10, s5;
	s7 =	smov.u32 s6;
	s6 =	sadd.s32 $0x40, s6  }
0x33b: {  	v35 =	vor.u32 $0x7, v9;
	v36 =	vmul.f32 v26, v22;
	v37 =	vmul.f32 v26, v25  }
0x33c: {  	v13 =	vmul.f32 v31, v13;
	v32 =	vadd.f32 v32, v32;
	v33 =	vadd.f32 v33, v33  }
0x33d: {  	v14 =	vmul.f32 v31, v14;
	v11 =	vmul.f32 v27, v11;
	v10 =	vld.idx.msk [tilespmem:v10+s31+$0x0], $0xffff;
	v20 =	vadd.f32 v37, v20  }
0x33e: {  	v12 =	vmul.f32 v31, v12;
	v13 =	vadd.f32 v13, v17;
	v9 =	vld.idx.msk [tilespmem:v9+s31+$0x0], $0xffff;
	v17 =	vmul.f32 v33, v18  }
0x33f: {  	v11 =	vsub.f32 v14, v11;
	v14 =	vadd.f32 v28, v19;
	v19 =	vmul.f32 v33, v25  }
0x340: {  	v21 =	vadd.f32 v30, v21;
	v12 =	vsub.f32 v29, v12;
	v18 =	vmul.f32 v32, v18  }
0x341: {  	v11 =	vadd.f32 v11, v14;
	v14 =	vsub.f32 v17, v36;
	v17 =	vmul.f32 v32, v22  }
0x342: {  	v12 =	vadd.f32 v12, v21;
	v21 =	vmul.f32 v33, v23;
	v22 =	vmul.f32 v32, v25  }
0x343: {  	v23 =	vmul.f32 v26, v23;
	v16 =	vadd.f32 v19, v16;
	v11 =	vadd.f32 v11, v10;
	v25 =	vld [tilespmem:s4+$0x780]  }
0x344: {  	v12 =	vadd.f32 v12, v9;
	v19 =	vld.idx.msk [tilespmem:v8+s31+$0x0], $0xffff;
	v8 =	vsub.f32 v17, v21  }
0x345: {  	v10 =	vsub.f32 v24, v34;
	v9 =	vmov s5;
	v17 =	vsub.f32 v23, v18  }
0x346: {  	v15 =	vadd.f32 v22, v15;
	v9 =	vshll.u32 v9, $0x3;
	v18 =	vadd.f32 v8, v20  }
0x347: {  	s7 =	sshra.s32 s7, $0x2;
	v9 =	vor.u32 v1, v9;
	v16 =	vadd.f32 v17, v16;
	v20 =	vld.idx.msk [tilespmem:v35+s30+$0x0], $0xffff  }
0x348: {  	v13 =	vadd.f32 v10, v13;
	v8 =	vor.u32 $0x2, v9;
	v21 =	vor.u32 $0x5, v9;
	v17 =	vld [tilespmem:s7+$0x500]  }
0x349: {  	v14 =	vadd.f32 v14, v15;
	v10 =	vor.u32 $0x1, v9;
	v15 =	vmul.f32 v16, v25  }
0x34a: {  	v16 =	vor.u32 $0x3, v9;
	v18 =	vmul.f32 v18, v25;
	v13 =	vadd.f32 v13, v19  }
0x34b: {  	v14 =	vmul.f32 v14, v25;
	v11 =	vsub.f32 v11, v15  }
0x34c: {  	v13 =	vsub.f32 v13, v18  }
0x34d: {  	v12 =	vsub.f32 v12, v14;
	v11 =	vmul.f32 v11, v20  }
0x34e: {  	v13 =	vmul.f32 v13, v20  }
0x34f: {  	v12 =	vmul.f32 v12, v20;
	[tilespmem:s4+$0x3C00] =	vst v11  }
0x350: {  	[tilespmem:s4+$0x3E80] =	vst v13  }
0x351: {  	[tilespmem:s4+$0x3980] =	vst v12;
	s4 =	smov.u32 s7  }
0x352: {  	v13 =	vld.idx.msk [tilespmem:v16+s30+$0x0], $0xffff  }
0x353: {  	v15 =	vld.idx.msk [tilespmem:v17+s26+$0x0], $0xffff  }
0x354: {  	v11 =	vld.idx.msk [tilespmem:v8+s30+$0x0], $0xffff  }
0x355: {  	v14 =	vld.idx.msk [tilespmem:v9+s30+$0x0], $0xffff  }
0x356: {  	v12 =	vld.idx.msk [tilespmem:v10+s30+$0x0], $0xffff  }
0x357: {  	v16 =	vld.idx.msk [tilespmem:v17+s25+$0x0], $0xffff  }
0x358: {  	v18 =	vor.u32 $0x6, v9;
	v19 =	vld.idx.msk [tilespmem:v17+s17+$0x0], $0xffff  }
0x359: {  	v20 =	vld.idx.msk [tilespmem:v17+s28+$0x0], $0xffff  }
0x35a: {  	v22 =	vor.u32 $0x4, v9  }
0x35b: {  	v24 =	vmul.f32 v15, v14;
	v23 =	vld.idx.msk [tilespmem:v17+s1+$0x0], $0xffff  }
0x35c: {  	v25 =	vld.idx.msk [tilespmem:v17+s2+$0x0], $0xffff  }
0x35d: {  	v27 =	vmul.f32 v15, v13;
	v26 =	vmul.f32 v16, v12;
	v18 =	vld.idx.msk [tilespmem:v18+s30+$0x0], $0xffff  }
0x35e: {  	v29 =	vmul.f32 v16, v11;
	v28 =	vmul.f32 v19, v11;
	v21 =	vld.idx.msk [tilespmem:v21+s30+$0x0], $0xffff  }
0x35f: {  	v31 =	vmul.f32 v19, v12;
	v30 =	vmul.f32 v20, v11;
	v22 =	vld.idx.msk [tilespmem:v22+s30+$0x0], $0xffff  }
0x360: {  	v33 =	vmul.f32 v15, v12;
	v34 =	vmul.f32 v16, v14;
	v32 =	vld.idx.msk [tilespmem:v17+s29+$0x0], $0xffff;
	v17 =	vsub.f32 v26, v28  }
0x361: {  	v26 =	vmul.f32 v15, v11;
	v28 =	vmul.f32 v20, v14;
	v15 =	vadd.f32 v29, v31  }
0x362: {  	v29 =	vmul.f32 v20, v12;
	v31 =	vmul.f32 v20, v13;
	v27 =	vadd.f32 v17, v27  }
0x363: {  	v35 =	vmul.f32 v19, v13;
	v24 =	vsub.f32 v15, v24;
	v17 =	vadd.f32 v25, v18  }
0x364: {  	v36 =	vmul.f32 v19, v14;
	v25 =	vmul.f32 v16, v13;
	v19 =	vadd.f32 v23, v21;
	v20 =	vld [tilespmem:s4+$0xF00]  }
0x365: {  	v23 =	vadd.f32 v34, v35;
	v18 =	vadd.f32 v24, v31;
	v24 =	vmul.f32 v17, v14;
	v15 =	vld [tilespmem:s4+$0xA00]  }
0x366: {  	v21 =	vadd.f32 v32, v22;
	v31 =	vmul.f32 v19, v11;
	v32 =	vmul.f32 v17, v12;
	v16 =	vld [tilespmem:s4+$0xC80]  }
0x367: {  	v25 =	vsub.f32 v25, v36;
	v23 =	vadd.f32 v23, v26;
	v26 =	vmul.f32 v19, v14  }
0x368: {  	v22 =	vadd.f32 v27, v28;
	v27 =	vsub.f32 v31, v32;
	v28 =	vmul.f32 v21, v11  }
0x369: {  	v25 =	vsub.f32 v25, v33;
	v23 =	vsub.f32 v23, v29;
	v29 =	vmul.f32 v21, v12  }
0x36a: {  	v24 =	vsub.f32 v24, v28;
	v32 =	vmul.f32 v22, v20;
	v28 =	vmul.f32 v22, v15  }
.Ltmp9:
0x36b: {  	v25 =	vsub.f32 v25, v30;
	v27 =	vadd.f32 v27, v27;
	v30 =	vmul.f32 v23, v16;
	(pc) =	sbr.rel @p1 .LBB2_15-.Ltmp9, $4  }
0x36c: {  	v26 =	vsub.f32 v29, v26;
	v33 =	vmul.f32 v23, v20;
	v34 =	vadd.f32 v24, v24  }
0x36d: {  	v24 =	vmul.f32 v27, v12;
	v35 =	vmul.f32 v18, v16;
	v37 =	vsub.f32 v28, v30  }
0x36e: {  	v36 =	vmul.f32 v18, v15;
	v31 =	vadd.f32 v26, v26;
	v28 =	vmul.f32 v34, v13  }
0x36f: {  	v29 =	vmul.f32 v34, v11;
	v30 =	vmul.f32 v27, v13;
	v26 =	vadd.f32 v37, v37  }
0x370: {  	v34 =	vmul.f32 v34, v14;
	v32 =	vsub.f32 v35, v32;
	v33 =	vsub.f32 v33, v36  }
0x371: {  	v43 =	vor.u32 $0x7, v9;
	v13 =	vmul.f32 v31, v13;
	v45 =	vmul.f32 v31, v14  }
0x372: {  	v11 =	vmul.f32 v27, v11;
	v12 =	vmul.f32 v31, v12;
	v47 =	vadd.f32 v28, v19  }
0x373: {  	v44 =	vmul.f32 v26, v22;
	v21 =	vadd.f32 v30, v21;
	v32 =	vadd.f32 v32, v32  }
0x374: {  	v37 =	vmul.f32 v26, v25;
	v33 =	vadd.f32 v33, v33;
	v13 =	vadd.f32 v13, v17  }
0x375: {  	v51 =	vmul.f32 v26, v23;
	v11 =	vsub.f32 v45, v11;
	v12 =	vsub.f32 v29, v12  }
0x376: {  	v58 =	vsub.f32 v24, v34;
	v20 =	vadd.f32 v37, v20;
	v46 =	vmul.f32 v33, v18  }
0x377: {  	v10 =	vld.idx.msk [tilespmem:v10+s31+$0x0], $0xffff;
	v48 =	vmul.f32 v33, v25;
	v49 =	vmul.f32 v32, v18;
	v11 =	vadd.f32 v11, v47  }
0x378: {  	v54 =	vld [tilespmem:s4+$0x780];
	v52 =	vmul.f32 v32, v22;
	v12 =	vadd.f32 v12, v21;
	v53 =	vmul.f32 v33, v23  }
0x379: {  	v8 =	vld.idx.msk [tilespmem:v8+s31+$0x0], $0xffff;
	v55 =	vmul.f32 v32, v25;
	v16 =	vadd.f32 v48, v16;
	v17 =	vsub.f32 v51, v49  }
0x37a: {  	v56 =	vld.idx.msk [tilespmem:v9+s31+$0x0], $0xffff;
	v50 =	vsub.f32 v46, v44;
	v57 =	vsub.f32 v52, v53  }
0x37b: {  	v15 =	vadd.f32 v55, v15;
	v16 =	vadd.f32 v17, v16  }
0x37c: {  	v13 =	vadd.f32 v58, v13;
	v60 =	vld.idx.msk [tilespmem:v43+s30+$0x0], $0xffff;
	v59 =	vadd.f32 v57, v20  }
0x37d: {  	v10 =	vadd.f32 v11, v10;
	v61 =	vadd.f32 v50, v15;
	v62 =	vmul.f32 v16, v54  }
0x37e: {  	v8 =	vadd.f32 v13, v8;
	v63 =	vmul.f32 v59, v54  }
0x37f: {  	v9 =	vadd.f32 v12, v56;
	v11 =	vmul.f32 v61, v54;
	v10 =	vsub.f32 v10, v62  }
0x380: {  	v8 =	vsub.f32 v8, v63  }
0x381: {  	v9 =	vsub.f32 v9, v11;
	v10 =	vmul.f32 v10, v60  }
0x382: {  	v8 =	vmul.f32 v8, v60  }
0x383: {  	s6 =	sld [smem:$0x7EF];
	v9 =	vmul.f32 v9, v60;
	[tilespmem:s4+$0x3C00] =	vst v10  }
0x384: {  	[tilespmem:s4+$0x3E80] =	vst v8  }
0x385: {  	s3 =	simm.s32 $0x0;
	s5 =	simm.s32 $0x3980;
	s7 =	sld [smem:$0x7F0];
	[tilespmem:s4+$0x3980] =	vst v9  }
0x386: {  	[hbm4b:s6+s3] =	stream.linear.scatter [tilespmem:s5], [sflag:$0x4], $0x280, $0x38;
	[tilespmem:$0x146E0] =	vst v63  }
.Ltmp10:
0x387: {  	_ = 	snop;
	(pc) =	sbr.rel .LBB2_17-.Ltmp10, $4  }
0x388: {  	s9 =	simm.s32 $0x3C00;
	s14 =	sld [smem:$0x7F1]  }
0x389: {  	[hbm4b:s7+s3] =	stream.linear.scatter [tilespmem:s9], [sflag:$0x4], $0x280, $0x38;
	[tilespmem:$0x146E0] =	vst v63  }
0x38a: {  	s21 =	simm.s32 $0x3E80;
	s5 =	sld [smem:$0x7EE]  }
0x38b: {  	[hbm4b:s14+s3] =	stream.linear.scatter [tilespmem:s21], [sflag:$0x4], $0x280, $0x38;
	[tilespmem:$0x146E0] =	vst v63  }
.LBB2_18:
0x38c: {  	_ =	sfence.sel $0x180000  }
0x38d: {  	[bflag:$0x0] =	sbarrier.arrive $0xFFFF  }
0x38e: {  	_ =	strace $0x90000047  }
0x38f: {  	s0 =	stileid.u32;
	[bflag:$0x2] =	sbarrier.arrive $0xFFFF  }
0x390: {  	p0 =	sne.s32 s0, $0x0;
	s0 =	rddreg [dreg:$0x5]  }
0x391: {  	s0 =	sadd.s32 @!p0 $0x100000, s0  }
0x392: {  	[sflag:s0] =	ssyncadd.tile.s32 @!p0 $0x1;
	_ =	shalt  }
.Lfunc_end2:
_tile_overlayer_lowered:
.L_overlay_start_2:
0x393: {  	(tag) =	ssettag $0x2  }
0x394: {  	s0 =	rddreg [dreg:$0x0];
	s2 =	stileid.u32  }
0x395: {  	s1 =	rddreg [dreg:$0x1];
	p0 =	sne.s32 s2, $0x0  }
0x396: {  	s3 =	rddreg [dreg:$0x2];
	[bflag:$0x3] =	sbarrier.arrive $0xFFFF;
	s2 =	simm.s32 @!p0 $0x1C0A  }
0x397: {  	[timem:s3], [sflag:s2] =	dma.local @!p0 [hbm:s0], s1  }
0x398: {  	s0 =	simm.s32 @!p0 $0xA  }
0x399: {  	_ =	swait.ge @!p0 [sflag:s0], s1  }
0x39a: {  	s1 =	ssub.s32 @!p0 $0x0, s1;
	[sflag:s0] =	ssyncset.done @!p0 $0x0  }
0x39b: {  	[sflag:s0] =	ssyncadd.s32 @!p0 s1  }
0x39c: {  	[bflag:$0x3] =	sbarrier.arrive $0xFFFF  }
0x39d: {  	_ =	shalt  }

</sc_bundles>
